<compile_context>
chip_gen: v7x
topology: tpu7x:2x2x1
jax: 0.10.2.dev20260603
libtpu: 0.0.44.dev20260713+nightly
codegen_flags: <defaults>
</compile_context>

<pallas_src>
import numpy as np
import jax
import jax.numpy as jnp
from jax import lax
from jax.experimental import pallas as pl
from jax.experimental.pallas import tpu as pltpu
from jax.experimental.pallas import tpu_sc as plsc

IMG_SIZE = 640
STRIDES = (8, 16, 32, 64, 128)
LIMITS = ((-1.0, 64.0), (64.0, 128.0), (128.0, 256.0), (256.0, 512.0),
          (512.0, 999999.0))
RATIO = 1.5

B = 16
NGT = 64
LVL_SIZES = tuple((IMG_SIZE // s) * (IMG_SIZE // s) for s in STRIDES)
LVL_PAD = tuple(-(-a // 16) * 16 for a in LVL_SIZES)
NWORK = 32
TOT_VECS = -(-sum(LVL_PAD) // (16 * NWORK)) * NWORK
PAD_A = TOT_VECS * 16
KVECS = TOT_VECS // NWORK
STRIPE = KVECS * 16
VEC_BOUNDS = tuple(np.cumsum([p // 16 for p in LVL_PAD]))
IMAX = 0x7FFFFFFF


def _build_params():
    p = np.zeros((5, PAD_A), np.float32)
    off = 0
    for s, (lo, hi), a, ap in zip(STRIDES, LIMITS, LVL_SIZES, LVL_PAD):
        w = IMG_SIZE // s
        idx = np.arange(a)
        p[0, off:off + a] = (idx % w) * s + s // 2
        p[1, off:off + a] = (idx // w) * s + s // 2
        p[2, off:off + a] = lo
        p[3, off:off + a] = hi
        p[4, off:off + a] = 2.0 * s * RATIO
        off += ap
    return p.reshape(-1)


_PARAMS = _build_params()


def _body(boxes_hbm, labels_hbm, params_hbm,
          cls_hbm, cnt_hbm, reg_hbm,
          params_vm, box_vm, lab_vm,
          x0_vm, y0_vm, x1_vm, y1_vm, key_vm,
          cls_o, cnt_o, rl_o, rt_o, rr_o, rb_o, sem):
    w = lax.axis_index("s") * 2 + lax.axis_index("c")
    abase = w * STRIPE

    in_h = [pltpu.async_copy(params_hbm.at[pl.ds(i * PAD_A + abase, STRIPE)],
                             params_vm.at[pl.ds(i * STRIPE, STRIPE)], sem)
            for i in range(5)]
    in_h.append(pltpu.async_copy(boxes_hbm, box_vm, sem))
    in_h.append(pltpu.async_copy(labels_hbm, lab_vm, sem))
    for h in in_h:
        h.wait()

    mone_i = jnp.full((16,), -1, jnp.int32)
    mone_f = jnp.full((16,), -1.0, jnp.float32)

    def fbody(v, _):
        fsl = pl.ds(v * 16, 16)
        cls_o[fsl] = mone_i
        cnt_o[fsl] = mone_f
        rl_o[fsl] = mone_f
        rt_o[fsl] = mone_f
        rr_o[fsl] = mone_f
        rb_o[fsl] = mone_f
        return 0

    lax.fori_loop(0, B * KVECS, fbody, 0)

    los = [jnp.float32(lo) for lo, _ in LIMITS] + [jnp.float32(0.0)]
    his2 = [jnp.float32(2.0 * hi) for _, hi in LIMITS] + [jnp.float32(0.0)]

    def bbody(b, _):
        gtb = b * NGT
        ms, rms = [], []
        for i in range(NGT // 16):
            sl = pl.ds(gtb + i * 16, 16)
            x0 = box_vm[pl.ds(b * 4 * NGT + 0 * NGT + i * 16, 16)]
            y0 = box_vm[pl.ds(b * 4 * NGT + 1 * NGT + i * 16, 16)]
            wv = box_vm[pl.ds(b * 4 * NGT + 2 * NGT + i * 16, 16)]
            hv = box_vm[pl.ds(b * 4 * NGT + 3 * NGT + i * 16, 16)]
            x0_vm[sl] = x0
            y0_vm[sl] = y0
            x1_vm[sl] = x0 + wv
            y1_vm[sl] = y0 + hv
            jidx = lax.iota(jnp.int32, 16) + (i * 16)
            key_vm[sl] = (wv * hv).astype(jnp.int32) * 64 + jidx
            m = jnp.maximum(wv, hv)
            ms.append(m)
            rms.append(lax.rev(m, (0,)))

        firsts, lasts = [], []
        for lvl in range(5):
            lo, hi2 = los[lvl], his2[lvl]
            fv, lv = [], []
            for c in range(NGT // 16):
                cand = (ms[c] > lo) & (ms[c] <= hi2)
                fc = plsc.all_reduce_ffs(cand)
                fv.append(jnp.where(fc >= 16, NGT, fc + (c * 16)))
                candr = (rms[c] > lo) & (rms[c] <= hi2)
                fr = plsc.all_reduce_ffs(candr)
                lv.append(jnp.where(fr >= 16, 0, (c * 16 + 16) - fr))
            firstv = jnp.minimum(jnp.minimum(fv[0], fv[1]),
                                 jnp.minimum(fv[2], fv[3]))
            lastv = jnp.maximum(jnp.maximum(lv[0], lv[1]),
                                jnp.maximum(lv[2], lv[3]))
            firsts.append(firstv[0])
            lasts.append(lastv[0])
        firsts.append(jnp.int32(0))
        lasts.append(jnp.int32(0))

        def kbody(k, _):
            g = w * KVECS + k
            lvl = ((g >= VEC_BOUNDS[0]).astype(jnp.int32)
                   + (g >= VEC_BOUNDS[1]) + (g >= VEC_BOUNDS[2])
                   + (g >= VEC_BOUNDS[3]) + (g >= VEC_BOUNDS[4]))
            first = firsts[5]
            last = lasts[5]
            for i in range(4, -1, -1):
                first = jnp.where(lvl == i, firsts[i], first)
                last = jnp.where(lvl == i, lasts[i], last)

            osl = pl.ds(b * STRIPE + k * 16, 16)

            @pl.when(last > first)
            def _work():
                xv = params_vm[pl.ds(0 * STRIPE + k * 16, 16)]
                yv = params_vm[pl.ds(1 * STRIPE + k * 16, 16)]
                lov = params_vm[pl.ds(2 * STRIPE + k * 16, 16)]
                hiv = params_vm[pl.ds(3 * STRIPE + k * 16, 16)]
                radv = params_vm[pl.ds(4 * STRIPE + k * 16, 16)]

                def one(jv, valid):
                    x0s = plsc.load_gather(x0_vm, [jv])
                    y0s = plsc.load_gather(y0_vm, [jv])
                    x1s = plsc.load_gather(x1_vm, [jv])
                    y1s = plsc.load_gather(y1_vm, [jv])
                    keys = plsc.load_gather(key_vm, [jv])
                    l = xv - x0s
                    t = yv - y0s
                    r = x1s - xv
                    bb = y1s - yv
                    omin = jnp.minimum(jnp.minimum(l, r), jnp.minimum(t, bb))
                    omax = jnp.maximum(jnp.maximum(l, r), jnp.maximum(t, bb))
                    dmax = jnp.maximum(jnp.abs(l - r), jnp.abs(t - bb))
                    pos = ((omin > 0.0) & (omax > lov) & (omax <= hiv)
                           & (dmax < radv))
                    if valid is not None:
                        pos = pos & valid
                    return jnp.where(pos, keys, IMAX)

                base_j = gtb + first
                lastv = jnp.full((16,), gtb + last, jnp.int32)

                def jbody(i, best):
                    jv0 = jnp.full((16,), base_j + i * 2, jnp.int32)
                    jv1 = jv0 + 1
                    am0 = one(jv0, None)
                    am1 = one(jv1, jv1 < lastv)
                    return jnp.minimum(best, jnp.minimum(am0, am1))

                best = lax.fori_loop(0, (last - first + 1) // 2, jbody,
                                     jnp.full((16,), 0x7FFFFFFF, jnp.int32))
                anyv = best < IMAX
                bj = (best & 63) + gtb

                bx0 = plsc.load_gather(x0_vm, [bj])
                by0 = plsc.load_gather(y0_vm, [bj])
                bx1 = plsc.load_gather(x1_vm, [bj])
                by1 = plsc.load_gather(y1_vm, [bj])
                labg = plsc.load_gather(lab_vm, [bj])

                lg = xv - bx0
                tg = yv - by0
                rg = bx1 - xv
                bg = by1 - yv
                lrmin = jnp.minimum(lg, rg)
                lrmax = jnp.maximum(lg, rg)
                tbmin = jnp.minimum(tg, bg)
                tbmax = jnp.maximum(tg, bg)
                ratio = (lrmin * tbmin) / (lrmax * tbmax + 1e-10)
                rs = jnp.where(anyv, ratio, 1.0)
                rs = jnp.maximum(rs, 1e-30)
                ii = lax.bitcast_convert_type(rs, jnp.int32)
                r0 = lax.bitcast_convert_type(0x5F3759DF - (ii >> 1),
                                              jnp.float32)
                for _ in range(3):
                    r0 = r0 * (1.5 - 0.5 * rs * r0 * r0)
                sq = rs * r0

                cls_o[osl] = jnp.where(anyv, labg, -1)
                cnt_o[osl] = jnp.where(anyv, sq, -1.0)
                rl_o[osl] = jnp.where(anyv, lg, -1.0)
                rt_o[osl] = jnp.where(anyv, tg, -1.0)
                rr_o[osl] = jnp.where(anyv, rg, -1.0)
                rb_o[osl] = jnp.where(anyv, bg, -1.0)

            return 0

        lax.fori_loop(0, KVECS, kbody, 0)
        return 0

    lax.fori_loop(0, B, bbody, 0)

    out_h = []
    for b in range(B):
        src = pl.ds(b * STRIPE, STRIPE)
        dst = pl.ds(b * PAD_A + abase, STRIPE)
        out_h.append(pltpu.async_copy(cls_o.at[src], cls_hbm.at[dst], sem))
        out_h.append(pltpu.async_copy(cnt_o.at[src], cnt_hbm.at[dst], sem))
        for c, r_o in enumerate((rl_o, rt_o, rr_o, rb_o)):
            out_h.append(pltpu.async_copy(
                r_o.at[src],
                reg_hbm.at[pl.ds(c * B * PAD_A + b * PAD_A + abase, STRIPE)],
                sem))
    for h in out_h:
        h.wait()


@jax.jit
def _assign(boxes_t, labels):
    f = pl.kernel(
        _body,
        out_type=[
            jax.ShapeDtypeStruct((B * PAD_A,), jnp.int32),
            jax.ShapeDtypeStruct((B * PAD_A,), jnp.float32),
            jax.ShapeDtypeStruct((4 * B * PAD_A,), jnp.float32),
        ],
        mesh=plsc.VectorSubcoreMesh(core_axis_name="c", subcore_axis_name="s",
                                    num_cores=2, num_subcores=16),
        compiler_params=pltpu.CompilerParams(needs_layout_passes=False),
        scratch_types=(
            [pltpu.VMEM((5 * STRIPE,), jnp.float32),
             pltpu.VMEM((B * 4 * NGT,), jnp.float32),
             pltpu.VMEM((B * NGT,), jnp.int32)]
            + [pltpu.VMEM((B * NGT + 16,), jnp.float32)] * 4
            + [pltpu.VMEM((B * NGT + 16,), jnp.int32)]
            + [pltpu.VMEM((B * STRIPE,), jnp.int32),
               pltpu.VMEM((B * STRIPE,), jnp.float32)]
            + [pltpu.VMEM((B * STRIPE,), jnp.float32)] * 4
            + [pltpu.SemaphoreType.DMA]
        ),
    )
    return f(boxes_t.reshape(-1), labels.reshape(-1), _PARAMS)


def kernel(gt_boxes, gt_labels):
    boxes_t = jnp.transpose(gt_boxes, (0, 2, 1))
    labels = gt_labels.astype(jnp.int32)
    cls_f, cnt_f, reg_f = _assign(boxes_t, labels)
    cls_f = cls_f.reshape(B, PAD_A)
    cnt_f = cnt_f.reshape(B, PAD_A)
    reg_f = reg_f.reshape(4, B, PAD_A)

    offs = np.cumsum([0] + list(LVL_PAD))[:-1]
    cls = jnp.concatenate(
        [cls_f[:, o:o + a] for o, a in zip(offs, LVL_SIZES)], axis=1)
    cnt = jnp.concatenate(
        [cnt_f[:, o:o + a] for o, a in zip(offs, LVL_SIZES)], axis=1)
    reg = jnp.concatenate(
        [reg_f[:, :, o:o + a] for o, a in zip(offs, LVL_SIZES)], axis=2)
    cls = cls.reshape(-1, 1)
    cnt = cnt.reshape(-1, 1)
    reg = reg.reshape(4, -1).T
    return cls, cnt, reg

# --- scband reference (transcript-rebuilt; emitter-appended) ---
"""Pipeline reference for scband-fcosassigner-70549132804501 (READ-ONLY COPY).

The authoritative reference and input builder live on the scoring server;
editing this copy changes nothing except your own understanding.
"""

import jax, jax.numpy as jnp
import numpy as np

IMG_SIZE = (640, 640)
STRIDES = [8, 16, 32, 64, 128]
LIMIT_RANGES = [[-1, 64], [64, 128], [128, 256], [256, 512], [512, 999999]]
RATIO = 1.5


def _get_grids(w, h, stride):
    shifts_x = jnp.arange(0, w * stride, stride, dtype=jnp.float32)
    shifts_y = jnp.arange(0, h * stride, stride, dtype=jnp.float32)
    shift_y, shift_x = jnp.meshgrid(shifts_y, shifts_x, indexing='ij')
    grid = jnp.stack([shift_x.reshape(-1), shift_y.reshape(-1)], axis=-1) + (stride // 2)
    return grid


def _forward_single(gt_boxes, gt_labels, stride, limit_range):
    feat_w = IMG_SIZE[0] // stride
    feat_h = IMG_SIZE[1] // stride
    grids = _get_grids(feat_w, feat_h, stride)
    x = grids[:, 0]
    y = grids[:, 1]
    l = x[None, :, None] - gt_boxes[..., 0][:, None, :]
    t = y[None, :, None] - gt_boxes[..., 1][:, None, :]
    r = gt_boxes[..., 2][:, None, :] - x[None, :, None]
    b = gt_boxes[..., 3][:, None, :] - y[None, :, None]
    ltrb = jnp.stack([l, t, r, b], axis=-1)
    areas = (ltrb[..., 0] + ltrb[..., 2]) * (ltrb[..., 1] + ltrb[..., 3])
    off_min = jnp.min(ltrb, axis=-1)
    off_max = jnp.max(ltrb, axis=-1)
    mask_in_gt = off_min > 0
    mask_lvl = (off_max > limit_range[0]) & (off_max <= limit_range[1])
    radiu = stride * RATIO
    gcx = (gt_boxes[..., 0] + gt_boxes[..., 2]) / 2
    gcy = (gt_boxes[..., 1] + gt_boxes[..., 3]) / 2
    cl = x[None, :, None] - gcx[:, None, :]
    ct = y[None, :, None] - gcy[:, None, :]
    cr = gcx[:, None, :] - x[None, :, None]
    cb = gcy[:, None, :] - y[None, :, None]
    c_off_max = jnp.max(jnp.stack([cl, ct, cr, cb], axis=-1), axis=-1)
    mask_center = c_off_max < radiu
    pos_mask = mask_in_gt & mask_lvl & mask_center
    areas_m = jnp.where(pos_mask, areas, 99999999.0)
    idx = jnp.argmin(areas_m, axis=-1)
    reg = jnp.take_along_axis(ltrb, idx[:, :, None, None], axis=2)[:, :, 0, :]
    gl = jnp.broadcast_to(gt_labels[:, None, :], areas_m.shape)
    cls = jnp.take_along_axis(gl, idx[:, :, None], axis=2)
    lr_min = jnp.minimum(reg[..., 0], reg[..., 2])
    lr_max = jnp.maximum(reg[..., 0], reg[..., 2])
    tb_min = jnp.minimum(reg[..., 1], reg[..., 3])
    tb_max = jnp.maximum(reg[..., 1], reg[..., 3])
    pos_any = jnp.sum(pos_mask.astype(jnp.int32), axis=-1) >= 1
    ratio_sq = lr_min * tb_min / (lr_max * tb_max + 1e-10)
    # safe sqrt: masked positions would be sqrt(negative) -> NaN in torch, then
    # overwritten by -1; double-where keeps fwd identical and avoids NaN.
    cnt = jnp.sqrt(jnp.where(pos_any, ratio_sq, 1.0))[..., None]
    cls = jnp.where(pos_any[..., None], cls, -1)
    cnt = jnp.where(pos_any[..., None], cnt, -1.0)
    reg = jnp.where(pos_any[..., None], reg, -1.0)
    return cls, cnt, reg


def _forward(gt_boxes_xywh, gt_labels):
    # pad_gt_and_labels is identity for already-batched equal-length tensors;
    # convert xywh -> xyxy (torch does gt_boxes[..., 2:] += gt_boxes[..., :2])
    boxes = jnp.concatenate([gt_boxes_xywh[..., :2], gt_boxes_xywh[..., :2] + gt_boxes_xywh[..., 2:]], axis=-1)
    cls_all, cnt_all, reg_all = [], [], []
    for s, lr in zip(STRIDES, LIMIT_RANGES):
        c, n, g = _forward_single(boxes, gt_labels, s, lr)
        cls_all.append(c)
        cnt_all.append(n)
        reg_all.append(g)
    cls = jnp.concatenate(cls_all, axis=1).reshape(-1, 1)
    cnt = jnp.concatenate(cnt_all, axis=1).reshape(-1, 1)
    reg = jnp.concatenate(reg_all, axis=1).reshape(-1, 4)
    return cls, cnt, reg


def setup_inputs(seed: int = 0):
    key = jax.random.key(seed)
    gt_boxes = jnp.arange(16 * 64 * 4, dtype=jnp.float32).reshape(16, 64, 4)
    gt_labels = jax.random.randint(jax.random.fold_in(key, 1), (16, 64), 0, 80).astype(jnp.int64)
    return {"gt_boxes": gt_boxes, "gt_labels": gt_labels}


def reference(gt_boxes, gt_labels):
    return _forward(gt_boxes, gt_labels)

if __name__ == "__main__":
    import jax
    _d = setup_inputs()
    print(jax.jit(kernel)(*tuple(_d.values())))

</pallas_src>

<mosaic_0001>
#map = affine_map<(d0, d1) -> (0)>
module attributes {stable_mosaic.version = 14 : i64} {
  func.func @_body(%arg0: i32, %arg1: i32, %arg2: memref<4096xf32, #tpu.memory_space<hbm>>, %arg3: memref<1024xi32, #tpu.memory_space<hbm>>, %arg4: memref<43520xf32, #tpu.memory_space<hbm>>, %arg5: memref<139264xi32, #tpu.memory_space<hbm>>, %arg6: memref<139264xf32, #tpu.memory_space<hbm>>, %arg7: memref<557056xf32, #tpu.memory_space<hbm>>, %arg8: memref<1360xf32, #tpu.memory_space<vmem>>, %arg9: memref<4096xf32, #tpu.memory_space<vmem>>, %arg10: memref<1024xi32, #tpu.memory_space<vmem>>, %arg11: memref<1040xf32, #tpu.memory_space<vmem>>, %arg12: memref<1040xf32, #tpu.memory_space<vmem>>, %arg13: memref<1040xf32, #tpu.memory_space<vmem>>, %arg14: memref<1040xf32, #tpu.memory_space<vmem>>, %arg15: memref<1040xi32, #tpu.memory_space<vmem>>, %arg16: memref<4352xi32, #tpu.memory_space<vmem>>, %arg17: memref<4352xf32, #tpu.memory_space<vmem>>, %arg18: memref<4352xf32, #tpu.memory_space<vmem>>, %arg19: memref<4352xf32, #tpu.memory_space<vmem>>, %arg20: memref<4352xf32, #tpu.memory_space<vmem>>, %arg21: memref<4352xf32, #tpu.memory_space<vmem>>, %arg22: memref<!tpu.dma_semaphore, #tpu.memory_space<semaphore_mem>>) attributes {dimension_semantics = [#tpu.dimension_semantics<core_parallel>, #tpu.dimension_semantics<subcore_parallel>], iteration_bounds = array<i64: 2, 16>, scalar_prefetch = 0 : i64, scratch_operands = 15 : i64, tpu.core_type = #tpu.core_type<sc_vector_subcore>, window_params = [{transform_indices = #map}, {transform_indices = #map}, {transform_indices = #map}, {transform_indices = #map}, {transform_indices = #map}, {transform_indices = #map}]} {
    %mul3A = arith.constant 2 : i32
    %mul3A_0 = arith.muli %arg1, %mul3A : i32
    %add3A = arith.addi %mul3A_0, %arg0 : i32
    %mul3A_1 = arith.constant 272 : i32
    %mul3A_2 = arith.muli %add3A, %mul3A_1 : i32
    %add3A_3 = arith.constant 0 : i32
    %add3A_4 = arith.addi %add3A_3, %mul3A_2 : i32
    %dma_start3A = arith.constant 0 : i32
    %dma_start3A_5 = tpu.memref_slice %arg8[%dma_start3A] : memref<1360xf32, #tpu.memory_space<vmem>> -> memref<272xf32, #tpu.memory_space<vmem>>
    %dma_start3A_6 = tpu.memref_slice %arg4[%add3A_4] : memref<43520xf32, #tpu.memory_space<hbm>> -> memref<272xf32, #tpu.memory_space<hbm>>
    %dma_start3A_7 = arith.constant 0 : i32
    %dma_start3A_8 = tpu.memref_slice %arg8[%dma_start3A_7] : memref<1360xf32, #tpu.memory_space<vmem>> -> memref<272xf32, #tpu.memory_space<vmem>>
    %dma_start3A_9 = tpu.memref_slice %arg4[%add3A_4] : memref<43520xf32, #tpu.memory_space<hbm>> -> memref<272xf32, #tpu.memory_space<hbm>>
    tpu.enqueue_dma source(%dma_start3A_9 : memref<272xf32, #tpu.memory_space<hbm>>) target(%dma_start3A_8 : memref<272xf32, #tpu.memory_space<vmem>>) target_semaphore(%arg22 : memref<!tpu.dma_semaphore, #tpu.memory_space<semaphore_mem>>)
    %add3A_10 = arith.constant 8704 : i32
    %add3A_11 = arith.addi %add3A_10, %mul3A_2 : i32
    %dma_start3A_12 = arith.constant 272 : i32
    %dma_start3A_13 = tpu.memref_slice %arg8[%dma_start3A_12] : memref<1360xf32, #tpu.memory_space<vmem>> -> memref<272xf32, #tpu.memory_space<vmem>>
    %dma_start3A_14 = tpu.memref_slice %arg4[%add3A_11] : memref<43520xf32, #tpu.memory_space<hbm>> -> memref<272xf32, #tpu.memory_space<hbm>>
    %dma_start3A_15 = arith.constant 272 : i32
    %dma_start3A_16 = tpu.memref_slice %arg8[%dma_start3A_15] : memref<1360xf32, #tpu.memory_space<vmem>> -> memref<272xf32, #tpu.memory_space<vmem>>
    %dma_start3A_17 = tpu.memref_slice %arg4[%add3A_11] : memref<43520xf32, #tpu.memory_space<hbm>> -> memref<272xf32, #tpu.memory_space<hbm>>
    tpu.enqueue_dma source(%dma_start3A_17 : memref<272xf32, #tpu.memory_space<hbm>>) target(%dma_start3A_16 : memref<272xf32, #tpu.memory_space<vmem>>) target_semaphore(%arg22 : memref<!tpu.dma_semaphore, #tpu.memory_space<semaphore_mem>>)
    %add3A_18 = arith.constant 17408 : i32
    %add3A_19 = arith.addi %add3A_18, %mul3A_2 : i32
    %dma_start3A_20 = arith.constant 544 : i32
    %dma_start3A_21 = tpu.memref_slice %arg8[%dma_start3A_20] : memref<1360xf32, #tpu.memory_space<vmem>> -> memref<272xf32, #tpu.memory_space<vmem>>
    %dma_start3A_22 = tpu.memref_slice %arg4[%add3A_19] : memref<43520xf32, #tpu.memory_space<hbm>> -> memref<272xf32, #tpu.memory_space<hbm>>
    %dma_start3A_23 = arith.constant 544 : i32
    %dma_start3A_24 = tpu.memref_slice %arg8[%dma_start3A_23] : memref<1360xf32, #tpu.memory_space<vmem>> -> memref<272xf32, #tpu.memory_space<vmem>>
    %dma_start3A_25 = tpu.memref_slice %arg4[%add3A_19] : memref<43520xf32, #tpu.memory_space<hbm>> -> memref<272xf32, #tpu.memory_space<hbm>>
    tpu.enqueue_dma source(%dma_start3A_25 : memref<272xf32, #tpu.memory_space<hbm>>) target(%dma_start3A_24 : memref<272xf32, #tpu.memory_space<vmem>>) target_semaphore(%arg22 : memref<!tpu.dma_semaphore, #tpu.memory_space<semaphore_mem>>)
    %add3A_26 = arith.constant 26112 : i32
    %add3A_27 = arith.addi %add3A_26, %mul3A_2 : i32
    %dma_start3A_28 = arith.constant 816 : i32
    %dma_start3A_29 = tpu.memref_slice %arg8[%dma_start3A_28] : memref<1360xf32, #tpu.memory_space<vmem>> -> memref<272xf32, #tpu.memory_space<vmem>>
    %dma_start3A_30 = tpu.memref_slice %arg4[%add3A_27] : memref<43520xf32, #tpu.memory_space<hbm>> -> memref<272xf32, #tpu.memory_space<hbm>>
    %dma_start3A_31 = arith.constant 816 : i32
    %dma_start3A_32 = tpu.memref_slice %arg8[%dma_start3A_31] : memref<1360xf32, #tpu.memory_space<vmem>> -> memref<272xf32, #tpu.memory_space<vmem>>
    %dma_start3A_33 = tpu.memref_slice %arg4[%add3A_27] : memref<43520xf32, #tpu.memory_space<hbm>> -> memref<272xf32, #tpu.memory_space<hbm>>
    tpu.enqueue_dma source(%dma_start3A_33 : memref<272xf32, #tpu.memory_space<hbm>>) target(%dma_start3A_32 : memref<272xf32, #tpu.memory_space<vmem>>) target_semaphore(%arg22 : memref<!tpu.dma_semaphore, #tpu.memory_space<semaphore_mem>>)
    %add3A_34 = arith.constant 34816 : i32
    %add3A_35 = arith.addi %add3A_34, %mul3A_2 : i32
    %dma_start3A_36 = arith.constant 1088 : i32
    %dma_start3A_37 = tpu.memref_slice %arg8[%dma_start3A_36] : memref<1360xf32, #tpu.memory_space<vmem>> -> memref<272xf32, #tpu.memory_space<vmem>>
    %dma_start3A_38 = tpu.memref_slice %arg4[%add3A_35] : memref<43520xf32, #tpu.memory_space<hbm>> -> memref<272xf32, #tpu.memory_space<hbm>>
    %dma_start3A_39 = arith.constant 1088 : i32
    %dma_start3A_40 = tpu.memref_slice %arg8[%dma_start3A_39] : memref<1360xf32, #tpu.memory_space<vmem>> -> memref<272xf32, #tpu.memory_space<vmem>>
    %dma_start3A_41 = tpu.memref_slice %arg4[%add3A_35] : memref<43520xf32, #tpu.memory_space<hbm>> -> memref<272xf32, #tpu.memory_space<hbm>>
    tpu.enqueue_dma source(%dma_start3A_41 : memref<272xf32, #tpu.memory_space<hbm>>) target(%dma_start3A_40 : memref<272xf32, #tpu.memory_space<vmem>>) target_semaphore(%arg22 : memref<!tpu.dma_semaphore, #tpu.memory_space<semaphore_mem>>)
    tpu.enqueue_dma source(%arg2 : memref<4096xf32, #tpu.memory_space<hbm>>) target(%arg9 : memref<4096xf32, #tpu.memory_space<vmem>>) target_semaphore(%arg22 : memref<!tpu.dma_semaphore, #tpu.memory_space<semaphore_mem>>)
    tpu.enqueue_dma source(%arg3 : memref<1024xi32, #tpu.memory_space<hbm>>) target(%arg10 : memref<1024xi32, #tpu.memory_space<vmem>>) target_semaphore(%arg22 : memref<!tpu.dma_semaphore, #tpu.memory_space<semaphore_mem>>)
    %dma_wait3A = arith.constant 0 : i32
    %dma_wait3A_42 = tpu.memref_slice %arg8[%dma_wait3A] : memref<1360xf32, #tpu.memory_space<vmem>> -> memref<272xf32, #tpu.memory_space<vmem>>
    %dma_wait3A_43 = tpu.memref_slice %arg4[%add3A_4] : memref<43520xf32, #tpu.memory_space<hbm>> -> memref<272xf32, #tpu.memory_space<hbm>>
    %dma_wait3A_44 = arith.constant 0 : i32
    %dma_wait3A_45 = tpu.memref_slice %arg8[%dma_wait3A_44] : memref<1360xf32, #tpu.memory_space<vmem>> -> memref<272xf32, #tpu.memory_space<vmem>>
    %dma_wait3A_46 = tpu.memref_slice %arg4[%add3A_4] : memref<43520xf32, #tpu.memory_space<hbm>> -> memref<272xf32, #tpu.memory_space<hbm>>
    tpu.wait_dma2 semaphore(%arg22 : memref<!tpu.dma_semaphore, #tpu.memory_space<semaphore_mem>>) src(%dma_wait3A_46 : memref<272xf32, #tpu.memory_space<hbm>>) dst(%dma_wait3A_45 : memref<272xf32, #tpu.memory_space<vmem>>)
    %dma_wait3A_47 = arith.constant 272 : i32
    %dma_wait3A_48 = tpu.memref_slice %arg8[%dma_wait3A_47] : memref<1360xf32, #tpu.memory_space<vmem>> -> memref<272xf32, #tpu.memory_space<vmem>>
    %dma_wait3A_49 = tpu.memref_slice %arg4[%add3A_11] : memref<43520xf32, #tpu.memory_space<hbm>> -> memref<272xf32, #tpu.memory_space<hbm>>
    %dma_wait3A_50 = arith.constant 272 : i32
    %dma_wait3A_51 = tpu.memref_slice %arg8[%dma_wait3A_50] : memref<1360xf32, #tpu.memory_space<vmem>> -> memref<272xf32, #tpu.memory_space<vmem>>
    %dma_wait3A_52 = tpu.memref_slice %arg4[%add3A_11] : memref<43520xf32, #tpu.memory_space<hbm>> -> memref<272xf32, #tpu.memory_space<hbm>>
    tpu.wait_dma2 semaphore(%arg22 : memref<!tpu.dma_semaphore, #tpu.memory_space<semaphore_mem>>) src(%dma_wait3A_52 : memref<272xf32, #tpu.memory_space<hbm>>) dst(%dma_wait3A_51 : memref<272xf32, #tpu.memory_space<vmem>>)
    %dma_wait3A_53 = arith.constant 544 : i32
    %dma_wait3A_54 = tpu.memref_slice %arg8[%dma_wait3A_53] : memref<1360xf32, #tpu.memory_space<vmem>> -> memref<272xf32, #tpu.memory_space<vmem>>
    %dma_wait3A_55 = tpu.memref_slice %arg4[%add3A_19] : memref<43520xf32, #tpu.memory_space<hbm>> -> memref<272xf32, #tpu.memory_space<hbm>>
    %dma_wait3A_56 = arith.constant 544 : i32
    %dma_wait3A_57 = tpu.memref_slice %arg8[%dma_wait3A_56] : memref<1360xf32, #tpu.memory_space<vmem>> -> memref<272xf32, #tpu.memory_space<vmem>>
    %dma_wait3A_58 = tpu.memref_slice %arg4[%add3A_19] : memref<43520xf32, #tpu.memory_space<hbm>> -> memref<272xf32, #tpu.memory_space<hbm>>
    tpu.wait_dma2 semaphore(%arg22 : memref<!tpu.dma_semaphore, #tpu.memory_space<semaphore_mem>>) src(%dma_wait3A_58 : memref<272xf32, #tpu.memory_space<hbm>>) dst(%dma_wait3A_57 : memref<272xf32, #tpu.memory_space<vmem>>)
    %dma_wait3A_59 = arith.constant 816 : i32
    %dma_wait3A_60 = tpu.memref_slice %arg8[%dma_wait3A_59] : memref<1360xf32, #tpu.memory_space<vmem>> -> memref<272xf32, #tpu.memory_space<vmem>>
    %dma_wait3A_61 = tpu.memref_slice %arg4[%add3A_27] : memref<43520xf32, #tpu.memory_space<hbm>> -> memref<272xf32, #tpu.memory_space<hbm>>
    %dma_wait3A_62 = arith.constant 816 : i32
    %dma_wait3A_63 = tpu.memref_slice %arg8[%dma_wait3A_62] : memref<1360xf32, #tpu.memory_space<vmem>> -> memref<272xf32, #tpu.memory_space<vmem>>
    %dma_wait3A_64 = tpu.memref_slice %arg4[%add3A_27] : memref<43520xf32, #tpu.memory_space<hbm>> -> memref<272xf32, #tpu.memory_space<hbm>>
    tpu.wait_dma2 semaphore(%arg22 : memref<!tpu.dma_semaphore, #tpu.memory_space<semaphore_mem>>) src(%dma_wait3A_64 : memref<272xf32, #tpu.memory_space<hbm>>) dst(%dma_wait3A_63 : memref<272xf32, #tpu.memory_space<vmem>>)
    %dma_wait3A_65 = arith.constant 1088 : i32
    %dma_wait3A_66 = tpu.memref_slice %arg8[%dma_wait3A_65] : memref<1360xf32, #tpu.memory_space<vmem>> -> memref<272xf32, #tpu.memory_space<vmem>>
    %dma_wait3A_67 = tpu.memref_slice %arg4[%add3A_35] : memref<43520xf32, #tpu.memory_space<hbm>> -> memref<272xf32, #tpu.memory_space<hbm>>
    %dma_wait3A_68 = arith.constant 1088 : i32
    %dma_wait3A_69 = tpu.memref_slice %arg8[%dma_wait3A_68] : memref<1360xf32, #tpu.memory_space<vmem>> -> memref<272xf32, #tpu.memory_space<vmem>>
    %dma_wait3A_70 = tpu.memref_slice %arg4[%add3A_35] : memref<43520xf32, #tpu.memory_space<hbm>> -> memref<272xf32, #tpu.memory_space<hbm>>
    tpu.wait_dma2 semaphore(%arg22 : memref<!tpu.dma_semaphore, #tpu.memory_space<semaphore_mem>>) src(%dma_wait3A_70 : memref<272xf32, #tpu.memory_space<hbm>>) dst(%dma_wait3A_69 : memref<272xf32, #tpu.memory_space<vmem>>)
    tpu.wait_dma2 semaphore(%arg22 : memref<!tpu.dma_semaphore, #tpu.memory_space<semaphore_mem>>) src(%arg2 : memref<4096xf32, #tpu.memory_space<hbm>>) dst(%arg9 : memref<4096xf32, #tpu.memory_space<vmem>>)
    tpu.wait_dma2 semaphore(%arg22 : memref<!tpu.dma_semaphore, #tpu.memory_space<semaphore_mem>>) src(%arg3 : memref<1024xi32, #tpu.memory_space<hbm>>) dst(%arg10 : memref<1024xi32, #tpu.memory_space<vmem>>)
    %broadcast_in_dim3A = arith.constant -1 : i32
    %broadcast_in_dim3A_71 = vector.broadcast %broadcast_in_dim3A : i32 to vector<16xi32>
    %broadcast_in_dim3A_72 = arith.constant -1.000000e+00 : f32
    %broadcast_in_dim3A_73 = vector.broadcast %broadcast_in_dim3A_72 : f32 to vector<16xf32>
    %scan3A = arith.constant 0 : i32
    %scan3A_74 = arith.constant 0 : i32
    %scan3A_75 = arith.constant 272 : i32
    %scan3A_76 = arith.addi %scan3A_74, %scan3A_75 : i32
    %scan3A_77 = arith.constant 1 : i32
    %scan3A_78 = scf.for %scan3A_1409 = %scan3A_74 to %scan3A_76 step %scan3A_77 iter_args(%scan3A_1410 = %scan3A) -> (i32)  : i32 {
      %mul3A_1411 = arith.constant 16 : i32
      %mul3A_1412 = arith.muli %scan3A_1409, %mul3A_1411 : i32
      %swap3A = arith.index_cast %mul3A_1412 : i32 to index
      %swap3A_1413 = tpu.vector_load %arg16[%swap3A] {strides = array<i32>} : memref<4352xi32, #tpu.memory_space<vmem>>, vector<16xi32>,
      tpu.vector_store %arg16[%swap3A], %broadcast_in_dim3A_71 {strides = array<i32>} : memref<4352xi32, #tpu.memory_space<vmem>>, vector<16xi32>,
      %swap3A_1414 = arith.index_cast %mul3A_1412 : i32 to index
      %swap3A_1415 = tpu.vector_load %arg17[%swap3A_1414] {strides = array<i32>} : memref<4352xf32, #tpu.memory_space<vmem>>, vector<16xf32>,
      tpu.vector_store %arg17[%swap3A_1414], %broadcast_in_dim3A_73 {strides = array<i32>} : memref<4352xf32, #tpu.memory_space<vmem>>, vector<16xf32>,
      %swap3A_1416 = arith.index_cast %mul3A_1412 : i32 to index
      %swap3A_1417 = tpu.vector_load %arg18[%swap3A_1416] {strides = array<i32>} : memref<4352xf32, #tpu.memory_space<vmem>>, vector<16xf32>,
      tpu.vector_store %arg18[%swap3A_1416], %broadcast_in_dim3A_73 {strides = array<i32>} : memref<4352xf32, #tpu.memory_space<vmem>>, vector<16xf32>,
      %swap3A_1418 = arith.index_cast %mul3A_1412 : i32 to index
      %swap3A_1419 = tpu.vector_load %arg19[%swap3A_1418] {strides = array<i32>} : memref<4352xf32, #tpu.memory_space<vmem>>, vector<16xf32>,
      tpu.vector_store %arg19[%swap3A_1418], %broadcast_in_dim3A_73 {strides = array<i32>} : memref<4352xf32, #tpu.memory_space<vmem>>, vector<16xf32>,
      %swap3A_1420 = arith.index_cast %mul3A_1412 : i32 to index
      %swap3A_1421 = tpu.vector_load %arg20[%swap3A_1420] {strides = array<i32>} : memref<4352xf32, #tpu.memory_space<vmem>>, vector<16xf32>,
      tpu.vector_store %arg20[%swap3A_1420], %broadcast_in_dim3A_73 {strides = array<i32>} : memref<4352xf32, #tpu.memory_space<vmem>>, vector<16xf32>,
      %swap3A_1422 = arith.index_cast %mul3A_1412 : i32 to index
      %swap3A_1423 = tpu.vector_load %arg21[%swap3A_1422] {strides = array<i32>} : memref<4352xf32, #tpu.memory_space<vmem>>, vector<16xf32>,
      tpu.vector_store %arg21[%swap3A_1422], %broadcast_in_dim3A_73 {strides = array<i32>} : memref<4352xf32, #tpu.memory_space<vmem>>, vector<16xf32>,
      %scan3A_1424 = arith.constant 0 : i32
      scf.yield %scan3A_1424 : i32
    }
    %scan3A_79 = arith.constant 272 : i32
    %scan3A_80 = arith.constant -1.000000e+00 : f32
    %scan3A_81 = arith.constant 1.280000e+02 : f32
    %scan3A_82 = arith.constant 6.400000e+01 : f32
    %scan3A_83 = arith.constant 2.560000e+02 : f32
    %scan3A_84 = arith.constant 1.280000e+02 : f32
    %scan3A_85 = arith.constant 5.120000e+02 : f32
    %scan3A_86 = arith.constant 2.560000e+02 : f32
    %scan3A_87 = arith.constant 1.024000e+03 : f32
    %scan3A_88 = arith.constant 5.120000e+02 : f32
    %scan3A_89 = arith.constant 0x49F423F0 : f32
    %scan3A_90 = arith.constant 0 : i32
    %scan3A_91 = arith.constant 0 : i32
    %scan3A_92 = arith.constant 16 : i32
    %scan3A_93 = arith.addi %scan3A_91, %scan3A_92 : i32
    %scan3A_94 = arith.constant 1 : i32
    %scan3A_95 = scf.for %scan3A_1409 = %scan3A_91 to %scan3A_93 step %scan3A_94 iter_args(%scan3A_1410 = %scan3A_90) -> (i32)  : i32 {
      %mul3A_1411 = arith.constant 64 : i32
      %mul3A_1412 = arith.muli %scan3A_1409, %mul3A_1411 : i32
      %add3A_1413 = arith.constant 0 : i32
      %add3A_1414 = arith.addi %mul3A_1412, %add3A_1413 : i32
      %mul3A_1415 = arith.constant 4 : i32
      %mul3A_1416 = arith.muli %scan3A_1409, %mul3A_1415 : i32
      %mul3A_1417 = arith.constant 64 : i32
      %mul3A_1418 = arith.muli %mul3A_1416, %mul3A_1417 : i32
      %add3A_1419 = arith.constant 0 : i32
      %add3A_1420 = arith.addi %mul3A_1418, %add3A_1419 : i32
      %add3A_1421 = arith.constant 0 : i32
      %add3A_1422 = arith.addi %add3A_1420, %add3A_1421 : i32
      %get3A = arith.index_cast %add3A_1422 : i32 to index
      %get3A_1423 = tpu.vector_load %arg9[%get3A] {strides = array<i32>} : memref<4096xf32, #tpu.memory_space<vmem>>, vector<16xf32>,
      %mul3A_1424 = arith.constant 4 : i32
      %mul3A_1425 = arith.muli %scan3A_1409, %mul3A_1424 : i32
      %mul3A_1426 = arith.constant 64 : i32
      %mul3A_1427 = arith.muli %mul3A_1425, %mul3A_1426 : i32
      %add3A_1428 = arith.constant 64 : i32
      %add3A_1429 = arith.addi %mul3A_1427, %add3A_1428 : i32
      %add3A_1430 = arith.constant 0 : i32
      %add3A_1431 = arith.addi %add3A_1429, %add3A_1430 : i32
      %get3A_1432 = arith.index_cast %add3A_1431 : i32 to index
      %get3A_1433 = tpu.vector_load %arg9[%get3A_1432] {strides = array<i32>} : memref<4096xf32, #tpu.memory_space<vmem>>, vector<16xf32>,
      %mul3A_1434 = arith.constant 4 : i32
      %mul3A_1435 = arith.muli %scan3A_1409, %mul3A_1434 : i32
      %mul3A_1436 = arith.constant 64 : i32
      %mul3A_1437 = arith.muli %mul3A_1435, %mul3A_1436 : i32
      %add3A_1438 = arith.constant 128 : i32
      %add3A_1439 = arith.addi %mul3A_1437, %add3A_1438 : i32
      %add3A_1440 = arith.constant 0 : i32
      %add3A_1441 = arith.addi %add3A_1439, %add3A_1440 : i32
      %get3A_1442 = arith.index_cast %add3A_1441 : i32 to index
      %get3A_1443 = tpu.vector_load %arg9[%get3A_1442] {strides = array<i32>} : memref<4096xf32, #tpu.memory_space<vmem>>, vector<16xf32>,
      %mul3A_1444 = arith.constant 4 : i32
      %mul3A_1445 = arith.muli %scan3A_1409, %mul3A_1444 : i32
      %mul3A_1446 = arith.constant 64 : i32
      %mul3A_1447 = arith.muli %mul3A_1445, %mul3A_1446 : i32
      %add3A_1448 = arith.constant 192 : i32
      %add3A_1449 = arith.addi %mul3A_1447, %add3A_1448 : i32
      %add3A_1450 = arith.constant 0 : i32
      %add3A_1451 = arith.addi %add3A_1449, %add3A_1450 : i32
      %get3A_1452 = arith.index_cast %add3A_1451 : i32 to index
      %get3A_1453 = tpu.vector_load %arg9[%get3A_1452] {strides = array<i32>} : memref<4096xf32, #tpu.memory_space<vmem>>, vector<16xf32>,
      %swap3A = arith.index_cast %add3A_1414 : i32 to index
      %swap3A_1454 = tpu.vector_load %arg11[%swap3A] {strides = array<i32>} : memref<1040xf32, #tpu.memory_space<vmem>>, vector<16xf32>,
      tpu.vector_store %arg11[%swap3A], %get3A_1423 {strides = array<i32>} : memref<1040xf32, #tpu.memory_space<vmem>>, vector<16xf32>,
      %swap3A_1455 = arith.index_cast %add3A_1414 : i32 to index
      %swap3A_1456 = tpu.vector_load %arg12[%swap3A_1455] {strides = array<i32>} : memref<1040xf32, #tpu.memory_space<vmem>>, vector<16xf32>,
      tpu.vector_store %arg12[%swap3A_1455], %get3A_1433 {strides = array<i32>} : memref<1040xf32, #tpu.memory_space<vmem>>, vector<16xf32>,
      %add3A_1457 = arith.addf %get3A_1423, %get3A_1443 : vector<16xf32>
      %swap3A_1458 = arith.index_cast %add3A_1414 : i32 to index
      %swap3A_1459 = tpu.vector_load %arg13[%swap3A_1458] {strides = array<i32>} : memref<1040xf32, #tpu.memory_space<vmem>>, vector<16xf32>,
      tpu.vector_store %arg13[%swap3A_1458], %add3A_1457 {strides = array<i32>} : memref<1040xf32, #tpu.memory_space<vmem>>, vector<16xf32>,
      %add3A_1460 = arith.addf %get3A_1433, %get3A_1453 : vector<16xf32>
      %swap3A_1461 = arith.index_cast %add3A_1414 : i32 to index
      %swap3A_1462 = tpu.vector_load %arg14[%swap3A_1461] {strides = array<i32>} : memref<1040xf32, #tpu.memory_space<vmem>>, vector<16xf32>,
      tpu.vector_store %arg14[%swap3A_1461], %add3A_1460 {strides = array<i32>} : memref<1040xf32, #tpu.memory_space<vmem>>, vector<16xf32>,
      %iota3A = tpu.iota {dimensions = array<i32: 0>} : vector<16xi32>
      %add3A_1463 = arith.constant 0 : i32
      %add3A_1464 = vector.broadcast %add3A_1463 : i32 to vector<16xi32>
      %add3A_1465 = arith.addi %iota3A, %add3A_1464 : vector<16xi32>
      %mul3A_1466 = arith.mulf %get3A_1443, %get3A_1453 : vector<16xf32>
      %convert_element_type3A = arith.fptosi %mul3A_1466 : vector<16xf32> to vector<16xi32>
      %mul3A_1467 = arith.constant 64 : i32
      %mul3A_1468 = vector.broadcast %mul3A_1467 : i32 to vector<16xi32>
      %mul3A_1469 = arith.muli %convert_element_type3A, %mul3A_1468 : vector<16xi32>
      %add3A_1470 = arith.addi %mul3A_1469, %add3A_1465 : vector<16xi32>
      %swap3A_1471 = arith.index_cast %add3A_1414 : i32 to index
      %swap3A_1472 = tpu.vector_load %arg15[%swap3A_1471] {strides = array<i32>} : memref<1040xi32, #tpu.memory_space<vmem>>, vector<16xi32>,
      tpu.vector_store %arg15[%swap3A_1471], %add3A_1470 {strides = array<i32>} : memref<1040xi32, #tpu.memory_space<vmem>>, vector<16xi32>,
      %max3A = arith.maximumf %get3A_1443, %get3A_1453 : vector<16xf32>
      %rev3A = arith.constant 15 : i32
      %rev3A_1473 = vector.broadcast %rev3A : i32 to vector<16xi32>
      %rev3A_1474 = tpu.iota {dimensions = array<i32: 0>} : vector<16xi32>
      %rev3A_1475 = arith.subi %rev3A_1473, %rev3A_1474 : vector<16xi32>
      %rev3A_1476 = tpu.dynamic_gather %max3A[%rev3A_1475] in [0] : vector<16xf32>, vector<16xi32> -> vector<16xf32>
      %add3A_1477 = arith.constant 16 : i32
      %add3A_1478 = arith.addi %mul3A_1412, %add3A_1477 : i32
      %mul3A_1479 = arith.constant 4 : i32
      %mul3A_1480 = arith.muli %scan3A_1409, %mul3A_1479 : i32
      %mul3A_1481 = arith.constant 64 : i32
      %mul3A_1482 = arith.muli %mul3A_1480, %mul3A_1481 : i32
      %add3A_1483 = arith.constant 0 : i32
      %add3A_1484 = arith.addi %mul3A_1482, %add3A_1483 : i32
      %add3A_1485 = arith.constant 16 : i32
      %add3A_1486 = arith.addi %add3A_1484, %add3A_1485 : i32
      %get3A_1487 = arith.index_cast %add3A_1486 : i32 to index
      %get3A_1488 = tpu.vector_load %arg9[%get3A_1487] {strides = array<i32>} : memref<4096xf32, #tpu.memory_space<vmem>>, vector<16xf32>,
      %mul3A_1489 = arith.constant 4 : i32
      %mul3A_1490 = arith.muli %scan3A_1409, %mul3A_1489 : i32
      %mul3A_1491 = arith.constant 64 : i32
      %mul3A_1492 = arith.muli %mul3A_1490, %mul3A_1491 : i32
      %add3A_1493 = arith.constant 64 : i32
      %add3A_1494 = arith.addi %mul3A_1492, %add3A_1493 : i32
      %add3A_1495 = arith.constant 16 : i32
      %add3A_1496 = arith.addi %add3A_1494, %add3A_1495 : i32
      %get3A_1497 = arith.index_cast %add3A_1496 : i32 to index
      %get3A_1498 = tpu.vector_load %arg9[%get3A_1497] {strides = array<i32>} : memref<4096xf32, #tpu.memory_space<vmem>>, vector<16xf32>,
      %mul3A_1499 = arith.constant 4 : i32
      %mul3A_1500 = arith.muli %scan3A_1409, %mul3A_1499 : i32
      %mul3A_1501 = arith.constant 64 : i32
      %mul3A_1502 = arith.muli %mul3A_1500, %mul3A_1501 : i32
      %add3A_1503 = arith.constant 128 : i32
      %add3A_1504 = arith.addi %mul3A_1502, %add3A_1503 : i32
      %add3A_1505 = arith.constant 16 : i32
      %add3A_1506 = arith.addi %add3A_1504, %add3A_1505 : i32
      %get3A_1507 = arith.index_cast %add3A_1506 : i32 to index
      %get3A_1508 = tpu.vector_load %arg9[%get3A_1507] {strides = array<i32>} : memref<4096xf32, #tpu.memory_space<vmem>>, vector<16xf32>,
      %mul3A_1509 = arith.constant 4 : i32
      %mul3A_1510 = arith.muli %scan3A_1409, %mul3A_1509 : i32
      %mul3A_1511 = arith.constant 64 : i32
      %mul3A_1512 = arith.muli %mul3A_1510, %mul3A_1511 : i32
      %add3A_1513 = arith.constant 192 : i32
      %add3A_1514 = arith.addi %mul3A_1512, %add3A_1513 : i32
      %add3A_1515 = arith.constant 16 : i32
      %add3A_1516 = arith.addi %add3A_1514, %add3A_1515 : i32
      %get3A_1517 = arith.index_cast %add3A_1516 : i32 to index
      %get3A_1518 = tpu.vector_load %arg9[%get3A_1517] {strides = array<i32>} : memref<4096xf32, #tpu.memory_space<vmem>>, vector<16xf32>,
      %swap3A_1519 = arith.index_cast %add3A_1478 : i32 to index
      %swap3A_1520 = tpu.vector_load %arg11[%swap3A_1519] {strides = array<i32>} : memref<1040xf32, #tpu.memory_space<vmem>>, vector<16xf32>,
      tpu.vector_store %arg11[%swap3A_1519], %get3A_1488 {strides = array<i32>} : memref<1040xf32, #tpu.memory_space<vmem>>, vector<16xf32>,
      %swap3A_1521 = arith.index_cast %add3A_1478 : i32 to index
      %swap3A_1522 = tpu.vector_load %arg12[%swap3A_1521] {strides = array<i32>} : memref<1040xf32, #tpu.memory_space<vmem>>, vector<16xf32>,
      tpu.vector_store %arg12[%swap3A_1521], %get3A_1498 {strides = array<i32>} : memref<1040xf32, #tpu.memory_space<vmem>>, vector<16xf32>,
      %add3A_1523 = arith.addf %get3A_1488, %get3A_1508 : vector<16xf32>
      %swap3A_1524 = arith.index_cast %add3A_1478 : i32 to index
      %swap3A_1525 = tpu.vector_load %arg13[%swap3A_1524] {strides = array<i32>} : memref<1040xf32, #tpu.memory_space<vmem>>, vector<16xf32>,
      tpu.vector_store %arg13[%swap3A_1524], %add3A_1523 {strides = array<i32>} : memref<1040xf32, #tpu.memory_space<vmem>>, vector<16xf32>,
      %add3A_1526 = arith.addf %get3A_1498, %get3A_1518 : vector<16xf32>
      %swap3A_1527 = arith.index_cast %add3A_1478 : i32 to index
      %swap3A_1528 = tpu.vector_load %arg14[%swap3A_1527] {strides = array<i32>} : memref<1040xf32, #tpu.memory_space<vmem>>, vector<16xf32>,
      tpu.vector_store %arg14[%swap3A_1527], %add3A_1526 {strides = array<i32>} : memref<1040xf32, #tpu.memory_space<vmem>>, vector<16xf32>,
      %iota3A_1529 = tpu.iota {dimensions = array<i32: 0>} : vector<16xi32>
      %add3A_1530 = arith.constant 16 : i32
      %add3A_1531 = vector.broadcast %add3A_1530 : i32 to vector<16xi32>
      %add3A_1532 = arith.addi %iota3A_1529, %add3A_1531 : vector<16xi32>
      %mul3A_1533 = arith.mulf %get3A_1508, %get3A_1518 : vector<16xf32>
      %convert_element_type3A_1534 = arith.fptosi %mul3A_1533 : vector<16xf32> to vector<16xi32>
      %mul3A_1535 = arith.constant 64 : i32
      %mul3A_1536 = vector.broadcast %mul3A_1535 : i32 to vector<16xi32>
      %mul3A_1537 = arith.muli %convert_element_type3A_1534, %mul3A_1536 : vector<16xi32>
      %add3A_1538 = arith.addi %mul3A_1537, %add3A_1532 : vector<16xi32>
      %swap3A_1539 = arith.index_cast %add3A_1478 : i32 to index
      %swap3A_1540 = tpu.vector_load %arg15[%swap3A_1539] {strides = array<i32>} : memref<1040xi32, #tpu.memory_space<vmem>>, vector<16xi32>,
      tpu.vector_store %arg15[%swap3A_1539], %add3A_1538 {strides = array<i32>} : memref<1040xi32, #tpu.memory_space<vmem>>, vector<16xi32>,
      %max3A_1541 = arith.maximumf %get3A_1508, %get3A_1518 : vector<16xf32>
      %rev3A_1542 = arith.constant 15 : i32
      %rev3A_1543 = vector.broadcast %rev3A_1542 : i32 to vector<16xi32>
      %rev3A_1544 = tpu.iota {dimensions = array<i32: 0>} : vector<16xi32>
      %rev3A_1545 = arith.subi %rev3A_1543, %rev3A_1544 : vector<16xi32>
      %rev3A_1546 = tpu.dynamic_gather %max3A_1541[%rev3A_1545] in [0] : vector<16xf32>, vector<16xi32> -> vector<16xf32>
      %add3A_1547 = arith.constant 32 : i32
      %add3A_1548 = arith.addi %mul3A_1412, %add3A_1547 : i32
      %mul3A_1549 = arith.constant 4 : i32
      %mul3A_1550 = arith.muli %scan3A_1409, %mul3A_1549 : i32
      %mul3A_1551 = arith.constant 64 : i32
      %mul3A_1552 = arith.muli %mul3A_1550, %mul3A_1551 : i32
      %add3A_1553 = arith.constant 0 : i32
      %add3A_1554 = arith.addi %mul3A_1552, %add3A_1553 : i32
      %add3A_1555 = arith.constant 32 : i32
      %add3A_1556 = arith.addi %add3A_1554, %add3A_1555 : i32
      %get3A_1557 = arith.index_cast %add3A_1556 : i32 to index
      %get3A_1558 = tpu.vector_load %arg9[%get3A_1557] {strides = array<i32>} : memref<4096xf32, #tpu.memory_space<vmem>>, vector<16xf32>,
      %mul3A_1559 = arith.constant 4 : i32
      %mul3A_1560 = arith.muli %scan3A_1409, %mul3A_1559 : i32
      %mul3A_1561 = arith.constant 64 : i32
      %mul3A_1562 = arith.muli %mul3A_1560, %mul3A_1561 : i32
      %add3A_1563 = arith.constant 64 : i32
      %add3A_1564 = arith.addi %mul3A_1562, %add3A_1563 : i32
      %add3A_1565 = arith.constant 32 : i32
      %add3A_1566 = arith.addi %add3A_1564, %add3A_1565 : i32
      %get3A_1567 = arith.index_cast %add3A_1566 : i32 to index
      %get3A_1568 = tpu.vector_load %arg9[%get3A_1567] {strides = array<i32>} : memref<4096xf32, #tpu.memory_space<vmem>>, vector<16xf32>,
      %mul3A_1569 = arith.constant 4 : i32
      %mul3A_1570 = arith.muli %scan3A_1409, %mul3A_1569 : i32
      %mul3A_1571 = arith.constant 64 : i32
      %mul3A_1572 = arith.muli %mul3A_1570, %mul3A_1571 : i32
      %add3A_1573 = arith.constant 128 : i32
      %add3A_1574 = arith.addi %mul3A_1572, %add3A_1573 : i32
      %add3A_1575 = arith.constant 32 : i32
      %add3A_1576 = arith.addi %add3A_1574, %add3A_1575 : i32
      %get3A_1577 = arith.index_cast %add3A_1576 : i32 to index
      %get3A_1578 = tpu.vector_load %arg9[%get3A_1577] {strides = array<i32>} : memref<4096xf32, #tpu.memory_space<vmem>>, vector<16xf32>,
      %mul3A_1579 = arith.constant 4 : i32
      %mul3A_1580 = arith.muli %scan3A_1409, %mul3A_1579 : i32
      %mul3A_1581 = arith.constant 64 : i32
      %mul3A_1582 = arith.muli %mul3A_1580, %mul3A_1581 : i32
      %add3A_1583 = arith.constant 192 : i32
      %add3A_1584 = arith.addi %mul3A_1582, %add3A_1583 : i32
      %add3A_1585 = arith.constant 32 : i32
      %add3A_1586 = arith.addi %add3A_1584, %add3A_1585 : i32
      %get3A_1587 = arith.index_cast %add3A_1586 : i32 to index
      %get3A_1588 = tpu.vector_load %arg9[%get3A_1587] {strides = array<i32>} : memref<4096xf32, #tpu.memory_space<vmem>>, vector<16xf32>,
      %swap3A_1589 = arith.index_cast %add3A_1548 : i32 to index
      %swap3A_1590 = tpu.vector_load %arg11[%swap3A_1589] {strides = array<i32>} : memref<1040xf32, #tpu.memory_space<vmem>>, vector<16xf32>,
      tpu.vector_store %arg11[%swap3A_1589], %get3A_1558 {strides = array<i32>} : memref<1040xf32, #tpu.memory_space<vmem>>, vector<16xf32>,
      %swap3A_1591 = arith.index_cast %add3A_1548 : i32 to index
      %swap3A_1592 = tpu.vector_load %arg12[%swap3A_1591] {strides = array<i32>} : memref<1040xf32, #tpu.memory_space<vmem>>, vector<16xf32>,
      tpu.vector_store %arg12[%swap3A_1591], %get3A_1568 {strides = array<i32>} : memref<1040xf32, #tpu.memory_space<vmem>>, vector<16xf32>,
      %add3A_1593 = arith.addf %get3A_1558, %get3A_1578 : vector<16xf32>
      %swap3A_1594 = arith.index_cast %add3A_1548 : i32 to index
      %swap3A_1595 = tpu.vector_load %arg13[%swap3A_1594] {strides = array<i32>} : memref<1040xf32, #tpu.memory_space<vmem>>, vector<16xf32>,
      tpu.vector_store %arg13[%swap3A_1594], %add3A_1593 {strides = array<i32>} : memref<1040xf32, #tpu.memory_space<vmem>>, vector<16xf32>,
      %add3A_1596 = arith.addf %get3A_1568, %get3A_1588 : vector<16xf32>
      %swap3A_1597 = arith.index_cast %add3A_1548 : i32 to index
      %swap3A_1598 = tpu.vector_load %arg14[%swap3A_1597] {strides = array<i32>} : memref<1040xf32, #tpu.memory_space<vmem>>, vector<16xf32>,
      tpu.vector_store %arg14[%swap3A_1597], %add3A_1596 {strides = array<i32>} : memref<1040xf32, #tpu.memory_space<vmem>>, vector<16xf32>,
      %iota3A_1599 = tpu.iota {dimensions = array<i32: 0>} : vector<16xi32>
      %add3A_1600 = arith.constant 32 : i32
      %add3A_1601 = vector.broadcast %add3A_1600 : i32 to vector<16xi32>
      %add3A_1602 = arith.addi %iota3A_1599, %add3A_1601 : vector<16xi32>
      %mul3A_1603 = arith.mulf %get3A_1578, %get3A_1588 : vector<16xf32>
      %convert_element_type3A_1604 = arith.fptosi %mul3A_1603 : vector<16xf32> to vector<16xi32>
      %mul3A_1605 = arith.constant 64 : i32
      %mul3A_1606 = vector.broadcast %mul3A_1605 : i32 to vector<16xi32>
      %mul3A_1607 = arith.muli %convert_element_type3A_1604, %mul3A_1606 : vector<16xi32>
      %add3A_1608 = arith.addi %mul3A_1607, %add3A_1602 : vector<16xi32>
      %swap3A_1609 = arith.index_cast %add3A_1548 : i32 to index
      %swap3A_1610 = tpu.vector_load %arg15[%swap3A_1609] {strides = array<i32>} : memref<1040xi32, #tpu.memory_space<vmem>>, vector<16xi32>,
      tpu.vector_store %arg15[%swap3A_1609], %add3A_1608 {strides = array<i32>} : memref<1040xi32, #tpu.memory_space<vmem>>, vector<16xi32>,
      %max3A_1611 = arith.maximumf %get3A_1578, %get3A_1588 : vector<16xf32>
      %rev3A_1612 = arith.constant 15 : i32
      %rev3A_1613 = vector.broadcast %rev3A_1612 : i32 to vector<16xi32>
      %rev3A_1614 = tpu.iota {dimensions = array<i32: 0>} : vector<16xi32>
      %rev3A_1615 = arith.subi %rev3A_1613, %rev3A_1614 : vector<16xi32>
      %rev3A_1616 = tpu.dynamic_gather %max3A_1611[%rev3A_1615] in [0] : vector<16xf32>, vector<16xi32> -> vector<16xf32>
      %add3A_1617 = arith.constant 48 : i32
      %add3A_1618 = arith.addi %mul3A_1412, %add3A_1617 : i32
      %mul3A_1619 = arith.constant 4 : i32
      %mul3A_1620 = arith.muli %scan3A_1409, %mul3A_1619 : i32
      %mul3A_1621 = arith.constant 64 : i32
      %mul3A_1622 = arith.muli %mul3A_1620, %mul3A_1621 : i32
      %add3A_1623 = arith.constant 0 : i32
      %add3A_1624 = arith.addi %mul3A_1622, %add3A_1623 : i32
      %add3A_1625 = arith.constant 48 : i32
      %add3A_1626 = arith.addi %add3A_1624, %add3A_1625 : i32
      %get3A_1627 = arith.index_cast %add3A_1626 : i32 to index
      %get3A_1628 = tpu.vector_load %arg9[%get3A_1627] {strides = array<i32>} : memref<4096xf32, #tpu.memory_space<vmem>>, vector<16xf32>,
      %mul3A_1629 = arith.constant 4 : i32
      %mul3A_1630 = arith.muli %scan3A_1409, %mul3A_1629 : i32
      %mul3A_1631 = arith.constant 64 : i32
      %mul3A_1632 = arith.muli %mul3A_1630, %mul3A_1631 : i32
      %add3A_1633 = arith.constant 64 : i32
      %add3A_1634 = arith.addi %mul3A_1632, %add3A_1633 : i32
      %add3A_1635 = arith.constant 48 : i32
      %add3A_1636 = arith.addi %add3A_1634, %add3A_1635 : i32
      %get3A_1637 = arith.index_cast %add3A_1636 : i32 to index
      %get3A_1638 = tpu.vector_load %arg9[%get3A_1637] {strides = array<i32>} : memref<4096xf32, #tpu.memory_space<vmem>>, vector<16xf32>,
      %mul3A_1639 = arith.constant 4 : i32
      %mul3A_1640 = arith.muli %scan3A_1409, %mul3A_1639 : i32
      %mul3A_1641 = arith.constant 64 : i32
      %mul3A_1642 = arith.muli %mul3A_1640, %mul3A_1641 : i32
      %add3A_1643 = arith.constant 128 : i32
      %add3A_1644 = arith.addi %mul3A_1642, %add3A_1643 : i32
      %add3A_1645 = arith.constant 48 : i32
      %add3A_1646 = arith.addi %add3A_1644, %add3A_1645 : i32
      %get3A_1647 = arith.index_cast %add3A_1646 : i32 to index
      %get3A_1648 = tpu.vector_load %arg9[%get3A_1647] {strides = array<i32>} : memref<4096xf32, #tpu.memory_space<vmem>>, vector<16xf32>,
      %mul3A_1649 = arith.constant 4 : i32
      %mul3A_1650 = arith.muli %scan3A_1409, %mul3A_1649 : i32
      %mul3A_1651 = arith.constant 64 : i32
      %mul3A_1652 = arith.muli %mul3A_1650, %mul3A_1651 : i32
      %add3A_1653 = arith.constant 192 : i32
      %add3A_1654 = arith.addi %mul3A_1652, %add3A_1653 : i32
      %add3A_1655 = arith.constant 48 : i32
      %add3A_1656 = arith.addi %add3A_1654, %add3A_1655 : i32
      %get3A_1657 = arith.index_cast %add3A_1656 : i32 to index
      %get3A_1658 = tpu.vector_load %arg9[%get3A_1657] {strides = array<i32>} : memref<4096xf32, #tpu.memory_space<vmem>>, vector<16xf32>,
      %swap3A_1659 = arith.index_cast %add3A_1618 : i32 to index
      %swap3A_1660 = tpu.vector_load %arg11[%swap3A_1659] {strides = array<i32>} : memref<1040xf32, #tpu.memory_space<vmem>>, vector<16xf32>,
      tpu.vector_store %arg11[%swap3A_1659], %get3A_1628 {strides = array<i32>} : memref<1040xf32, #tpu.memory_space<vmem>>, vector<16xf32>,
      %swap3A_1661 = arith.index_cast %add3A_1618 : i32 to index
      %swap3A_1662 = tpu.vector_load %arg12[%swap3A_1661] {strides = array<i32>} : memref<1040xf32, #tpu.memory_space<vmem>>, vector<16xf32>,
      tpu.vector_store %arg12[%swap3A_1661], %get3A_1638 {strides = array<i32>} : memref<1040xf32, #tpu.memory_space<vmem>>, vector<16xf32>,
      %add3A_1663 = arith.addf %get3A_1628, %get3A_1648 : vector<16xf32>
      %swap3A_1664 = arith.index_cast %add3A_1618 : i32 to index
      %swap3A_1665 = tpu.vector_load %arg13[%swap3A_1664] {strides = array<i32>} : memref<1040xf32, #tpu.memory_space<vmem>>, vector<16xf32>,
      tpu.vector_store %arg13[%swap3A_1664], %add3A_1663 {strides = array<i32>} : memref<1040xf32, #tpu.memory_space<vmem>>, vector<16xf32>,
      %add3A_1666 = arith.addf %get3A_1638, %get3A_1658 : vector<16xf32>
      %swap3A_1667 = arith.index_cast %add3A_1618 : i32 to index
      %swap3A_1668 = tpu.vector_load %arg14[%swap3A_1667] {strides = array<i32>} : memref<1040xf32, #tpu.memory_space<vmem>>, vector<16xf32>,
      tpu.vector_store %arg14[%swap3A_1667], %add3A_1666 {strides = array<i32>} : memref<1040xf32, #tpu.memory_space<vmem>>, vector<16xf32>,
      %iota3A_1669 = tpu.iota {dimensions = array<i32: 0>} : vector<16xi32>
      %add3A_1670 = arith.constant 48 : i32
      %add3A_1671 = vector.broadcast %add3A_1670 : i32 to vector<16xi32>
      %add3A_1672 = arith.addi %iota3A_1669, %add3A_1671 : vector<16xi32>
      %mul3A_1673 = arith.mulf %get3A_1648, %get3A_1658 : vector<16xf32>
      %convert_element_type3A_1674 = arith.fptosi %mul3A_1673 : vector<16xf32> to vector<16xi32>
      %mul3A_1675 = arith.constant 64 : i32
      %mul3A_1676 = vector.broadcast %mul3A_1675 : i32 to vector<16xi32>
      %mul3A_1677 = arith.muli %convert_element_type3A_1674, %mul3A_1676 : vector<16xi32>
      %add3A_1678 = arith.addi %mul3A_1677, %add3A_1672 : vector<16xi32>
      %swap3A_1679 = arith.index_cast %add3A_1618 : i32 to index
      %swap3A_1680 = tpu.vector_load %arg15[%swap3A_1679] {strides = array<i32>} : memref<1040xi32, #tpu.memory_space<vmem>>, vector<16xi32>,
      tpu.vector_store %arg15[%swap3A_1679], %add3A_1678 {strides = array<i32>} : memref<1040xi32, #tpu.memory_space<vmem>>, vector<16xi32>,
      %max3A_1681 = arith.maximumf %get3A_1648, %get3A_1658 : vector<16xf32>
      %rev3A_1682 = arith.constant 15 : i32
      %rev3A_1683 = vector.broadcast %rev3A_1682 : i32 to vector<16xi32>
      %rev3A_1684 = tpu.iota {dimensions = array<i32: 0>} : vector<16xi32>
      %rev3A_1685 = arith.subi %rev3A_1683, %rev3A_1684 : vector<16xi32>
      %rev3A_1686 = tpu.dynamic_gather %max3A_1681[%rev3A_1685] in [0] : vector<16xf32>, vector<16xi32> -> vector<16xf32>
      %gt3A = vector.broadcast %scan3A_80 : f32 to vector<16xf32>
      %gt3A_1687 = arith.cmpf ogt, %max3A, %gt3A : vector<16xf32>
      %le3A = vector.broadcast %scan3A_81 : f32 to vector<16xf32>
      %le3A_1688 = arith.cmpf ole, %max3A, %le3A : vector<16xf32>
      %and3A = arith.andi %gt3A_1687, %le3A_1688 : vector<16xi1>
      %all_reduce_ffs3A = tpu.all_reduce %and3A {dim = 0 : i64, kind = #tpu.reduction_kind<find_first_set>} : vector<16xi1> -> vector<16xi32>
      %ge3A = arith.constant 16 : i32
      %ge3A_1689 = vector.broadcast %ge3A : i32 to vector<16xi32>
      %ge3A_1690 = arith.cmpi sge, %all_reduce_ffs3A, %ge3A_1689 : vector<16xi32>
      %add3A_1691 = arith.constant 0 : i32
      %add3A_1692 = vector.broadcast %add3A_1691 : i32 to vector<16xi32>
      %add3A_1693 = arith.addi %all_reduce_ffs3A, %add3A_1692 : vector<16xi32>
      %jit3A = arith.constant 64 : i32
      %broadcast_in_dim3A_1694 = vector.broadcast %jit3A : i32 to vector<16xi32>
      %select_n3A = arith.select %ge3A_1690, %broadcast_in_dim3A_1694, %add3A_1693 : vector<16xi1>, vector<16xi32>
      %gt3A_1695 = vector.broadcast %scan3A_80 : f32 to vector<16xf32>
      %gt3A_1696 = arith.cmpf ogt, %rev3A_1476, %gt3A_1695 : vector<16xf32>
      %le3A_1697 = vector.broadcast %scan3A_81 : f32 to vector<16xf32>
      %le3A_1698 = arith.cmpf ole, %rev3A_1476, %le3A_1697 : vector<16xf32>
      %and3A_1699 = arith.andi %gt3A_1696, %le3A_1698 : vector<16xi1>
      %all_reduce_ffs3A_1700 = tpu.all_reduce %and3A_1699 {dim = 0 : i64, kind = #tpu.reduction_kind<find_first_set>} : vector<16xi1> -> vector<16xi32>
      %ge3A_1701 = arith.constant 16 : i32
      %ge3A_1702 = vector.broadcast %ge3A_1701 : i32 to vector<16xi32>
      %ge3A_1703 = arith.cmpi sge, %all_reduce_ffs3A_1700, %ge3A_1702 : vector<16xi32>
      %sub3A = arith.constant 16 : i32
      %sub3A_1704 = vector.broadcast %sub3A : i32 to vector<16xi32>
      %sub3A_1705 = arith.subi %sub3A_1704, %all_reduce_ffs3A_1700 : vector<16xi32>
      %jit3A_1706 = arith.constant 0 : i32
      %broadcast_in_dim3A_1707 = vector.broadcast %jit3A_1706 : i32 to vector<16xi32>
      %select_n3A_1708 = arith.select %ge3A_1703, %broadcast_in_dim3A_1707, %sub3A_1705 : vector<16xi1>, vector<16xi32>
      %gt3A_1709 = vector.broadcast %scan3A_80 : f32 to vector<16xf32>
      %gt3A_1710 = arith.cmpf ogt, %max3A_1541, %gt3A_1709 : vector<16xf32>
      %le3A_1711 = vector.broadcast %scan3A_81 : f32 to vector<16xf32>
      %le3A_1712 = arith.cmpf ole, %max3A_1541, %le3A_1711 : vector<16xf32>
      %and3A_1713 = arith.andi %gt3A_1710, %le3A_1712 : vector<16xi1>
      %all_reduce_ffs3A_1714 = tpu.all_reduce %and3A_1713 {dim = 0 : i64, kind = #tpu.reduction_kind<find_first_set>} : vector<16xi1> -> vector<16xi32>
      %ge3A_1715 = arith.constant 16 : i32
      %ge3A_1716 = vector.broadcast %ge3A_1715 : i32 to vector<16xi32>
      %ge3A_1717 = arith.cmpi sge, %all_reduce_ffs3A_1714, %ge3A_1716 : vector<16xi32>
      %add3A_1718 = arith.constant 16 : i32
      %add3A_1719 = vector.broadcast %add3A_1718 : i32 to vector<16xi32>
      %add3A_1720 = arith.addi %all_reduce_ffs3A_1714, %add3A_1719 : vector<16xi32>
      %jit3A_1721 = arith.constant 64 : i32
      %broadcast_in_dim3A_1722 = vector.broadcast %jit3A_1721 : i32 to vector<16xi32>
      %select_n3A_1723 = arith.select %ge3A_1717, %broadcast_in_dim3A_1722, %add3A_1720 : vector<16xi1>, vector<16xi32>
      %gt3A_1724 = vector.broadcast %scan3A_80 : f32 to vector<16xf32>
      %gt3A_1725 = arith.cmpf ogt, %rev3A_1546, %gt3A_1724 : vector<16xf32>
      %le3A_1726 = vector.broadcast %scan3A_81 : f32 to vector<16xf32>
      %le3A_1727 = arith.cmpf ole, %rev3A_1546, %le3A_1726 : vector<16xf32>
      %and3A_1728 = arith.andi %gt3A_1725, %le3A_1727 : vector<16xi1>
      %all_reduce_ffs3A_1729 = tpu.all_reduce %and3A_1728 {dim = 0 : i64, kind = #tpu.reduction_kind<find_first_set>} : vector<16xi1> -> vector<16xi32>
      %ge3A_1730 = arith.constant 16 : i32
      %ge3A_1731 = vector.broadcast %ge3A_1730 : i32 to vector<16xi32>
      %ge3A_1732 = arith.cmpi sge, %all_reduce_ffs3A_1729, %ge3A_1731 : vector<16xi32>
      %sub3A_1733 = arith.constant 32 : i32
      %sub3A_1734 = vector.broadcast %sub3A_1733 : i32 to vector<16xi32>
      %sub3A_1735 = arith.subi %sub3A_1734, %all_reduce_ffs3A_1729 : vector<16xi32>
      %jit3A_1736 = arith.constant 0 : i32
      %broadcast_in_dim3A_1737 = vector.broadcast %jit3A_1736 : i32 to vector<16xi32>
      %select_n3A_1738 = arith.select %ge3A_1732, %broadcast_in_dim3A_1737, %sub3A_1735 : vector<16xi1>, vector<16xi32>
      %gt3A_1739 = vector.broadcast %scan3A_80 : f32 to vector<16xf32>
      %gt3A_1740 = arith.cmpf ogt, %max3A_1611, %gt3A_1739 : vector<16xf32>
      %le3A_1741 = vector.broadcast %scan3A_81 : f32 to vector<16xf32>
      %le3A_1742 = arith.cmpf ole, %max3A_1611, %le3A_1741 : vector<16xf32>
      %and3A_1743 = arith.andi %gt3A_1740, %le3A_1742 : vector<16xi1>
      %all_reduce_ffs3A_1744 = tpu.all_reduce %and3A_1743 {dim = 0 : i64, kind = #tpu.reduction_kind<find_first_set>} : vector<16xi1> -> vector<16xi32>
      %ge3A_1745 = arith.constant 16 : i32
      %ge3A_1746 = vector.broadcast %ge3A_1745 : i32 to vector<16xi32>
      %ge3A_1747 = arith.cmpi sge, %all_reduce_ffs3A_1744, %ge3A_1746 : vector<16xi32>
      %add3A_1748 = arith.constant 32 : i32
      %add3A_1749 = vector.broadcast %add3A_1748 : i32 to vector<16xi32>
      %add3A_1750 = arith.addi %all_reduce_ffs3A_1744, %add3A_1749 : vector<16xi32>
      %jit3A_1751 = arith.constant 64 : i32
      %broadcast_in_dim3A_1752 = vector.broadcast %jit3A_1751 : i32 to vector<16xi32>
      %select_n3A_1753 = arith.select %ge3A_1747, %broadcast_in_dim3A_1752, %add3A_1750 : vector<16xi1>, vector<16xi32>
      %gt3A_1754 = vector.broadcast %scan3A_80 : f32 to vector<16xf32>
      %gt3A_1755 = arith.cmpf ogt, %rev3A_1616, %gt3A_1754 : vector<16xf32>
      %le3A_1756 = vector.broadcast %scan3A_81 : f32 to vector<16xf32>
      %le3A_1757 = arith.cmpf ole, %rev3A_1616, %le3A_1756 : vector<16xf32>
      %and3A_1758 = arith.andi %gt3A_1755, %le3A_1757 : vector<16xi1>
      %all_reduce_ffs3A_1759 = tpu.all_reduce %and3A_1758 {dim = 0 : i64, kind = #tpu.reduction_kind<find_first_set>} : vector<16xi1> -> vector<16xi32>
      %ge3A_1760 = arith.constant 16 : i32
      %ge3A_1761 = vector.broadcast %ge3A_1760 : i32 to vector<16xi32>
      %ge3A_1762 = arith.cmpi sge, %all_reduce_ffs3A_1759, %ge3A_1761 : vector<16xi32>
      %sub3A_1763 = arith.constant 48 : i32
      %sub3A_1764 = vector.broadcast %sub3A_1763 : i32 to vector<16xi32>
      %sub3A_1765 = arith.subi %sub3A_1764, %all_reduce_ffs3A_1759 : vector<16xi32>
      %jit3A_1766 = arith.constant 0 : i32
      %broadcast_in_dim3A_1767 = vector.broadcast %jit3A_1766 : i32 to vector<16xi32>
      %select_n3A_1768 = arith.select %ge3A_1762, %broadcast_in_dim3A_1767, %sub3A_1765 : vector<16xi1>, vector<16xi32>
      %gt3A_1769 = vector.broadcast %scan3A_80 : f32 to vector<16xf32>
      %gt3A_1770 = arith.cmpf ogt, %max3A_1681, %gt3A_1769 : vector<16xf32>
      %le3A_1771 = vector.broadcast %scan3A_81 : f32 to vector<16xf32>
      %le3A_1772 = arith.cmpf ole, %max3A_1681, %le3A_1771 : vector<16xf32>
      %and3A_1773 = arith.andi %gt3A_1770, %le3A_1772 : vector<16xi1>
      %all_reduce_ffs3A_1774 = tpu.all_reduce %and3A_1773 {dim = 0 : i64, kind = #tpu.reduction_kind<find_first_set>} : vector<16xi1> -> vector<16xi32>
      %ge3A_1775 = arith.constant 16 : i32
      %ge3A_1776 = vector.broadcast %ge3A_1775 : i32 to vector<16xi32>
      %ge3A_1777 = arith.cmpi sge, %all_reduce_ffs3A_1774, %ge3A_1776 : vector<16xi32>
      %add3A_1778 = arith.constant 48 : i32
      %add3A_1779 = vector.broadcast %add3A_1778 : i32 to vector<16xi32>
      %add3A_1780 = arith.addi %all_reduce_ffs3A_1774, %add3A_1779 : vector<16xi32>
      %jit3A_1781 = arith.constant 64 : i32
      %broadcast_in_dim3A_1782 = vector.broadcast %jit3A_1781 : i32 to vector<16xi32>
      %select_n3A_1783 = arith.select %ge3A_1777, %broadcast_in_dim3A_1782, %add3A_1780 : vector<16xi1>, vector<16xi32>
      %gt3A_1784 = vector.broadcast %scan3A_80 : f32 to vector<16xf32>
      %gt3A_1785 = arith.cmpf ogt, %rev3A_1686, %gt3A_1784 : vector<16xf32>
      %le3A_1786 = vector.broadcast %scan3A_81 : f32 to vector<16xf32>
      %le3A_1787 = arith.cmpf ole, %rev3A_1686, %le3A_1786 : vector<16xf32>
      %and3A_1788 = arith.andi %gt3A_1785, %le3A_1787 : vector<16xi1>
      %all_reduce_ffs3A_1789 = tpu.all_reduce %and3A_1788 {dim = 0 : i64, kind = #tpu.reduction_kind<find_first_set>} : vector<16xi1> -> vector<16xi32>
      %ge3A_1790 = arith.constant 16 : i32
      %ge3A_1791 = vector.broadcast %ge3A_1790 : i32 to vector<16xi32>
      %ge3A_1792 = arith.cmpi sge, %all_reduce_ffs3A_1789, %ge3A_1791 : vector<16xi32>
      %sub3A_1793 = arith.constant 64 : i32
      %sub3A_1794 = vector.broadcast %sub3A_1793 : i32 to vector<16xi32>
      %sub3A_1795 = arith.subi %sub3A_1794, %all_reduce_ffs3A_1789 : vector<16xi32>
      %jit3A_1796 = arith.constant 0 : i32
      %broadcast_in_dim3A_1797 = vector.broadcast %jit3A_1796 : i32 to vector<16xi32>
      %select_n3A_1798 = arith.select %ge3A_1792, %broadcast_in_dim3A_1797, %sub3A_1795 : vector<16xi1>, vector<16xi32>
      %min3A = arith.minsi %select_n3A, %select_n3A_1723 : vector<16xi32>
      %min3A_1799 = arith.minsi %select_n3A_1753, %select_n3A_1783 : vector<16xi32>
      %min3A_1800 = arith.minsi %min3A, %min3A_1799 : vector<16xi32>
      %max3A_1801 = arith.maxsi %select_n3A_1708, %select_n3A_1738 : vector<16xi32>
      %max3A_1802 = arith.maxsi %select_n3A_1768, %select_n3A_1798 : vector<16xi32>
      %max3A_1803 = arith.maxsi %max3A_1801, %max3A_1802 : vector<16xi32>
      %slice3A = vector.extract_strided_slice %min3A_1800 {offsets = [0], sizes = [1], strides = [1]} : vector<16xi32> to vector<1xi32>
      %squeeze3A = vector.extract %slice3A[0] : i32 from vector<1xi32>
      %slice3A_1804 = vector.extract_strided_slice %max3A_1803 {offsets = [0], sizes = [1], strides = [1]} : vector<16xi32> to vector<1xi32>
      %squeeze3A_1805 = vector.extract %slice3A_1804[0] : i32 from vector<1xi32>
      %gt3A_1806 = vector.broadcast %scan3A_82 : f32 to vector<16xf32>
      %gt3A_1807 = arith.cmpf ogt, %max3A, %gt3A_1806 : vector<16xf32>
      %le3A_1808 = vector.broadcast %scan3A_83 : f32 to vector<16xf32>
      %le3A_1809 = arith.cmpf ole, %max3A, %le3A_1808 : vector<16xf32>
      %and3A_1810 = arith.andi %gt3A_1807, %le3A_1809 : vector<16xi1>
      %all_reduce_ffs3A_1811 = tpu.all_reduce %and3A_1810 {dim = 0 : i64, kind = #tpu.reduction_kind<find_first_set>} : vector<16xi1> -> vector<16xi32>
      %ge3A_1812 = arith.constant 16 : i32
      %ge3A_1813 = vector.broadcast %ge3A_1812 : i32 to vector<16xi32>
      %ge3A_1814 = arith.cmpi sge, %all_reduce_ffs3A_1811, %ge3A_1813 : vector<16xi32>
      %add3A_1815 = arith.constant 0 : i32
      %add3A_1816 = vector.broadcast %add3A_1815 : i32 to vector<16xi32>
      %add3A_1817 = arith.addi %all_reduce_ffs3A_1811, %add3A_1816 : vector<16xi32>
      %jit3A_1818 = arith.constant 64 : i32
      %broadcast_in_dim3A_1819 = vector.broadcast %jit3A_1818 : i32 to vector<16xi32>
      %select_n3A_1820 = arith.select %ge3A_1814, %broadcast_in_dim3A_1819, %add3A_1817 : vector<16xi1>, vector<16xi32>
      %gt3A_1821 = vector.broadcast %scan3A_82 : f32 to vector<16xf32>
      %gt3A_1822 = arith.cmpf ogt, %rev3A_1476, %gt3A_1821 : vector<16xf32>
      %le3A_1823 = vector.broadcast %scan3A_83 : f32 to vector<16xf32>
      %le3A_1824 = arith.cmpf ole, %rev3A_1476, %le3A_1823 : vector<16xf32>
      %and3A_1825 = arith.andi %gt3A_1822, %le3A_1824 : vector<16xi1>
      %all_reduce_ffs3A_1826 = tpu.all_reduce %and3A_1825 {dim = 0 : i64, kind = #tpu.reduction_kind<find_first_set>} : vector<16xi1> -> vector<16xi32>
      %ge3A_1827 = arith.constant 16 : i32
      %ge3A_1828 = vector.broadcast %ge3A_1827 : i32 to vector<16xi32>
      %ge3A_1829 = arith.cmpi sge, %all_reduce_ffs3A_1826, %ge3A_1828 : vector<16xi32>
      %sub3A_1830 = arith.constant 16 : i32
      %sub3A_1831 = vector.broadcast %sub3A_1830 : i32 to vector<16xi32>
      %sub3A_1832 = arith.subi %sub3A_1831, %all_reduce_ffs3A_1826 : vector<16xi32>
      %jit3A_1833 = arith.constant 0 : i32
      %broadcast_in_dim3A_1834 = vector.broadcast %jit3A_1833 : i32 to vector<16xi32>
      %select_n3A_1835 = arith.select %ge3A_1829, %broadcast_in_dim3A_1834, %sub3A_1832 : vector<16xi1>, vector<16xi32>
      %gt3A_1836 = vector.broadcast %scan3A_82 : f32 to vector<16xf32>
      %gt3A_1837 = arith.cmpf ogt, %max3A_1541, %gt3A_1836 : vector<16xf32>
      %le3A_1838 = vector.broadcast %scan3A_83 : f32 to vector<16xf32>
      %le3A_1839 = arith.cmpf ole, %max3A_1541, %le3A_1838 : vector<16xf32>
      %and3A_1840 = arith.andi %gt3A_1837, %le3A_1839 : vector<16xi1>
      %all_reduce_ffs3A_1841 = tpu.all_reduce %and3A_1840 {dim = 0 : i64, kind = #tpu.reduction_kind<find_first_set>} : vector<16xi1> -> vector<16xi32>
      %ge3A_1842 = arith.constant 16 : i32
      %ge3A_1843 = vector.broadcast %ge3A_1842 : i32 to vector<16xi32>
      %ge3A_1844 = arith.cmpi sge, %all_reduce_ffs3A_1841, %ge3A_1843 : vector<16xi32>
      %add3A_1845 = arith.constant 16 : i32
      %add3A_1846 = vector.broadcast %add3A_1845 : i32 to vector<16xi32>
      %add3A_1847 = arith.addi %all_reduce_ffs3A_1841, %add3A_1846 : vector<16xi32>
      %jit3A_1848 = arith.constant 64 : i32
      %broadcast_in_dim3A_1849 = vector.broadcast %jit3A_1848 : i32 to vector<16xi32>
      %select_n3A_1850 = arith.select %ge3A_1844, %broadcast_in_dim3A_1849, %add3A_1847 : vector<16xi1>, vector<16xi32>
      %gt3A_1851 = vector.broadcast %scan3A_82 : f32 to vector<16xf32>
      %gt3A_1852 = arith.cmpf ogt, %rev3A_1546, %gt3A_1851 : vector<16xf32>
      %le3A_1853 = vector.broadcast %scan3A_83 : f32 to vector<16xf32>
      %le3A_1854 = arith.cmpf ole, %rev3A_1546, %le3A_1853 : vector<16xf32>
      %and3A_1855 = arith.andi %gt3A_1852, %le3A_1854 : vector<16xi1>
      %all_reduce_ffs3A_1856 = tpu.all_reduce %and3A_1855 {dim = 0 : i64, kind = #tpu.reduction_kind<find_first_set>} : vector<16xi1> -> vector<16xi32>
      %ge3A_1857 = arith.constant 16 : i32
      %ge3A_1858 = vector.broadcast %ge3A_1857 : i32 to vector<16xi32>
      %ge3A_1859 = arith.cmpi sge, %all_reduce_ffs3A_1856, %ge3A_1858 : vector<16xi32>
      %sub3A_1860 = arith.constant 32 : i32
      %sub3A_1861 = vector.broadcast %sub3A_1860 : i32 to vector<16xi32>
      %sub3A_1862 = arith.subi %sub3A_1861, %all_reduce_ffs3A_1856 : vector<16xi32>
      %jit3A_1863 = arith.constant 0 : i32
      %broadcast_in_dim3A_1864 = vector.broadcast %jit3A_1863 : i32 to vector<16xi32>
      %select_n3A_1865 = arith.select %ge3A_1859, %broadcast_in_dim3A_1864, %sub3A_1862 : vector<16xi1>, vector<16xi32>
      %gt3A_1866 = vector.broadcast %scan3A_82 : f32 to vector<16xf32>
      %gt3A_1867 = arith.cmpf ogt, %max3A_1611, %gt3A_1866 : vector<16xf32>
      %le3A_1868 = vector.broadcast %scan3A_83 : f32 to vector<16xf32>
      %le3A_1869 = arith.cmpf ole, %max3A_1611, %le3A_1868 : vector<16xf32>
      %and3A_1870 = arith.andi %gt3A_1867, %le3A_1869 : vector<16xi1>
      %all_reduce_ffs3A_1871 = tpu.all_reduce %and3A_1870 {dim = 0 : i64, kind = #tpu.reduction_kind<find_first_set>} : vector<16xi1> -> vector<16xi32>
      %ge3A_1872 = arith.constant 16 : i32
      %ge3A_1873 = vector.broadcast %ge3A_1872 : i32 to vector<16xi32>
      %ge3A_1874 = arith.cmpi sge, %all_reduce_ffs3A_1871, %ge3A_1873 : vector<16xi32>
      %add3A_1875 = arith.constant 32 : i32
      %add3A_1876 = vector.broadcast %add3A_1875 : i32 to vector<16xi32>
      %add3A_1877 = arith.addi %all_reduce_ffs3A_1871, %add3A_1876 : vector<16xi32>
      %jit3A_1878 = arith.constant 64 : i32
      %broadcast_in_dim3A_1879 = vector.broadcast %jit3A_1878 : i32 to vector<16xi32>
      %select_n3A_1880 = arith.select %ge3A_1874, %broadcast_in_dim3A_1879, %add3A_1877 : vector<16xi1>, vector<16xi32>
      %gt3A_1881 = vector.broadcast %scan3A_82 : f32 to vector<16xf32>
      %gt3A_1882 = arith.cmpf ogt, %rev3A_1616, %gt3A_1881 : vector<16xf32>
      %le3A_1883 = vector.broadcast %scan3A_83 : f32 to vector<16xf32>
      %le3A_1884 = arith.cmpf ole, %rev3A_1616, %le3A_1883 : vector<16xf32>
      %and3A_1885 = arith.andi %gt3A_1882, %le3A_1884 : vector<16xi1>
      %all_reduce_ffs3A_1886 = tpu.all_reduce %and3A_1885 {dim = 0 : i64, kind = #tpu.reduction_kind<find_first_set>} : vector<16xi1> -> vector<16xi32>
      %ge3A_1887 = arith.constant 16 : i32
      %ge3A_1888 = vector.broadcast %ge3A_1887 : i32 to vector<16xi32>
      %ge3A_1889 = arith.cmpi sge, %all_reduce_ffs3A_1886, %ge3A_1888 : vector<16xi32>
      %sub3A_1890 = arith.constant 48 : i32
      %sub3A_1891 = vector.broadcast %sub3A_1890 : i32 to vector<16xi32>
      %sub3A_1892 = arith.subi %sub3A_1891, %all_reduce_ffs3A_1886 : vector<16xi32>
      %jit3A_1893 = arith.constant 0 : i32
      %broadcast_in_dim3A_1894 = vector.broadcast %jit3A_1893 : i32 to vector<16xi32>
      %select_n3A_1895 = arith.select %ge3A_1889, %broadcast_in_dim3A_1894, %sub3A_1892 : vector<16xi1>, vector<16xi32>
      %gt3A_1896 = vector.broadcast %scan3A_82 : f32 to vector<16xf32>
      %gt3A_1897 = arith.cmpf ogt, %max3A_1681, %gt3A_1896 : vector<16xf32>
      %le3A_1898 = vector.broadcast %scan3A_83 : f32 to vector<16xf32>
      %le3A_1899 = arith.cmpf ole, %max3A_1681, %le3A_1898 : vector<16xf32>
      %and3A_1900 = arith.andi %gt3A_1897, %le3A_1899 : vector<16xi1>
      %all_reduce_ffs3A_1901 = tpu.all_reduce %and3A_1900 {dim = 0 : i64, kind = #tpu.reduction_kind<find_first_set>} : vector<16xi1> -> vector<16xi32>
      %ge3A_1902 = arith.constant 16 : i32
      %ge3A_1903 = vector.broadcast %ge3A_1902 : i32 to vector<16xi32>
      %ge3A_1904 = arith.cmpi sge, %all_reduce_ffs3A_1901, %ge3A_1903 : vector<16xi32>
      %add3A_1905 = arith.constant 48 : i32
      %add3A_1906 = vector.broadcast %add3A_1905 : i32 to vector<16xi32>
      %add3A_1907 = arith.addi %all_reduce_ffs3A_1901, %add3A_1906 : vector<16xi32>
      %jit3A_1908 = arith.constant 64 : i32
      %broadcast_in_dim3A_1909 = vector.broadcast %jit3A_1908 : i32 to vector<16xi32>
      %select_n3A_1910 = arith.select %ge3A_1904, %broadcast_in_dim3A_1909, %add3A_1907 : vector<16xi1>, vector<16xi32>
      %gt3A_1911 = vector.broadcast %scan3A_82 : f32 to vector<16xf32>
      %gt3A_1912 = arith.cmpf ogt, %rev3A_1686, %gt3A_1911 : vector<16xf32>
      %le3A_1913 = vector.broadcast %scan3A_83 : f32 to vector<16xf32>
      %le3A_1914 = arith.cmpf ole, %rev3A_1686, %le3A_1913 : vector<16xf32>
      %and3A_1915 = arith.andi %gt3A_1912, %le3A_1914 : vector<16xi1>
      %all_reduce_ffs3A_1916 = tpu.all_reduce %and3A_1915 {dim = 0 : i64, kind = #tpu.reduction_kind<find_first_set>} : vector<16xi1> -> vector<16xi32>
      %ge3A_1917 = arith.constant 16 : i32
      %ge3A_1918 = vector.broadcast %ge3A_1917 : i32 to vector<16xi32>
      %ge3A_1919 = arith.cmpi sge, %all_reduce_ffs3A_1916, %ge3A_1918 : vector<16xi32>
      %sub3A_1920 = arith.constant 64 : i32
      %sub3A_1921 = vector.broadcast %sub3A_1920 : i32 to vector<16xi32>
      %sub3A_1922 = arith.subi %sub3A_1921, %all_reduce_ffs3A_1916 : vector<16xi32>
      %jit3A_1923 = arith.constant 0 : i32
      %broadcast_in_dim3A_1924 = vector.broadcast %jit3A_1923 : i32 to vector<16xi32>
      %select_n3A_1925 = arith.select %ge3A_1919, %broadcast_in_dim3A_1924, %sub3A_1922 : vector<16xi1>, vector<16xi32>
      %min3A_1926 = arith.minsi %select_n3A_1820, %select_n3A_1850 : vector<16xi32>
      %min3A_1927 = arith.minsi %select_n3A_1880, %select_n3A_1910 : vector<16xi32>
      %min3A_1928 = arith.minsi %min3A_1926, %min3A_1927 : vector<16xi32>
      %max3A_1929 = arith.maxsi %select_n3A_1835, %select_n3A_1865 : vector<16xi32>
      %max3A_1930 = arith.maxsi %select_n3A_1895, %select_n3A_1925 : vector<16xi32>
      %max3A_1931 = arith.maxsi %max3A_1929, %max3A_1930 : vector<16xi32>
      %slice3A_1932 = vector.extract_strided_slice %min3A_1928 {offsets = [0], sizes = [1], strides = [1]} : vector<16xi32> to vector<1xi32>
      %squeeze3A_1933 = vector.extract %slice3A_1932[0] : i32 from vector<1xi32>
      %slice3A_1934 = vector.extract_strided_slice %max3A_1931 {offsets = [0], sizes = [1], strides = [1]} : vector<16xi32> to vector<1xi32>
      %squeeze3A_1935 = vector.extract %slice3A_1934[0] : i32 from vector<1xi32>
      %gt3A_1936 = vector.broadcast %scan3A_84 : f32 to vector<16xf32>
      %gt3A_1937 = arith.cmpf ogt, %max3A, %gt3A_1936 : vector<16xf32>
      %le3A_1938 = vector.broadcast %scan3A_85 : f32 to vector<16xf32>
      %le3A_1939 = arith.cmpf ole, %max3A, %le3A_1938 : vector<16xf32>
      %and3A_1940 = arith.andi %gt3A_1937, %le3A_1939 : vector<16xi1>
      %all_reduce_ffs3A_1941 = tpu.all_reduce %and3A_1940 {dim = 0 : i64, kind = #tpu.reduction_kind<find_first_set>} : vector<16xi1> -> vector<16xi32>
      %ge3A_1942 = arith.constant 16 : i32
      %ge3A_1943 = vector.broadcast %ge3A_1942 : i32 to vector<16xi32>
      %ge3A_1944 = arith.cmpi sge, %all_reduce_ffs3A_1941, %ge3A_1943 : vector<16xi32>
      %add3A_1945 = arith.constant 0 : i32
      %add3A_1946 = vector.broadcast %add3A_1945 : i32 to vector<16xi32>
      %add3A_1947 = arith.addi %all_reduce_ffs3A_1941, %add3A_1946 : vector<16xi32>
      %jit3A_1948 = arith.constant 64 : i32
      %broadcast_in_dim3A_1949 = vector.broadcast %jit3A_1948 : i32 to vector<16xi32>
      %select_n3A_1950 = arith.select %ge3A_1944, %broadcast_in_dim3A_1949, %add3A_1947 : vector<16xi1>, vector<16xi32>
      %gt3A_1951 = vector.broadcast %scan3A_84 : f32 to vector<16xf32>
      %gt3A_1952 = arith.cmpf ogt, %rev3A_1476, %gt3A_1951 : vector<16xf32>
      %le3A_1953 = vector.broadcast %scan3A_85 : f32 to vector<16xf32>
      %le3A_1954 = arith.cmpf ole, %rev3A_1476, %le3A_1953 : vector<16xf32>
      %and3A_1955 = arith.andi %gt3A_1952, %le3A_1954 : vector<16xi1>
      %all_reduce_ffs3A_1956 = tpu.all_reduce %and3A_1955 {dim = 0 : i64, kind = #tpu.reduction_kind<find_first_set>} : vector<16xi1> -> vector<16xi32>
      %ge3A_1957 = arith.constant 16 : i32
      %ge3A_1958 = vector.broadcast %ge3A_1957 : i32 to vector<16xi32>
      %ge3A_1959 = arith.cmpi sge, %all_reduce_ffs3A_1956, %ge3A_1958 : vector<16xi32>
      %sub3A_1960 = arith.constant 16 : i32
      %sub3A_1961 = vector.broadcast %sub3A_1960 : i32 to vector<16xi32>
      %sub3A_1962 = arith.subi %sub3A_1961, %all_reduce_ffs3A_1956 : vector<16xi32>
      %jit3A_1963 = arith.constant 0 : i32
      %broadcast_in_dim3A_1964 = vector.broadcast %jit3A_1963 : i32 to vector<16xi32>
      %select_n3A_1965 = arith.select %ge3A_1959, %broadcast_in_dim3A_1964, %sub3A_1962 : vector<16xi1>, vector<16xi32>
      %gt3A_1966 = vector.broadcast %scan3A_84 : f32 to vector<16xf32>
      %gt3A_1967 = arith.cmpf ogt, %max3A_1541, %gt3A_1966 : vector<16xf32>
      %le3A_1968 = vector.broadcast %scan3A_85 : f32 to vector<16xf32>
      %le3A_1969 = arith.cmpf ole, %max3A_1541, %le3A_1968 : vector<16xf32>
      %and3A_1970 = arith.andi %gt3A_1967, %le3A_1969 : vector<16xi1>
      %all_reduce_ffs3A_1971 = tpu.all_reduce %and3A_1970 {dim = 0 : i64, kind = #tpu.reduction_kind<find_first_set>} : vector<16xi1> -> vector<16xi32>
      %ge3A_1972 = arith.constant 16 : i32
      %ge3A_1973 = vector.broadcast %ge3A_1972 : i32 to vector<16xi32>
      %ge3A_1974 = arith.cmpi sge, %all_reduce_ffs3A_1971, %ge3A_1973 : vector<16xi32>
      %add3A_1975 = arith.constant 16 : i32
      %add3A_1976 = vector.broadcast %add3A_1975 : i32 to vector<16xi32>
      %add3A_1977 = arith.addi %all_reduce_ffs3A_1971, %add3A_1976 : vector<16xi32>
      %jit3A_1978 = arith.constant 64 : i32
      %broadcast_in_dim3A_1979 = vector.broadcast %jit3A_1978 : i32 to vector<16xi32>
      %select_n3A_1980 = arith.select %ge3A_1974, %broadcast_in_dim3A_1979, %add3A_1977 : vector<16xi1>, vector<16xi32>
      %gt3A_1981 = vector.broadcast %scan3A_84 : f32 to vector<16xf32>
      %gt3A_1982 = arith.cmpf ogt, %rev3A_1546, %gt3A_1981 : vector<16xf32>
      %le3A_1983 = vector.broadcast %scan3A_85 : f32 to vector<16xf32>
      %le3A_1984 = arith.cmpf ole, %rev3A_1546, %le3A_1983 : vector<16xf32>
      %and3A_1985 = arith.andi %gt3A_1982, %le3A_1984 : vector<16xi1>
      %all_reduce_ffs3A_1986 = tpu.all_reduce %and3A_1985 {dim = 0 : i64, kind = #tpu.reduction_kind<find_first_set>} : vector<16xi1> -> vector<16xi32>
      %ge3A_1987 = arith.constant 16 : i32
      %ge3A_1988 = vector.broadcast %ge3A_1987 : i32 to vector<16xi32>
      %ge3A_1989 = arith.cmpi sge, %all_reduce_ffs3A_1986, %ge3A_1988 : vector<16xi32>
      %sub3A_1990 = arith.constant 32 : i32
      %sub3A_1991 = vector.broadcast %sub3A_1990 : i32 to vector<16xi32>
      %sub3A_1992 = arith.subi %sub3A_1991, %all_reduce_ffs3A_1986 : vector<16xi32>
      %jit3A_1993 = arith.constant 0 : i32
      %broadcast_in_dim3A_1994 = vector.broadcast %jit3A_1993 : i32 to vector<16xi32>
      %select_n3A_1995 = arith.select %ge3A_1989, %broadcast_in_dim3A_1994, %sub3A_1992 : vector<16xi1>, vector<16xi32>
      %gt3A_1996 = vector.broadcast %scan3A_84 : f32 to vector<16xf32>
      %gt3A_1997 = arith.cmpf ogt, %max3A_1611, %gt3A_1996 : vector<16xf32>
      %le3A_1998 = vector.broadcast %scan3A_85 : f32 to vector<16xf32>
      %le3A_1999 = arith.cmpf ole, %max3A_1611, %le3A_1998 : vector<16xf32>
      %and3A_2000 = arith.andi %gt3A_1997, %le3A_1999 : vector<16xi1>
      %all_reduce_ffs3A_2001 = tpu.all_reduce %and3A_2000 {dim = 0 : i64, kind = #tpu.reduction_kind<find_first_set>} : vector<16xi1> -> vector<16xi32>
      %ge3A_2002 = arith.constant 16 : i32
      %ge3A_2003 = vector.broadcast %ge3A_2002 : i32 to vector<16xi32>
      %ge3A_2004 = arith.cmpi sge, %all_reduce_ffs3A_2001, %ge3A_2003 : vector<16xi32>
      %add3A_2005 = arith.constant 32 : i32
      %add3A_2006 = vector.broadcast %add3A_2005 : i32 to vector<16xi32>
      %add3A_2007 = arith.addi %all_reduce_ffs3A_2001, %add3A_2006 : vector<16xi32>
      %jit3A_2008 = arith.constant 64 : i32
      %broadcast_in_dim3A_2009 = vector.broadcast %jit3A_2008 : i32 to vector<16xi32>
      %select_n3A_2010 = arith.select %ge3A_2004, %broadcast_in_dim3A_2009, %add3A_2007 : vector<16xi1>, vector<16xi32>
      %gt3A_2011 = vector.broadcast %scan3A_84 : f32 to vector<16xf32>
      %gt3A_2012 = arith.cmpf ogt, %rev3A_1616, %gt3A_2011 : vector<16xf32>
      %le3A_2013 = vector.broadcast %scan3A_85 : f32 to vector<16xf32>
      %le3A_2014 = arith.cmpf ole, %rev3A_1616, %le3A_2013 : vector<16xf32>
      %and3A_2015 = arith.andi %gt3A_2012, %le3A_2014 : vector<16xi1>
      %all_reduce_ffs3A_2016 = tpu.all_reduce %and3A_2015 {dim = 0 : i64, kind = #tpu.reduction_kind<find_first_set>} : vector<16xi1> -> vector<16xi32>
      %ge3A_2017 = arith.constant 16 : i32
      %ge3A_2018 = vector.broadcast %ge3A_2017 : i32 to vector<16xi32>
      %ge3A_2019 = arith.cmpi sge, %all_reduce_ffs3A_2016, %ge3A_2018 : vector<16xi32>
      %sub3A_2020 = arith.constant 48 : i32
      %sub3A_2021 = vector.broadcast %sub3A_2020 : i32 to vector<16xi32>
      %sub3A_2022 = arith.subi %sub3A_2021, %all_reduce_ffs3A_2016 : vector<16xi32>
      %jit3A_2023 = arith.constant 0 : i32
      %broadcast_in_dim3A_2024 = vector.broadcast %jit3A_2023 : i32 to vector<16xi32>
      %select_n3A_2025 = arith.select %ge3A_2019, %broadcast_in_dim3A_2024, %sub3A_2022 : vector<16xi1>, vector<16xi32>
      %gt3A_2026 = vector.broadcast %scan3A_84 : f32 to vector<16xf32>
      %gt3A_2027 = arith.cmpf ogt, %max3A_1681, %gt3A_2026 : vector<16xf32>
      %le3A_2028 = vector.broadcast %scan3A_85 : f32 to vector<16xf32>
      %le3A_2029 = arith.cmpf ole, %max3A_1681, %le3A_2028 : vector<16xf32>
      %and3A_2030 = arith.andi %gt3A_2027, %le3A_2029 : vector<16xi1>
      %all_reduce_ffs3A_2031 = tpu.all_reduce %and3A_2030 {dim = 0 : i64, kind = #tpu.reduction_kind<find_first_set>} : vector<16xi1> -> vector<16xi32>
      %ge3A_2032 = arith.constant 16 : i32
      %ge3A_2033 = vector.broadcast %ge3A_2032 : i32 to vector<16xi32>
      %ge3A_2034 = arith.cmpi sge, %all_reduce_ffs3A_2031, %ge3A_2033 : vector<16xi32>
      %add3A_2035 = arith.constant 48 : i32
      %add3A_2036 = vector.broadcast %add3A_2035 : i32 to vector<16xi32>
      %add3A_2037 = arith.addi %all_reduce_ffs3A_2031, %add3A_2036 : vector<16xi32>
      %jit3A_2038 = arith.constant 64 : i32
      %broadcast_in_dim3A_2039 = vector.broadcast %jit3A_2038 : i32 to vector<16xi32>
      %select_n3A_2040 = arith.select %ge3A_2034, %broadcast_in_dim3A_2039, %add3A_2037 : vector<16xi1>, vector<16xi32>
      %gt3A_2041 = vector.broadcast %scan3A_84 : f32 to vector<16xf32>
      %gt3A_2042 = arith.cmpf ogt, %rev3A_1686, %gt3A_2041 : vector<16xf32>
      %le3A_2043 = vector.broadcast %scan3A_85 : f32 to vector<16xf32>
      %le3A_2044 = arith.cmpf ole, %rev3A_1686, %le3A_2043 : vector<16xf32>
      %and3A_2045 = arith.andi %gt3A_2042, %le3A_2044 : vector<16xi1>
      %all_reduce_ffs3A_2046 = tpu.all_reduce %and3A_2045 {dim = 0 : i64, kind = #tpu.reduction_kind<find_first_set>} : vector<16xi1> -> vector<16xi32>
      %ge3A_2047 = arith.constant 16 : i32
      %ge3A_2048 = vector.broadcast %ge3A_2047 : i32 to vector<16xi32>
      %ge3A_2049 = arith.cmpi sge, %all_reduce_ffs3A_2046, %ge3A_2048 : vector<16xi32>
      %sub3A_2050 = arith.constant 64 : i32
      %sub3A_2051 = vector.broadcast %sub3A_2050 : i32 to vector<16xi32>
      %sub3A_2052 = arith.subi %sub3A_2051, %all_reduce_ffs3A_2046 : vector<16xi32>
      %jit3A_2053 = arith.constant 0 : i32
      %broadcast_in_dim3A_2054 = vector.broadcast %jit3A_2053 : i32 to vector<16xi32>
      %select_n3A_2055 = arith.select %ge3A_2049, %broadcast_in_dim3A_2054, %sub3A_2052 : vector<16xi1>, vector<16xi32>
      %min3A_2056 = arith.minsi %select_n3A_1950, %select_n3A_1980 : vector<16xi32>
      %min3A_2057 = arith.minsi %select_n3A_2010, %select_n3A_2040 : vector<16xi32>
      %min3A_2058 = arith.minsi %min3A_2056, %min3A_2057 : vector<16xi32>
      %max3A_2059 = arith.maxsi %select_n3A_1965, %select_n3A_1995 : vector<16xi32>
      %max3A_2060 = arith.maxsi %select_n3A_2025, %select_n3A_2055 : vector<16xi32>
      %max3A_2061 = arith.maxsi %max3A_2059, %max3A_2060 : vector<16xi32>
      %slice3A_2062 = vector.extract_strided_slice %min3A_2058 {offsets = [0], sizes = [1], strides = [1]} : vector<16xi32> to vector<1xi32>
      %squeeze3A_2063 = vector.extract %slice3A_2062[0] : i32 from vector<1xi32>
      %slice3A_2064 = vector.extract_strided_slice %max3A_2061 {offsets = [0], sizes = [1], strides = [1]} : vector<16xi32> to vector<1xi32>
      %squeeze3A_2065 = vector.extract %slice3A_2064[0] : i32 from vector<1xi32>
      %gt3A_2066 = vector.broadcast %scan3A_86 : f32 to vector<16xf32>
      %gt3A_2067 = arith.cmpf ogt, %max3A, %gt3A_2066 : vector<16xf32>
      %le3A_2068 = vector.broadcast %scan3A_87 : f32 to vector<16xf32>
      %le3A_2069 = arith.cmpf ole, %max3A, %le3A_2068 : vector<16xf32>
      %and3A_2070 = arith.andi %gt3A_2067, %le3A_2069 : vector<16xi1>
      %all_reduce_ffs3A_2071 = tpu.all_reduce %and3A_2070 {dim = 0 : i64, kind = #tpu.reduction_kind<find_first_set>} : vector<16xi1> -> vector<16xi32>
      %ge3A_2072 = arith.constant 16 : i32
      %ge3A_2073 = vector.broadcast %ge3A_2072 : i32 to vector<16xi32>
      %ge3A_2074 = arith.cmpi sge, %all_reduce_ffs3A_2071, %ge3A_2073 : vector<16xi32>
      %add3A_2075 = arith.constant 0 : i32
      %add3A_2076 = vector.broadcast %add3A_2075 : i32 to vector<16xi32>
      %add3A_2077 = arith.addi %all_reduce_ffs3A_2071, %add3A_2076 : vector<16xi32>
      %jit3A_2078 = arith.constant 64 : i32
      %broadcast_in_dim3A_2079 = vector.broadcast %jit3A_2078 : i32 to vector<16xi32>
      %select_n3A_2080 = arith.select %ge3A_2074, %broadcast_in_dim3A_2079, %add3A_2077 : vector<16xi1>, vector<16xi32>
      %gt3A_2081 = vector.broadcast %scan3A_86 : f32 to vector<16xf32>
      %gt3A_2082 = arith.cmpf ogt, %rev3A_1476, %gt3A_2081 : vector<16xf32>
      %le3A_2083 = vector.broadcast %scan3A_87 : f32 to vector<16xf32>
      %le3A_2084 = arith.cmpf ole, %rev3A_1476, %le3A_2083 : vector<16xf32>
      %and3A_2085 = arith.andi %gt3A_2082, %le3A_2084 : vector<16xi1>
      %all_reduce_ffs3A_2086 = tpu.all_reduce %and3A_2085 {dim = 0 : i64, kind = #tpu.reduction_kind<find_first_set>} : vector<16xi1> -> vector<16xi32>
      %ge3A_2087 = arith.constant 16 : i32
      %ge3A_2088 = vector.broadcast %ge3A_2087 : i32 to vector<16xi32>
      %ge3A_2089 = arith.cmpi sge, %all_reduce_ffs3A_2086, %ge3A_2088 : vector<16xi32>
      %sub3A_2090 = arith.constant 16 : i32
      %sub3A_2091 = vector.broadcast %sub3A_2090 : i32 to vector<16xi32>
      %sub3A_2092 = arith.subi %sub3A_2091, %all_reduce_ffs3A_2086 : vector<16xi32>
      %jit3A_2093 = arith.constant 0 : i32
      %broadcast_in_dim3A_2094 = vector.broadcast %jit3A_2093 : i32 to vector<16xi32>
      %select_n3A_2095 = arith.select %ge3A_2089, %broadcast_in_dim3A_2094, %sub3A_2092 : vector<16xi1>, vector<16xi32>
      %gt3A_2096 = vector.broadcast %scan3A_86 : f32 to vector<16xf32>
      %gt3A_2097 = arith.cmpf ogt, %max3A_1541, %gt3A_2096 : vector<16xf32>
      %le3A_2098 = vector.broadcast %scan3A_87 : f32 to vector<16xf32>
      %le3A_2099 = arith.cmpf ole, %max3A_1541, %le3A_2098 : vector<16xf32>
      %and3A_2100 = arith.andi %gt3A_2097, %le3A_2099 : vector<16xi1>
      %all_reduce_ffs3A_2101 = tpu.all_reduce %and3A_2100 {dim = 0 : i64, kind = #tpu.reduction_kind<find_first_set>} : vector<16xi1> -> vector<16xi32>
      %ge3A_2102 = arith.constant 16 : i32
      %ge3A_2103 = vector.broadcast %ge3A_2102 : i32 to vector<16xi32>
      %ge3A_2104 = arith.cmpi sge, %all_reduce_ffs3A_2101, %ge3A_2103 : vector<16xi32>
      %add3A_2105 = arith.constant 16 : i32
      %add3A_2106 = vector.broadcast %add3A_2105 : i32 to vector<16xi32>
      %add3A_2107 = arith.addi %all_reduce_ffs3A_2101, %add3A_2106 : vector<16xi32>
      %jit3A_2108 = arith.constant 64 : i32
      %broadcast_in_dim3A_2109 = vector.broadcast %jit3A_2108 : i32 to vector<16xi32>
      %select_n3A_2110 = arith.select %ge3A_2104, %broadcast_in_dim3A_2109, %add3A_2107 : vector<16xi1>, vector<16xi32>
      %gt3A_2111 = vector.broadcast %scan3A_86 : f32 to vector<16xf32>
      %gt3A_2112 = arith.cmpf ogt, %rev3A_1546, %gt3A_2111 : vector<16xf32>
      %le3A_2113 = vector.broadcast %scan3A_87 : f32 to vector<16xf32>
      %le3A_2114 = arith.cmpf ole, %rev3A_1546, %le3A_2113 : vector<16xf32>
      %and3A_2115 = arith.andi %gt3A_2112, %le3A_2114 : vector<16xi1>
      %all_reduce_ffs3A_2116 = tpu.all_reduce %and3A_2115 {dim = 0 : i64, kind = #tpu.reduction_kind<find_first_set>} : vector<16xi1> -> vector<16xi32>
      %ge3A_2117 = arith.constant 16 : i32
      %ge3A_2118 = vector.broadcast %ge3A_2117 : i32 to vector<16xi32>
      %ge3A_2119 = arith.cmpi sge, %all_reduce_ffs3A_2116, %ge3A_2118 : vector<16xi32>
      %sub3A_2120 = arith.constant 32 : i32
      %sub3A_2121 = vector.broadcast %sub3A_2120 : i32 to vector<16xi32>
      %sub3A_2122 = arith.subi %sub3A_2121, %all_reduce_ffs3A_2116 : vector<16xi32>
      %jit3A_2123 = arith.constant 0 : i32
      %broadcast_in_dim3A_2124 = vector.broadcast %jit3A_2123 : i32 to vector<16xi32>
      %select_n3A_2125 = arith.select %ge3A_2119, %broadcast_in_dim3A_2124, %sub3A_2122 : vector<16xi1>, vector<16xi32>
      %gt3A_2126 = vector.broadcast %scan3A_86 : f32 to vector<16xf32>
      %gt3A_2127 = arith.cmpf ogt, %max3A_1611, %gt3A_2126 : vector<16xf32>
      %le3A_2128 = vector.broadcast %scan3A_87 : f32 to vector<16xf32>
      %le3A_2129 = arith.cmpf ole, %max3A_1611, %le3A_2128 : vector<16xf32>
      %and3A_2130 = arith.andi %gt3A_2127, %le3A_2129 : vector<16xi1>
      %all_reduce_ffs3A_2131 = tpu.all_reduce %and3A_2130 {dim = 0 : i64, kind = #tpu.reduction_kind<find_first_set>} : vector<16xi1> -> vector<16xi32>
      %ge3A_2132 = arith.constant 16 : i32
      %ge3A_2133 = vector.broadcast %ge3A_2132 : i32 to vector<16xi32>
      %ge3A_2134 = arith.cmpi sge, %all_reduce_ffs3A_2131, %ge3A_2133 : vector<16xi32>
      %add3A_2135 = arith.constant 32 : i32
      %add3A_2136 = vector.broadcast %add3A_2135 : i32 to vector<16xi32>
      %add3A_2137 = arith.addi %all_reduce_ffs3A_2131, %add3A_2136 : vector<16xi32>
      %jit3A_2138 = arith.constant 64 : i32
      %broadcast_in_dim3A_2139 = vector.broadcast %jit3A_2138 : i32 to vector<16xi32>
      %select_n3A_2140 = arith.select %ge3A_2134, %broadcast_in_dim3A_2139, %add3A_2137 : vector<16xi1>, vector<16xi32>
      %gt3A_2141 = vector.broadcast %scan3A_86 : f32 to vector<16xf32>
      %gt3A_2142 = arith.cmpf ogt, %rev3A_1616, %gt3A_2141 : vector<16xf32>
      %le3A_2143 = vector.broadcast %scan3A_87 : f32 to vector<16xf32>
      %le3A_2144 = arith.cmpf ole, %rev3A_1616, %le3A_2143 : vector<16xf32>
      %and3A_2145 = arith.andi %gt3A_2142, %le3A_2144 : vector<16xi1>
      %all_reduce_ffs3A_2146 = tpu.all_reduce %and3A_2145 {dim = 0 : i64, kind = #tpu.reduction_kind<find_first_set>} : vector<16xi1> -> vector<16xi32>
      %ge3A_2147 = arith.constant 16 : i32
      %ge3A_2148 = vector.broadcast %ge3A_2147 : i32 to vector<16xi32>
      %ge3A_2149 = arith.cmpi sge, %all_reduce_ffs3A_2146, %ge3A_2148 : vector<16xi32>
      %sub3A_2150 = arith.constant 48 : i32
      %sub3A_2151 = vector.broadcast %sub3A_2150 : i32 to vector<16xi32>
      %sub3A_2152 = arith.subi %sub3A_2151, %all_reduce_ffs3A_2146 : vector<16xi32>
      %jit3A_2153 = arith.constant 0 : i32
      %broadcast_in_dim3A_2154 = vector.broadcast %jit3A_2153 : i32 to vector<16xi32>
      %select_n3A_2155 = arith.select %ge3A_2149, %broadcast_in_dim3A_2154, %sub3A_2152 : vector<16xi1>, vector<16xi32>
      %gt3A_2156 = vector.broadcast %scan3A_86 : f32 to vector<16xf32>
      %gt3A_2157 = arith.cmpf ogt, %max3A_1681, %gt3A_2156 : vector<16xf32>
      %le3A_2158 = vector.broadcast %scan3A_87 : f32 to vector<16xf32>
      %le3A_2159 = arith.cmpf ole, %max3A_1681, %le3A_2158 : vector<16xf32>
      %and3A_2160 = arith.andi %gt3A_2157, %le3A_2159 : vector<16xi1>
      %all_reduce_ffs3A_2161 = tpu.all_reduce %and3A_2160 {dim = 0 : i64, kind = #tpu.reduction_kind<find_first_set>} : vector<16xi1> -> vector<16xi32>
      %ge3A_2162 = arith.constant 16 : i32
      %ge3A_2163 = vector.broadcast %ge3A_2162 : i32 to vector<16xi32>
      %ge3A_2164 = arith.cmpi sge, %all_reduce_ffs3A_2161, %ge3A_2163 : vector<16xi32>
      %add3A_2165 = arith.constant 48 : i32
      %add3A_2166 = vector.broadcast %add3A_2165 : i32 to vector<16xi32>
      %add3A_2167 = arith.addi %all_reduce_ffs3A_2161, %add3A_2166 : vector<16xi32>
      %jit3A_2168 = arith.constant 64 : i32
      %broadcast_in_dim3A_2169 = vector.broadcast %jit3A_2168 : i32 to vector<16xi32>
      %select_n3A_2170 = arith.select %ge3A_2164, %broadcast_in_dim3A_2169, %add3A_2167 : vector<16xi1>, vector<16xi32>
      %gt3A_2171 = vector.broadcast %scan3A_86 : f32 to vector<16xf32>
      %gt3A_2172 = arith.cmpf ogt, %rev3A_1686, %gt3A_2171 : vector<16xf32>
      %le3A_2173 = vector.broadcast %scan3A_87 : f32 to vector<16xf32>
      %le3A_2174 = arith.cmpf ole, %rev3A_1686, %le3A_2173 : vector<16xf32>
      %and3A_2175 = arith.andi %gt3A_2172, %le3A_2174 : vector<16xi1>
      %all_reduce_ffs3A_2176 = tpu.all_reduce %and3A_2175 {dim = 0 : i64, kind = #tpu.reduction_kind<find_first_set>} : vector<16xi1> -> vector<16xi32>
      %ge3A_2177 = arith.constant 16 : i32
      %ge3A_2178 = vector.broadcast %ge3A_2177 : i32 to vector<16xi32>
      %ge3A_2179 = arith.cmpi sge, %all_reduce_ffs3A_2176, %ge3A_2178 : vector<16xi32>
      %sub3A_2180 = arith.constant 64 : i32
      %sub3A_2181 = vector.broadcast %sub3A_2180 : i32 to vector<16xi32>
      %sub3A_2182 = arith.subi %sub3A_2181, %all_reduce_ffs3A_2176 : vector<16xi32>
      %jit3A_2183 = arith.constant 0 : i32
      %broadcast_in_dim3A_2184 = vector.broadcast %jit3A_2183 : i32 to vector<16xi32>
      %select_n3A_2185 = arith.select %ge3A_2179, %broadcast_in_dim3A_2184, %sub3A_2182 : vector<16xi1>, vector<16xi32>
      %min3A_2186 = arith.minsi %select_n3A_2080, %select_n3A_2110 : vector<16xi32>
      %min3A_2187 = arith.minsi %select_n3A_2140, %select_n3A_2170 : vector<16xi32>
      %min3A_2188 = arith.minsi %min3A_2186, %min3A_2187 : vector<16xi32>
      %max3A_2189 = arith.maxsi %select_n3A_2095, %select_n3A_2125 : vector<16xi32>
      %max3A_2190 = arith.maxsi %select_n3A_2155, %select_n3A_2185 : vector<16xi32>
      %max3A_2191 = arith.maxsi %max3A_2189, %max3A_2190 : vector<16xi32>
      %slice3A_2192 = vector.extract_strided_slice %min3A_2188 {offsets = [0], sizes = [1], strides = [1]} : vector<16xi32> to vector<1xi32>
      %squeeze3A_2193 = vector.extract %slice3A_2192[0] : i32 from vector<1xi32>
      %slice3A_2194 = vector.extract_strided_slice %max3A_2191 {offsets = [0], sizes = [1], strides = [1]} : vector<16xi32> to vector<1xi32>
      %squeeze3A_2195 = vector.extract %slice3A_2194[0] : i32 from vector<1xi32>
      %gt3A_2196 = vector.broadcast %scan3A_88 : f32 to vector<16xf32>
      %gt3A_2197 = arith.cmpf ogt, %max3A, %gt3A_2196 : vector<16xf32>
      %le3A_2198 = vector.broadcast %scan3A_89 : f32 to vector<16xf32>
      %le3A_2199 = arith.cmpf ole, %max3A, %le3A_2198 : vector<16xf32>
      %and3A_2200 = arith.andi %gt3A_2197, %le3A_2199 : vector<16xi1>
      %all_reduce_ffs3A_2201 = tpu.all_reduce %and3A_2200 {dim = 0 : i64, kind = #tpu.reduction_kind<find_first_set>} : vector<16xi1> -> vector<16xi32>
      %ge3A_2202 = arith.constant 16 : i32
      %ge3A_2203 = vector.broadcast %ge3A_2202 : i32 to vector<16xi32>
      %ge3A_2204 = arith.cmpi sge, %all_reduce_ffs3A_2201, %ge3A_2203 : vector<16xi32>
      %add3A_2205 = arith.constant 0 : i32
      %add3A_2206 = vector.broadcast %add3A_2205 : i32 to vector<16xi32>
      %add3A_2207 = arith.addi %all_reduce_ffs3A_2201, %add3A_2206 : vector<16xi32>
      %jit3A_2208 = arith.constant 64 : i32
      %broadcast_in_dim3A_2209 = vector.broadcast %jit3A_2208 : i32 to vector<16xi32>
      %select_n3A_2210 = arith.select %ge3A_2204, %broadcast_in_dim3A_2209, %add3A_2207 : vector<16xi1>, vector<16xi32>
      %gt3A_2211 = vector.broadcast %scan3A_88 : f32 to vector<16xf32>
      %gt3A_2212 = arith.cmpf ogt, %rev3A_1476, %gt3A_2211 : vector<16xf32>
      %le3A_2213 = vector.broadcast %scan3A_89 : f32 to vector<16xf32>
      %le3A_2214 = arith.cmpf ole, %rev3A_1476, %le3A_2213 : vector<16xf32>
      %and3A_2215 = arith.andi %gt3A_2212, %le3A_2214 : vector<16xi1>
      %all_reduce_ffs3A_2216 = tpu.all_reduce %and3A_2215 {dim = 0 : i64, kind = #tpu.reduction_kind<find_first_set>} : vector<16xi1> -> vector<16xi32>
      %ge3A_2217 = arith.constant 16 : i32
      %ge3A_2218 = vector.broadcast %ge3A_2217 : i32 to vector<16xi32>
      %ge3A_2219 = arith.cmpi sge, %all_reduce_ffs3A_2216, %ge3A_2218 : vector<16xi32>
      %sub3A_2220 = arith.constant 16 : i32
      %sub3A_2221 = vector.broadcast %sub3A_2220 : i32 to vector<16xi32>
      %sub3A_2222 = arith.subi %sub3A_2221, %all_reduce_ffs3A_2216 : vector<16xi32>
      %jit3A_2223 = arith.constant 0 : i32
      %broadcast_in_dim3A_2224 = vector.broadcast %jit3A_2223 : i32 to vector<16xi32>
      %select_n3A_2225 = arith.select %ge3A_2219, %broadcast_in_dim3A_2224, %sub3A_2222 : vector<16xi1>, vector<16xi32>
      %gt3A_2226 = vector.broadcast %scan3A_88 : f32 to vector<16xf32>
      %gt3A_2227 = arith.cmpf ogt, %max3A_1541, %gt3A_2226 : vector<16xf32>
      %le3A_2228 = vector.broadcast %scan3A_89 : f32 to vector<16xf32>
      %le3A_2229 = arith.cmpf ole, %max3A_1541, %le3A_2228 : vector<16xf32>
      %and3A_2230 = arith.andi %gt3A_2227, %le3A_2229 : vector<16xi1>
      %all_reduce_ffs3A_2231 = tpu.all_reduce %and3A_2230 {dim = 0 : i64, kind = #tpu.reduction_kind<find_first_set>} : vector<16xi1> -> vector<16xi32>
      %ge3A_2232 = arith.constant 16 : i32
      %ge3A_2233 = vector.broadcast %ge3A_2232 : i32 to vector<16xi32>
      %ge3A_2234 = arith.cmpi sge, %all_reduce_ffs3A_2231, %ge3A_2233 : vector<16xi32>
      %add3A_2235 = arith.constant 16 : i32
      %add3A_2236 = vector.broadcast %add3A_2235 : i32 to vector<16xi32>
      %add3A_2237 = arith.addi %all_reduce_ffs3A_2231, %add3A_2236 : vector<16xi32>
      %jit3A_2238 = arith.constant 64 : i32
      %broadcast_in_dim3A_2239 = vector.broadcast %jit3A_2238 : i32 to vector<16xi32>
      %select_n3A_2240 = arith.select %ge3A_2234, %broadcast_in_dim3A_2239, %add3A_2237 : vector<16xi1>, vector<16xi32>
      %gt3A_2241 = vector.broadcast %scan3A_88 : f32 to vector<16xf32>
      %gt3A_2242 = arith.cmpf ogt, %rev3A_1546, %gt3A_2241 : vector<16xf32>
      %le3A_2243 = vector.broadcast %scan3A_89 : f32 to vector<16xf32>
      %le3A_2244 = arith.cmpf ole, %rev3A_1546, %le3A_2243 : vector<16xf32>
      %and3A_2245 = arith.andi %gt3A_2242, %le3A_2244 : vector<16xi1>
      %all_reduce_ffs3A_2246 = tpu.all_reduce %and3A_2245 {dim = 0 : i64, kind = #tpu.reduction_kind<find_first_set>} : vector<16xi1> -> vector<16xi32>
      %ge3A_2247 = arith.constant 16 : i32
      %ge3A_2248 = vector.broadcast %ge3A_2247 : i32 to vector<16xi32>
      %ge3A_2249 = arith.cmpi sge, %all_reduce_ffs3A_2246, %ge3A_2248 : vector<16xi32>
      %sub3A_2250 = arith.constant 32 : i32
      %sub3A_2251 = vector.broadcast %sub3A_2250 : i32 to vector<16xi32>
      %sub3A_2252 = arith.subi %sub3A_2251, %all_reduce_ffs3A_2246 : vector<16xi32>
      %jit3A_2253 = arith.constant 0 : i32
      %broadcast_in_dim3A_2254 = vector.broadcast %jit3A_2253 : i32 to vector<16xi32>
      %select_n3A_2255 = arith.select %ge3A_2249, %broadcast_in_dim3A_2254, %sub3A_2252 : vector<16xi1>, vector<16xi32>
      %gt3A_2256 = vector.broadcast %scan3A_88 : f32 to vector<16xf32>
      %gt3A_2257 = arith.cmpf ogt, %max3A_1611, %gt3A_2256 : vector<16xf32>
      %le3A_2258 = vector.broadcast %scan3A_89 : f32 to vector<16xf32>
      %le3A_2259 = arith.cmpf ole, %max3A_1611, %le3A_2258 : vector<16xf32>
      %and3A_2260 = arith.andi %gt3A_2257, %le3A_2259 : vector<16xi1>
      %all_reduce_ffs3A_2261 = tpu.all_reduce %and3A_2260 {dim = 0 : i64, kind = #tpu.reduction_kind<find_first_set>} : vector<16xi1> -> vector<16xi32>
      %ge3A_2262 = arith.constant 16 : i32
      %ge3A_2263 = vector.broadcast %ge3A_2262 : i32 to vector<16xi32>
      %ge3A_2264 = arith.cmpi sge, %all_reduce_ffs3A_2261, %ge3A_2263 : vector<16xi32>
      %add3A_2265 = arith.constant 32 : i32
      %add3A_2266 = vector.broadcast %add3A_2265 : i32 to vector<16xi32>
      %add3A_2267 = arith.addi %all_reduce_ffs3A_2261, %add3A_2266 : vector<16xi32>
      %jit3A_2268 = arith.constant 64 : i32
      %broadcast_in_dim3A_2269 = vector.broadcast %jit3A_2268 : i32 to vector<16xi32>
      %select_n3A_2270 = arith.select %ge3A_2264, %broadcast_in_dim3A_2269, %add3A_2267 : vector<16xi1>, vector<16xi32>
      %gt3A_2271 = vector.broadcast %scan3A_88 : f32 to vector<16xf32>
      %gt3A_2272 = arith.cmpf ogt, %rev3A_1616, %gt3A_2271 : vector<16xf32>
      %le3A_2273 = vector.broadcast %scan3A_89 : f32 to vector<16xf32>
      %le3A_2274 = arith.cmpf ole, %rev3A_1616, %le3A_2273 : vector<16xf32>
      %and3A_2275 = arith.andi %gt3A_2272, %le3A_2274 : vector<16xi1>
      %all_reduce_ffs3A_2276 = tpu.all_reduce %and3A_2275 {dim = 0 : i64, kind = #tpu.reduction_kind<find_first_set>} : vector<16xi1> -> vector<16xi32>
      %ge3A_2277 = arith.constant 16 : i32
      %ge3A_2278 = vector.broadcast %ge3A_2277 : i32 to vector<16xi32>
      %ge3A_2279 = arith.cmpi sge, %all_reduce_ffs3A_2276, %ge3A_2278 : vector<16xi32>
      %sub3A_2280 = arith.constant 48 : i32
      %sub3A_2281 = vector.broadcast %sub3A_2280 : i32 to vector<16xi32>
      %sub3A_2282 = arith.subi %sub3A_2281, %all_reduce_ffs3A_2276 : vector<16xi32>
      %jit3A_2283 = arith.constant 0 : i32
      %broadcast_in_dim3A_2284 = vector.broadcast %jit3A_2283 : i32 to vector<16xi32>
      %select_n3A_2285 = arith.select %ge3A_2279, %broadcast_in_dim3A_2284, %sub3A_2282 : vector<16xi1>, vector<16xi32>
      %gt3A_2286 = vector.broadcast %scan3A_88 : f32 to vector<16xf32>
      %gt3A_2287 = arith.cmpf ogt, %max3A_1681, %gt3A_2286 : vector<16xf32>
      %le3A_2288 = vector.broadcast %scan3A_89 : f32 to vector<16xf32>
      %le3A_2289 = arith.cmpf ole, %max3A_1681, %le3A_2288 : vector<16xf32>
      %and3A_2290 = arith.andi %gt3A_2287, %le3A_2289 : vector<16xi1>
      %all_reduce_ffs3A_2291 = tpu.all_reduce %and3A_2290 {dim = 0 : i64, kind = #tpu.reduction_kind<find_first_set>} : vector<16xi1> -> vector<16xi32>
      %ge3A_2292 = arith.constant 16 : i32
      %ge3A_2293 = vector.broadcast %ge3A_2292 : i32 to vector<16xi32>
      %ge3A_2294 = arith.cmpi sge, %all_reduce_ffs3A_2291, %ge3A_2293 : vector<16xi32>
      %add3A_2295 = arith.constant 48 : i32
      %add3A_2296 = vector.broadcast %add3A_2295 : i32 to vector<16xi32>
      %add3A_2297 = arith.addi %all_reduce_ffs3A_2291, %add3A_2296 : vector<16xi32>
      %jit3A_2298 = arith.constant 64 : i32
      %broadcast_in_dim3A_2299 = vector.broadcast %jit3A_2298 : i32 to vector<16xi32>
      %select_n3A_2300 = arith.select %ge3A_2294, %broadcast_in_dim3A_2299, %add3A_2297 : vector<16xi1>, vector<16xi32>
      %gt3A_2301 = vector.broadcast %scan3A_88 : f32 to vector<16xf32>
      %gt3A_2302 = arith.cmpf ogt, %rev3A_1686, %gt3A_2301 : vector<16xf32>
      %le3A_2303 = vector.broadcast %scan3A_89 : f32 to vector<16xf32>
      %le3A_2304 = arith.cmpf ole, %rev3A_1686, %le3A_2303 : vector<16xf32>
      %and3A_2305 = arith.andi %gt3A_2302, %le3A_2304 : vector<16xi1>
      %all_reduce_ffs3A_2306 = tpu.all_reduce %and3A_2305 {dim = 0 : i64, kind = #tpu.reduction_kind<find_first_set>} : vector<16xi1> -> vector<16xi32>
      %ge3A_2307 = arith.constant 16 : i32
      %ge3A_2308 = vector.broadcast %ge3A_2307 : i32 to vector<16xi32>
      %ge3A_2309 = arith.cmpi sge, %all_reduce_ffs3A_2306, %ge3A_2308 : vector<16xi32>
      %sub3A_2310 = arith.constant 64 : i32
      %sub3A_2311 = vector.broadcast %sub3A_2310 : i32 to vector<16xi32>
      %sub3A_2312 = arith.subi %sub3A_2311, %all_reduce_ffs3A_2306 : vector<16xi32>
      %jit3A_2313 = arith.constant 0 : i32
      %broadcast_in_dim3A_2314 = vector.broadcast %jit3A_2313 : i32 to vector<16xi32>
      %select_n3A_2315 = arith.select %ge3A_2309, %broadcast_in_dim3A_2314, %sub3A_2312 : vector<16xi1>, vector<16xi32>
      %min3A_2316 = arith.minsi %select_n3A_2210, %select_n3A_2240 : vector<16xi32>
      %min3A_2317 = arith.minsi %select_n3A_2270, %select_n3A_2300 : vector<16xi32>
      %min3A_2318 = arith.minsi %min3A_2316, %min3A_2317 : vector<16xi32>
      %max3A_2319 = arith.maxsi %select_n3A_2225, %select_n3A_2255 : vector<16xi32>
      %max3A_2320 = arith.maxsi %select_n3A_2285, %select_n3A_2315 : vector<16xi32>
      %max3A_2321 = arith.maxsi %max3A_2319, %max3A_2320 : vector<16xi32>
      %slice3A_2322 = vector.extract_strided_slice %min3A_2318 {offsets = [0], sizes = [1], strides = [1]} : vector<16xi32> to vector<1xi32>
      %squeeze3A_2323 = vector.extract %slice3A_2322[0] : i32 from vector<1xi32>
      %slice3A_2324 = vector.extract_strided_slice %max3A_2321 {offsets = [0], sizes = [1], strides = [1]} : vector<16xi32> to vector<1xi32>
      %squeeze3A_2325 = vector.extract %slice3A_2324[0] : i32 from vector<1xi32>
      %scan3A_2326 = arith.constant 0 : i32
      %scan3A_2327 = arith.constant 0 : i32
      %scan3A_2328 = arith.constant 0 : i32
      %scan3A_2329 = arith.constant 0 : i32
      %scan3A_2330 = arith.constant 17 : i32
      %scan3A_2331 = arith.addi %scan3A_2329, %scan3A_2330 : i32
      %scan3A_2332 = arith.constant 1 : i32
      %scan3A_2333 = scf.for %scan3A_2336 = %scan3A_2329 to %scan3A_2331 step %scan3A_2332 iter_args(%scan3A_2337 = %scan3A_2328) -> (i32)  : i32 {
        %mul3A_2338 = arith.constant 17 : i32
        %mul3A_2339 = arith.muli %add3A, %mul3A_2338 : i32
        %add3A_2340 = arith.addi %mul3A_2339, %scan3A_2336 : i32
        %ge3A_2341 = arith.constant 400 : i32
        %ge3A_2342 = arith.cmpi sge, %add3A_2340, %ge3A_2341 : i32
        %convert_element_type3A_2343 = arith.extui %ge3A_2342 : i1 to i32
        %ge3A_2344 = arith.constant 500 : i32
        %ge3A_2345 = arith.cmpi sge, %add3A_2340, %ge3A_2344 : i32
        %convert_element_type3A_2346 = arith.extui %ge3A_2345 : i1 to i32
        %add3A_2347 = arith.addi %convert_element_type3A_2343, %convert_element_type3A_2346 : i32
        %ge3A_2348 = arith.constant 525 : i32
        %ge3A_2349 = arith.cmpi sge, %add3A_2340, %ge3A_2348 : i32
        %convert_element_type3A_2350 = arith.extui %ge3A_2349 : i1 to i32
        %add3A_2351 = arith.addi %add3A_2347, %convert_element_type3A_2350 : i32
        %ge3A_2352 = arith.constant 532 : i32
        %ge3A_2353 = arith.cmpi sge, %add3A_2340, %ge3A_2352 : i32
        %convert_element_type3A_2354 = arith.extui %ge3A_2353 : i1 to i32
        %add3A_2355 = arith.addi %add3A_2351, %convert_element_type3A_2354 : i32
        %ge3A_2356 = arith.constant 534 : i32
        %ge3A_2357 = arith.cmpi sge, %add3A_2340, %ge3A_2356 : i32
        %convert_element_type3A_2358 = arith.extui %ge3A_2357 : i1 to i32
        %add3A_2359 = arith.addi %add3A_2355, %convert_element_type3A_2358 : i32
        %eq3A = arith.constant 4 : i32
        %eq3A_2360 = arith.cmpi eq, %add3A_2359, %eq3A : i32
        %select_n3A_2361 = arith.select %eq3A_2360, %squeeze3A_2323, %scan3A_2326 : i32
        %eq3A_2362 = arith.constant 4 : i32
        %eq3A_2363 = arith.cmpi eq, %add3A_2359, %eq3A_2362 : i32
        %select_n3A_2364 = arith.select %eq3A_2363, %squeeze3A_2325, %scan3A_2327 : i32
        %eq3A_2365 = arith.constant 3 : i32
        %eq3A_2366 = arith.cmpi eq, %add3A_2359, %eq3A_2365 : i32
        %select_n3A_2367 = arith.select %eq3A_2366, %squeeze3A_2193, %select_n3A_2361 : i32
        %eq3A_2368 = arith.constant 3 : i32
        %eq3A_2369 = arith.cmpi eq, %add3A_2359, %eq3A_2368 : i32
        %select_n3A_2370 = arith.select %eq3A_2369, %squeeze3A_2195, %select_n3A_2364 : i32
        %eq3A_2371 = arith.constant 2 : i32
        %eq3A_2372 = arith.cmpi eq, %add3A_2359, %eq3A_2371 : i32
        %select_n3A_2373 = arith.select %eq3A_2372, %squeeze3A_2063, %select_n3A_2367 : i32
        %eq3A_2374 = arith.constant 2 : i32
        %eq3A_2375 = arith.cmpi eq, %add3A_2359, %eq3A_2374 : i32
        %select_n3A_2376 = arith.select %eq3A_2375, %squeeze3A_2065, %select_n3A_2370 : i32
        %eq3A_2377 = arith.constant 1 : i32
        %eq3A_2378 = arith.cmpi eq, %add3A_2359, %eq3A_2377 : i32
        %select_n3A_2379 = arith.select %eq3A_2378, %squeeze3A_1933, %select_n3A_2373 : i32
        %eq3A_2380 = arith.constant 1 : i32
        %eq3A_2381 = arith.cmpi eq, %add3A_2359, %eq3A_2380 : i32
        %select_n3A_2382 = arith.select %eq3A_2381, %squeeze3A_1935, %select_n3A_2376 : i32
        %eq3A_2383 = arith.constant 0 : i32
        %eq3A_2384 = arith.cmpi eq, %add3A_2359, %eq3A_2383 : i32
        %select_n3A_2385 = arith.select %eq3A_2384, %squeeze3A, %select_n3A_2379 : i32
        %eq3A_2386 = arith.constant 0 : i32
        %eq3A_2387 = arith.cmpi eq, %add3A_2359, %eq3A_2386 : i32
        %select_n3A_2388 = arith.select %eq3A_2387, %squeeze3A_1805, %select_n3A_2382 : i32
        %mul3A_2389 = arith.constant 272 : i32
        %mul3A_2390 = arith.muli %scan3A_1409, %mul3A_2389 : i32
        %mul3A_2391 = arith.constant 16 : i32
        %mul3A_2392 = arith.muli %scan3A_2336, %mul3A_2391 : i32
        %add3A_2393 = arith.addi %mul3A_2390, %mul3A_2392 : i32
        %gt3A_2394 = arith.cmpi sgt, %select_n3A_2388, %select_n3A_2385 : i32
        %convert_element_type3A_2395 = arith.extui %gt3A_2394 : i1 to i32
        %cond3A = arith.constant 0 : i32
        %cond3A_2396 = arith.cmpi ne, %convert_element_type3A_2395, %cond3A : i32
        scf.if %cond3A_2396 {
          %mul3A_2398 = arith.constant 16 : i32
          %mul3A_2399 = arith.muli %scan3A_2336, %mul3A_2398 : i32
          %add3A_2400 = arith.constant 0 : i32
          %add3A_2401 = arith.addi %add3A_2400, %mul3A_2399 : i32
          %get3A_2402 = arith.index_cast %add3A_2401 : i32 to index
          %get3A_2403 = tpu.vector_load %arg8[%get3A_2402] {strides = array<i32>} : memref<1360xf32, #tpu.memory_space<vmem>>, vector<16xf32>,
          %mul3A_2404 = arith.constant 16 : i32
          %mul3A_2405 = arith.muli %scan3A_2336, %mul3A_2404 : i32
          %add3A_2406 = arith.constant 272 : i32
          %add3A_2407 = arith.addi %add3A_2406, %mul3A_2405 : i32
          %get3A_2408 = arith.index_cast %add3A_2407 : i32 to index
          %get3A_2409 = tpu.vector_load %arg8[%get3A_2408] {strides = array<i32>} : memref<1360xf32, #tpu.memory_space<vmem>>, vector<16xf32>,
          %mul3A_2410 = arith.constant 16 : i32
          %mul3A_2411 = arith.muli %scan3A_2336, %mul3A_2410 : i32
          %add3A_2412 = arith.constant 544 : i32
          %add3A_2413 = arith.addi %add3A_2412, %mul3A_2411 : i32
          %get3A_2414 = arith.index_cast %add3A_2413 : i32 to index
          %get3A_2415 = tpu.vector_load %arg8[%get3A_2414] {strides = array<i32>} : memref<1360xf32, #tpu.memory_space<vmem>>, vector<16xf32>,
          %mul3A_2416 = arith.constant 16 : i32
          %mul3A_2417 = arith.muli %scan3A_2336, %mul3A_2416 : i32
          %add3A_2418 = arith.constant 816 : i32
          %add3A_2419 = arith.addi %add3A_2418, %mul3A_2417 : i32
          %get3A_2420 = arith.index_cast %add3A_2419 : i32 to index
          %get3A_2421 = tpu.vector_load %arg8[%get3A_2420] {strides = array<i32>} : memref<1360xf32, #tpu.memory_space<vmem>>, vector<16xf32>,
          %mul3A_2422 = arith.constant 16 : i32
          %mul3A_2423 = arith.muli %scan3A_2336, %mul3A_2422 : i32
          %add3A_2424 = arith.constant 1088 : i32
          %add3A_2425 = arith.addi %add3A_2424, %mul3A_2423 : i32
          %get3A_2426 = arith.index_cast %add3A_2425 : i32 to index
          %get3A_2427 = tpu.vector_load %arg8[%get3A_2426] {strides = array<i32>} : memref<1360xf32, #tpu.memory_space<vmem>>, vector<16xf32>,
          %add3A_2428 = arith.addi %mul3A_1412, %select_n3A_2385 : i32
          %add3A_2429 = arith.addi %mul3A_1412, %select_n3A_2388 : i32
          %broadcast_in_dim3A_2430 = vector.broadcast %add3A_2429 : i32 to vector<16xi32>
          %sub3A_2431 = arith.subi %select_n3A_2388, %select_n3A_2385 : i32
          %add3A_2432 = arith.constant 1 : i32
          %add3A_2433 = arith.addi %sub3A_2431, %add3A_2432 : i32
          %jit3A_2434 = arith.constant 2 : i32
          %div3A = arith.divsi %add3A_2433, %jit3A_2434 : i32
          %sign3A = arith.constant 0 : i32
          %sign3A_2435 = arith.cmpi sgt, %add3A_2433, %sign3A : i32
          %sign3A_2436 = arith.extui %sign3A_2435 : i1 to i32
          %sign3A_2437 = arith.constant 0 : i32
          %sign3A_2438 = arith.cmpi slt, %add3A_2433, %sign3A_2437 : i32
          %sign3A_2439 = arith.extui %sign3A_2438 : i1 to i32
          %sign3A_2440 = arith.subi %sign3A_2436, %sign3A_2439 : i32
          %sign3A_2441 = arith.constant 0 : i32
          %sign3A_2442 = arith.cmpi sgt, %jit3A_2434, %sign3A_2441 : i32
          %sign3A_2443 = arith.extui %sign3A_2442 : i1 to i32
          %sign3A_2444 = arith.constant 0 : i32
          %sign3A_2445 = arith.cmpi slt, %jit3A_2434, %sign3A_2444 : i32
          %sign3A_2446 = arith.extui %sign3A_2445 : i1 to i32
          %sign3A_2447 = arith.subi %sign3A_2443, %sign3A_2446 : i32
          %ne3A = arith.cmpi ne, %sign3A_2440, %sign3A_2447 : i32
          %rem3A = arith.remsi %add3A_2433, %jit3A_2434 : i32
          %ne3A_2448 = arith.constant 0 : i32
          %ne3A_2449 = arith.cmpi ne, %rem3A, %ne3A_2448 : i32
          %and3A_2450 = arith.andi %ne3A, %ne3A_2449 : i1
          %sub3A_2451 = arith.constant 1 : i32
          %sub3A_2452 = arith.subi %div3A, %sub3A_2451 : i32
          %select_n3A_2453 = arith.select %and3A_2450, %sub3A_2452, %div3A : i32
          %broadcast_in_dim3A_2454 = arith.constant 2147483647 : i32
          %broadcast_in_dim3A_2455 = vector.broadcast %broadcast_in_dim3A_2454 : i32 to vector<16xi32>
          %while3A = arith.constant 0 : i32
          %while3A_2456 = arith.subi %select_n3A_2453, %while3A : i32
          %while3A_2457 = arith.addi %while3A, %while3A_2456 : i32
          %while3A_2458 = arith.constant 1 : i32
          %while3A_2459 = arith.divsi %while3A_2456, %while3A_2458 : i32
          %while3A_2460 = arith.muli %while3A_2459, %while3A_2458 : i32
          %while3A_2461 = arith.addi %while3A, %while3A_2460 : i32
          %while3A_2462 = arith.constant 1 : i32
          %while3A_2463 = scf.for %while3A_2561 = %while3A to %while3A_2461 step %while3A_2462 iter_args(%while3A_2562 = %broadcast_in_dim3A_2455) -> (vector<16xi32>)  : i32 {
            %mul3A_2563 = arith.constant 2 : i32
            %mul3A_2564 = arith.muli %while3A_2561, %mul3A_2563 : i32
            %add3A_2565 = arith.addi %add3A_2428, %mul3A_2564 : i32
            %broadcast_in_dim3A_2566 = vector.broadcast %add3A_2565 : i32 to vector<16xi32>
            %add3A_2567 = arith.constant 1 : i32
            %add3A_2568 = vector.broadcast %add3A_2567 : i32 to vector<16xi32>
            %add3A_2569 = arith.addi %broadcast_in_dim3A_2566, %add3A_2568 : vector<16xi32>
            %gather3A_2570 = tpu.vector_load_idx %arg11[%broadcast_in_dim3A_2566] : memref<1040xf32, #tpu.memory_space<vmem>>[vector<16xi32>], vector<16xf32>,
            %gather3A_2571 = tpu.vector_load_idx %arg12[%broadcast_in_dim3A_2566] : memref<1040xf32, #tpu.memory_space<vmem>>[vector<16xi32>], vector<16xf32>,
            %gather3A_2572 = tpu.vector_load_idx %arg13[%broadcast_in_dim3A_2566] : memref<1040xf32, #tpu.memory_space<vmem>>[vector<16xi32>], vector<16xf32>,
            %gather3A_2573 = tpu.vector_load_idx %arg14[%broadcast_in_dim3A_2566] : memref<1040xf32, #tpu.memory_space<vmem>>[vector<16xi32>], vector<16xf32>,
            %gather3A_2574 = tpu.vector_load_idx %arg15[%broadcast_in_dim3A_2566] : memref<1040xi32, #tpu.memory_space<vmem>>[vector<16xi32>], vector<16xi32>,
            %sub3A_2575 = arith.subf %get3A_2403, %gather3A_2570 : vector<16xf32>
            %sub3A_2576 = arith.subf %get3A_2409, %gather3A_2571 : vector<16xf32>
            %sub3A_2577 = arith.subf %gather3A_2572, %get3A_2403 : vector<16xf32>
            %sub3A_2578 = arith.subf %gather3A_2573, %get3A_2409 : vector<16xf32>
            %min3A_2579 = arith.minimumf %sub3A_2575, %sub3A_2577 : vector<16xf32>
            %min3A_2580 = arith.minimumf %sub3A_2576, %sub3A_2578 : vector<16xf32>
            %min3A_2581 = arith.minimumf %min3A_2579, %min3A_2580 : vector<16xf32>
            %max3A_2582 = arith.maximumf %sub3A_2575, %sub3A_2577 : vector<16xf32>
            %max3A_2583 = arith.maximumf %sub3A_2576, %sub3A_2578 : vector<16xf32>
            %max3A_2584 = arith.maximumf %max3A_2582, %max3A_2583 : vector<16xf32>
            %sub3A_2585 = arith.subf %sub3A_2575, %sub3A_2577 : vector<16xf32>
            %abs3A = math.absf %sub3A_2585 : vector<16xf32>
            %sub3A_2586 = arith.subf %sub3A_2576, %sub3A_2578 : vector<16xf32>
            %abs3A_2587 = math.absf %sub3A_2586 : vector<16xf32>
            %max3A_2588 = arith.maximumf %abs3A, %abs3A_2587 : vector<16xf32>
            %gt3A_2589 = arith.constant 0.000000e+00 : f32
            %gt3A_2590 = vector.broadcast %gt3A_2589 : f32 to vector<16xf32>
            %gt3A_2591 = arith.cmpf ogt, %min3A_2581, %gt3A_2590 : vector<16xf32>
            %gt3A_2592 = arith.cmpf ogt, %max3A_2584, %get3A_2415 : vector<16xf32>
            %and3A_2593 = arith.andi %gt3A_2591, %gt3A_2592 : vector<16xi1>
            %le3A_2594 = arith.cmpf ole, %max3A_2584, %get3A_2421 : vector<16xf32>
            %and3A_2595 = arith.andi %and3A_2593, %le3A_2594 : vector<16xi1>
            %lt3A_2596 = arith.cmpf olt, %max3A_2588, %get3A_2427 : vector<16xf32>
            %and3A_2597 = arith.andi %and3A_2595, %lt3A_2596 : vector<16xi1>
            %jit3A_2598 = arith.constant 2147483647 : i32
            %broadcast_in_dim3A_2599 = vector.broadcast %jit3A_2598 : i32 to vector<16xi32>
            %select_n3A_2600 = arith.select %and3A_2597, %gather3A_2574, %broadcast_in_dim3A_2599 : vector<16xi1>, vector<16xi32>
            %lt3A_2601 = arith.cmpi slt, %add3A_2569, %broadcast_in_dim3A_2430 : vector<16xi32>
            %gather3A_2602 = tpu.vector_load_idx %arg11[%add3A_2569] : memref<1040xf32, #tpu.memory_space<vmem>>[vector<16xi32>], vector<16xf32>,
            %gather3A_2603 = tpu.vector_load_idx %arg12[%add3A_2569] : memref<1040xf32, #tpu.memory_space<vmem>>[vector<16xi32>], vector<16xf32>,
            %gather3A_2604 = tpu.vector_load_idx %arg13[%add3A_2569] : memref<1040xf32, #tpu.memory_space<vmem>>[vector<16xi32>], vector<16xf32>,
            %gather3A_2605 = tpu.vector_load_idx %arg14[%add3A_2569] : memref<1040xf32, #tpu.memory_space<vmem>>[vector<16xi32>], vector<16xf32>,
            %gather3A_2606 = tpu.vector_load_idx %arg15[%add3A_2569] : memref<1040xi32, #tpu.memory_space<vmem>>[vector<16xi32>], vector<16xi32>,
            %sub3A_2607 = arith.subf %get3A_2403, %gather3A_2602 : vector<16xf32>
            %sub3A_2608 = arith.subf %get3A_2409, %gather3A_2603 : vector<16xf32>
            %sub3A_2609 = arith.subf %gather3A_2604, %get3A_2403 : vector<16xf32>
            %sub3A_2610 = arith.subf %gather3A_2605, %get3A_2409 : vector<16xf32>
            %min3A_2611 = arith.minimumf %sub3A_2607, %sub3A_2609 : vector<16xf32>
            %min3A_2612 = arith.minimumf %sub3A_2608, %sub3A_2610 : vector<16xf32>
            %min3A_2613 = arith.minimumf %min3A_2611, %min3A_2612 : vector<16xf32>
            %max3A_2614 = arith.maximumf %sub3A_2607, %sub3A_2609 : vector<16xf32>
            %max3A_2615 = arith.maximumf %sub3A_2608, %sub3A_2610 : vector<16xf32>
            %max3A_2616 = arith.maximumf %max3A_2614, %max3A_2615 : vector<16xf32>
            %sub3A_2617 = arith.subf %sub3A_2607, %sub3A_2609 : vector<16xf32>
            %abs3A_2618 = math.absf %sub3A_2617 : vector<16xf32>
            %sub3A_2619 = arith.subf %sub3A_2608, %sub3A_2610 : vector<16xf32>
            %abs3A_2620 = math.absf %sub3A_2619 : vector<16xf32>
            %max3A_2621 = arith.maximumf %abs3A_2618, %abs3A_2620 : vector<16xf32>
            %gt3A_2622 = arith.constant 0.000000e+00 : f32
            %gt3A_2623 = vector.broadcast %gt3A_2622 : f32 to vector<16xf32>
            %gt3A_2624 = arith.cmpf ogt, %min3A_2613, %gt3A_2623 : vector<16xf32>
            %gt3A_2625 = arith.cmpf ogt, %max3A_2616, %get3A_2415 : vector<16xf32>
            %and3A_2626 = arith.andi %gt3A_2624, %gt3A_2625 : vector<16xi1>
            %le3A_2627 = arith.cmpf ole, %max3A_2616, %get3A_2421 : vector<16xf32>
            %and3A_2628 = arith.andi %and3A_2626, %le3A_2627 : vector<16xi1>
            %lt3A_2629 = arith.cmpf olt, %max3A_2621, %get3A_2427 : vector<16xf32>
            %and3A_2630 = arith.andi %and3A_2628, %lt3A_2629 : vector<16xi1>
            %and3A_2631 = arith.andi %and3A_2630, %lt3A_2601 : vector<16xi1>
            %jit3A_2632 = arith.constant 2147483647 : i32
            %broadcast_in_dim3A_2633 = vector.broadcast %jit3A_2632 : i32 to vector<16xi32>
            %select_n3A_2634 = arith.select %and3A_2631, %gather3A_2606, %broadcast_in_dim3A_2633 : vector<16xi1>, vector<16xi32>
            %min3A_2635 = arith.minsi %select_n3A_2600, %select_n3A_2634 : vector<16xi32>
            %min3A_2636 = arith.minsi %while3A_2562, %min3A_2635 : vector<16xi32>
            scf.yield %min3A_2636 : vector<16xi32>
          }
          %while3A_2464 = arith.constant 1 : i32
          %while3A_2465 = scf.for %while3A_2561 = %while3A_2461 to %while3A_2457 step %while3A_2464 iter_args(%while3A_2562 = %while3A_2463) -> (vector<16xi32>)  : i32 {
            %mul3A_2563 = arith.constant 2 : i32
            %mul3A_2564 = arith.muli %while3A_2561, %mul3A_2563 : i32
            %add3A_2565 = arith.addi %add3A_2428, %mul3A_2564 : i32
            %broadcast_in_dim3A_2566 = vector.broadcast %add3A_2565 : i32 to vector<16xi32>
            %add3A_2567 = arith.constant 1 : i32
            %add3A_2568 = vector.broadcast %add3A_2567 : i32 to vector<16xi32>
            %add3A_2569 = arith.addi %broadcast_in_dim3A_2566, %add3A_2568 : vector<16xi32>
            %gather3A_2570 = tpu.vector_load_idx %arg11[%broadcast_in_dim3A_2566] : memref<1040xf32, #tpu.memory_space<vmem>>[vector<16xi32>], vector<16xf32>,
            %gather3A_2571 = tpu.vector_load_idx %arg12[%broadcast_in_dim3A_2566] : memref<1040xf32, #tpu.memory_space<vmem>>[vector<16xi32>], vector<16xf32>,
            %gather3A_2572 = tpu.vector_load_idx %arg13[%broadcast_in_dim3A_2566] : memref<1040xf32, #tpu.memory_space<vmem>>[vector<16xi32>], vector<16xf32>,
            %gather3A_2573 = tpu.vector_load_idx %arg14[%broadcast_in_dim3A_2566] : memref<1040xf32, #tpu.memory_space<vmem>>[vector<16xi32>], vector<16xf32>,
            %gather3A_2574 = tpu.vector_load_idx %arg15[%broadcast_in_dim3A_2566] : memref<1040xi32, #tpu.memory_space<vmem>>[vector<16xi32>], vector<16xi32>,
            %sub3A_2575 = arith.subf %get3A_2403, %gather3A_2570 : vector<16xf32>
            %sub3A_2576 = arith.subf %get3A_2409, %gather3A_2571 : vector<16xf32>
            %sub3A_2577 = arith.subf %gather3A_2572, %get3A_2403 : vector<16xf32>
            %sub3A_2578 = arith.subf %gather3A_2573, %get3A_2409 : vector<16xf32>
            %min3A_2579 = arith.minimumf %sub3A_2575, %sub3A_2577 : vector<16xf32>
            %min3A_2580 = arith.minimumf %sub3A_2576, %sub3A_2578 : vector<16xf32>
            %min3A_2581 = arith.minimumf %min3A_2579, %min3A_2580 : vector<16xf32>
            %max3A_2582 = arith.maximumf %sub3A_2575, %sub3A_2577 : vector<16xf32>
            %max3A_2583 = arith.maximumf %sub3A_2576, %sub3A_2578 : vector<16xf32>
            %max3A_2584 = arith.maximumf %max3A_2582, %max3A_2583 : vector<16xf32>
            %sub3A_2585 = arith.subf %sub3A_2575, %sub3A_2577 : vector<16xf32>
            %abs3A = math.absf %sub3A_2585 : vector<16xf32>
            %sub3A_2586 = arith.subf %sub3A_2576, %sub3A_2578 : vector<16xf32>
            %abs3A_2587 = math.absf %sub3A_2586 : vector<16xf32>
            %max3A_2588 = arith.maximumf %abs3A, %abs3A_2587 : vector<16xf32>
            %gt3A_2589 = arith.constant 0.000000e+00 : f32
            %gt3A_2590 = vector.broadcast %gt3A_2589 : f32 to vector<16xf32>
            %gt3A_2591 = arith.cmpf ogt, %min3A_2581, %gt3A_2590 : vector<16xf32>
            %gt3A_2592 = arith.cmpf ogt, %max3A_2584, %get3A_2415 : vector<16xf32>
            %and3A_2593 = arith.andi %gt3A_2591, %gt3A_2592 : vector<16xi1>
            %le3A_2594 = arith.cmpf ole, %max3A_2584, %get3A_2421 : vector<16xf32>
            %and3A_2595 = arith.andi %and3A_2593, %le3A_2594 : vector<16xi1>
            %lt3A_2596 = arith.cmpf olt, %max3A_2588, %get3A_2427 : vector<16xf32>
            %and3A_2597 = arith.andi %and3A_2595, %lt3A_2596 : vector<16xi1>
            %jit3A_2598 = arith.constant 2147483647 : i32
            %broadcast_in_dim3A_2599 = vector.broadcast %jit3A_2598 : i32 to vector<16xi32>
            %select_n3A_2600 = arith.select %and3A_2597, %gather3A_2574, %broadcast_in_dim3A_2599 : vector<16xi1>, vector<16xi32>
            %lt3A_2601 = arith.cmpi slt, %add3A_2569, %broadcast_in_dim3A_2430 : vector<16xi32>
            %gather3A_2602 = tpu.vector_load_idx %arg11[%add3A_2569] : memref<1040xf32, #tpu.memory_space<vmem>>[vector<16xi32>], vector<16xf32>,
            %gather3A_2603 = tpu.vector_load_idx %arg12[%add3A_2569] : memref<1040xf32, #tpu.memory_space<vmem>>[vector<16xi32>], vector<16xf32>,
            %gather3A_2604 = tpu.vector_load_idx %arg13[%add3A_2569] : memref<1040xf32, #tpu.memory_space<vmem>>[vector<16xi32>], vector<16xf32>,
            %gather3A_2605 = tpu.vector_load_idx %arg14[%add3A_2569] : memref<1040xf32, #tpu.memory_space<vmem>>[vector<16xi32>], vector<16xf32>,
            %gather3A_2606 = tpu.vector_load_idx %arg15[%add3A_2569] : memref<1040xi32, #tpu.memory_space<vmem>>[vector<16xi32>], vector<16xi32>,
            %sub3A_2607 = arith.subf %get3A_2403, %gather3A_2602 : vector<16xf32>
            %sub3A_2608 = arith.subf %get3A_2409, %gather3A_2603 : vector<16xf32>
            %sub3A_2609 = arith.subf %gather3A_2604, %get3A_2403 : vector<16xf32>
            %sub3A_2610 = arith.subf %gather3A_2605, %get3A_2409 : vector<16xf32>
            %min3A_2611 = arith.minimumf %sub3A_2607, %sub3A_2609 : vector<16xf32>
            %min3A_2612 = arith.minimumf %sub3A_2608, %sub3A_2610 : vector<16xf32>
            %min3A_2613 = arith.minimumf %min3A_2611, %min3A_2612 : vector<16xf32>
            %max3A_2614 = arith.maximumf %sub3A_2607, %sub3A_2609 : vector<16xf32>
            %max3A_2615 = arith.maximumf %sub3A_2608, %sub3A_2610 : vector<16xf32>
            %max3A_2616 = arith.maximumf %max3A_2614, %max3A_2615 : vector<16xf32>
            %sub3A_2617 = arith.subf %sub3A_2607, %sub3A_2609 : vector<16xf32>
            %abs3A_2618 = math.absf %sub3A_2617 : vector<16xf32>
            %sub3A_2619 = arith.subf %sub3A_2608, %sub3A_2610 : vector<16xf32>
            %abs3A_2620 = math.absf %sub3A_2619 : vector<16xf32>
            %max3A_2621 = arith.maximumf %abs3A_2618, %abs3A_2620 : vector<16xf32>
            %gt3A_2622 = arith.constant 0.000000e+00 : f32
            %gt3A_2623 = vector.broadcast %gt3A_2622 : f32 to vector<16xf32>
            %gt3A_2624 = arith.cmpf ogt, %min3A_2613, %gt3A_2623 : vector<16xf32>
            %gt3A_2625 = arith.cmpf ogt, %max3A_2616, %get3A_2415 : vector<16xf32>
            %and3A_2626 = arith.andi %gt3A_2624, %gt3A_2625 : vector<16xi1>
            %le3A_2627 = arith.cmpf ole, %max3A_2616, %get3A_2421 : vector<16xf32>
            %and3A_2628 = arith.andi %and3A_2626, %le3A_2627 : vector<16xi1>
            %lt3A_2629 = arith.cmpf olt, %max3A_2621, %get3A_2427 : vector<16xf32>
            %and3A_2630 = arith.andi %and3A_2628, %lt3A_2629 : vector<16xi1>
            %and3A_2631 = arith.andi %and3A_2630, %lt3A_2601 : vector<16xi1>
            %jit3A_2632 = arith.constant 2147483647 : i32
            %broadcast_in_dim3A_2633 = vector.broadcast %jit3A_2632 : i32 to vector<16xi32>
            %select_n3A_2634 = arith.select %and3A_2631, %gather3A_2606, %broadcast_in_dim3A_2633 : vector<16xi1>, vector<16xi32>
            %min3A_2635 = arith.minsi %select_n3A_2600, %select_n3A_2634 : vector<16xi32>
            %min3A_2636 = arith.minsi %while3A_2562, %min3A_2635 : vector<16xi32>
            scf.yield %min3A_2636 : vector<16xi32>
          }
          %lt3A = arith.constant 2147483647 : i32
          %lt3A_2466 = vector.broadcast %lt3A : i32 to vector<16xi32>
          %lt3A_2467 = arith.cmpi slt, %while3A_2465, %lt3A_2466 : vector<16xi32>
          %and3A_2468 = arith.constant 63 : i32
          %and3A_2469 = vector.broadcast %and3A_2468 : i32 to vector<16xi32>
          %and3A_2470 = arith.andi %while3A_2465, %and3A_2469 : vector<16xi32>
          %add3A_2471 = vector.broadcast %mul3A_1412 : i32 to vector<16xi32>
          %add3A_2472 = arith.addi %and3A_2470, %add3A_2471 : vector<16xi32>
          %gather3A = tpu.vector_load_idx %arg11[%add3A_2472] : memref<1040xf32, #tpu.memory_space<vmem>>[vector<16xi32>], vector<16xf32>,
          %gather3A_2473 = tpu.vector_load_idx %arg12[%add3A_2472] : memref<1040xf32, #tpu.memory_space<vmem>>[vector<16xi32>], vector<16xf32>,
          %gather3A_2474 = tpu.vector_load_idx %arg13[%add3A_2472] : memref<1040xf32, #tpu.memory_space<vmem>>[vector<16xi32>], vector<16xf32>,
          %gather3A_2475 = tpu.vector_load_idx %arg14[%add3A_2472] : memref<1040xf32, #tpu.memory_space<vmem>>[vector<16xi32>], vector<16xf32>,
          %gather3A_2476 = tpu.vector_load_idx %arg10[%add3A_2472] : memref<1024xi32, #tpu.memory_space<vmem>>[vector<16xi32>], vector<16xi32>,
          %sub3A_2477 = arith.subf %get3A_2403, %gather3A : vector<16xf32>
          %sub3A_2478 = arith.subf %get3A_2409, %gather3A_2473 : vector<16xf32>
          %sub3A_2479 = arith.subf %gather3A_2474, %get3A_2403 : vector<16xf32>
          %sub3A_2480 = arith.subf %gather3A_2475, %get3A_2409 : vector<16xf32>
          %min3A_2481 = arith.minimumf %sub3A_2477, %sub3A_2479 : vector<16xf32>
          %max3A_2482 = arith.maximumf %sub3A_2477, %sub3A_2479 : vector<16xf32>
          %min3A_2483 = arith.minimumf %sub3A_2478, %sub3A_2480 : vector<16xf32>
          %max3A_2484 = arith.maximumf %sub3A_2478, %sub3A_2480 : vector<16xf32>
          %mul3A_2485 = arith.mulf %min3A_2481, %min3A_2483 : vector<16xf32>
          %mul3A_2486 = arith.mulf %max3A_2482, %max3A_2484 : vector<16xf32>
          %add3A_2487 = arith.constant 1.000000e-10 : f32
          %add3A_2488 = vector.broadcast %add3A_2487 : f32 to vector<16xf32>
          %add3A_2489 = arith.addf %mul3A_2486, %add3A_2488 : vector<16xf32>
          %div3A_2490 = arith.divf %mul3A_2485, %add3A_2489 : vector<16xf32>
          %jit3A_2491 = arith.constant 1.000000e+00 : f32
          %broadcast_in_dim3A_2492 = vector.broadcast %jit3A_2491 : f32 to vector<16xf32>
          %select_n3A_2493 = arith.select %lt3A_2467, %div3A_2490, %broadcast_in_dim3A_2492 : vector<16xi1>, vector<16xf32>
          %max3A_2494 = arith.constant 1.000000e-30 : f32
          %max3A_2495 = vector.broadcast %max3A_2494 : f32 to vector<16xf32>
          %max3A_2496 = arith.maximumf %select_n3A_2493, %max3A_2495 : vector<16xf32>
          %bitcast_convert_type3A = tpu.bitcast %max3A_2496 : vector<16xf32> -> vector<16xi32>
          %shift_right_arithmetic3A = arith.constant 1 : i32
          %shift_right_arithmetic3A_2497 = vector.broadcast %shift_right_arithmetic3A : i32 to vector<16xi32>
          %shift_right_arithmetic3A_2498 = arith.shrsi %bitcast_convert_type3A, %shift_right_arithmetic3A_2497 : vector<16xi32>
          %sub3A_2499 = arith.constant 1597463007 : i32
          %sub3A_2500 = vector.broadcast %sub3A_2499 : i32 to vector<16xi32>
          %sub3A_2501 = arith.subi %sub3A_2500, %shift_right_arithmetic3A_2498 : vector<16xi32>
          %bitcast_convert_type3A_2502 = tpu.bitcast %sub3A_2501 : vector<16xi32> -> vector<16xf32>
          %mul3A_2503 = arith.constant 5.000000e-01 : f32
          %mul3A_2504 = vector.broadcast %mul3A_2503 : f32 to vector<16xf32>
          %mul3A_2505 = arith.mulf %mul3A_2504, %max3A_2496 : vector<16xf32>
          %mul3A_2506 = arith.mulf %mul3A_2505, %bitcast_convert_type3A_2502 : vector<16xf32>
          %mul3A_2507 = arith.mulf %mul3A_2506, %bitcast_convert_type3A_2502 : vector<16xf32>
          %sub3A_2508 = arith.constant 1.500000e+00 : f32
          %sub3A_2509 = vector.broadcast %sub3A_2508 : f32 to vector<16xf32>
          %sub3A_2510 = arith.subf %sub3A_2509, %mul3A_2507 : vector<16xf32>
          %mul3A_2511 = arith.mulf %bitcast_convert_type3A_2502, %sub3A_2510 : vector<16xf32>
          %mul3A_2512 = arith.constant 5.000000e-01 : f32
          %mul3A_2513 = vector.broadcast %mul3A_2512 : f32 to vector<16xf32>
          %mul3A_2514 = arith.mulf %mul3A_2513, %max3A_2496 : vector<16xf32>
          %mul3A_2515 = arith.mulf %mul3A_2514, %mul3A_2511 : vector<16xf32>
          %mul3A_2516 = arith.mulf %mul3A_2515, %mul3A_2511 : vector<16xf32>
          %sub3A_2517 = arith.constant 1.500000e+00 : f32
          %sub3A_2518 = vector.broadcast %sub3A_2517 : f32 to vector<16xf32>
          %sub3A_2519 = arith.subf %sub3A_2518, %mul3A_2516 : vector<16xf32>
          %mul3A_2520 = arith.mulf %mul3A_2511, %sub3A_2519 : vector<16xf32>
          %mul3A_2521 = arith.constant 5.000000e-01 : f32
          %mul3A_2522 = vector.broadcast %mul3A_2521 : f32 to vector<16xf32>
          %mul3A_2523 = arith.mulf %mul3A_2522, %max3A_2496 : vector<16xf32>
          %mul3A_2524 = arith.mulf %mul3A_2523, %mul3A_2520 : vector<16xf32>
          %mul3A_2525 = arith.mulf %mul3A_2524, %mul3A_2520 : vector<16xf32>
          %sub3A_2526 = arith.constant 1.500000e+00 : f32
          %sub3A_2527 = vector.broadcast %sub3A_2526 : f32 to vector<16xf32>
          %sub3A_2528 = arith.subf %sub3A_2527, %mul3A_2525 : vector<16xf32>
          %mul3A_2529 = arith.mulf %mul3A_2520, %sub3A_2528 : vector<16xf32>
          %mul3A_2530 = arith.mulf %max3A_2496, %mul3A_2529 : vector<16xf32>
          %jit3A_2531 = arith.constant -1 : i32
          %broadcast_in_dim3A_2532 = vector.broadcast %jit3A_2531 : i32 to vector<16xi32>
          %select_n3A_2533 = arith.select %lt3A_2467, %gather3A_2476, %broadcast_in_dim3A_2532 : vector<16xi1>, vector<16xi32>
          %swap3A_2534 = arith.index_cast %add3A_2393 : i32 to index
          %swap3A_2535 = tpu.vector_load %arg16[%swap3A_2534] {strides = array<i32>} : memref<4352xi32, #tpu.memory_space<vmem>>, vector<16xi32>,
          tpu.vector_store %arg16[%swap3A_2534], %select_n3A_2533 {strides = array<i32>} : memref<4352xi32, #tpu.memory_space<vmem>>, vector<16xi32>,
          %jit3A_2536 = arith.constant -1.000000e+00 : f32
          %broadcast_in_dim3A_2537 = vector.broadcast %jit3A_2536 : f32 to vector<16xf32>
          %select_n3A_2538 = arith.select %lt3A_2467, %mul3A_2530, %broadcast_in_dim3A_2537 : vector<16xi1>, vector<16xf32>
          %swap3A_2539 = arith.index_cast %add3A_2393 : i32 to index
          %swap3A_2540 = tpu.vector_load %arg17[%swap3A_2539] {strides = array<i32>} : memref<4352xf32, #tpu.memory_space<vmem>>, vector<16xf32>,
          tpu.vector_store %arg17[%swap3A_2539], %select_n3A_2538 {strides = array<i32>} : memref<4352xf32, #tpu.memory_space<vmem>>, vector<16xf32>,
          %jit3A_2541 = arith.constant -1.000000e+00 : f32
          %broadcast_in_dim3A_2542 = vector.broadcast %jit3A_2541 : f32 to vector<16xf32>
          %select_n3A_2543 = arith.select %lt3A_2467, %sub3A_2477, %broadcast_in_dim3A_2542 : vector<16xi1>, vector<16xf32>
          %swap3A_2544 = arith.index_cast %add3A_2393 : i32 to index
          %swap3A_2545 = tpu.vector_load %arg18[%swap3A_2544] {strides = array<i32>} : memref<4352xf32, #tpu.memory_space<vmem>>, vector<16xf32>,
          tpu.vector_store %arg18[%swap3A_2544], %select_n3A_2543 {strides = array<i32>} : memref<4352xf32, #tpu.memory_space<vmem>>, vector<16xf32>,
          %jit3A_2546 = arith.constant -1.000000e+00 : f32
          %broadcast_in_dim3A_2547 = vector.broadcast %jit3A_2546 : f32 to vector<16xf32>
          %select_n3A_2548 = arith.select %lt3A_2467, %sub3A_2478, %broadcast_in_dim3A_2547 : vector<16xi1>, vector<16xf32>
          %swap3A_2549 = arith.index_cast %add3A_2393 : i32 to index
          %swap3A_2550 = tpu.vector_load %arg19[%swap3A_2549] {strides = array<i32>} : memref<4352xf32, #tpu.memory_space<vmem>>, vector<16xf32>,
          tpu.vector_store %arg19[%swap3A_2549], %select_n3A_2548 {strides = array<i32>} : memref<4352xf32, #tpu.memory_space<vmem>>, vector<16xf32>,
          %jit3A_2551 = arith.constant -1.000000e+00 : f32
          %broadcast_in_dim3A_2552 = vector.broadcast %jit3A_2551 : f32 to vector<16xf32>
          %select_n3A_2553 = arith.select %lt3A_2467, %sub3A_2479, %broadcast_in_dim3A_2552 : vector<16xi1>, vector<16xf32>
          %swap3A_2554 = arith.index_cast %add3A_2393 : i32 to index
          %swap3A_2555 = tpu.vector_load %arg20[%swap3A_2554] {strides = array<i32>} : memref<4352xf32, #tpu.memory_space<vmem>>, vector<16xf32>,
          tpu.vector_store %arg20[%swap3A_2554], %select_n3A_2553 {strides = array<i32>} : memref<4352xf32, #tpu.memory_space<vmem>>, vector<16xf32>,
          %jit3A_2556 = arith.constant -1.000000e+00 : f32
          %broadcast_in_dim3A_2557 = vector.broadcast %jit3A_2556 : f32 to vector<16xf32>
          %select_n3A_2558 = arith.select %lt3A_2467, %sub3A_2480, %broadcast_in_dim3A_2557 : vector<16xi1>, vector<16xf32>
          %swap3A_2559 = arith.index_cast %add3A_2393 : i32 to index
          %swap3A_2560 = tpu.vector_load %arg21[%swap3A_2559] {strides = array<i32>} : memref<4352xf32, #tpu.memory_space<vmem>>, vector<16xf32>,
          tpu.vector_store %arg21[%swap3A_2559], %select_n3A_2558 {strides = array<i32>} : memref<4352xf32, #tpu.memory_space<vmem>>, vector<16xf32>,
        } else {
        }
        %scan3A_2397 = arith.constant 0 : i32
        scf.yield %scan3A_2397 : i32
      }
      %scan3A_2334 = arith.constant 17 : i32
      %scan3A_2335 = arith.constant 0 : i32
      scf.yield %scan3A_2335 : i32
    }
    %scan3A_96 = arith.constant 16 : i32
    %add3A_97 = arith.constant 0 : i32
    %add3A_98 = arith.addi %add3A_97, %mul3A_2 : i32
    %dma_start3A_99 = arith.constant 0 : i32
    %dma_start3A_100 = tpu.memref_slice %arg16[%dma_start3A_99] : memref<4352xi32, #tpu.memory_space<vmem>> -> memref<272xi32, #tpu.memory_space<vmem>>
    %dma_start3A_101 = tpu.memref_slice %arg5[%add3A_98] : memref<139264xi32, #tpu.memory_space<hbm>> -> memref<272xi32, #tpu.memory_space<hbm>>
    %dma_start3A_102 = tpu.memref_slice %arg5[%add3A_98] : memref<139264xi32, #tpu.memory_space<hbm>> -> memref<272xi32, #tpu.memory_space<hbm>>
    %dma_start3A_103 = arith.constant 0 : i32
    %dma_start3A_104 = tpu.memref_slice %arg16[%dma_start3A_103] : memref<4352xi32, #tpu.memory_space<vmem>> -> memref<272xi32, #tpu.memory_space<vmem>>
    tpu.enqueue_dma source(%dma_start3A_104 : memref<272xi32, #tpu.memory_space<vmem>>) target(%dma_start3A_102 : memref<272xi32, #tpu.memory_space<hbm>>) target_semaphore(%arg22 : memref<!tpu.dma_semaphore, #tpu.memory_space<semaphore_mem>>)
    %dma_start3A_105 = arith.constant 0 : i32
    %dma_start3A_106 = tpu.memref_slice %arg17[%dma_start3A_105] : memref<4352xf32, #tpu.memory_space<vmem>> -> memref<272xf32, #tpu.memory_space<vmem>>
    %dma_start3A_107 = tpu.memref_slice %arg6[%add3A_98] : memref<139264xf32, #tpu.memory_space<hbm>> -> memref<272xf32, #tpu.memory_space<hbm>>
    %dma_start3A_108 = tpu.memref_slice %arg6[%add3A_98] : memref<139264xf32, #tpu.memory_space<hbm>> -> memref<272xf32, #tpu.memory_space<hbm>>
    %dma_start3A_109 = arith.constant 0 : i32
    %dma_start3A_110 = tpu.memref_slice %arg17[%dma_start3A_109] : memref<4352xf32, #tpu.memory_space<vmem>> -> memref<272xf32, #tpu.memory_space<vmem>>
    tpu.enqueue_dma source(%dma_start3A_110 : memref<272xf32, #tpu.memory_space<vmem>>) target(%dma_start3A_108 : memref<272xf32, #tpu.memory_space<hbm>>) target_semaphore(%arg22 : memref<!tpu.dma_semaphore, #tpu.memory_space<semaphore_mem>>)
    %add3A_111 = arith.constant 0 : i32
    %add3A_112 = arith.addi %add3A_111, %mul3A_2 : i32
    %dma_start3A_113 = arith.constant 0 : i32
    %dma_start3A_114 = tpu.memref_slice %arg18[%dma_start3A_113] : memref<4352xf32, #tpu.memory_space<vmem>> -> memref<272xf32, #tpu.memory_space<vmem>>
    %dma_start3A_115 = tpu.memref_slice %arg7[%add3A_112] : memref<557056xf32, #tpu.memory_space<hbm>> -> memref<272xf32, #tpu.memory_space<hbm>>
    %dma_start3A_116 = tpu.memref_slice %arg7[%add3A_112] : memref<557056xf32, #tpu.memory_space<hbm>> -> memref<272xf32, #tpu.memory_space<hbm>>
    %dma_start3A_117 = arith.constant 0 : i32
    %dma_start3A_118 = tpu.memref_slice %arg18[%dma_start3A_117] : memref<4352xf32, #tpu.memory_space<vmem>> -> memref<272xf32, #tpu.memory_space<vmem>>
    tpu.enqueue_dma source(%dma_start3A_118 : memref<272xf32, #tpu.memory_space<vmem>>) target(%dma_start3A_116 : memref<272xf32, #tpu.memory_space<hbm>>) target_semaphore(%arg22 : memref<!tpu.dma_semaphore, #tpu.memory_space<semaphore_mem>>)
    %add3A_119 = arith.constant 139264 : i32
    %add3A_120 = arith.addi %add3A_119, %mul3A_2 : i32
    %dma_start3A_121 = arith.constant 0 : i32
    %dma_start3A_122 = tpu.memref_slice %arg19[%dma_start3A_121] : memref<4352xf32, #tpu.memory_space<vmem>> -> memref<272xf32, #tpu.memory_space<vmem>>
    %dma_start3A_123 = tpu.memref_slice %arg7[%add3A_120] : memref<557056xf32, #tpu.memory_space<hbm>> -> memref<272xf32, #tpu.memory_space<hbm>>
    %dma_start3A_124 = tpu.memref_slice %arg7[%add3A_120] : memref<557056xf32, #tpu.memory_space<hbm>> -> memref<272xf32, #tpu.memory_space<hbm>>
    %dma_start3A_125 = arith.constant 0 : i32
    %dma_start3A_126 = tpu.memref_slice %arg19[%dma_start3A_125] : memref<4352xf32, #tpu.memory_space<vmem>> -> memref<272xf32, #tpu.memory_space<vmem>>
    tpu.enqueue_dma source(%dma_start3A_126 : memref<272xf32, #tpu.memory_space<vmem>>) target(%dma_start3A_124 : memref<272xf32, #tpu.memory_space<hbm>>) target_semaphore(%arg22 : memref<!tpu.dma_semaphore, #tpu.memory_space<semaphore_mem>>)
    %add3A_127 = arith.constant 278528 : i32
    %add3A_128 = arith.addi %add3A_127, %mul3A_2 : i32
    %dma_start3A_129 = arith.constant 0 : i32
    %dma_start3A_130 = tpu.memref_slice %arg20[%dma_start3A_129] : memref<4352xf32, #tpu.memory_space<vmem>> -> memref<272xf32, #tpu.memory_space<vmem>>
    %dma_start3A_131 = tpu.memref_slice %arg7[%add3A_128] : memref<557056xf32, #tpu.memory_space<hbm>> -> memref<272xf32, #tpu.memory_space<hbm>>
    %dma_start3A_132 = tpu.memref_slice %arg7[%add3A_128] : memref<557056xf32, #tpu.memory_space<hbm>> -> memref<272xf32, #tpu.memory_space<hbm>>
    %dma_start3A_133 = arith.constant 0 : i32
    %dma_start3A_134 = tpu.memref_slice %arg20[%dma_start3A_133] : memref<4352xf32, #tpu.memory_space<vmem>> -> memref<272xf32, #tpu.memory_space<vmem>>
    tpu.enqueue_dma source(%dma_start3A_134 : memref<272xf32, #tpu.memory_space<vmem>>) target(%dma_start3A_132 : memref<272xf32, #tpu.memory_space<hbm>>) target_semaphore(%arg22 : memref<!tpu.dma_semaphore, #tpu.memory_space<semaphore_mem>>)
    %add3A_135 = arith.constant 417792 : i32
    %add3A_136 = arith.addi %add3A_135, %mul3A_2 : i32
    %dma_start3A_137 = arith.constant 0 : i32
    %dma_start3A_138 = tpu.memref_slice %arg21[%dma_start3A_137] : memref<4352xf32, #tpu.memory_space<vmem>> -> memref<272xf32, #tpu.memory_space<vmem>>
    %dma_start3A_139 = tpu.memref_slice %arg7[%add3A_136] : memref<557056xf32, #tpu.memory_space<hbm>> -> memref<272xf32, #tpu.memory_space<hbm>>
    %dma_start3A_140 = tpu.memref_slice %arg7[%add3A_136] : memref<557056xf32, #tpu.memory_space<hbm>> -> memref<272xf32, #tpu.memory_space<hbm>>
    %dma_start3A_141 = arith.constant 0 : i32
    %dma_start3A_142 = tpu.memref_slice %arg21[%dma_start3A_141] : memref<4352xf32, #tpu.memory_space<vmem>> -> memref<272xf32, #tpu.memory_space<vmem>>
    tpu.enqueue_dma source(%dma_start3A_142 : memref<272xf32, #tpu.memory_space<vmem>>) target(%dma_start3A_140 : memref<272xf32, #tpu.memory_space<hbm>>) target_semaphore(%arg22 : memref<!tpu.dma_semaphore, #tpu.memory_space<semaphore_mem>>)
    %add3A_143 = arith.constant 8704 : i32
    %add3A_144 = arith.addi %add3A_143, %mul3A_2 : i32
    %dma_start3A_145 = arith.constant 272 : i32
    %dma_start3A_146 = tpu.memref_slice %arg16[%dma_start3A_145] : memref<4352xi32, #tpu.memory_space<vmem>> -> memref<272xi32, #tpu.memory_space<vmem>>
    %dma_start3A_147 = tpu.memref_slice %arg5[%add3A_144] : memref<139264xi32, #tpu.memory_space<hbm>> -> memref<272xi32, #tpu.memory_space<hbm>>
    %dma_start3A_148 = tpu.memref_slice %arg5[%add3A_144] : memref<139264xi32, #tpu.memory_space<hbm>> -> memref<272xi32, #tpu.memory_space<hbm>>
    %dma_start3A_149 = arith.constant 272 : i32
    %dma_start3A_150 = tpu.memref_slice %arg16[%dma_start3A_149] : memref<4352xi32, #tpu.memory_space<vmem>> -> memref<272xi32, #tpu.memory_space<vmem>>
    tpu.enqueue_dma source(%dma_start3A_150 : memref<272xi32, #tpu.memory_space<vmem>>) target(%dma_start3A_148 : memref<272xi32, #tpu.memory_space<hbm>>) target_semaphore(%arg22 : memref<!tpu.dma_semaphore, #tpu.memory_space<semaphore_mem>>)
    %dma_start3A_151 = arith.constant 272 : i32
    %dma_start3A_152 = tpu.memref_slice %arg17[%dma_start3A_151] : memref<4352xf32, #tpu.memory_space<vmem>> -> memref<272xf32, #tpu.memory_space<vmem>>
    %dma_start3A_153 = tpu.memref_slice %arg6[%add3A_144] : memref<139264xf32, #tpu.memory_space<hbm>> -> memref<272xf32, #tpu.memory_space<hbm>>
    %dma_start3A_154 = tpu.memref_slice %arg6[%add3A_144] : memref<139264xf32, #tpu.memory_space<hbm>> -> memref<272xf32, #tpu.memory_space<hbm>>
    %dma_start3A_155 = arith.constant 272 : i32
    %dma_start3A_156 = tpu.memref_slice %arg17[%dma_start3A_155] : memref<4352xf32, #tpu.memory_space<vmem>> -> memref<272xf32, #tpu.memory_space<vmem>>
    tpu.enqueue_dma source(%dma_start3A_156 : memref<272xf32, #tpu.memory_space<vmem>>) target(%dma_start3A_154 : memref<272xf32, #tpu.memory_space<hbm>>) target_semaphore(%arg22 : memref<!tpu.dma_semaphore, #tpu.memory_space<semaphore_mem>>)
    %add3A_157 = arith.constant 8704 : i32
    %add3A_158 = arith.addi %add3A_157, %mul3A_2 : i32
    %dma_start3A_159 = arith.constant 272 : i32
    %dma_start3A_160 = tpu.memref_slice %arg18[%dma_start3A_159] : memref<4352xf32, #tpu.memory_space<vmem>> -> memref<272xf32, #tpu.memory_space<vmem>>
    %dma_start3A_161 = tpu.memref_slice %arg7[%add3A_158] : memref<557056xf32, #tpu.memory_space<hbm>> -> memref<272xf32, #tpu.memory_space<hbm>>
    %dma_start3A_162 = tpu.memref_slice %arg7[%add3A_158] : memref<557056xf32, #tpu.memory_space<hbm>> -> memref<272xf32, #tpu.memory_space<hbm>>
    %dma_start3A_163 = arith.constant 272 : i32
    %dma_start3A_164 = tpu.memref_slice %arg18[%dma_start3A_163] : memref<4352xf32, #tpu.memory_space<vmem>> -> memref<272xf32, #tpu.memory_space<vmem>>
    tpu.enqueue_dma source(%dma_start3A_164 : memref<272xf32, #tpu.memory_space<vmem>>) target(%dma_start3A_162 : memref<272xf32, #tpu.memory_space<hbm>>) target_semaphore(%arg22 : memref<!tpu.dma_semaphore, #tpu.memory_space<semaphore_mem>>)
    %add3A_165 = arith.constant 147968 : i32
    %add3A_166 = arith.addi %add3A_165, %mul3A_2 : i32
    %dma_start3A_167 = arith.constant 272 : i32
    %dma_start3A_168 = tpu.memref_slice %arg19[%dma_start3A_167] : memref<4352xf32, #tpu.memory_space<vmem>> -> memref<272xf32, #tpu.memory_space<vmem>>
    %dma_start3A_169 = tpu.memref_slice %arg7[%add3A_166] : memref<557056xf32, #tpu.memory_space<hbm>> -> memref<272xf32, #tpu.memory_space<hbm>>
    %dma_start3A_170 = tpu.memref_slice %arg7[%add3A_166] : memref<557056xf32, #tpu.memory_space<hbm>> -> memref<272xf32, #tpu.memory_space<hbm>>
    %dma_start3A_171 = arith.constant 272 : i32
    %dma_start3A_172 = tpu.memref_slice %arg19[%dma_start3A_171] : memref<4352xf32, #tpu.memory_space<vmem>> -> memref<272xf32, #tpu.memory_space<vmem>>
    tpu.enqueue_dma source(%dma_start3A_172 : memref<272xf32, #tpu.memory_space<vmem>>) target(%dma_start3A_170 : memref<272xf32, #tpu.memory_space<hbm>>) target_semaphore(%arg22 : memref<!tpu.dma_semaphore, #tpu.memory_space<semaphore_mem>>)
    %add3A_173 = arith.constant 287232 : i32
    %add3A_174 = arith.addi %add3A_173, %mul3A_2 : i32
    %dma_start3A_175 = arith.constant 272 : i32
    %dma_start3A_176 = tpu.memref_slice %arg20[%dma_start3A_175] : memref<4352xf32, #tpu.memory_space<vmem>> -> memref<272xf32, #tpu.memory_space<vmem>>
    %dma_start3A_177 = tpu.memref_slice %arg7[%add3A_174] : memref<557056xf32, #tpu.memory_space<hbm>> -> memref<272xf32, #tpu.memory_space<hbm>>
    %dma_start3A_178 = tpu.memref_slice %arg7[%add3A_174] : memref<557056xf32, #tpu.memory_space<hbm>> -> memref<272xf32, #tpu.memory_space<hbm>>
    %dma_start3A_179 = arith.constant 272 : i32
    %dma_start3A_180 = tpu.memref_slice %arg20[%dma_start3A_179] : memref<4352xf32, #tpu.memory_space<vmem>> -> memref<272xf32, #tpu.memory_space<vmem>>
    tpu.enqueue_dma source(%dma_start3A_180 : memref<272xf32, #tpu.memory_space<vmem>>) target(%dma_start3A_178 : memref<272xf32, #tpu.memory_space<hbm>>) target_semaphore(%arg22 : memref<!tpu.dma_semaphore, #tpu.memory_space<semaphore_mem>>)
    %add3A_181 = arith.constant 426496 : i32
    %add3A_182 = arith.addi %add3A_181, %mul3A_2 : i32
    %dma_start3A_183 = arith.constant 272 : i32
    %dma_start3A_184 = tpu.memref_slice %arg21[%dma_start3A_183] : memref<4352xf32, #tpu.memory_space<vmem>> -> memref<272xf32, #tpu.memory_space<vmem>>
    %dma_start3A_185 = tpu.memref_slice %arg7[%add3A_182] : memref<557056xf32, #tpu.memory_space<hbm>> -> memref<272xf32, #tpu.memory_space<hbm>>
    %dma_start3A_186 = tpu.memref_slice %arg7[%add3A_182] : memref<557056xf32, #tpu.memory_space<hbm>> -> memref<272xf32, #tpu.memory_space<hbm>>
    %dma_start3A_187 = arith.constant 272 : i32
    %dma_start3A_188 = tpu.memref_slice %arg21[%dma_start3A_187] : memref<4352xf32, #tpu.memory_space<vmem>> -> memref<272xf32, #tpu.memory_space<vmem>>
    tpu.enqueue_dma source(%dma_start3A_188 : memref<272xf32, #tpu.memory_space<vmem>>) target(%dma_start3A_186 : memref<272xf32, #tpu.memory_space<hbm>>) target_semaphore(%arg22 : memref<!tpu.dma_semaphore, #tpu.memory_space<semaphore_mem>>)
    %add3A_189 = arith.constant 17408 : i32
    %add3A_190 = arith.addi %add3A_189, %mul3A_2 : i32
    %dma_start3A_191 = arith.constant 544 : i32
    %dma_start3A_192 = tpu.memref_slice %arg16[%dma_start3A_191] : memref<4352xi32, #tpu.memory_space<vmem>> -> memref<272xi32, #tpu.memory_space<vmem>>
    %dma_start3A_193 = tpu.memref_slice %arg5[%add3A_190] : memref<139264xi32, #tpu.memory_space<hbm>> -> memref<272xi32, #tpu.memory_space<hbm>>
    %dma_start3A_194 = tpu.memref_slice %arg5[%add3A_190] : memref<139264xi32, #tpu.memory_space<hbm>> -> memref<272xi32, #tpu.memory_space<hbm>>
    %dma_start3A_195 = arith.constant 544 : i32
    %dma_start3A_196 = tpu.memref_slice %arg16[%dma_start3A_195] : memref<4352xi32, #tpu.memory_space<vmem>> -> memref<272xi32, #tpu.memory_space<vmem>>
    tpu.enqueue_dma source(%dma_start3A_196 : memref<272xi32, #tpu.memory_space<vmem>>) target(%dma_start3A_194 : memref<272xi32, #tpu.memory_space<hbm>>) target_semaphore(%arg22 : memref<!tpu.dma_semaphore, #tpu.memory_space<semaphore_mem>>)
    %dma_start3A_197 = arith.constant 544 : i32
    %dma_start3A_198 = tpu.memref_slice %arg17[%dma_start3A_197] : memref<4352xf32, #tpu.memory_space<vmem>> -> memref<272xf32, #tpu.memory_space<vmem>>
    %dma_start3A_199 = tpu.memref_slice %arg6[%add3A_190] : memref<139264xf32, #tpu.memory_space<hbm>> -> memref<272xf32, #tpu.memory_space<hbm>>
    %dma_start3A_200 = tpu.memref_slice %arg6[%add3A_190] : memref<139264xf32, #tpu.memory_space<hbm>> -> memref<272xf32, #tpu.memory_space<hbm>>
    %dma_start3A_201 = arith.constant 544 : i32
    %dma_start3A_202 = tpu.memref_slice %arg17[%dma_start3A_201] : memref<4352xf32, #tpu.memory_space<vmem>> -> memref<272xf32, #tpu.memory_space<vmem>>
    tpu.enqueue_dma source(%dma_start3A_202 : memref<272xf32, #tpu.memory_space<vmem>>) target(%dma_start3A_200 : memref<272xf32, #tpu.memory_space<hbm>>) target_semaphore(%arg22 : memref<!tpu.dma_semaphore, #tpu.memory_space<semaphore_mem>>)
    %add3A_203 = arith.constant 17408 : i32
    %add3A_204 = arith.addi %add3A_203, %mul3A_2 : i32
    %dma_start3A_205 = arith.constant 544 : i32
    %dma_start3A_206 = tpu.memref_slice %arg18[%dma_start3A_205] : memref<4352xf32, #tpu.memory_space<vmem>> -> memref<272xf32, #tpu.memory_space<vmem>>
    %dma_start3A_207 = tpu.memref_slice %arg7[%add3A_204] : memref<557056xf32, #tpu.memory_space<hbm>> -> memref<272xf32, #tpu.memory_space<hbm>>
    %dma_start3A_208 = tpu.memref_slice %arg7[%add3A_204] : memref<557056xf32, #tpu.memory_space<hbm>> -> memref<272xf32, #tpu.memory_space<hbm>>
    %dma_start3A_209 = arith.constant 544 : i32
    %dma_start3A_210 = tpu.memref_slice %arg18[%dma_start3A_209] : memref<4352xf32, #tpu.memory_space<vmem>> -> memref<272xf32, #tpu.memory_space<vmem>>
    tpu.enqueue_dma source(%dma_start3A_210 : memref<272xf32, #tpu.memory_space<vmem>>) target(%dma_start3A_208 : memref<272xf32, #tpu.memory_space<hbm>>) target_semaphore(%arg22 : memref<!tpu.dma_semaphore, #tpu.memory_space<semaphore_mem>>)
    %add3A_211 = arith.constant 156672 : i32
    %add3A_212 = arith.addi %add3A_211, %mul3A_2 : i32
    %dma_start3A_213 = arith.constant 544 : i32
    %dma_start3A_214 = tpu.memref_slice %arg19[%dma_start3A_213] : memref<4352xf32, #tpu.memory_space<vmem>> -> memref<272xf32, #tpu.memory_space<vmem>>
    %dma_start3A_215 = tpu.memref_slice %arg7[%add3A_212] : memref<557056xf32, #tpu.memory_space<hbm>> -> memref<272xf32, #tpu.memory_space<hbm>>
    %dma_start3A_216 = tpu.memref_slice %arg7[%add3A_212] : memref<557056xf32, #tpu.memory_space<hbm>> -> memref<272xf32, #tpu.memory_space<hbm>>
    %dma_start3A_217 = arith.constant 544 : i32
    %dma_start3A_218 = tpu.memref_slice %arg19[%dma_start3A_217] : memref<4352xf32, #tpu.memory_space<vmem>> -> memref<272xf32, #tpu.memory_space<vmem>>
    tpu.enqueue_dma source(%dma_start3A_218 : memref<272xf32, #tpu.memory_space<vmem>>) target(%dma_start3A_216 : memref<272xf32, #tpu.memory_space<hbm>>) target_semaphore(%arg22 : memref<!tpu.dma_semaphore, #tpu.memory_space<semaphore_mem>>)
    %add3A_219 = arith.constant 295936 : i32
    %add3A_220 = arith.addi %add3A_219, %mul3A_2 : i32
    %dma_start3A_221 = arith.constant 544 : i32
    %dma_start3A_222 = tpu.memref_slice %arg20[%dma_start3A_221] : memref<4352xf32, #tpu.memory_space<vmem>> -> memref<272xf32, #tpu.memory_space<vmem>>
    %dma_start3A_223 = tpu.memref_slice %arg7[%add3A_220] : memref<557056xf32, #tpu.memory_space<hbm>> -> memref<272xf32, #tpu.memory_space<hbm>>
    %dma_start3A_224 = tpu.memref_slice %arg7[%add3A_220] : memref<557056xf32, #tpu.memory_space<hbm>> -> memref<272xf32, #tpu.memory_space<hbm>>
    %dma_start3A_225 = arith.constant 544 : i32
    %dma_start3A_226 = tpu.memref_slice %arg20[%dma_start3A_225] : memref<4352xf32, #tpu.memory_space<vmem>> -> memref<272xf32, #tpu.memory_space<vmem>>
    tpu.enqueue_dma source(%dma_start3A_226 : memref<272xf32, #tpu.memory_space<vmem>>) target(%dma_start3A_224 : memref<272xf32, #tpu.memory_space<hbm>>) target_semaphore(%arg22 : memref<!tpu.dma_semaphore, #tpu.memory_space<semaphore_mem>>)
    %add3A_227 = arith.constant 435200 : i32
    %add3A_228 = arith.addi %add3A_227, %mul3A_2 : i32
    %dma_start3A_229 = arith.constant 544 : i32
    %dma_start3A_230 = tpu.memref_slice %arg21[%dma_start3A_229] : memref<4352xf32, #tpu.memory_space<vmem>> -> memref<272xf32, #tpu.memory_space<vmem>>
    %dma_start3A_231 = tpu.memref_slice %arg7[%add3A_228] : memref<557056xf32, #tpu.memory_space<hbm>> -> memref<272xf32, #tpu.memory_space<hbm>>
    %dma_start3A_232 = tpu.memref_slice %arg7[%add3A_228] : memref<557056xf32, #tpu.memory_space<hbm>> -> memref<272xf32, #tpu.memory_space<hbm>>
    %dma_start3A_233 = arith.constant 544 : i32
    %dma_start3A_234 = tpu.memref_slice %arg21[%dma_start3A_233] : memref<4352xf32, #tpu.memory_space<vmem>> -> memref<272xf32, #tpu.memory_space<vmem>>
    tpu.enqueue_dma source(%dma_start3A_234 : memref<272xf32, #tpu.memory_space<vmem>>) target(%dma_start3A_232 : memref<272xf32, #tpu.memory_space<hbm>>) target_semaphore(%arg22 : memref<!tpu.dma_semaphore, #tpu.memory_space<semaphore_mem>>)
    %add3A_235 = arith.constant 26112 : i32
    %add3A_236 = arith.addi %add3A_235, %mul3A_2 : i32
    %dma_start3A_237 = arith.constant 816 : i32
    %dma_start3A_238 = tpu.memref_slice %arg16[%dma_start3A_237] : memref<4352xi32, #tpu.memory_space<vmem>> -> memref<272xi32, #tpu.memory_space<vmem>>
    %dma_start3A_239 = tpu.memref_slice %arg5[%add3A_236] : memref<139264xi32, #tpu.memory_space<hbm>> -> memref<272xi32, #tpu.memory_space<hbm>>
    %dma_start3A_240 = tpu.memref_slice %arg5[%add3A_236] : memref<139264xi32, #tpu.memory_space<hbm>> -> memref<272xi32, #tpu.memory_space<hbm>>
    %dma_start3A_241 = arith.constant 816 : i32
    %dma_start3A_242 = tpu.memref_slice %arg16[%dma_start3A_241] : memref<4352xi32, #tpu.memory_space<vmem>> -> memref<272xi32, #tpu.memory_space<vmem>>
    tpu.enqueue_dma source(%dma_start3A_242 : memref<272xi32, #tpu.memory_space<vmem>>) target(%dma_start3A_240 : memref<272xi32, #tpu.memory_space<hbm>>) target_semaphore(%arg22 : memref<!tpu.dma_semaphore, #tpu.memory_space<semaphore_mem>>)
    %dma_start3A_243 = arith.constant 816 : i32
    %dma_start3A_244 = tpu.memref_slice %arg17[%dma_start3A_243] : memref<4352xf32, #tpu.memory_space<vmem>> -> memref<272xf32, #tpu.memory_space<vmem>>
    %dma_start3A_245 = tpu.memref_slice %arg6[%add3A_236] : memref<139264xf32, #tpu.memory_space<hbm>> -> memref<272xf32, #tpu.memory_space<hbm>>
    %dma_start3A_246 = tpu.memref_slice %arg6[%add3A_236] : memref<139264xf32, #tpu.memory_space<hbm>> -> memref<272xf32, #tpu.memory_space<hbm>>
    %dma_start3A_247 = arith.constant 816 : i32
    %dma_start3A_248 = tpu.memref_slice %arg17[%dma_start3A_247] : memref<4352xf32, #tpu.memory_space<vmem>> -> memref<272xf32, #tpu.memory_space<vmem>>
    tpu.enqueue_dma source(%dma_start3A_248 : memref<272xf32, #tpu.memory_space<vmem>>) target(%dma_start3A_246 : memref<272xf32, #tpu.memory_space<hbm>>) target_semaphore(%arg22 : memref<!tpu.dma_semaphore, #tpu.memory_space<semaphore_mem>>)
    %add3A_249 = arith.constant 26112 : i32
    %add3A_250 = arith.addi %add3A_249, %mul3A_2 : i32
    %dma_start3A_251 = arith.constant 816 : i32
    %dma_start3A_252 = tpu.memref_slice %arg18[%dma_start3A_251] : memref<4352xf32, #tpu.memory_space<vmem>> -> memref<272xf32, #tpu.memory_space<vmem>>
    %dma_start3A_253 = tpu.memref_slice %arg7[%add3A_250] : memref<557056xf32, #tpu.memory_space<hbm>> -> memref<272xf32, #tpu.memory_space<hbm>>
    %dma_start3A_254 = tpu.memref_slice %arg7[%add3A_250] : memref<557056xf32, #tpu.memory_space<hbm>> -> memref<272xf32, #tpu.memory_space<hbm>>
    %dma_start3A_255 = arith.constant 816 : i32
    %dma_start3A_256 = tpu.memref_slice %arg18[%dma_start3A_255] : memref<4352xf32, #tpu.memory_space<vmem>> -> memref<272xf32, #tpu.memory_space<vmem>>
    tpu.enqueue_dma source(%dma_start3A_256 : memref<272xf32, #tpu.memory_space<vmem>>) target(%dma_start3A_254 : memref<272xf32, #tpu.memory_space<hbm>>) target_semaphore(%arg22 : memref<!tpu.dma_semaphore, #tpu.memory_space<semaphore_mem>>)
    %add3A_257 = arith.constant 165376 : i32
    %add3A_258 = arith.addi %add3A_257, %mul3A_2 : i32
    %dma_start3A_259 = arith.constant 816 : i32
    %dma_start3A_260 = tpu.memref_slice %arg19[%dma_start3A_259] : memref<4352xf32, #tpu.memory_space<vmem>> -> memref<272xf32, #tpu.memory_space<vmem>>
    %dma_start3A_261 = tpu.memref_slice %arg7[%add3A_258] : memref<557056xf32, #tpu.memory_space<hbm>> -> memref<272xf32, #tpu.memory_space<hbm>>
    %dma_start3A_262 = tpu.memref_slice %arg7[%add3A_258] : memref<557056xf32, #tpu.memory_space<hbm>> -> memref<272xf32, #tpu.memory_space<hbm>>
    %dma_start3A_263 = arith.constant 816 : i32
    %dma_start3A_264 = tpu.memref_slice %arg19[%dma_start3A_263] : memref<4352xf32, #tpu.memory_space<vmem>> -> memref<272xf32, #tpu.memory_space<vmem>>
    tpu.enqueue_dma source(%dma_start3A_264 : memref<272xf32, #tpu.memory_space<vmem>>) target(%dma_start3A_262 : memref<272xf32, #tpu.memory_space<hbm>>) target_semaphore(%arg22 : memref<!tpu.dma_semaphore, #tpu.memory_space<semaphore_mem>>)
    %add3A_265 = arith.constant 304640 : i32
    %add3A_266 = arith.addi %add3A_265, %mul3A_2 : i32
    %dma_start3A_267 = arith.constant 816 : i32
    %dma_start3A_268 = tpu.memref_slice %arg20[%dma_start3A_267] : memref<4352xf32, #tpu.memory_space<vmem>> -> memref<272xf32, #tpu.memory_space<vmem>>
    %dma_start3A_269 = tpu.memref_slice %arg7[%add3A_266] : memref<557056xf32, #tpu.memory_space<hbm>> -> memref<272xf32, #tpu.memory_space<hbm>>
    %dma_start3A_270 = tpu.memref_slice %arg7[%add3A_266] : memref<557056xf32, #tpu.memory_space<hbm>> -> memref<272xf32, #tpu.memory_space<hbm>>
    %dma_start3A_271 = arith.constant 816 : i32
    %dma_start3A_272 = tpu.memref_slice %arg20[%dma_start3A_271] : memref<4352xf32, #tpu.memory_space<vmem>> -> memref<272xf32, #tpu.memory_space<vmem>>
    tpu.enqueue_dma source(%dma_start3A_272 : memref<272xf32, #tpu.memory_space<vmem>>) target(%dma_start3A_270 : memref<272xf32, #tpu.memory_space<hbm>>) target_semaphore(%arg22 : memref<!tpu.dma_semaphore, #tpu.memory_space<semaphore_mem>>)
    %add3A_273 = arith.constant 443904 : i32
    %add3A_274 = arith.addi %add3A_273, %mul3A_2 : i32
    %dma_start3A_275 = arith.constant 816 : i32
    %dma_start3A_276 = tpu.memref_slice %arg21[%dma_start3A_275] : memref<4352xf32, #tpu.memory_space<vmem>> -> memref<272xf32, #tpu.memory_space<vmem>>
    %dma_start3A_277 = tpu.memref_slice %arg7[%add3A_274] : memref<557056xf32, #tpu.memory_space<hbm>> -> memref<272xf32, #tpu.memory_space<hbm>>
    %dma_start3A_278 = tpu.memref_slice %arg7[%add3A_274] : memref<557056xf32, #tpu.memory_space<hbm>> -> memref<272xf32, #tpu.memory_space<hbm>>
    %dma_start3A_279 = arith.constant 816 : i32
    %dma_start3A_280 = tpu.memref_slice %arg21[%dma_start3A_279] : memref<4352xf32, #tpu.memory_space<vmem>> -> memref<272xf32, #tpu.memory_space<vmem>>
    tpu.enqueue_dma source(%dma_start3A_280 : memref<272xf32, #tpu.memory_space<vmem>>) target(%dma_start3A_278 : memref<272xf32, #tpu.memory_space<hbm>>) target_semaphore(%arg22 : memref<!tpu.dma_semaphore, #tpu.memory_space<semaphore_mem>>)
    %add3A_281 = arith.constant 34816 : i32
    %add3A_282 = arith.addi %add3A_281, %mul3A_2 : i32
    %dma_start3A_283 = arith.constant 1088 : i32
    %dma_start3A_284 = tpu.memref_slice %arg16[%dma_start3A_283] : memref<4352xi32, #tpu.memory_space<vmem>> -> memref<272xi32, #tpu.memory_space<vmem>>
    %dma_start3A_285 = tpu.memref_slice %arg5[%add3A_282] : memref<139264xi32, #tpu.memory_space<hbm>> -> memref<272xi32, #tpu.memory_space<hbm>>
    %dma_start3A_286 = tpu.memref_slice %arg5[%add3A_282] : memref<139264xi32, #tpu.memory_space<hbm>> -> memref<272xi32, #tpu.memory_space<hbm>>
    %dma_start3A_287 = arith.constant 1088 : i32
    %dma_start3A_288 = tpu.memref_slice %arg16[%dma_start3A_287] : memref<4352xi32, #tpu.memory_space<vmem>> -> memref<272xi32, #tpu.memory_space<vmem>>
    tpu.enqueue_dma source(%dma_start3A_288 : memref<272xi32, #tpu.memory_space<vmem>>) target(%dma_start3A_286 : memref<272xi32, #tpu.memory_space<hbm>>) target_semaphore(%arg22 : memref<!tpu.dma_semaphore, #tpu.memory_space<semaphore_mem>>)
    %dma_start3A_289 = arith.constant 1088 : i32
    %dma_start3A_290 = tpu.memref_slice %arg17[%dma_start3A_289] : memref<4352xf32, #tpu.memory_space<vmem>> -> memref<272xf32, #tpu.memory_space<vmem>>
    %dma_start3A_291 = tpu.memref_slice %arg6[%add3A_282] : memref<139264xf32, #tpu.memory_space<hbm>> -> memref<272xf32, #tpu.memory_space<hbm>>
    %dma_start3A_292 = tpu.memref_slice %arg6[%add3A_282] : memref<139264xf32, #tpu.memory_space<hbm>> -> memref<272xf32, #tpu.memory_space<hbm>>
    %dma_start3A_293 = arith.constant 1088 : i32
    %dma_start3A_294 = tpu.memref_slice %arg17[%dma_start3A_293] : memref<4352xf32, #tpu.memory_space<vmem>> -> memref<272xf32, #tpu.memory_space<vmem>>
    tpu.enqueue_dma source(%dma_start3A_294 : memref<272xf32, #tpu.memory_space<vmem>>) target(%dma_start3A_292 : memref<272xf32, #tpu.memory_space<hbm>>) target_semaphore(%arg22 : memref<!tpu.dma_semaphore, #tpu.memory_space<semaphore_mem>>)
    %add3A_295 = arith.constant 34816 : i32
    %add3A_296 = arith.addi %add3A_295, %mul3A_2 : i32
    %dma_start3A_297 = arith.constant 1088 : i32
    %dma_start3A_298 = tpu.memref_slice %arg18[%dma_start3A_297] : memref<4352xf32, #tpu.memory_space<vmem>> -> memref<272xf32, #tpu.memory_space<vmem>>
    %dma_start3A_299 = tpu.memref_slice %arg7[%add3A_296] : memref<557056xf32, #tpu.memory_space<hbm>> -> memref<272xf32, #tpu.memory_space<hbm>>
    %dma_start3A_300 = tpu.memref_slice %arg7[%add3A_296] : memref<557056xf32, #tpu.memory_space<hbm>> -> memref<272xf32, #tpu.memory_space<hbm>>
    %dma_start3A_301 = arith.constant 1088 : i32
    %dma_start3A_302 = tpu.memref_slice %arg18[%dma_start3A_301] : memref<4352xf32, #tpu.memory_space<vmem>> -> memref<272xf32, #tpu.memory_space<vmem>>
    tpu.enqueue_dma source(%dma_start3A_302 : memref<272xf32, #tpu.memory_space<vmem>>) target(%dma_start3A_300 : memref<272xf32, #tpu.memory_space<hbm>>) target_semaphore(%arg22 : memref<!tpu.dma_semaphore, #tpu.memory_space<semaphore_mem>>)
    %add3A_303 = arith.constant 174080 : i32
    %add3A_304 = arith.addi %add3A_303, %mul3A_2 : i32
    %dma_start3A_305 = arith.constant 1088 : i32
    %dma_start3A_306 = tpu.memref_slice %arg19[%dma_start3A_305] : memref<4352xf32, #tpu.memory_space<vmem>> -> memref<272xf32, #tpu.memory_space<vmem>>
    %dma_start3A_307 = tpu.memref_slice %arg7[%add3A_304] : memref<557056xf32, #tpu.memory_space<hbm>> -> memref<272xf32, #tpu.memory_space<hbm>>
    %dma_start3A_308 = tpu.memref_slice %arg7[%add3A_304] : memref<557056xf32, #tpu.memory_space<hbm>> -> memref<272xf32, #tpu.memory_space<hbm>>
    %dma_start3A_309 = arith.constant 1088 : i32
    %dma_start3A_310 = tpu.memref_slice %arg19[%dma_start3A_309] : memref<4352xf32, #tpu.memory_space<vmem>> -> memref<272xf32, #tpu.memory_space<vmem>>
    tpu.enqueue_dma source(%dma_start3A_310 : memref<272xf32, #tpu.memory_space<vmem>>) target(%dma_start3A_308 : memref<272xf32, #tpu.memory_space<hbm>>) target_semaphore(%arg22 : memref<!tpu.dma_semaphore, #tpu.memory_space<semaphore_mem>>)
    %add3A_311 = arith.constant 313344 : i32
    %add3A_312 = arith.addi %add3A_311, %mul3A_2 : i32
    %dma_start3A_313 = arith.constant 1088 : i32
    %dma_start3A_314 = tpu.memref_slice %arg20[%dma_start3A_313] : memref<4352xf32, #tpu.memory_space<vmem>> -> memref<272xf32, #tpu.memory_space<vmem>>
    %dma_start3A_315 = tpu.memref_slice %arg7[%add3A_312] : memref<557056xf32, #tpu.memory_space<hbm>> -> memref<272xf32, #tpu.memory_space<hbm>>
    %dma_start3A_316 = tpu.memref_slice %arg7[%add3A_312] : memref<557056xf32, #tpu.memory_space<hbm>> -> memref<272xf32, #tpu.memory_space<hbm>>
    %dma_start3A_317 = arith.constant 1088 : i32
    %dma_start3A_318 = tpu.memref_slice %arg20[%dma_start3A_317] : memref<4352xf32, #tpu.memory_space<vmem>> -> memref<272xf32, #tpu.memory_space<vmem>>
    tpu.enqueue_dma source(%dma_start3A_318 : memref<272xf32, #tpu.memory_space<vmem>>) target(%dma_start3A_316 : memref<272xf32, #tpu.memory_space<hbm>>) target_semaphore(%arg22 : memref<!tpu.dma_semaphore, #tpu.memory_space<semaphore_mem>>)
    %add3A_319 = arith.constant 452608 : i32
    %add3A_320 = arith.addi %add3A_319, %mul3A_2 : i32
    %dma_start3A_321 = arith.constant 1088 : i32
    %dma_start3A_322 = tpu.memref_slice %arg21[%dma_start3A_321] : memref<4352xf32, #tpu.memory_space<vmem>> -> memref<272xf32, #tpu.memory_space<vmem>>
    %dma_start3A_323 = tpu.memref_slice %arg7[%add3A_320] : memref<557056xf32, #tpu.memory_space<hbm>> -> memref<272xf32, #tpu.memory_space<hbm>>
    %dma_start3A_324 = tpu.memref_slice %arg7[%add3A_320] : memref<557056xf32, #tpu.memory_space<hbm>> -> memref<272xf32, #tpu.memory_space<hbm>>
    %dma_start3A_325 = arith.constant 1088 : i32
    %dma_start3A_326 = tpu.memref_slice %arg21[%dma_start3A_325] : memref<4352xf32, #tpu.memory_space<vmem>> -> memref<272xf32, #tpu.memory_space<vmem>>
    tpu.enqueue_dma source(%dma_start3A_326 : memref<272xf32, #tpu.memory_space<vmem>>) target(%dma_start3A_324 : memref<272xf32, #tpu.memory_space<hbm>>) target_semaphore(%arg22 : memref<!tpu.dma_semaphore, #tpu.memory_space<semaphore_mem>>)
    %add3A_327 = arith.constant 43520 : i32
    %add3A_328 = arith.addi %add3A_327, %mul3A_2 : i32
    %dma_start3A_329 = arith.constant 1360 : i32
    %dma_start3A_330 = tpu.memref_slice %arg16[%dma_start3A_329] : memref<4352xi32, #tpu.memory_space<vmem>> -> memref<272xi32, #tpu.memory_space<vmem>>
    %dma_start3A_331 = tpu.memref_slice %arg5[%add3A_328] : memref<139264xi32, #tpu.memory_space<hbm>> -> memref<272xi32, #tpu.memory_space<hbm>>
    %dma_start3A_332 = tpu.memref_slice %arg5[%add3A_328] : memref<139264xi32, #tpu.memory_space<hbm>> -> memref<272xi32, #tpu.memory_space<hbm>>
    %dma_start3A_333 = arith.constant 1360 : i32
    %dma_start3A_334 = tpu.memref_slice %arg16[%dma_start3A_333] : memref<4352xi32, #tpu.memory_space<vmem>> -> memref<272xi32, #tpu.memory_space<vmem>>
    tpu.enqueue_dma source(%dma_start3A_334 : memref<272xi32, #tpu.memory_space<vmem>>) target(%dma_start3A_332 : memref<272xi32, #tpu.memory_space<hbm>>) target_semaphore(%arg22 : memref<!tpu.dma_semaphore, #tpu.memory_space<semaphore_mem>>)
    %dma_start3A_335 = arith.constant 1360 : i32
    %dma_start3A_336 = tpu.memref_slice %arg17[%dma_start3A_335] : memref<4352xf32, #tpu.memory_space<vmem>> -> memref<272xf32, #tpu.memory_space<vmem>>
    %dma_start3A_337 = tpu.memref_slice %arg6[%add3A_328] : memref<139264xf32, #tpu.memory_space<hbm>> -> memref<272xf32, #tpu.memory_space<hbm>>
    %dma_start3A_338 = tpu.memref_slice %arg6[%add3A_328] : memref<139264xf32, #tpu.memory_space<hbm>> -> memref<272xf32, #tpu.memory_space<hbm>>
    %dma_start3A_339 = arith.constant 1360 : i32
    %dma_start3A_340 = tpu.memref_slice %arg17[%dma_start3A_339] : memref<4352xf32, #tpu.memory_space<vmem>> -> memref<272xf32, #tpu.memory_space<vmem>>
    tpu.enqueue_dma source(%dma_start3A_340 : memref<272xf32, #tpu.memory_space<vmem>>) target(%dma_start3A_338 : memref<272xf32, #tpu.memory_space<hbm>>) target_semaphore(%arg22 : memref<!tpu.dma_semaphore, #tpu.memory_space<semaphore_mem>>)
    %add3A_341 = arith.constant 43520 : i32
    %add3A_342 = arith.addi %add3A_341, %mul3A_2 : i32
    %dma_start3A_343 = arith.constant 1360 : i32
    %dma_start3A_344 = tpu.memref_slice %arg18[%dma_start3A_343] : memref<4352xf32, #tpu.memory_space<vmem>> -> memref<272xf32, #tpu.memory_space<vmem>>
    %dma_start3A_345 = tpu.memref_slice %arg7[%add3A_342] : memref<557056xf32, #tpu.memory_space<hbm>> -> memref<272xf32, #tpu.memory_space<hbm>>
    %dma_start3A_346 = tpu.memref_slice %arg7[%add3A_342] : memref<557056xf32, #tpu.memory_space<hbm>> -> memref<272xf32, #tpu.memory_space<hbm>>
    %dma_start3A_347 = arith.constant 1360 : i32
    %dma_start3A_348 = tpu.memref_slice %arg18[%dma_start3A_347] : memref<4352xf32, #tpu.memory_space<vmem>> -> memref<272xf32, #tpu.memory_space<vmem>>
    tpu.enqueue_dma source(%dma_start3A_348 : memref<272xf32, #tpu.memory_space<vmem>>) target(%dma_start3A_346 : memref<272xf32, #tpu.memory_space<hbm>>) target_semaphore(%arg22 : memref<!tpu.dma_semaphore, #tpu.memory_space<semaphore_mem>>)
    %add3A_349 = arith.constant 182784 : i32
    %add3A_350 = arith.addi %add3A_349, %mul3A_2 : i32
    %dma_start3A_351 = arith.constant 1360 : i32
    %dma_start3A_352 = tpu.memref_slice %arg19[%dma_start3A_351] : memref<4352xf32, #tpu.memory_space<vmem>> -> memref<272xf32, #tpu.memory_space<vmem>>
    %dma_start3A_353 = tpu.memref_slice %arg7[%add3A_350] : memref<557056xf32, #tpu.memory_space<hbm>> -> memref<272xf32, #tpu.memory_space<hbm>>
    %dma_start3A_354 = tpu.memref_slice %arg7[%add3A_350] : memref<557056xf32, #tpu.memory_space<hbm>> -> memref<272xf32, #tpu.memory_space<hbm>>
    %dma_start3A_355 = arith.constant 1360 : i32
    %dma_start3A_356 = tpu.memref_slice %arg19[%dma_start3A_355] : memref<4352xf32, #tpu.memory_space<vmem>> -> memref<272xf32, #tpu.memory_space<vmem>>
    tpu.enqueue_dma source(%dma_start3A_356 : memref<272xf32, #tpu.memory_space<vmem>>) target(%dma_start3A_354 : memref<272xf32, #tpu.memory_space<hbm>>) target_semaphore(%arg22 : memref<!tpu.dma_semaphore, #tpu.memory_space<semaphore_mem>>)
    %add3A_357 = arith.constant 322048 : i32
    %add3A_358 = arith.addi %add3A_357, %mul3A_2 : i32
    %dma_start3A_359 = arith.constant 1360 : i32
    %dma_start3A_360 = tpu.memref_slice %arg20[%dma_start3A_359] : memref<4352xf32, #tpu.memory_space<vmem>> -> memref<272xf32, #tpu.memory_space<vmem>>
    %dma_start3A_361 = tpu.memref_slice %arg7[%add3A_358] : memref<557056xf32, #tpu.memory_space<hbm>> -> memref<272xf32, #tpu.memory_space<hbm>>
    %dma_start3A_362 = tpu.memref_slice %arg7[%add3A_358] : memref<557056xf32, #tpu.memory_space<hbm>> -> memref<272xf32, #tpu.memory_space<hbm>>
    %dma_start3A_363 = arith.constant 1360 : i32
    %dma_start3A_364 = tpu.memref_slice %arg20[%dma_start3A_363] : memref<4352xf32, #tpu.memory_space<vmem>> -> memref<272xf32, #tpu.memory_space<vmem>>
    tpu.enqueue_dma source(%dma_start3A_364 : memref<272xf32, #tpu.memory_space<vmem>>) target(%dma_start3A_362 : memref<272xf32, #tpu.memory_space<hbm>>) target_semaphore(%arg22 : memref<!tpu.dma_semaphore, #tpu.memory_space<semaphore_mem>>)
    %add3A_365 = arith.constant 461312 : i32
    %add3A_366 = arith.addi %add3A_365, %mul3A_2 : i32
    %dma_start3A_367 = arith.constant 1360 : i32
    %dma_start3A_368 = tpu.memref_slice %arg21[%dma_start3A_367] : memref<4352xf32, #tpu.memory_space<vmem>> -> memref<272xf32, #tpu.memory_space<vmem>>
    %dma_start3A_369 = tpu.memref_slice %arg7[%add3A_366] : memref<557056xf32, #tpu.memory_space<hbm>> -> memref<272xf32, #tpu.memory_space<hbm>>
    %dma_start3A_370 = tpu.memref_slice %arg7[%add3A_366] : memref<557056xf32, #tpu.memory_space<hbm>> -> memref<272xf32, #tpu.memory_space<hbm>>
    %dma_start3A_371 = arith.constant 1360 : i32
    %dma_start3A_372 = tpu.memref_slice %arg21[%dma_start3A_371] : memref<4352xf32, #tpu.memory_space<vmem>> -> memref<272xf32, #tpu.memory_space<vmem>>
    tpu.enqueue_dma source(%dma_start3A_372 : memref<272xf32, #tpu.memory_space<vmem>>) target(%dma_start3A_370 : memref<272xf32, #tpu.memory_space<hbm>>) target_semaphore(%arg22 : memref<!tpu.dma_semaphore, #tpu.memory_space<semaphore_mem>>)
    %add3A_373 = arith.constant 52224 : i32
    %add3A_374 = arith.addi %add3A_373, %mul3A_2 : i32
    %dma_start3A_375 = arith.constant 1632 : i32
    %dma_start3A_376 = tpu.memref_slice %arg16[%dma_start3A_375] : memref<4352xi32, #tpu.memory_space<vmem>> -> memref<272xi32, #tpu.memory_space<vmem>>
    %dma_start3A_377 = tpu.memref_slice %arg5[%add3A_374] : memref<139264xi32, #tpu.memory_space<hbm>> -> memref<272xi32, #tpu.memory_space<hbm>>
    %dma_start3A_378 = tpu.memref_slice %arg5[%add3A_374] : memref<139264xi32, #tpu.memory_space<hbm>> -> memref<272xi32, #tpu.memory_space<hbm>>
    %dma_start3A_379 = arith.constant 1632 : i32
    %dma_start3A_380 = tpu.memref_slice %arg16[%dma_start3A_379] : memref<4352xi32, #tpu.memory_space<vmem>> -> memref<272xi32, #tpu.memory_space<vmem>>
    tpu.enqueue_dma source(%dma_start3A_380 : memref<272xi32, #tpu.memory_space<vmem>>) target(%dma_start3A_378 : memref<272xi32, #tpu.memory_space<hbm>>) target_semaphore(%arg22 : memref<!tpu.dma_semaphore, #tpu.memory_space<semaphore_mem>>)
    %dma_start3A_381 = arith.constant 1632 : i32
    %dma_start3A_382 = tpu.memref_slice %arg17[%dma_start3A_381] : memref<4352xf32, #tpu.memory_space<vmem>> -> memref<272xf32, #tpu.memory_space<vmem>>
    %dma_start3A_383 = tpu.memref_slice %arg6[%add3A_374] : memref<139264xf32, #tpu.memory_space<hbm>> -> memref<272xf32, #tpu.memory_space<hbm>>
    %dma_start3A_384 = tpu.memref_slice %arg6[%add3A_374] : memref<139264xf32, #tpu.memory_space<hbm>> -> memref<272xf32, #tpu.memory_space<hbm>>
    %dma_start3A_385 = arith.constant 1632 : i32
    %dma_start3A_386 = tpu.memref_slice %arg17[%dma_start3A_385] : memref<4352xf32, #tpu.memory_space<vmem>> -> memref<272xf32, #tpu.memory_space<vmem>>
    tpu.enqueue_dma source(%dma_start3A_386 : memref<272xf32, #tpu.memory_space<vmem>>) target(%dma_start3A_384 : memref<272xf32, #tpu.memory_space<hbm>>) target_semaphore(%arg22 : memref<!tpu.dma_semaphore, #tpu.memory_space<semaphore_mem>>)
    %add3A_387 = arith.constant 52224 : i32
    %add3A_388 = arith.addi %add3A_387, %mul3A_2 : i32
    %dma_start3A_389 = arith.constant 1632 : i32
    %dma_start3A_390 = tpu.memref_slice %arg18[%dma_start3A_389] : memref<4352xf32, #tpu.memory_space<vmem>> -> memref<272xf32, #tpu.memory_space<vmem>>
    %dma_start3A_391 = tpu.memref_slice %arg7[%add3A_388] : memref<557056xf32, #tpu.memory_space<hbm>> -> memref<272xf32, #tpu.memory_space<hbm>>
    %dma_start3A_392 = tpu.memref_slice %arg7[%add3A_388] : memref<557056xf32, #tpu.memory_space<hbm>> -> memref<272xf32, #tpu.memory_space<hbm>>
    %dma_start3A_393 = arith.constant 1632 : i32
    %dma_start3A_394 = tpu.memref_slice %arg18[%dma_start3A_393] : memref<4352xf32, #tpu.memory_space<vmem>> -> memref<272xf32, #tpu.memory_space<vmem>>
    tpu.enqueue_dma source(%dma_start3A_394 : memref<272xf32, #tpu.memory_space<vmem>>) target(%dma_start3A_392 : memref<272xf32, #tpu.memory_space<hbm>>) target_semaphore(%arg22 : memref<!tpu.dma_semaphore, #tpu.memory_space<semaphore_mem>>)
    %add3A_395 = arith.constant 191488 : i32
    %add3A_396 = arith.addi %add3A_395, %mul3A_2 : i32
    %dma_start3A_397 = arith.constant 1632 : i32
    %dma_start3A_398 = tpu.memref_slice %arg19[%dma_start3A_397] : memref<4352xf32, #tpu.memory_space<vmem>> -> memref<272xf32, #tpu.memory_space<vmem>>
    %dma_start3A_399 = tpu.memref_slice %arg7[%add3A_396] : memref<557056xf32, #tpu.memory_space<hbm>> -> memref<272xf32, #tpu.memory_space<hbm>>
    %dma_start3A_400 = tpu.memref_slice %arg7[%add3A_396] : memref<557056xf32, #tpu.memory_space<hbm>> -> memref<272xf32, #tpu.memory_space<hbm>>
    %dma_start3A_401 = arith.constant 1632 : i32
    %dma_start3A_402 = tpu.memref_slice %arg19[%dma_start3A_401] : memref<4352xf32, #tpu.memory_space<vmem>> -> memref<272xf32, #tpu.memory_space<vmem>>
    tpu.enqueue_dma source(%dma_start3A_402 : memref<272xf32, #tpu.memory_space<vmem>>) target(%dma_start3A_400 : memref<272xf32, #tpu.memory_space<hbm>>) target_semaphore(%arg22 : memref<!tpu.dma_semaphore, #tpu.memory_space<semaphore_mem>>)
    %add3A_403 = arith.constant 330752 : i32
    %add3A_404 = arith.addi %add3A_403, %mul3A_2 : i32
    %dma_start3A_405 = arith.constant 1632 : i32
    %dma_start3A_406 = tpu.memref_slice %arg20[%dma_start3A_405] : memref<4352xf32, #tpu.memory_space<vmem>> -> memref<272xf32, #tpu.memory_space<vmem>>
    %dma_start3A_407 = tpu.memref_slice %arg7[%add3A_404] : memref<557056xf32, #tpu.memory_space<hbm>> -> memref<272xf32, #tpu.memory_space<hbm>>
    %dma_start3A_408 = tpu.memref_slice %arg7[%add3A_404] : memref<557056xf32, #tpu.memory_space<hbm>> -> memref<272xf32, #tpu.memory_space<hbm>>
    %dma_start3A_409 = arith.constant 1632 : i32
    %dma_start3A_410 = tpu.memref_slice %arg20[%dma_start3A_409] : memref<4352xf32, #tpu.memory_space<vmem>> -> memref<272xf32, #tpu.memory_space<vmem>>
    tpu.enqueue_dma source(%dma_start3A_410 : memref<272xf32, #tpu.memory_space<vmem>>) target(%dma_start3A_408 : memref<272xf32, #tpu.memory_space<hbm>>) target_semaphore(%arg22 : memref<!tpu.dma_semaphore, #tpu.memory_space<semaphore_mem>>)
    %add3A_411 = arith.constant 470016 : i32
    %add3A_412 = arith.addi %add3A_411, %mul3A_2 : i32
    %dma_start3A_413 = arith.constant 1632 : i32
    %dma_start3A_414 = tpu.memref_slice %arg21[%dma_start3A_413] : memref<4352xf32, #tpu.memory_space<vmem>> -> memref<272xf32, #tpu.memory_space<vmem>>
    %dma_start3A_415 = tpu.memref_slice %arg7[%add3A_412] : memref<557056xf32, #tpu.memory_space<hbm>> -> memref<272xf32, #tpu.memory_space<hbm>>
    %dma_start3A_416 = tpu.memref_slice %arg7[%add3A_412] : memref<557056xf32, #tpu.memory_space<hbm>> -> memref<272xf32, #tpu.memory_space<hbm>>
    %dma_start3A_417 = arith.constant 1632 : i32
    %dma_start3A_418 = tpu.memref_slice %arg21[%dma_start3A_417] : memref<4352xf32, #tpu.memory_space<vmem>> -> memref<272xf32, #tpu.memory_space<vmem>>
    tpu.enqueue_dma source(%dma_start3A_418 : memref<272xf32, #tpu.memory_space<vmem>>) target(%dma_start3A_416 : memref<272xf32, #tpu.memory_space<hbm>>) target_semaphore(%arg22 : memref<!tpu.dma_semaphore, #tpu.memory_space<semaphore_mem>>)
    %add3A_419 = arith.constant 60928 : i32
    %add3A_420 = arith.addi %add3A_419, %mul3A_2 : i32
    %dma_start3A_421 = arith.constant 1904 : i32
    %dma_start3A_422 = tpu.memref_slice %arg16[%dma_start3A_421] : memref<4352xi32, #tpu.memory_space<vmem>> -> memref<272xi32, #tpu.memory_space<vmem>>
    %dma_start3A_423 = tpu.memref_slice %arg5[%add3A_420] : memref<139264xi32, #tpu.memory_space<hbm>> -> memref<272xi32, #tpu.memory_space<hbm>>
    %dma_start3A_424 = tpu.memref_slice %arg5[%add3A_420] : memref<139264xi32, #tpu.memory_space<hbm>> -> memref<272xi32, #tpu.memory_space<hbm>>
    %dma_start3A_425 = arith.constant 1904 : i32
    %dma_start3A_426 = tpu.memref_slice %arg16[%dma_start3A_425] : memref<4352xi32, #tpu.memory_space<vmem>> -> memref<272xi32, #tpu.memory_space<vmem>>
    tpu.enqueue_dma source(%dma_start3A_426 : memref<272xi32, #tpu.memory_space<vmem>>) target(%dma_start3A_424 : memref<272xi32, #tpu.memory_space<hbm>>) target_semaphore(%arg22 : memref<!tpu.dma_semaphore, #tpu.memory_space<semaphore_mem>>)
    %dma_start3A_427 = arith.constant 1904 : i32
    %dma_start3A_428 = tpu.memref_slice %arg17[%dma_start3A_427] : memref<4352xf32, #tpu.memory_space<vmem>> -> memref<272xf32, #tpu.memory_space<vmem>>
    %dma_start3A_429 = tpu.memref_slice %arg6[%add3A_420] : memref<139264xf32, #tpu.memory_space<hbm>> -> memref<272xf32, #tpu.memory_space<hbm>>
    %dma_start3A_430 = tpu.memref_slice %arg6[%add3A_420] : memref<139264xf32, #tpu.memory_space<hbm>> -> memref<272xf32, #tpu.memory_space<hbm>>
    %dma_start3A_431 = arith.constant 1904 : i32
    %dma_start3A_432 = tpu.memref_slice %arg17[%dma_start3A_431] : memref<4352xf32, #tpu.memory_space<vmem>> -> memref<272xf32, #tpu.memory_space<vmem>>
    tpu.enqueue_dma source(%dma_start3A_432 : memref<272xf32, #tpu.memory_space<vmem>>) target(%dma_start3A_430 : memref<272xf32, #tpu.memory_space<hbm>>) target_semaphore(%arg22 : memref<!tpu.dma_semaphore, #tpu.memory_space<semaphore_mem>>)
    %add3A_433 = arith.constant 60928 : i32
    %add3A_434 = arith.addi %add3A_433, %mul3A_2 : i32
    %dma_start3A_435 = arith.constant 1904 : i32
    %dma_start3A_436 = tpu.memref_slice %arg18[%dma_start3A_435] : memref<4352xf32, #tpu.memory_space<vmem>> -> memref<272xf32, #tpu.memory_space<vmem>>
    %dma_start3A_437 = tpu.memref_slice %arg7[%add3A_434] : memref<557056xf32, #tpu.memory_space<hbm>> -> memref<272xf32, #tpu.memory_space<hbm>>
    %dma_start3A_438 = tpu.memref_slice %arg7[%add3A_434] : memref<557056xf32, #tpu.memory_space<hbm>> -> memref<272xf32, #tpu.memory_space<hbm>>
    %dma_start3A_439 = arith.constant 1904 : i32
    %dma_start3A_440 = tpu.memref_slice %arg18[%dma_start3A_439] : memref<4352xf32, #tpu.memory_space<vmem>> -> memref<272xf32, #tpu.memory_space<vmem>>
    tpu.enqueue_dma source(%dma_start3A_440 : memref<272xf32, #tpu.memory_space<vmem>>) target(%dma_start3A_438 : memref<272xf32, #tpu.memory_space<hbm>>) target_semaphore(%arg22 : memref<!tpu.dma_semaphore, #tpu.memory_space<semaphore_mem>>)
    %add3A_441 = arith.constant 200192 : i32
    %add3A_442 = arith.addi %add3A_441, %mul3A_2 : i32
    %dma_start3A_443 = arith.constant 1904 : i32
    %dma_start3A_444 = tpu.memref_slice %arg19[%dma_start3A_443] : memref<4352xf32, #tpu.memory_space<vmem>> -> memref<272xf32, #tpu.memory_space<vmem>>
    %dma_start3A_445 = tpu.memref_slice %arg7[%add3A_442] : memref<557056xf32, #tpu.memory_space<hbm>> -> memref<272xf32, #tpu.memory_space<hbm>>
    %dma_start3A_446 = tpu.memref_slice %arg7[%add3A_442] : memref<557056xf32, #tpu.memory_space<hbm>> -> memref<272xf32, #tpu.memory_space<hbm>>
    %dma_start3A_447 = arith.constant 1904 : i32
    %dma_start3A_448 = tpu.memref_slice %arg19[%dma_start3A_447] : memref<4352xf32, #tpu.memory_space<vmem>> -> memref<272xf32, #tpu.memory_space<vmem>>
    tpu.enqueue_dma source(%dma_start3A_448 : memref<272xf32, #tpu.memory_space<vmem>>) target(%dma_start3A_446 : memref<272xf32, #tpu.memory_space<hbm>>) target_semaphore(%arg22 : memref<!tpu.dma_semaphore, #tpu.memory_space<semaphore_mem>>)
    %add3A_449 = arith.constant 339456 : i32
    %add3A_450 = arith.addi %add3A_449, %mul3A_2 : i32
    %dma_start3A_451 = arith.constant 1904 : i32
    %dma_start3A_452 = tpu.memref_slice %arg20[%dma_start3A_451] : memref<4352xf32, #tpu.memory_space<vmem>> -> memref<272xf32, #tpu.memory_space<vmem>>
    %dma_start3A_453 = tpu.memref_slice %arg7[%add3A_450] : memref<557056xf32, #tpu.memory_space<hbm>> -> memref<272xf32, #tpu.memory_space<hbm>>
    %dma_start3A_454 = tpu.memref_slice %arg7[%add3A_450] : memref<557056xf32, #tpu.memory_space<hbm>> -> memref<272xf32, #tpu.memory_space<hbm>>
    %dma_start3A_455 = arith.constant 1904 : i32
    %dma_start3A_456 = tpu.memref_slice %arg20[%dma_start3A_455] : memref<4352xf32, #tpu.memory_space<vmem>> -> memref<272xf32, #tpu.memory_space<vmem>>
    tpu.enqueue_dma source(%dma_start3A_456 : memref<272xf32, #tpu.memory_space<vmem>>) target(%dma_start3A_454 : memref<272xf32, #tpu.memory_space<hbm>>) target_semaphore(%arg22 : memref<!tpu.dma_semaphore, #tpu.memory_space<semaphore_mem>>)
    %add3A_457 = arith.constant 478720 : i32
    %add3A_458 = arith.addi %add3A_457, %mul3A_2 : i32
    %dma_start3A_459 = arith.constant 1904 : i32
    %dma_start3A_460 = tpu.memref_slice %arg21[%dma_start3A_459] : memref<4352xf32, #tpu.memory_space<vmem>> -> memref<272xf32, #tpu.memory_space<vmem>>
    %dma_start3A_461 = tpu.memref_slice %arg7[%add3A_458] : memref<557056xf32, #tpu.memory_space<hbm>> -> memref<272xf32, #tpu.memory_space<hbm>>
    %dma_start3A_462 = tpu.memref_slice %arg7[%add3A_458] : memref<557056xf32, #tpu.memory_space<hbm>> -> memref<272xf32, #tpu.memory_space<hbm>>
    %dma_start3A_463 = arith.constant 1904 : i32
    %dma_start3A_464 = tpu.memref_slice %arg21[%dma_start3A_463] : memref<4352xf32, #tpu.memory_space<vmem>> -> memref<272xf32, #tpu.memory_space<vmem>>
    tpu.enqueue_dma source(%dma_start3A_464 : memref<272xf32, #tpu.memory_space<vmem>>) target(%dma_start3A_462 : memref<272xf32, #tpu.memory_space<hbm>>) target_semaphore(%arg22 : memref<!tpu.dma_semaphore, #tpu.memory_space<semaphore_mem>>)
    %add3A_465 = arith.constant 69632 : i32
    %add3A_466 = arith.addi %add3A_465, %mul3A_2 : i32
    %dma_start3A_467 = arith.constant 2176 : i32
    %dma_start3A_468 = tpu.memref_slice %arg16[%dma_start3A_467] : memref<4352xi32, #tpu.memory_space<vmem>> -> memref<272xi32, #tpu.memory_space<vmem>>
    %dma_start3A_469 = tpu.memref_slice %arg5[%add3A_466] : memref<139264xi32, #tpu.memory_space<hbm>> -> memref<272xi32, #tpu.memory_space<hbm>>
    %dma_start3A_470 = tpu.memref_slice %arg5[%add3A_466] : memref<139264xi32, #tpu.memory_space<hbm>> -> memref<272xi32, #tpu.memory_space<hbm>>
    %dma_start3A_471 = arith.constant 2176 : i32
    %dma_start3A_472 = tpu.memref_slice %arg16[%dma_start3A_471] : memref<4352xi32, #tpu.memory_space<vmem>> -> memref<272xi32, #tpu.memory_space<vmem>>
    tpu.enqueue_dma source(%dma_start3A_472 : memref<272xi32, #tpu.memory_space<vmem>>) target(%dma_start3A_470 : memref<272xi32, #tpu.memory_space<hbm>>) target_semaphore(%arg22 : memref<!tpu.dma_semaphore, #tpu.memory_space<semaphore_mem>>)
    %dma_start3A_473 = arith.constant 2176 : i32
    %dma_start3A_474 = tpu.memref_slice %arg17[%dma_start3A_473] : memref<4352xf32, #tpu.memory_space<vmem>> -> memref<272xf32, #tpu.memory_space<vmem>>
    %dma_start3A_475 = tpu.memref_slice %arg6[%add3A_466] : memref<139264xf32, #tpu.memory_space<hbm>> -> memref<272xf32, #tpu.memory_space<hbm>>
    %dma_start3A_476 = tpu.memref_slice %arg6[%add3A_466] : memref<139264xf32, #tpu.memory_space<hbm>> -> memref<272xf32, #tpu.memory_space<hbm>>
    %dma_start3A_477 = arith.constant 2176 : i32
    %dma_start3A_478 = tpu.memref_slice %arg17[%dma_start3A_477] : memref<4352xf32, #tpu.memory_space<vmem>> -> memref<272xf32, #tpu.memory_space<vmem>>
    tpu.enqueue_dma source(%dma_start3A_478 : memref<272xf32, #tpu.memory_space<vmem>>) target(%dma_start3A_476 : memref<272xf32, #tpu.memory_space<hbm>>) target_semaphore(%arg22 : memref<!tpu.dma_semaphore, #tpu.memory_space<semaphore_mem>>)
    %add3A_479 = arith.constant 69632 : i32
    %add3A_480 = arith.addi %add3A_479, %mul3A_2 : i32
    %dma_start3A_481 = arith.constant 2176 : i32
    %dma_start3A_482 = tpu.memref_slice %arg18[%dma_start3A_481] : memref<4352xf32, #tpu.memory_space<vmem>> -> memref<272xf32, #tpu.memory_space<vmem>>
    %dma_start3A_483 = tpu.memref_slice %arg7[%add3A_480] : memref<557056xf32, #tpu.memory_space<hbm>> -> memref<272xf32, #tpu.memory_space<hbm>>
    %dma_start3A_484 = tpu.memref_slice %arg7[%add3A_480] : memref<557056xf32, #tpu.memory_space<hbm>> -> memref<272xf32, #tpu.memory_space<hbm>>
    %dma_start3A_485 = arith.constant 2176 : i32
    %dma_start3A_486 = tpu.memref_slice %arg18[%dma_start3A_485] : memref<4352xf32, #tpu.memory_space<vmem>> -> memref<272xf32, #tpu.memory_space<vmem>>
    tpu.enqueue_dma source(%dma_start3A_486 : memref<272xf32, #tpu.memory_space<vmem>>) target(%dma_start3A_484 : memref<272xf32, #tpu.memory_space<hbm>>) target_semaphore(%arg22 : memref<!tpu.dma_semaphore, #tpu.memory_space<semaphore_mem>>)
    %add3A_487 = arith.constant 208896 : i32
    %add3A_488 = arith.addi %add3A_487, %mul3A_2 : i32
    %dma_start3A_489 = arith.constant 2176 : i32
    %dma_start3A_490 = tpu.memref_slice %arg19[%dma_start3A_489] : memref<4352xf32, #tpu.memory_space<vmem>> -> memref<272xf32, #tpu.memory_space<vmem>>
    %dma_start3A_491 = tpu.memref_slice %arg7[%add3A_488] : memref<557056xf32, #tpu.memory_space<hbm>> -> memref<272xf32, #tpu.memory_space<hbm>>
    %dma_start3A_492 = tpu.memref_slice %arg7[%add3A_488] : memref<557056xf32, #tpu.memory_space<hbm>> -> memref<272xf32, #tpu.memory_space<hbm>>
    %dma_start3A_493 = arith.constant 2176 : i32
    %dma_start3A_494 = tpu.memref_slice %arg19[%dma_start3A_493] : memref<4352xf32, #tpu.memory_space<vmem>> -> memref<272xf32, #tpu.memory_space<vmem>>
    tpu.enqueue_dma source(%dma_start3A_494 : memref<272xf32, #tpu.memory_space<vmem>>) target(%dma_start3A_492 : memref<272xf32, #tpu.memory_space<hbm>>) target_semaphore(%arg22 : memref<!tpu.dma_semaphore, #tpu.memory_space<semaphore_mem>>)
    %add3A_495 = arith.constant 348160 : i32
    %add3A_496 = arith.addi %add3A_495, %mul3A_2 : i32
    %dma_start3A_497 = arith.constant 2176 : i32
    %dma_start3A_498 = tpu.memref_slice %arg20[%dma_start3A_497] : memref<4352xf32, #tpu.memory_space<vmem>> -> memref<272xf32, #tpu.memory_space<vmem>>
    %dma_start3A_499 = tpu.memref_slice %arg7[%add3A_496] : memref<557056xf32, #tpu.memory_space<hbm>> -> memref<272xf32, #tpu.memory_space<hbm>>
    %dma_start3A_500 = tpu.memref_slice %arg7[%add3A_496] : memref<557056xf32, #tpu.memory_space<hbm>> -> memref<272xf32, #tpu.memory_space<hbm>>
    %dma_start3A_501 = arith.constant 2176 : i32
    %dma_start3A_502 = tpu.memref_slice %arg20[%dma_start3A_501] : memref<4352xf32, #tpu.memory_space<vmem>> -> memref<272xf32, #tpu.memory_space<vmem>>
    tpu.enqueue_dma source(%dma_start3A_502 : memref<272xf32, #tpu.memory_space<vmem>>) target(%dma_start3A_500 : memref<272xf32, #tpu.memory_space<hbm>>) target_semaphore(%arg22 : memref<!tpu.dma_semaphore, #tpu.memory_space<semaphore_mem>>)
    %add3A_503 = arith.constant 487424 : i32
    %add3A_504 = arith.addi %add3A_503, %mul3A_2 : i32
    %dma_start3A_505 = arith.constant 2176 : i32
    %dma_start3A_506 = tpu.memref_slice %arg21[%dma_start3A_505] : memref<4352xf32, #tpu.memory_space<vmem>> -> memref<272xf32, #tpu.memory_space<vmem>>
    %dma_start3A_507 = tpu.memref_slice %arg7[%add3A_504] : memref<557056xf32, #tpu.memory_space<hbm>> -> memref<272xf32, #tpu.memory_space<hbm>>
    %dma_start3A_508 = tpu.memref_slice %arg7[%add3A_504] : memref<557056xf32, #tpu.memory_space<hbm>> -> memref<272xf32, #tpu.memory_space<hbm>>
    %dma_start3A_509 = arith.constant 2176 : i32
    %dma_start3A_510 = tpu.memref_slice %arg21[%dma_start3A_509] : memref<4352xf32, #tpu.memory_space<vmem>> -> memref<272xf32, #tpu.memory_space<vmem>>
    tpu.enqueue_dma source(%dma_start3A_510 : memref<272xf32, #tpu.memory_space<vmem>>) target(%dma_start3A_508 : memref<272xf32, #tpu.memory_space<hbm>>) target_semaphore(%arg22 : memref<!tpu.dma_semaphore, #tpu.memory_space<semaphore_mem>>)
    %add3A_511 = arith.constant 78336 : i32
    %add3A_512 = arith.addi %add3A_511, %mul3A_2 : i32
    %dma_start3A_513 = arith.constant 2448 : i32
    %dma_start3A_514 = tpu.memref_slice %arg16[%dma_start3A_513] : memref<4352xi32, #tpu.memory_space<vmem>> -> memref<272xi32, #tpu.memory_space<vmem>>
    %dma_start3A_515 = tpu.memref_slice %arg5[%add3A_512] : memref<139264xi32, #tpu.memory_space<hbm>> -> memref<272xi32, #tpu.memory_space<hbm>>
    %dma_start3A_516 = tpu.memref_slice %arg5[%add3A_512] : memref<139264xi32, #tpu.memory_space<hbm>> -> memref<272xi32, #tpu.memory_space<hbm>>
    %dma_start3A_517 = arith.constant 2448 : i32
    %dma_start3A_518 = tpu.memref_slice %arg16[%dma_start3A_517] : memref<4352xi32, #tpu.memory_space<vmem>> -> memref<272xi32, #tpu.memory_space<vmem>>
    tpu.enqueue_dma source(%dma_start3A_518 : memref<272xi32, #tpu.memory_space<vmem>>) target(%dma_start3A_516 : memref<272xi32, #tpu.memory_space<hbm>>) target_semaphore(%arg22 : memref<!tpu.dma_semaphore, #tpu.memory_space<semaphore_mem>>)
    %dma_start3A_519 = arith.constant 2448 : i32
    %dma_start3A_520 = tpu.memref_slice %arg17[%dma_start3A_519] : memref<4352xf32, #tpu.memory_space<vmem>> -> memref<272xf32, #tpu.memory_space<vmem>>
    %dma_start3A_521 = tpu.memref_slice %arg6[%add3A_512] : memref<139264xf32, #tpu.memory_space<hbm>> -> memref<272xf32, #tpu.memory_space<hbm>>
    %dma_start3A_522 = tpu.memref_slice %arg6[%add3A_512] : memref<139264xf32, #tpu.memory_space<hbm>> -> memref<272xf32, #tpu.memory_space<hbm>>
    %dma_start3A_523 = arith.constant 2448 : i32
    %dma_start3A_524 = tpu.memref_slice %arg17[%dma_start3A_523] : memref<4352xf32, #tpu.memory_space<vmem>> -> memref<272xf32, #tpu.memory_space<vmem>>
    tpu.enqueue_dma source(%dma_start3A_524 : memref<272xf32, #tpu.memory_space<vmem>>) target(%dma_start3A_522 : memref<272xf32, #tpu.memory_space<hbm>>) target_semaphore(%arg22 : memref<!tpu.dma_semaphore, #tpu.memory_space<semaphore_mem>>)
    %add3A_525 = arith.constant 78336 : i32
    %add3A_526 = arith.addi %add3A_525, %mul3A_2 : i32
    %dma_start3A_527 = arith.constant 2448 : i32
    %dma_start3A_528 = tpu.memref_slice %arg18[%dma_start3A_527] : memref<4352xf32, #tpu.memory_space<vmem>> -> memref<272xf32, #tpu.memory_space<vmem>>
    %dma_start3A_529 = tpu.memref_slice %arg7[%add3A_526] : memref<557056xf32, #tpu.memory_space<hbm>> -> memref<272xf32, #tpu.memory_space<hbm>>
    %dma_start3A_530 = tpu.memref_slice %arg7[%add3A_526] : memref<557056xf32, #tpu.memory_space<hbm>> -> memref<272xf32, #tpu.memory_space<hbm>>
    %dma_start3A_531 = arith.constant 2448 : i32
    %dma_start3A_532 = tpu.memref_slice %arg18[%dma_start3A_531] : memref<4352xf32, #tpu.memory_space<vmem>> -> memref<272xf32, #tpu.memory_space<vmem>>
    tpu.enqueue_dma source(%dma_start3A_532 : memref<272xf32, #tpu.memory_space<vmem>>) target(%dma_start3A_530 : memref<272xf32, #tpu.memory_space<hbm>>) target_semaphore(%arg22 : memref<!tpu.dma_semaphore, #tpu.memory_space<semaphore_mem>>)
    %add3A_533 = arith.constant 217600 : i32
    %add3A_534 = arith.addi %add3A_533, %mul3A_2 : i32
    %dma_start3A_535 = arith.constant 2448 : i32
    %dma_start3A_536 = tpu.memref_slice %arg19[%dma_start3A_535] : memref<4352xf32, #tpu.memory_space<vmem>> -> memref<272xf32, #tpu.memory_space<vmem>>
    %dma_start3A_537 = tpu.memref_slice %arg7[%add3A_534] : memref<557056xf32, #tpu.memory_space<hbm>> -> memref<272xf32, #tpu.memory_space<hbm>>
    %dma_start3A_538 = tpu.memref_slice %arg7[%add3A_534] : memref<557056xf32, #tpu.memory_space<hbm>> -> memref<272xf32, #tpu.memory_space<hbm>>
    %dma_start3A_539 = arith.constant 2448 : i32
    %dma_start3A_540 = tpu.memref_slice %arg19[%dma_start3A_539] : memref<4352xf32, #tpu.memory_space<vmem>> -> memref<272xf32, #tpu.memory_space<vmem>>
    tpu.enqueue_dma source(%dma_start3A_540 : memref<272xf32, #tpu.memory_space<vmem>>) target(%dma_start3A_538 : memref<272xf32, #tpu.memory_space<hbm>>) target_semaphore(%arg22 : memref<!tpu.dma_semaphore, #tpu.memory_space<semaphore_mem>>)
    %add3A_541 = arith.constant 356864 : i32
    %add3A_542 = arith.addi %add3A_541, %mul3A_2 : i32
    %dma_start3A_543 = arith.constant 2448 : i32
    %dma_start3A_544 = tpu.memref_slice %arg20[%dma_start3A_543] : memref<4352xf32, #tpu.memory_space<vmem>> -> memref<272xf32, #tpu.memory_space<vmem>>
    %dma_start3A_545 = tpu.memref_slice %arg7[%add3A_542] : memref<557056xf32, #tpu.memory_space<hbm>> -> memref<272xf32, #tpu.memory_space<hbm>>
    %dma_start3A_546 = tpu.memref_slice %arg7[%add3A_542] : memref<557056xf32, #tpu.memory_space<hbm>> -> memref<272xf32, #tpu.memory_space<hbm>>
    %dma_start3A_547 = arith.constant 2448 : i32
    %dma_start3A_548 = tpu.memref_slice %arg20[%dma_start3A_547] : memref<4352xf32, #tpu.memory_space<vmem>> -> memref<272xf32, #tpu.memory_space<vmem>>
    tpu.enqueue_dma source(%dma_start3A_548 : memref<272xf32, #tpu.memory_space<vmem>>) target(%dma_start3A_546 : memref<272xf32, #tpu.memory_space<hbm>>) target_semaphore(%arg22 : memref<!tpu.dma_semaphore, #tpu.memory_space<semaphore_mem>>)
    %add3A_549 = arith.constant 496128 : i32
    %add3A_550 = arith.addi %add3A_549, %mul3A_2 : i32
    %dma_start3A_551 = arith.constant 2448 : i32
    %dma_start3A_552 = tpu.memref_slice %arg21[%dma_start3A_551] : memref<4352xf32, #tpu.memory_space<vmem>> -> memref<272xf32, #tpu.memory_space<vmem>>
    %dma_start3A_553 = tpu.memref_slice %arg7[%add3A_550] : memref<557056xf32, #tpu.memory_space<hbm>> -> memref<272xf32, #tpu.memory_space<hbm>>
    %dma_start3A_554 = tpu.memref_slice %arg7[%add3A_550] : memref<557056xf32, #tpu.memory_space<hbm>> -> memref<272xf32, #tpu.memory_space<hbm>>
    %dma_start3A_555 = arith.constant 2448 : i32
    %dma_start3A_556 = tpu.memref_slice %arg21[%dma_start3A_555] : memref<4352xf32, #tpu.memory_space<vmem>> -> memref<272xf32, #tpu.memory_space<vmem>>
    tpu.enqueue_dma source(%dma_start3A_556 : memref<272xf32, #tpu.memory_space<vmem>>) target(%dma_start3A_554 : memref<272xf32, #tpu.memory_space<hbm>>) target_semaphore(%arg22 : memref<!tpu.dma_semaphore, #tpu.memory_space<semaphore_mem>>)
    %add3A_557 = arith.constant 87040 : i32
    %add3A_558 = arith.addi %add3A_557, %mul3A_2 : i32
    %dma_start3A_559 = arith.constant 2720 : i32
    %dma_start3A_560 = tpu.memref_slice %arg16[%dma_start3A_559] : memref<4352xi32, #tpu.memory_space<vmem>> -> memref<272xi32, #tpu.memory_space<vmem>>
    %dma_start3A_561 = tpu.memref_slice %arg5[%add3A_558] : memref<139264xi32, #tpu.memory_space<hbm>> -> memref<272xi32, #tpu.memory_space<hbm>>
    %dma_start3A_562 = tpu.memref_slice %arg5[%add3A_558] : memref<139264xi32, #tpu.memory_space<hbm>> -> memref<272xi32, #tpu.memory_space<hbm>>
    %dma_start3A_563 = arith.constant 2720 : i32
    %dma_start3A_564 = tpu.memref_slice %arg16[%dma_start3A_563] : memref<4352xi32, #tpu.memory_space<vmem>> -> memref<272xi32, #tpu.memory_space<vmem>>
    tpu.enqueue_dma source(%dma_start3A_564 : memref<272xi32, #tpu.memory_space<vmem>>) target(%dma_start3A_562 : memref<272xi32, #tpu.memory_space<hbm>>) target_semaphore(%arg22 : memref<!tpu.dma_semaphore, #tpu.memory_space<semaphore_mem>>)
    %dma_start3A_565 = arith.constant 2720 : i32
    %dma_start3A_566 = tpu.memref_slice %arg17[%dma_start3A_565] : memref<4352xf32, #tpu.memory_space<vmem>> -> memref<272xf32, #tpu.memory_space<vmem>>
    %dma_start3A_567 = tpu.memref_slice %arg6[%add3A_558] : memref<139264xf32, #tpu.memory_space<hbm>> -> memref<272xf32, #tpu.memory_space<hbm>>
    %dma_start3A_568 = tpu.memref_slice %arg6[%add3A_558] : memref<139264xf32, #tpu.memory_space<hbm>> -> memref<272xf32, #tpu.memory_space<hbm>>
    %dma_start3A_569 = arith.constant 2720 : i32
    %dma_start3A_570 = tpu.memref_slice %arg17[%dma_start3A_569] : memref<4352xf32, #tpu.memory_space<vmem>> -> memref<272xf32, #tpu.memory_space<vmem>>
    tpu.enqueue_dma source(%dma_start3A_570 : memref<272xf32, #tpu.memory_space<vmem>>) target(%dma_start3A_568 : memref<272xf32, #tpu.memory_space<hbm>>) target_semaphore(%arg22 : memref<!tpu.dma_semaphore, #tpu.memory_space<semaphore_mem>>)
    %add3A_571 = arith.constant 87040 : i32
    %add3A_572 = arith.addi %add3A_571, %mul3A_2 : i32
    %dma_start3A_573 = arith.constant 2720 : i32
    %dma_start3A_574 = tpu.memref_slice %arg18[%dma_start3A_573] : memref<4352xf32, #tpu.memory_space<vmem>> -> memref<272xf32, #tpu.memory_space<vmem>>
    %dma_start3A_575 = tpu.memref_slice %arg7[%add3A_572] : memref<557056xf32, #tpu.memory_space<hbm>> -> memref<272xf32, #tpu.memory_space<hbm>>
    %dma_start3A_576 = tpu.memref_slice %arg7[%add3A_572] : memref<557056xf32, #tpu.memory_space<hbm>> -> memref<272xf32, #tpu.memory_space<hbm>>
    %dma_start3A_577 = arith.constant 2720 : i32
    %dma_start3A_578 = tpu.memref_slice %arg18[%dma_start3A_577] : memref<4352xf32, #tpu.memory_space<vmem>> -> memref<272xf32, #tpu.memory_space<vmem>>
    tpu.enqueue_dma source(%dma_start3A_578 : memref<272xf32, #tpu.memory_space<vmem>>) target(%dma_start3A_576 : memref<272xf32, #tpu.memory_space<hbm>>) target_semaphore(%arg22 : memref<!tpu.dma_semaphore, #tpu.memory_space<semaphore_mem>>)
    %add3A_579 = arith.constant 226304 : i32
    %add3A_580 = arith.addi %add3A_579, %mul3A_2 : i32
    %dma_start3A_581 = arith.constant 2720 : i32
    %dma_start3A_582 = tpu.memref_slice %arg19[%dma_start3A_581] : memref<4352xf32, #tpu.memory_space<vmem>> -> memref<272xf32, #tpu.memory_space<vmem>>
    %dma_start3A_583 = tpu.memref_slice %arg7[%add3A_580] : memref<557056xf32, #tpu.memory_space<hbm>> -> memref<272xf32, #tpu.memory_space<hbm>>
    %dma_start3A_584 = tpu.memref_slice %arg7[%add3A_580] : memref<557056xf32, #tpu.memory_space<hbm>> -> memref<272xf32, #tpu.memory_space<hbm>>
    %dma_start3A_585 = arith.constant 2720 : i32
    %dma_start3A_586 = tpu.memref_slice %arg19[%dma_start3A_585] : memref<4352xf32, #tpu.memory_space<vmem>> -> memref<272xf32, #tpu.memory_space<vmem>>
    tpu.enqueue_dma source(%dma_start3A_586 : memref<272xf32, #tpu.memory_space<vmem>>) target(%dma_start3A_584 : memref<272xf32, #tpu.memory_space<hbm>>) target_semaphore(%arg22 : memref<!tpu.dma_semaphore, #tpu.memory_space<semaphore_mem>>)
    %add3A_587 = arith.constant 365568 : i32
    %add3A_588 = arith.addi %add3A_587, %mul3A_2 : i32
    %dma_start3A_589 = arith.constant 2720 : i32
    %dma_start3A_590 = tpu.memref_slice %arg20[%dma_start3A_589] : memref<4352xf32, #tpu.memory_space<vmem>> -> memref<272xf32, #tpu.memory_space<vmem>>
    %dma_start3A_591 = tpu.memref_slice %arg7[%add3A_588] : memref<557056xf32, #tpu.memory_space<hbm>> -> memref<272xf32, #tpu.memory_space<hbm>>
    %dma_start3A_592 = tpu.memref_slice %arg7[%add3A_588] : memref<557056xf32, #tpu.memory_space<hbm>> -> memref<272xf32, #tpu.memory_space<hbm>>
    %dma_start3A_593 = arith.constant 2720 : i32
    %dma_start3A_594 = tpu.memref_slice %arg20[%dma_start3A_593] : memref<4352xf32, #tpu.memory_space<vmem>> -> memref<272xf32, #tpu.memory_space<vmem>>
    tpu.enqueue_dma source(%dma_start3A_594 : memref<272xf32, #tpu.memory_space<vmem>>) target(%dma_start3A_592 : memref<272xf32, #tpu.memory_space<hbm>>) target_semaphore(%arg22 : memref<!tpu.dma_semaphore, #tpu.memory_space<semaphore_mem>>)
    %add3A_595 = arith.constant 504832 : i32
    %add3A_596 = arith.addi %add3A_595, %mul3A_2 : i32
    %dma_start3A_597 = arith.constant 2720 : i32
    %dma_start3A_598 = tpu.memref_slice %arg21[%dma_start3A_597] : memref<4352xf32, #tpu.memory_space<vmem>> -> memref<272xf32, #tpu.memory_space<vmem>>
    %dma_start3A_599 = tpu.memref_slice %arg7[%add3A_596] : memref<557056xf32, #tpu.memory_space<hbm>> -> memref<272xf32, #tpu.memory_space<hbm>>
    %dma_start3A_600 = tpu.memref_slice %arg7[%add3A_596] : memref<557056xf32, #tpu.memory_space<hbm>> -> memref<272xf32, #tpu.memory_space<hbm>>
    %dma_start3A_601 = arith.constant 2720 : i32
    %dma_start3A_602 = tpu.memref_slice %arg21[%dma_start3A_601] : memref<4352xf32, #tpu.memory_space<vmem>> -> memref<272xf32, #tpu.memory_space<vmem>>
    tpu.enqueue_dma source(%dma_start3A_602 : memref<272xf32, #tpu.memory_space<vmem>>) target(%dma_start3A_600 : memref<272xf32, #tpu.memory_space<hbm>>) target_semaphore(%arg22 : memref<!tpu.dma_semaphore, #tpu.memory_space<semaphore_mem>>)
    %add3A_603 = arith.constant 95744 : i32
    %add3A_604 = arith.addi %add3A_603, %mul3A_2 : i32
    %dma_start3A_605 = arith.constant 2992 : i32
    %dma_start3A_606 = tpu.memref_slice %arg16[%dma_start3A_605] : memref<4352xi32, #tpu.memory_space<vmem>> -> memref<272xi32, #tpu.memory_space<vmem>>
    %dma_start3A_607 = tpu.memref_slice %arg5[%add3A_604] : memref<139264xi32, #tpu.memory_space<hbm>> -> memref<272xi32, #tpu.memory_space<hbm>>
    %dma_start3A_608 = tpu.memref_slice %arg5[%add3A_604] : memref<139264xi32, #tpu.memory_space<hbm>> -> memref<272xi32, #tpu.memory_space<hbm>>
    %dma_start3A_609 = arith.constant 2992 : i32
    %dma_start3A_610 = tpu.memref_slice %arg16[%dma_start3A_609] : memref<4352xi32, #tpu.memory_space<vmem>> -> memref<272xi32, #tpu.memory_space<vmem>>
    tpu.enqueue_dma source(%dma_start3A_610 : memref<272xi32, #tpu.memory_space<vmem>>) target(%dma_start3A_608 : memref<272xi32, #tpu.memory_space<hbm>>) target_semaphore(%arg22 : memref<!tpu.dma_semaphore, #tpu.memory_space<semaphore_mem>>)
    %dma_start3A_611 = arith.constant 2992 : i32
    %dma_start3A_612 = tpu.memref_slice %arg17[%dma_start3A_611] : memref<4352xf32, #tpu.memory_space<vmem>> -> memref<272xf32, #tpu.memory_space<vmem>>
    %dma_start3A_613 = tpu.memref_slice %arg6[%add3A_604] : memref<139264xf32, #tpu.memory_space<hbm>> -> memref<272xf32, #tpu.memory_space<hbm>>
    %dma_start3A_614 = tpu.memref_slice %arg6[%add3A_604] : memref<139264xf32, #tpu.memory_space<hbm>> -> memref<272xf32, #tpu.memory_space<hbm>>
    %dma_start3A_615 = arith.constant 2992 : i32
    %dma_start3A_616 = tpu.memref_slice %arg17[%dma_start3A_615] : memref<4352xf32, #tpu.memory_space<vmem>> -> memref<272xf32, #tpu.memory_space<vmem>>
    tpu.enqueue_dma source(%dma_start3A_616 : memref<272xf32, #tpu.memory_space<vmem>>) target(%dma_start3A_614 : memref<272xf32, #tpu.memory_space<hbm>>) target_semaphore(%arg22 : memref<!tpu.dma_semaphore, #tpu.memory_space<semaphore_mem>>)
    %add3A_617 = arith.constant 95744 : i32
    %add3A_618 = arith.addi %add3A_617, %mul3A_2 : i32
    %dma_start3A_619 = arith.constant 2992 : i32
    %dma_start3A_620 = tpu.memref_slice %arg18[%dma_start3A_619] : memref<4352xf32, #tpu.memory_space<vmem>> -> memref<272xf32, #tpu.memory_space<vmem>>
    %dma_start3A_621 = tpu.memref_slice %arg7[%add3A_618] : memref<557056xf32, #tpu.memory_space<hbm>> -> memref<272xf32, #tpu.memory_space<hbm>>
    %dma_start3A_622 = tpu.memref_slice %arg7[%add3A_618] : memref<557056xf32, #tpu.memory_space<hbm>> -> memref<272xf32, #tpu.memory_space<hbm>>
    %dma_start3A_623 = arith.constant 2992 : i32
    %dma_start3A_624 = tpu.memref_slice %arg18[%dma_start3A_623] : memref<4352xf32, #tpu.memory_space<vmem>> -> memref<272xf32, #tpu.memory_space<vmem>>
    tpu.enqueue_dma source(%dma_start3A_624 : memref<272xf32, #tpu.memory_space<vmem>>) target(%dma_start3A_622 : memref<272xf32, #tpu.memory_space<hbm>>) target_semaphore(%arg22 : memref<!tpu.dma_semaphore, #tpu.memory_space<semaphore_mem>>)
    %add3A_625 = arith.constant 235008 : i32
    %add3A_626 = arith.addi %add3A_625, %mul3A_2 : i32
    %dma_start3A_627 = arith.constant 2992 : i32
    %dma_start3A_628 = tpu.memref_slice %arg19[%dma_start3A_627] : memref<4352xf32, #tpu.memory_space<vmem>> -> memref<272xf32, #tpu.memory_space<vmem>>
    %dma_start3A_629 = tpu.memref_slice %arg7[%add3A_626] : memref<557056xf32, #tpu.memory_space<hbm>> -> memref<272xf32, #tpu.memory_space<hbm>>
    %dma_start3A_630 = tpu.memref_slice %arg7[%add3A_626] : memref<557056xf32, #tpu.memory_space<hbm>> -> memref<272xf32, #tpu.memory_space<hbm>>
    %dma_start3A_631 = arith.constant 2992 : i32
    %dma_start3A_632 = tpu.memref_slice %arg19[%dma_start3A_631] : memref<4352xf32, #tpu.memory_space<vmem>> -> memref<272xf32, #tpu.memory_space<vmem>>
    tpu.enqueue_dma source(%dma_start3A_632 : memref<272xf32, #tpu.memory_space<vmem>>) target(%dma_start3A_630 : memref<272xf32, #tpu.memory_space<hbm>>) target_semaphore(%arg22 : memref<!tpu.dma_semaphore, #tpu.memory_space<semaphore_mem>>)
    %add3A_633 = arith.constant 374272 : i32
    %add3A_634 = arith.addi %add3A_633, %mul3A_2 : i32
    %dma_start3A_635 = arith.constant 2992 : i32
    %dma_start3A_636 = tpu.memref_slice %arg20[%dma_start3A_635] : memref<4352xf32, #tpu.memory_space<vmem>> -> memref<272xf32, #tpu.memory_space<vmem>>
    %dma_start3A_637 = tpu.memref_slice %arg7[%add3A_634] : memref<557056xf32, #tpu.memory_space<hbm>> -> memref<272xf32, #tpu.memory_space<hbm>>
    %dma_start3A_638 = tpu.memref_slice %arg7[%add3A_634] : memref<557056xf32, #tpu.memory_space<hbm>> -> memref<272xf32, #tpu.memory_space<hbm>>
    %dma_start3A_639 = arith.constant 2992 : i32
    %dma_start3A_640 = tpu.memref_slice %arg20[%dma_start3A_639] : memref<4352xf32, #tpu.memory_space<vmem>> -> memref<272xf32, #tpu.memory_space<vmem>>
    tpu.enqueue_dma source(%dma_start3A_640 : memref<272xf32, #tpu.memory_space<vmem>>) target(%dma_start3A_638 : memref<272xf32, #tpu.memory_space<hbm>>) target_semaphore(%arg22 : memref<!tpu.dma_semaphore, #tpu.memory_space<semaphore_mem>>)
    %add3A_641 = arith.constant 513536 : i32
    %add3A_642 = arith.addi %add3A_641, %mul3A_2 : i32
    %dma_start3A_643 = arith.constant 2992 : i32
    %dma_start3A_644 = tpu.memref_slice %arg21[%dma_start3A_643] : memref<4352xf32, #tpu.memory_space<vmem>> -> memref<272xf32, #tpu.memory_space<vmem>>
    %dma_start3A_645 = tpu.memref_slice %arg7[%add3A_642] : memref<557056xf32, #tpu.memory_space<hbm>> -> memref<272xf32, #tpu.memory_space<hbm>>
    %dma_start3A_646 = tpu.memref_slice %arg7[%add3A_642] : memref<557056xf32, #tpu.memory_space<hbm>> -> memref<272xf32, #tpu.memory_space<hbm>>
    %dma_start3A_647 = arith.constant 2992 : i32
    %dma_start3A_648 = tpu.memref_slice %arg21[%dma_start3A_647] : memref<4352xf32, #tpu.memory_space<vmem>> -> memref<272xf32, #tpu.memory_space<vmem>>
    tpu.enqueue_dma source(%dma_start3A_648 : memref<272xf32, #tpu.memory_space<vmem>>) target(%dma_start3A_646 : memref<272xf32, #tpu.memory_space<hbm>>) target_semaphore(%arg22 : memref<!tpu.dma_semaphore, #tpu.memory_space<semaphore_mem>>)
    %add3A_649 = arith.constant 104448 : i32
    %add3A_650 = arith.addi %add3A_649, %mul3A_2 : i32
    %dma_start3A_651 = arith.constant 3264 : i32
    %dma_start3A_652 = tpu.memref_slice %arg16[%dma_start3A_651] : memref<4352xi32, #tpu.memory_space<vmem>> -> memref<272xi32, #tpu.memory_space<vmem>>
    %dma_start3A_653 = tpu.memref_slice %arg5[%add3A_650] : memref<139264xi32, #tpu.memory_space<hbm>> -> memref<272xi32, #tpu.memory_space<hbm>>
    %dma_start3A_654 = tpu.memref_slice %arg5[%add3A_650] : memref<139264xi32, #tpu.memory_space<hbm>> -> memref<272xi32, #tpu.memory_space<hbm>>
    %dma_start3A_655 = arith.constant 3264 : i32
    %dma_start3A_656 = tpu.memref_slice %arg16[%dma_start3A_655] : memref<4352xi32, #tpu.memory_space<vmem>> -> memref<272xi32, #tpu.memory_space<vmem>>
    tpu.enqueue_dma source(%dma_start3A_656 : memref<272xi32, #tpu.memory_space<vmem>>) target(%dma_start3A_654 : memref<272xi32, #tpu.memory_space<hbm>>) target_semaphore(%arg22 : memref<!tpu.dma_semaphore, #tpu.memory_space<semaphore_mem>>)
    %dma_start3A_657 = arith.constant 3264 : i32
    %dma_start3A_658 = tpu.memref_slice %arg17[%dma_start3A_657] : memref<4352xf32, #tpu.memory_space<vmem>> -> memref<272xf32, #tpu.memory_space<vmem>>
    %dma_start3A_659 = tpu.memref_slice %arg6[%add3A_650] : memref<139264xf32, #tpu.memory_space<hbm>> -> memref<272xf32, #tpu.memory_space<hbm>>
    %dma_start3A_660 = tpu.memref_slice %arg6[%add3A_650] : memref<139264xf32, #tpu.memory_space<hbm>> -> memref<272xf32, #tpu.memory_space<hbm>>
    %dma_start3A_661 = arith.constant 3264 : i32
    %dma_start3A_662 = tpu.memref_slice %arg17[%dma_start3A_661] : memref<4352xf32, #tpu.memory_space<vmem>> -> memref<272xf32, #tpu.memory_space<vmem>>
    tpu.enqueue_dma source(%dma_start3A_662 : memref<272xf32, #tpu.memory_space<vmem>>) target(%dma_start3A_660 : memref<272xf32, #tpu.memory_space<hbm>>) target_semaphore(%arg22 : memref<!tpu.dma_semaphore, #tpu.memory_space<semaphore_mem>>)
    %add3A_663 = arith.constant 104448 : i32
    %add3A_664 = arith.addi %add3A_663, %mul3A_2 : i32
    %dma_start3A_665 = arith.constant 3264 : i32
    %dma_start3A_666 = tpu.memref_slice %arg18[%dma_start3A_665] : memref<4352xf32, #tpu.memory_space<vmem>> -> memref<272xf32, #tpu.memory_space<vmem>>
    %dma_start3A_667 = tpu.memref_slice %arg7[%add3A_664] : memref<557056xf32, #tpu.memory_space<hbm>> -> memref<272xf32, #tpu.memory_space<hbm>>
    %dma_start3A_668 = tpu.memref_slice %arg7[%add3A_664] : memref<557056xf32, #tpu.memory_space<hbm>> -> memref<272xf32, #tpu.memory_space<hbm>>
    %dma_start3A_669 = arith.constant 3264 : i32
    %dma_start3A_670 = tpu.memref_slice %arg18[%dma_start3A_669] : memref<4352xf32, #tpu.memory_space<vmem>> -> memref<272xf32, #tpu.memory_space<vmem>>
    tpu.enqueue_dma source(%dma_start3A_670 : memref<272xf32, #tpu.memory_space<vmem>>) target(%dma_start3A_668 : memref<272xf32, #tpu.memory_space<hbm>>) target_semaphore(%arg22 : memref<!tpu.dma_semaphore, #tpu.memory_space<semaphore_mem>>)
    %add3A_671 = arith.constant 243712 : i32
    %add3A_672 = arith.addi %add3A_671, %mul3A_2 : i32
    %dma_start3A_673 = arith.constant 3264 : i32
    %dma_start3A_674 = tpu.memref_slice %arg19[%dma_start3A_673] : memref<4352xf32, #tpu.memory_space<vmem>> -> memref<272xf32, #tpu.memory_space<vmem>>
    %dma_start3A_675 = tpu.memref_slice %arg7[%add3A_672] : memref<557056xf32, #tpu.memory_space<hbm>> -> memref<272xf32, #tpu.memory_space<hbm>>
    %dma_start3A_676 = tpu.memref_slice %arg7[%add3A_672] : memref<557056xf32, #tpu.memory_space<hbm>> -> memref<272xf32, #tpu.memory_space<hbm>>
    %dma_start3A_677 = arith.constant 3264 : i32
    %dma_start3A_678 = tpu.memref_slice %arg19[%dma_start3A_677] : memref<4352xf32, #tpu.memory_space<vmem>> -> memref<272xf32, #tpu.memory_space<vmem>>
    tpu.enqueue_dma source(%dma_start3A_678 : memref<272xf32, #tpu.memory_space<vmem>>) target(%dma_start3A_676 : memref<272xf32, #tpu.memory_space<hbm>>) target_semaphore(%arg22 : memref<!tpu.dma_semaphore, #tpu.memory_space<semaphore_mem>>)
    %add3A_679 = arith.constant 382976 : i32
    %add3A_680 = arith.addi %add3A_679, %mul3A_2 : i32
    %dma_start3A_681 = arith.constant 3264 : i32
    %dma_start3A_682 = tpu.memref_slice %arg20[%dma_start3A_681] : memref<4352xf32, #tpu.memory_space<vmem>> -> memref<272xf32, #tpu.memory_space<vmem>>
    %dma_start3A_683 = tpu.memref_slice %arg7[%add3A_680] : memref<557056xf32, #tpu.memory_space<hbm>> -> memref<272xf32, #tpu.memory_space<hbm>>
    %dma_start3A_684 = tpu.memref_slice %arg7[%add3A_680] : memref<557056xf32, #tpu.memory_space<hbm>> -> memref<272xf32, #tpu.memory_space<hbm>>
    %dma_start3A_685 = arith.constant 3264 : i32
    %dma_start3A_686 = tpu.memref_slice %arg20[%dma_start3A_685] : memref<4352xf32, #tpu.memory_space<vmem>> -> memref<272xf32, #tpu.memory_space<vmem>>
    tpu.enqueue_dma source(%dma_start3A_686 : memref<272xf32, #tpu.memory_space<vmem>>) target(%dma_start3A_684 : memref<272xf32, #tpu.memory_space<hbm>>) target_semaphore(%arg22 : memref<!tpu.dma_semaphore, #tpu.memory_space<semaphore_mem>>)
    %add3A_687 = arith.constant 522240 : i32
    %add3A_688 = arith.addi %add3A_687, %mul3A_2 : i32
    %dma_start3A_689 = arith.constant 3264 : i32
    %dma_start3A_690 = tpu.memref_slice %arg21[%dma_start3A_689] : memref<4352xf32, #tpu.memory_space<vmem>> -> memref<272xf32, #tpu.memory_space<vmem>>
    %dma_start3A_691 = tpu.memref_slice %arg7[%add3A_688] : memref<557056xf32, #tpu.memory_space<hbm>> -> memref<272xf32, #tpu.memory_space<hbm>>
    %dma_start3A_692 = tpu.memref_slice %arg7[%add3A_688] : memref<557056xf32, #tpu.memory_space<hbm>> -> memref<272xf32, #tpu.memory_space<hbm>>
    %dma_start3A_693 = arith.constant 3264 : i32
    %dma_start3A_694 = tpu.memref_slice %arg21[%dma_start3A_693] : memref<4352xf32, #tpu.memory_space<vmem>> -> memref<272xf32, #tpu.memory_space<vmem>>
    tpu.enqueue_dma source(%dma_start3A_694 : memref<272xf32, #tpu.memory_space<vmem>>) target(%dma_start3A_692 : memref<272xf32, #tpu.memory_space<hbm>>) target_semaphore(%arg22 : memref<!tpu.dma_semaphore, #tpu.memory_space<semaphore_mem>>)
    %add3A_695 = arith.constant 113152 : i32
    %add3A_696 = arith.addi %add3A_695, %mul3A_2 : i32
    %dma_start3A_697 = arith.constant 3536 : i32
    %dma_start3A_698 = tpu.memref_slice %arg16[%dma_start3A_697] : memref<4352xi32, #tpu.memory_space<vmem>> -> memref<272xi32, #tpu.memory_space<vmem>>
    %dma_start3A_699 = tpu.memref_slice %arg5[%add3A_696] : memref<139264xi32, #tpu.memory_space<hbm>> -> memref<272xi32, #tpu.memory_space<hbm>>
    %dma_start3A_700 = tpu.memref_slice %arg5[%add3A_696] : memref<139264xi32, #tpu.memory_space<hbm>> -> memref<272xi32, #tpu.memory_space<hbm>>
    %dma_start3A_701 = arith.constant 3536 : i32
    %dma_start3A_702 = tpu.memref_slice %arg16[%dma_start3A_701] : memref<4352xi32, #tpu.memory_space<vmem>> -> memref<272xi32, #tpu.memory_space<vmem>>
    tpu.enqueue_dma source(%dma_start3A_702 : memref<272xi32, #tpu.memory_space<vmem>>) target(%dma_start3A_700 : memref<272xi32, #tpu.memory_space<hbm>>) target_semaphore(%arg22 : memref<!tpu.dma_semaphore, #tpu.memory_space<semaphore_mem>>)
    %dma_start3A_703 = arith.constant 3536 : i32
    %dma_start3A_704 = tpu.memref_slice %arg17[%dma_start3A_703] : memref<4352xf32, #tpu.memory_space<vmem>> -> memref<272xf32, #tpu.memory_space<vmem>>
    %dma_start3A_705 = tpu.memref_slice %arg6[%add3A_696] : memref<139264xf32, #tpu.memory_space<hbm>> -> memref<272xf32, #tpu.memory_space<hbm>>
    %dma_start3A_706 = tpu.memref_slice %arg6[%add3A_696] : memref<139264xf32, #tpu.memory_space<hbm>> -> memref<272xf32, #tpu.memory_space<hbm>>
    %dma_start3A_707 = arith.constant 3536 : i32
    %dma_start3A_708 = tpu.memref_slice %arg17[%dma_start3A_707] : memref<4352xf32, #tpu.memory_space<vmem>> -> memref<272xf32, #tpu.memory_space<vmem>>
    tpu.enqueue_dma source(%dma_start3A_708 : memref<272xf32, #tpu.memory_space<vmem>>) target(%dma_start3A_706 : memref<272xf32, #tpu.memory_space<hbm>>) target_semaphore(%arg22 : memref<!tpu.dma_semaphore, #tpu.memory_space<semaphore_mem>>)
    %add3A_709 = arith.constant 113152 : i32
    %add3A_710 = arith.addi %add3A_709, %mul3A_2 : i32
    %dma_start3A_711 = arith.constant 3536 : i32
    %dma_start3A_712 = tpu.memref_slice %arg18[%dma_start3A_711] : memref<4352xf32, #tpu.memory_space<vmem>> -> memref<272xf32, #tpu.memory_space<vmem>>
    %dma_start3A_713 = tpu.memref_slice %arg7[%add3A_710] : memref<557056xf32, #tpu.memory_space<hbm>> -> memref<272xf32, #tpu.memory_space<hbm>>
    %dma_start3A_714 = tpu.memref_slice %arg7[%add3A_710] : memref<557056xf32, #tpu.memory_space<hbm>> -> memref<272xf32, #tpu.memory_space<hbm>>
    %dma_start3A_715 = arith.constant 3536 : i32
    %dma_start3A_716 = tpu.memref_slice %arg18[%dma_start3A_715] : memref<4352xf32, #tpu.memory_space<vmem>> -> memref<272xf32, #tpu.memory_space<vmem>>
    tpu.enqueue_dma source(%dma_start3A_716 : memref<272xf32, #tpu.memory_space<vmem>>) target(%dma_start3A_714 : memref<272xf32, #tpu.memory_space<hbm>>) target_semaphore(%arg22 : memref<!tpu.dma_semaphore, #tpu.memory_space<semaphore_mem>>)
    %add3A_717 = arith.constant 252416 : i32
    %add3A_718 = arith.addi %add3A_717, %mul3A_2 : i32
    %dma_start3A_719 = arith.constant 3536 : i32
    %dma_start3A_720 = tpu.memref_slice %arg19[%dma_start3A_719] : memref<4352xf32, #tpu.memory_space<vmem>> -> memref<272xf32, #tpu.memory_space<vmem>>
    %dma_start3A_721 = tpu.memref_slice %arg7[%add3A_718] : memref<557056xf32, #tpu.memory_space<hbm>> -> memref<272xf32, #tpu.memory_space<hbm>>
    %dma_start3A_722 = tpu.memref_slice %arg7[%add3A_718] : memref<557056xf32, #tpu.memory_space<hbm>> -> memref<272xf32, #tpu.memory_space<hbm>>
    %dma_start3A_723 = arith.constant 3536 : i32
    %dma_start3A_724 = tpu.memref_slice %arg19[%dma_start3A_723] : memref<4352xf32, #tpu.memory_space<vmem>> -> memref<272xf32, #tpu.memory_space<vmem>>
    tpu.enqueue_dma source(%dma_start3A_724 : memref<272xf32, #tpu.memory_space<vmem>>) target(%dma_start3A_722 : memref<272xf32, #tpu.memory_space<hbm>>) target_semaphore(%arg22 : memref<!tpu.dma_semaphore, #tpu.memory_space<semaphore_mem>>)
    %add3A_725 = arith.constant 391680 : i32
    %add3A_726 = arith.addi %add3A_725, %mul3A_2 : i32
    %dma_start3A_727 = arith.constant 3536 : i32
    %dma_start3A_728 = tpu.memref_slice %arg20[%dma_start3A_727] : memref<4352xf32, #tpu.memory_space<vmem>> -> memref<272xf32, #tpu.memory_space<vmem>>
    %dma_start3A_729 = tpu.memref_slice %arg7[%add3A_726] : memref<557056xf32, #tpu.memory_space<hbm>> -> memref<272xf32, #tpu.memory_space<hbm>>
    %dma_start3A_730 = tpu.memref_slice %arg7[%add3A_726] : memref<557056xf32, #tpu.memory_space<hbm>> -> memref<272xf32, #tpu.memory_space<hbm>>
    %dma_start3A_731 = arith.constant 3536 : i32
    %dma_start3A_732 = tpu.memref_slice %arg20[%dma_start3A_731] : memref<4352xf32, #tpu.memory_space<vmem>> -> memref<272xf32, #tpu.memory_space<vmem>>
    tpu.enqueue_dma source(%dma_start3A_732 : memref<272xf32, #tpu.memory_space<vmem>>) target(%dma_start3A_730 : memref<272xf32, #tpu.memory_space<hbm>>) target_semaphore(%arg22 : memref<!tpu.dma_semaphore, #tpu.memory_space<semaphore_mem>>)
    %add3A_733 = arith.constant 530944 : i32
    %add3A_734 = arith.addi %add3A_733, %mul3A_2 : i32
    %dma_start3A_735 = arith.constant 3536 : i32
    %dma_start3A_736 = tpu.memref_slice %arg21[%dma_start3A_735] : memref<4352xf32, #tpu.memory_space<vmem>> -> memref<272xf32, #tpu.memory_space<vmem>>
    %dma_start3A_737 = tpu.memref_slice %arg7[%add3A_734] : memref<557056xf32, #tpu.memory_space<hbm>> -> memref<272xf32, #tpu.memory_space<hbm>>
    %dma_start3A_738 = tpu.memref_slice %arg7[%add3A_734] : memref<557056xf32, #tpu.memory_space<hbm>> -> memref<272xf32, #tpu.memory_space<hbm>>
    %dma_start3A_739 = arith.constant 3536 : i32
    %dma_start3A_740 = tpu.memref_slice %arg21[%dma_start3A_739] : memref<4352xf32, #tpu.memory_space<vmem>> -> memref<272xf32, #tpu.memory_space<vmem>>
    tpu.enqueue_dma source(%dma_start3A_740 : memref<272xf32, #tpu.memory_space<vmem>>) target(%dma_start3A_738 : memref<272xf32, #tpu.memory_space<hbm>>) target_semaphore(%arg22 : memref<!tpu.dma_semaphore, #tpu.memory_space<semaphore_mem>>)
    %add3A_741 = arith.constant 121856 : i32
    %add3A_742 = arith.addi %add3A_741, %mul3A_2 : i32
    %dma_start3A_743 = arith.constant 3808 : i32
    %dma_start3A_744 = tpu.memref_slice %arg16[%dma_start3A_743] : memref<4352xi32, #tpu.memory_space<vmem>> -> memref<272xi32, #tpu.memory_space<vmem>>
    %dma_start3A_745 = tpu.memref_slice %arg5[%add3A_742] : memref<139264xi32, #tpu.memory_space<hbm>> -> memref<272xi32, #tpu.memory_space<hbm>>
    %dma_start3A_746 = tpu.memref_slice %arg5[%add3A_742] : memref<139264xi32, #tpu.memory_space<hbm>> -> memref<272xi32, #tpu.memory_space<hbm>>
    %dma_start3A_747 = arith.constant 3808 : i32
    %dma_start3A_748 = tpu.memref_slice %arg16[%dma_start3A_747] : memref<4352xi32, #tpu.memory_space<vmem>> -> memref<272xi32, #tpu.memory_space<vmem>>
    tpu.enqueue_dma source(%dma_start3A_748 : memref<272xi32, #tpu.memory_space<vmem>>) target(%dma_start3A_746 : memref<272xi32, #tpu.memory_space<hbm>>) target_semaphore(%arg22 : memref<!tpu.dma_semaphore, #tpu.memory_space<semaphore_mem>>)
    %dma_start3A_749 = arith.constant 3808 : i32
    %dma_start3A_750 = tpu.memref_slice %arg17[%dma_start3A_749] : memref<4352xf32, #tpu.memory_space<vmem>> -> memref<272xf32, #tpu.memory_space<vmem>>
    %dma_start3A_751 = tpu.memref_slice %arg6[%add3A_742] : memref<139264xf32, #tpu.memory_space<hbm>> -> memref<272xf32, #tpu.memory_space<hbm>>
    %dma_start3A_752 = tpu.memref_slice %arg6[%add3A_742] : memref<139264xf32, #tpu.memory_space<hbm>> -> memref<272xf32, #tpu.memory_space<hbm>>
    %dma_start3A_753 = arith.constant 3808 : i32
    %dma_start3A_754 = tpu.memref_slice %arg17[%dma_start3A_753] : memref<4352xf32, #tpu.memory_space<vmem>> -> memref<272xf32, #tpu.memory_space<vmem>>
    tpu.enqueue_dma source(%dma_start3A_754 : memref<272xf32, #tpu.memory_space<vmem>>) target(%dma_start3A_752 : memref<272xf32, #tpu.memory_space<hbm>>) target_semaphore(%arg22 : memref<!tpu.dma_semaphore, #tpu.memory_space<semaphore_mem>>)
    %add3A_755 = arith.constant 121856 : i32
    %add3A_756 = arith.addi %add3A_755, %mul3A_2 : i32
    %dma_start3A_757 = arith.constant 3808 : i32
    %dma_start3A_758 = tpu.memref_slice %arg18[%dma_start3A_757] : memref<4352xf32, #tpu.memory_space<vmem>> -> memref<272xf32, #tpu.memory_space<vmem>>
    %dma_start3A_759 = tpu.memref_slice %arg7[%add3A_756] : memref<557056xf32, #tpu.memory_space<hbm>> -> memref<272xf32, #tpu.memory_space<hbm>>
    %dma_start3A_760 = tpu.memref_slice %arg7[%add3A_756] : memref<557056xf32, #tpu.memory_space<hbm>> -> memref<272xf32, #tpu.memory_space<hbm>>
    %dma_start3A_761 = arith.constant 3808 : i32
    %dma_start3A_762 = tpu.memref_slice %arg18[%dma_start3A_761] : memref<4352xf32, #tpu.memory_space<vmem>> -> memref<272xf32, #tpu.memory_space<vmem>>
    tpu.enqueue_dma source(%dma_start3A_762 : memref<272xf32, #tpu.memory_space<vmem>>) target(%dma_start3A_760 : memref<272xf32, #tpu.memory_space<hbm>>) target_semaphore(%arg22 : memref<!tpu.dma_semaphore, #tpu.memory_space<semaphore_mem>>)
    %add3A_763 = arith.constant 261120 : i32
    %add3A_764 = arith.addi %add3A_763, %mul3A_2 : i32
    %dma_start3A_765 = arith.constant 3808 : i32
    %dma_start3A_766 = tpu.memref_slice %arg19[%dma_start3A_765] : memref<4352xf32, #tpu.memory_space<vmem>> -> memref<272xf32, #tpu.memory_space<vmem>>
    %dma_start3A_767 = tpu.memref_slice %arg7[%add3A_764] : memref<557056xf32, #tpu.memory_space<hbm>> -> memref<272xf32, #tpu.memory_space<hbm>>
    %dma_start3A_768 = tpu.memref_slice %arg7[%add3A_764] : memref<557056xf32, #tpu.memory_space<hbm>> -> memref<272xf32, #tpu.memory_space<hbm>>
    %dma_start3A_769 = arith.constant 3808 : i32
    %dma_start3A_770 = tpu.memref_slice %arg19[%dma_start3A_769] : memref<4352xf32, #tpu.memory_space<vmem>> -> memref<272xf32, #tpu.memory_space<vmem>>
    tpu.enqueue_dma source(%dma_start3A_770 : memref<272xf32, #tpu.memory_space<vmem>>) target(%dma_start3A_768 : memref<272xf32, #tpu.memory_space<hbm>>) target_semaphore(%arg22 : memref<!tpu.dma_semaphore, #tpu.memory_space<semaphore_mem>>)
    %add3A_771 = arith.constant 400384 : i32
    %add3A_772 = arith.addi %add3A_771, %mul3A_2 : i32
    %dma_start3A_773 = arith.constant 3808 : i32
    %dma_start3A_774 = tpu.memref_slice %arg20[%dma_start3A_773] : memref<4352xf32, #tpu.memory_space<vmem>> -> memref<272xf32, #tpu.memory_space<vmem>>
    %dma_start3A_775 = tpu.memref_slice %arg7[%add3A_772] : memref<557056xf32, #tpu.memory_space<hbm>> -> memref<272xf32, #tpu.memory_space<hbm>>
    %dma_start3A_776 = tpu.memref_slice %arg7[%add3A_772] : memref<557056xf32, #tpu.memory_space<hbm>> -> memref<272xf32, #tpu.memory_space<hbm>>
    %dma_start3A_777 = arith.constant 3808 : i32
    %dma_start3A_778 = tpu.memref_slice %arg20[%dma_start3A_777] : memref<4352xf32, #tpu.memory_space<vmem>> -> memref<272xf32, #tpu.memory_space<vmem>>
    tpu.enqueue_dma source(%dma_start3A_778 : memref<272xf32, #tpu.memory_space<vmem>>) target(%dma_start3A_776 : memref<272xf32, #tpu.memory_space<hbm>>) target_semaphore(%arg22 : memref<!tpu.dma_semaphore, #tpu.memory_space<semaphore_mem>>)
    %add3A_779 = arith.constant 539648 : i32
    %add3A_780 = arith.addi %add3A_779, %mul3A_2 : i32
    %dma_start3A_781 = arith.constant 3808 : i32
    %dma_start3A_782 = tpu.memref_slice %arg21[%dma_start3A_781] : memref<4352xf32, #tpu.memory_space<vmem>> -> memref<272xf32, #tpu.memory_space<vmem>>
    %dma_start3A_783 = tpu.memref_slice %arg7[%add3A_780] : memref<557056xf32, #tpu.memory_space<hbm>> -> memref<272xf32, #tpu.memory_space<hbm>>
    %dma_start3A_784 = tpu.memref_slice %arg7[%add3A_780] : memref<557056xf32, #tpu.memory_space<hbm>> -> memref<272xf32, #tpu.memory_space<hbm>>
    %dma_start3A_785 = arith.constant 3808 : i32
    %dma_start3A_786 = tpu.memref_slice %arg21[%dma_start3A_785] : memref<4352xf32, #tpu.memory_space<vmem>> -> memref<272xf32, #tpu.memory_space<vmem>>
    tpu.enqueue_dma source(%dma_start3A_786 : memref<272xf32, #tpu.memory_space<vmem>>) target(%dma_start3A_784 : memref<272xf32, #tpu.memory_space<hbm>>) target_semaphore(%arg22 : memref<!tpu.dma_semaphore, #tpu.memory_space<semaphore_mem>>)
    %add3A_787 = arith.constant 130560 : i32
    %add3A_788 = arith.addi %add3A_787, %mul3A_2 : i32
    %dma_start3A_789 = arith.constant 4080 : i32
    %dma_start3A_790 = tpu.memref_slice %arg16[%dma_start3A_789] : memref<4352xi32, #tpu.memory_space<vmem>> -> memref<272xi32, #tpu.memory_space<vmem>>
    %dma_start3A_791 = tpu.memref_slice %arg5[%add3A_788] : memref<139264xi32, #tpu.memory_space<hbm>> -> memref<272xi32, #tpu.memory_space<hbm>>
    %dma_start3A_792 = tpu.memref_slice %arg5[%add3A_788] : memref<139264xi32, #tpu.memory_space<hbm>> -> memref<272xi32, #tpu.memory_space<hbm>>
    %dma_start3A_793 = arith.constant 4080 : i32
    %dma_start3A_794 = tpu.memref_slice %arg16[%dma_start3A_793] : memref<4352xi32, #tpu.memory_space<vmem>> -> memref<272xi32, #tpu.memory_space<vmem>>
    tpu.enqueue_dma source(%dma_start3A_794 : memref<272xi32, #tpu.memory_space<vmem>>) target(%dma_start3A_792 : memref<272xi32, #tpu.memory_space<hbm>>) target_semaphore(%arg22 : memref<!tpu.dma_semaphore, #tpu.memory_space<semaphore_mem>>)
    %dma_start3A_795 = arith.constant 4080 : i32
    %dma_start3A_796 = tpu.memref_slice %arg17[%dma_start3A_795] : memref<4352xf32, #tpu.memory_space<vmem>> -> memref<272xf32, #tpu.memory_space<vmem>>
    %dma_start3A_797 = tpu.memref_slice %arg6[%add3A_788] : memref<139264xf32, #tpu.memory_space<hbm>> -> memref<272xf32, #tpu.memory_space<hbm>>
    %dma_start3A_798 = tpu.memref_slice %arg6[%add3A_788] : memref<139264xf32, #tpu.memory_space<hbm>> -> memref<272xf32, #tpu.memory_space<hbm>>
    %dma_start3A_799 = arith.constant 4080 : i32
    %dma_start3A_800 = tpu.memref_slice %arg17[%dma_start3A_799] : memref<4352xf32, #tpu.memory_space<vmem>> -> memref<272xf32, #tpu.memory_space<vmem>>
    tpu.enqueue_dma source(%dma_start3A_800 : memref<272xf32, #tpu.memory_space<vmem>>) target(%dma_start3A_798 : memref<272xf32, #tpu.memory_space<hbm>>) target_semaphore(%arg22 : memref<!tpu.dma_semaphore, #tpu.memory_space<semaphore_mem>>)
    %add3A_801 = arith.constant 130560 : i32
    %add3A_802 = arith.addi %add3A_801, %mul3A_2 : i32
    %dma_start3A_803 = arith.constant 4080 : i32
    %dma_start3A_804 = tpu.memref_slice %arg18[%dma_start3A_803] : memref<4352xf32, #tpu.memory_space<vmem>> -> memref<272xf32, #tpu.memory_space<vmem>>
    %dma_start3A_805 = tpu.memref_slice %arg7[%add3A_802] : memref<557056xf32, #tpu.memory_space<hbm>> -> memref<272xf32, #tpu.memory_space<hbm>>
    %dma_start3A_806 = tpu.memref_slice %arg7[%add3A_802] : memref<557056xf32, #tpu.memory_space<hbm>> -> memref<272xf32, #tpu.memory_space<hbm>>
    %dma_start3A_807 = arith.constant 4080 : i32
    %dma_start3A_808 = tpu.memref_slice %arg18[%dma_start3A_807] : memref<4352xf32, #tpu.memory_space<vmem>> -> memref<272xf32, #tpu.memory_space<vmem>>
    tpu.enqueue_dma source(%dma_start3A_808 : memref<272xf32, #tpu.memory_space<vmem>>) target(%dma_start3A_806 : memref<272xf32, #tpu.memory_space<hbm>>) target_semaphore(%arg22 : memref<!tpu.dma_semaphore, #tpu.memory_space<semaphore_mem>>)
    %add3A_809 = arith.constant 269824 : i32
    %add3A_810 = arith.addi %add3A_809, %mul3A_2 : i32
    %dma_start3A_811 = arith.constant 4080 : i32
    %dma_start3A_812 = tpu.memref_slice %arg19[%dma_start3A_811] : memref<4352xf32, #tpu.memory_space<vmem>> -> memref<272xf32, #tpu.memory_space<vmem>>
    %dma_start3A_813 = tpu.memref_slice %arg7[%add3A_810] : memref<557056xf32, #tpu.memory_space<hbm>> -> memref<272xf32, #tpu.memory_space<hbm>>
    %dma_start3A_814 = tpu.memref_slice %arg7[%add3A_810] : memref<557056xf32, #tpu.memory_space<hbm>> -> memref<272xf32, #tpu.memory_space<hbm>>
    %dma_start3A_815 = arith.constant 4080 : i32
    %dma_start3A_816 = tpu.memref_slice %arg19[%dma_start3A_815] : memref<4352xf32, #tpu.memory_space<vmem>> -> memref<272xf32, #tpu.memory_space<vmem>>
    tpu.enqueue_dma source(%dma_start3A_816 : memref<272xf32, #tpu.memory_space<vmem>>) target(%dma_start3A_814 : memref<272xf32, #tpu.memory_space<hbm>>) target_semaphore(%arg22 : memref<!tpu.dma_semaphore, #tpu.memory_space<semaphore_mem>>)
    %add3A_817 = arith.constant 409088 : i32
    %add3A_818 = arith.addi %add3A_817, %mul3A_2 : i32
    %dma_start3A_819 = arith.constant 4080 : i32
    %dma_start3A_820 = tpu.memref_slice %arg20[%dma_start3A_819] : memref<4352xf32, #tpu.memory_space<vmem>> -> memref<272xf32, #tpu.memory_space<vmem>>
    %dma_start3A_821 = tpu.memref_slice %arg7[%add3A_818] : memref<557056xf32, #tpu.memory_space<hbm>> -> memref<272xf32, #tpu.memory_space<hbm>>
    %dma_start3A_822 = tpu.memref_slice %arg7[%add3A_818] : memref<557056xf32, #tpu.memory_space<hbm>> -> memref<272xf32, #tpu.memory_space<hbm>>
    %dma_start3A_823 = arith.constant 4080 : i32
    %dma_start3A_824 = tpu.memref_slice %arg20[%dma_start3A_823] : memref<4352xf32, #tpu.memory_space<vmem>> -> memref<272xf32, #tpu.memory_space<vmem>>
    tpu.enqueue_dma source(%dma_start3A_824 : memref<272xf32, #tpu.memory_space<vmem>>) target(%dma_start3A_822 : memref<272xf32, #tpu.memory_space<hbm>>) target_semaphore(%arg22 : memref<!tpu.dma_semaphore, #tpu.memory_space<semaphore_mem>>)
    %add3A_825 = arith.constant 548352 : i32
    %add3A_826 = arith.addi %add3A_825, %mul3A_2 : i32
    %dma_start3A_827 = arith.constant 4080 : i32
    %dma_start3A_828 = tpu.memref_slice %arg21[%dma_start3A_827] : memref<4352xf32, #tpu.memory_space<vmem>> -> memref<272xf32, #tpu.memory_space<vmem>>
    %dma_start3A_829 = tpu.memref_slice %arg7[%add3A_826] : memref<557056xf32, #tpu.memory_space<hbm>> -> memref<272xf32, #tpu.memory_space<hbm>>
    %dma_start3A_830 = tpu.memref_slice %arg7[%add3A_826] : memref<557056xf32, #tpu.memory_space<hbm>> -> memref<272xf32, #tpu.memory_space<hbm>>
    %dma_start3A_831 = arith.constant 4080 : i32
    %dma_start3A_832 = tpu.memref_slice %arg21[%dma_start3A_831] : memref<4352xf32, #tpu.memory_space<vmem>> -> memref<272xf32, #tpu.memory_space<vmem>>
    tpu.enqueue_dma source(%dma_start3A_832 : memref<272xf32, #tpu.memory_space<vmem>>) target(%dma_start3A_830 : memref<272xf32, #tpu.memory_space<hbm>>) target_semaphore(%arg22 : memref<!tpu.dma_semaphore, #tpu.memory_space<semaphore_mem>>)
    %dma_wait3A_833 = arith.constant 0 : i32
    %dma_wait3A_834 = tpu.memref_slice %arg16[%dma_wait3A_833] : memref<4352xi32, #tpu.memory_space<vmem>> -> memref<272xi32, #tpu.memory_space<vmem>>
    %dma_wait3A_835 = tpu.memref_slice %arg5[%add3A_98] : memref<139264xi32, #tpu.memory_space<hbm>> -> memref<272xi32, #tpu.memory_space<hbm>>
    %dma_wait3A_836 = tpu.memref_slice %arg5[%add3A_98] : memref<139264xi32, #tpu.memory_space<hbm>> -> memref<272xi32, #tpu.memory_space<hbm>>
    %dma_wait3A_837 = arith.constant 0 : i32
    %dma_wait3A_838 = tpu.memref_slice %arg16[%dma_wait3A_837] : memref<4352xi32, #tpu.memory_space<vmem>> -> memref<272xi32, #tpu.memory_space<vmem>>
    tpu.wait_dma2 semaphore(%arg22 : memref<!tpu.dma_semaphore, #tpu.memory_space<semaphore_mem>>) src(%dma_wait3A_838 : memref<272xi32, #tpu.memory_space<vmem>>) dst(%dma_wait3A_836 : memref<272xi32, #tpu.memory_space<hbm>>)
    %dma_wait3A_839 = arith.constant 0 : i32
    %dma_wait3A_840 = tpu.memref_slice %arg17[%dma_wait3A_839] : memref<4352xf32, #tpu.memory_space<vmem>> -> memref<272xf32, #tpu.memory_space<vmem>>
    %dma_wait3A_841 = tpu.memref_slice %arg6[%add3A_98] : memref<139264xf32, #tpu.memory_space<hbm>> -> memref<272xf32, #tpu.memory_space<hbm>>
    %dma_wait3A_842 = tpu.memref_slice %arg6[%add3A_98] : memref<139264xf32, #tpu.memory_space<hbm>> -> memref<272xf32, #tpu.memory_space<hbm>>
    %dma_wait3A_843 = arith.constant 0 : i32
    %dma_wait3A_844 = tpu.memref_slice %arg17[%dma_wait3A_843] : memref<4352xf32, #tpu.memory_space<vmem>> -> memref<272xf32, #tpu.memory_space<vmem>>
    tpu.wait_dma2 semaphore(%arg22 : memref<!tpu.dma_semaphore, #tpu.memory_space<semaphore_mem>>) src(%dma_wait3A_844 : memref<272xf32, #tpu.memory_space<vmem>>) dst(%dma_wait3A_842 : memref<272xf32, #tpu.memory_space<hbm>>)
    %dma_wait3A_845 = arith.constant 0 : i32
    %dma_wait3A_846 = tpu.memref_slice %arg18[%dma_wait3A_845] : memref<4352xf32, #tpu.memory_space<vmem>> -> memref<272xf32, #tpu.memory_space<vmem>>
    %dma_wait3A_847 = tpu.memref_slice %arg7[%add3A_112] : memref<557056xf32, #tpu.memory_space<hbm>> -> memref<272xf32, #tpu.memory_space<hbm>>
    %dma_wait3A_848 = tpu.memref_slice %arg7[%add3A_112] : memref<557056xf32, #tpu.memory_space<hbm>> -> memref<272xf32, #tpu.memory_space<hbm>>
    %dma_wait3A_849 = arith.constant 0 : i32
    %dma_wait3A_850 = tpu.memref_slice %arg18[%dma_wait3A_849] : memref<4352xf32, #tpu.memory_space<vmem>> -> memref<272xf32, #tpu.memory_space<vmem>>
    tpu.wait_dma2 semaphore(%arg22 : memref<!tpu.dma_semaphore, #tpu.memory_space<semaphore_mem>>) src(%dma_wait3A_850 : memref<272xf32, #tpu.memory_space<vmem>>) dst(%dma_wait3A_848 : memref<272xf32, #tpu.memory_space<hbm>>)
    %dma_wait3A_851 = arith.constant 0 : i32
    %dma_wait3A_852 = tpu.memref_slice %arg19[%dma_wait3A_851] : memref<4352xf32, #tpu.memory_space<vmem>> -> memref<272xf32, #tpu.memory_space<vmem>>
    %dma_wait3A_853 = tpu.memref_slice %arg7[%add3A_120] : memref<557056xf32, #tpu.memory_space<hbm>> -> memref<272xf32, #tpu.memory_space<hbm>>
    %dma_wait3A_854 = tpu.memref_slice %arg7[%add3A_120] : memref<557056xf32, #tpu.memory_space<hbm>> -> memref<272xf32, #tpu.memory_space<hbm>>
    %dma_wait3A_855 = arith.constant 0 : i32
    %dma_wait3A_856 = tpu.memref_slice %arg19[%dma_wait3A_855] : memref<4352xf32, #tpu.memory_space<vmem>> -> memref<272xf32, #tpu.memory_space<vmem>>
    tpu.wait_dma2 semaphore(%arg22 : memref<!tpu.dma_semaphore, #tpu.memory_space<semaphore_mem>>) src(%dma_wait3A_856 : memref<272xf32, #tpu.memory_space<vmem>>) dst(%dma_wait3A_854 : memref<272xf32, #tpu.memory_space<hbm>>)
    %dma_wait3A_857 = arith.constant 0 : i32
    %dma_wait3A_858 = tpu.memref_slice %arg20[%dma_wait3A_857] : memref<4352xf32, #tpu.memory_space<vmem>> -> memref<272xf32, #tpu.memory_space<vmem>>
    %dma_wait3A_859 = tpu.memref_slice %arg7[%add3A_128] : memref<557056xf32, #tpu.memory_space<hbm>> -> memref<272xf32, #tpu.memory_space<hbm>>
    %dma_wait3A_860 = tpu.memref_slice %arg7[%add3A_128] : memref<557056xf32, #tpu.memory_space<hbm>> -> memref<272xf32, #tpu.memory_space<hbm>>
    %dma_wait3A_861 = arith.constant 0 : i32
    %dma_wait3A_862 = tpu.memref_slice %arg20[%dma_wait3A_861] : memref<4352xf32, #tpu.memory_space<vmem>> -> memref<272xf32, #tpu.memory_space<vmem>>
    tpu.wait_dma2 semaphore(%arg22 : memref<!tpu.dma_semaphore, #tpu.memory_space<semaphore_mem>>) src(%dma_wait3A_862 : memref<272xf32, #tpu.memory_space<vmem>>) dst(%dma_wait3A_860 : memref<272xf32, #tpu.memory_space<hbm>>)
    %dma_wait3A_863 = arith.constant 0 : i32
    %dma_wait3A_864 = tpu.memref_slice %arg21[%dma_wait3A_863] : memref<4352xf32, #tpu.memory_space<vmem>> -> memref<272xf32, #tpu.memory_space<vmem>>
    %dma_wait3A_865 = tpu.memref_slice %arg7[%add3A_136] : memref<557056xf32, #tpu.memory_space<hbm>> -> memref<272xf32, #tpu.memory_space<hbm>>
    %dma_wait3A_866 = tpu.memref_slice %arg7[%add3A_136] : memref<557056xf32, #tpu.memory_space<hbm>> -> memref<272xf32, #tpu.memory_space<hbm>>
    %dma_wait3A_867 = arith.constant 0 : i32
    %dma_wait3A_868 = tpu.memref_slice %arg21[%dma_wait3A_867] : memref<4352xf32, #tpu.memory_space<vmem>> -> memref<272xf32, #tpu.memory_space<vmem>>
    tpu.wait_dma2 semaphore(%arg22 : memref<!tpu.dma_semaphore, #tpu.memory_space<semaphore_mem>>) src(%dma_wait3A_868 : memref<272xf32, #tpu.memory_space<vmem>>) dst(%dma_wait3A_866 : memref<272xf32, #tpu.memory_space<hbm>>)
    %dma_wait3A_869 = arith.constant 272 : i32
    %dma_wait3A_870 = tpu.memref_slice %arg16[%dma_wait3A_869] : memref<4352xi32, #tpu.memory_space<vmem>> -> memref<272xi32, #tpu.memory_space<vmem>>
    %dma_wait3A_871 = tpu.memref_slice %arg5[%add3A_144] : memref<139264xi32, #tpu.memory_space<hbm>> -> memref<272xi32, #tpu.memory_space<hbm>>
    %dma_wait3A_872 = tpu.memref_slice %arg5[%add3A_144] : memref<139264xi32, #tpu.memory_space<hbm>> -> memref<272xi32, #tpu.memory_space<hbm>>
    %dma_wait3A_873 = arith.constant 272 : i32
    %dma_wait3A_874 = tpu.memref_slice %arg16[%dma_wait3A_873] : memref<4352xi32, #tpu.memory_space<vmem>> -> memref<272xi32, #tpu.memory_space<vmem>>
    tpu.wait_dma2 semaphore(%arg22 : memref<!tpu.dma_semaphore, #tpu.memory_space<semaphore_mem>>) src(%dma_wait3A_874 : memref<272xi32, #tpu.memory_space<vmem>>) dst(%dma_wait3A_872 : memref<272xi32, #tpu.memory_space<hbm>>)
    %dma_wait3A_875 = arith.constant 272 : i32
    %dma_wait3A_876 = tpu.memref_slice %arg17[%dma_wait3A_875] : memref<4352xf32, #tpu.memory_space<vmem>> -> memref<272xf32, #tpu.memory_space<vmem>>
    %dma_wait3A_877 = tpu.memref_slice %arg6[%add3A_144] : memref<139264xf32, #tpu.memory_space<hbm>> -> memref<272xf32, #tpu.memory_space<hbm>>
    %dma_wait3A_878 = tpu.memref_slice %arg6[%add3A_144] : memref<139264xf32, #tpu.memory_space<hbm>> -> memref<272xf32, #tpu.memory_space<hbm>>
    %dma_wait3A_879 = arith.constant 272 : i32
    %dma_wait3A_880 = tpu.memref_slice %arg17[%dma_wait3A_879] : memref<4352xf32, #tpu.memory_space<vmem>> -> memref<272xf32, #tpu.memory_space<vmem>>
    tpu.wait_dma2 semaphore(%arg22 : memref<!tpu.dma_semaphore, #tpu.memory_space<semaphore_mem>>) src(%dma_wait3A_880 : memref<272xf32, #tpu.memory_space<vmem>>) dst(%dma_wait3A_878 : memref<272xf32, #tpu.memory_space<hbm>>)
    %dma_wait3A_881 = arith.constant 272 : i32
    %dma_wait3A_882 = tpu.memref_slice %arg18[%dma_wait3A_881] : memref<4352xf32, #tpu.memory_space<vmem>> -> memref<272xf32, #tpu.memory_space<vmem>>
    %dma_wait3A_883 = tpu.memref_slice %arg7[%add3A_158] : memref<557056xf32, #tpu.memory_space<hbm>> -> memref<272xf32, #tpu.memory_space<hbm>>
    %dma_wait3A_884 = tpu.memref_slice %arg7[%add3A_158] : memref<557056xf32, #tpu.memory_space<hbm>> -> memref<272xf32, #tpu.memory_space<hbm>>
    %dma_wait3A_885 = arith.constant 272 : i32
    %dma_wait3A_886 = tpu.memref_slice %arg18[%dma_wait3A_885] : memref<4352xf32, #tpu.memory_space<vmem>> -> memref<272xf32, #tpu.memory_space<vmem>>
    tpu.wait_dma2 semaphore(%arg22 : memref<!tpu.dma_semaphore, #tpu.memory_space<semaphore_mem>>) src(%dma_wait3A_886 : memref<272xf32, #tpu.memory_space<vmem>>) dst(%dma_wait3A_884 : memref<272xf32, #tpu.memory_space<hbm>>)
    %dma_wait3A_887 = arith.constant 272 : i32
    %dma_wait3A_888 = tpu.memref_slice %arg19[%dma_wait3A_887] : memref<4352xf32, #tpu.memory_space<vmem>> -> memref<272xf32, #tpu.memory_space<vmem>>
    %dma_wait3A_889 = tpu.memref_slice %arg7[%add3A_166] : memref<557056xf32, #tpu.memory_space<hbm>> -> memref<272xf32, #tpu.memory_space<hbm>>
    %dma_wait3A_890 = tpu.memref_slice %arg7[%add3A_166] : memref<557056xf32, #tpu.memory_space<hbm>> -> memref<272xf32, #tpu.memory_space<hbm>>
    %dma_wait3A_891 = arith.constant 272 : i32
    %dma_wait3A_892 = tpu.memref_slice %arg19[%dma_wait3A_891] : memref<4352xf32, #tpu.memory_space<vmem>> -> memref<272xf32, #tpu.memory_space<vmem>>
    tpu.wait_dma2 semaphore(%arg22 : memref<!tpu.dma_semaphore, #tpu.memory_space<semaphore_mem>>) src(%dma_wait3A_892 : memref<272xf32, #tpu.memory_space<vmem>>) dst(%dma_wait3A_890 : memref<272xf32, #tpu.memory_space<hbm>>)
    %dma_wait3A_893 = arith.constant 272 : i32
    %dma_wait3A_894 = tpu.memref_slice %arg20[%dma_wait3A_893] : memref<4352xf32, #tpu.memory_space<vmem>> -> memref<272xf32, #tpu.memory_space<vmem>>
    %dma_wait3A_895 = tpu.memref_slice %arg7[%add3A_174] : memref<557056xf32, #tpu.memory_space<hbm>> -> memref<272xf32, #tpu.memory_space<hbm>>
    %dma_wait3A_896 = tpu.memref_slice %arg7[%add3A_174] : memref<557056xf32, #tpu.memory_space<hbm>> -> memref<272xf32, #tpu.memory_space<hbm>>
    %dma_wait3A_897 = arith.constant 272 : i32
    %dma_wait3A_898 = tpu.memref_slice %arg20[%dma_wait3A_897] : memref<4352xf32, #tpu.memory_space<vmem>> -> memref<272xf32, #tpu.memory_space<vmem>>
    tpu.wait_dma2 semaphore(%arg22 : memref<!tpu.dma_semaphore, #tpu.memory_space<semaphore_mem>>) src(%dma_wait3A_898 : memref<272xf32, #tpu.memory_space<vmem>>) dst(%dma_wait3A_896 : memref<272xf32, #tpu.memory_space<hbm>>)
    %dma_wait3A_899 = arith.constant 272 : i32
    %dma_wait3A_900 = tpu.memref_slice %arg21[%dma_wait3A_899] : memref<4352xf32, #tpu.memory_space<vmem>> -> memref<272xf32, #tpu.memory_space<vmem>>
    %dma_wait3A_901 = tpu.memref_slice %arg7[%add3A_182] : memref<557056xf32, #tpu.memory_space<hbm>> -> memref<272xf32, #tpu.memory_space<hbm>>
    %dma_wait3A_902 = tpu.memref_slice %arg7[%add3A_182] : memref<557056xf32, #tpu.memory_space<hbm>> -> memref<272xf32, #tpu.memory_space<hbm>>
    %dma_wait3A_903 = arith.constant 272 : i32
    %dma_wait3A_904 = tpu.memref_slice %arg21[%dma_wait3A_903] : memref<4352xf32, #tpu.memory_space<vmem>> -> memref<272xf32, #tpu.memory_space<vmem>>
    tpu.wait_dma2 semaphore(%arg22 : memref<!tpu.dma_semaphore, #tpu.memory_space<semaphore_mem>>) src(%dma_wait3A_904 : memref<272xf32, #tpu.memory_space<vmem>>) dst(%dma_wait3A_902 : memref<272xf32, #tpu.memory_space<hbm>>)
    %dma_wait3A_905 = arith.constant 544 : i32
    %dma_wait3A_906 = tpu.memref_slice %arg16[%dma_wait3A_905] : memref<4352xi32, #tpu.memory_space<vmem>> -> memref<272xi32, #tpu.memory_space<vmem>>
    %dma_wait3A_907 = tpu.memref_slice %arg5[%add3A_190] : memref<139264xi32, #tpu.memory_space<hbm>> -> memref<272xi32, #tpu.memory_space<hbm>>
    %dma_wait3A_908 = tpu.memref_slice %arg5[%add3A_190] : memref<139264xi32, #tpu.memory_space<hbm>> -> memref<272xi32, #tpu.memory_space<hbm>>
    %dma_wait3A_909 = arith.constant 544 : i32
    %dma_wait3A_910 = tpu.memref_slice %arg16[%dma_wait3A_909] : memref<4352xi32, #tpu.memory_space<vmem>> -> memref<272xi32, #tpu.memory_space<vmem>>
    tpu.wait_dma2 semaphore(%arg22 : memref<!tpu.dma_semaphore, #tpu.memory_space<semaphore_mem>>) src(%dma_wait3A_910 : memref<272xi32, #tpu.memory_space<vmem>>) dst(%dma_wait3A_908 : memref<272xi32, #tpu.memory_space<hbm>>)
    %dma_wait3A_911 = arith.constant 544 : i32
    %dma_wait3A_912 = tpu.memref_slice %arg17[%dma_wait3A_911] : memref<4352xf32, #tpu.memory_space<vmem>> -> memref<272xf32, #tpu.memory_space<vmem>>
    %dma_wait3A_913 = tpu.memref_slice %arg6[%add3A_190] : memref<139264xf32, #tpu.memory_space<hbm>> -> memref<272xf32, #tpu.memory_space<hbm>>
    %dma_wait3A_914 = tpu.memref_slice %arg6[%add3A_190] : memref<139264xf32, #tpu.memory_space<hbm>> -> memref<272xf32, #tpu.memory_space<hbm>>
    %dma_wait3A_915 = arith.constant 544 : i32
    %dma_wait3A_916 = tpu.memref_slice %arg17[%dma_wait3A_915] : memref<4352xf32, #tpu.memory_space<vmem>> -> memref<272xf32, #tpu.memory_space<vmem>>
    tpu.wait_dma2 semaphore(%arg22 : memref<!tpu.dma_semaphore, #tpu.memory_space<semaphore_mem>>) src(%dma_wait3A_916 : memref<272xf32, #tpu.memory_space<vmem>>) dst(%dma_wait3A_914 : memref<272xf32, #tpu.memory_space<hbm>>)
    %dma_wait3A_917 = arith.constant 544 : i32
    %dma_wait3A_918 = tpu.memref_slice %arg18[%dma_wait3A_917] : memref<4352xf32, #tpu.memory_space<vmem>> -> memref<272xf32, #tpu.memory_space<vmem>>
    %dma_wait3A_919 = tpu.memref_slice %arg7[%add3A_204] : memref<557056xf32, #tpu.memory_space<hbm>> -> memref<272xf32, #tpu.memory_space<hbm>>
    %dma_wait3A_920 = tpu.memref_slice %arg7[%add3A_204] : memref<557056xf32, #tpu.memory_space<hbm>> -> memref<272xf32, #tpu.memory_space<hbm>>
    %dma_wait3A_921 = arith.constant 544 : i32
    %dma_wait3A_922 = tpu.memref_slice %arg18[%dma_wait3A_921] : memref<4352xf32, #tpu.memory_space<vmem>> -> memref<272xf32, #tpu.memory_space<vmem>>
    tpu.wait_dma2 semaphore(%arg22 : memref<!tpu.dma_semaphore, #tpu.memory_space<semaphore_mem>>) src(%dma_wait3A_922 : memref<272xf32, #tpu.memory_space<vmem>>) dst(%dma_wait3A_920 : memref<272xf32, #tpu.memory_space<hbm>>)
    %dma_wait3A_923 = arith.constant 544 : i32
    %dma_wait3A_924 = tpu.memref_slice %arg19[%dma_wait3A_923] : memref<4352xf32, #tpu.memory_space<vmem>> -> memref<272xf32, #tpu.memory_space<vmem>>
    %dma_wait3A_925 = tpu.memref_slice %arg7[%add3A_212] : memref<557056xf32, #tpu.memory_space<hbm>> -> memref<272xf32, #tpu.memory_space<hbm>>
    %dma_wait3A_926 = tpu.memref_slice %arg7[%add3A_212] : memref<557056xf32, #tpu.memory_space<hbm>> -> memref<272xf32, #tpu.memory_space<hbm>>
    %dma_wait3A_927 = arith.constant 544 : i32
    %dma_wait3A_928 = tpu.memref_slice %arg19[%dma_wait3A_927] : memref<4352xf32, #tpu.memory_space<vmem>> -> memref<272xf32, #tpu.memory_space<vmem>>
    tpu.wait_dma2 semaphore(%arg22 : memref<!tpu.dma_semaphore, #tpu.memory_space<semaphore_mem>>) src(%dma_wait3A_928 : memref<272xf32, #tpu.memory_space<vmem>>) dst(%dma_wait3A_926 : memref<272xf32, #tpu.memory_space<hbm>>)
    %dma_wait3A_929 = arith.constant 544 : i32
    %dma_wait3A_930 = tpu.memref_slice %arg20[%dma_wait3A_929] : memref<4352xf32, #tpu.memory_space<vmem>> -> memref<272xf32, #tpu.memory_space<vmem>>
    %dma_wait3A_931 = tpu.memref_slice %arg7[%add3A_220] : memref<557056xf32, #tpu.memory_space<hbm>> -> memref<272xf32, #tpu.memory_space<hbm>>
    %dma_wait3A_932 = tpu.memref_slice %arg7[%add3A_220] : memref<557056xf32, #tpu.memory_space<hbm>> -> memref<272xf32, #tpu.memory_space<hbm>>
    %dma_wait3A_933 = arith.constant 544 : i32
    %dma_wait3A_934 = tpu.memref_slice %arg20[%dma_wait3A_933] : memref<4352xf32, #tpu.memory_space<vmem>> -> memref<272xf32, #tpu.memory_space<vmem>>
    tpu.wait_dma2 semaphore(%arg22 : memref<!tpu.dma_semaphore, #tpu.memory_space<semaphore_mem>>) src(%dma_wait3A_934 : memref<272xf32, #tpu.memory_space<vmem>>) dst(%dma_wait3A_932 : memref<272xf32, #tpu.memory_space<hbm>>)
    %dma_wait3A_935 = arith.constant 544 : i32
    %dma_wait3A_936 = tpu.memref_slice %arg21[%dma_wait3A_935] : memref<4352xf32, #tpu.memory_space<vmem>> -> memref<272xf32, #tpu.memory_space<vmem>>
    %dma_wait3A_937 = tpu.memref_slice %arg7[%add3A_228] : memref<557056xf32, #tpu.memory_space<hbm>> -> memref<272xf32, #tpu.memory_space<hbm>>
    %dma_wait3A_938 = tpu.memref_slice %arg7[%add3A_228] : memref<557056xf32, #tpu.memory_space<hbm>> -> memref<272xf32, #tpu.memory_space<hbm>>
    %dma_wait3A_939 = arith.constant 544 : i32
    %dma_wait3A_940 = tpu.memref_slice %arg21[%dma_wait3A_939] : memref<4352xf32, #tpu.memory_space<vmem>> -> memref<272xf32, #tpu.memory_space<vmem>>
    tpu.wait_dma2 semaphore(%arg22 : memref<!tpu.dma_semaphore, #tpu.memory_space<semaphore_mem>>) src(%dma_wait3A_940 : memref<272xf32, #tpu.memory_space<vmem>>) dst(%dma_wait3A_938 : memref<272xf32, #tpu.memory_space<hbm>>)
    %dma_wait3A_941 = arith.constant 816 : i32
    %dma_wait3A_942 = tpu.memref_slice %arg16[%dma_wait3A_941] : memref<4352xi32, #tpu.memory_space<vmem>> -> memref<272xi32, #tpu.memory_space<vmem>>
    %dma_wait3A_943 = tpu.memref_slice %arg5[%add3A_236] : memref<139264xi32, #tpu.memory_space<hbm>> -> memref<272xi32, #tpu.memory_space<hbm>>
    %dma_wait3A_944 = tpu.memref_slice %arg5[%add3A_236] : memref<139264xi32, #tpu.memory_space<hbm>> -> memref<272xi32, #tpu.memory_space<hbm>>
    %dma_wait3A_945 = arith.constant 816 : i32
    %dma_wait3A_946 = tpu.memref_slice %arg16[%dma_wait3A_945] : memref<4352xi32, #tpu.memory_space<vmem>> -> memref<272xi32, #tpu.memory_space<vmem>>
    tpu.wait_dma2 semaphore(%arg22 : memref<!tpu.dma_semaphore, #tpu.memory_space<semaphore_mem>>) src(%dma_wait3A_946 : memref<272xi32, #tpu.memory_space<vmem>>) dst(%dma_wait3A_944 : memref<272xi32, #tpu.memory_space<hbm>>)
    %dma_wait3A_947 = arith.constant 816 : i32
    %dma_wait3A_948 = tpu.memref_slice %arg17[%dma_wait3A_947] : memref<4352xf32, #tpu.memory_space<vmem>> -> memref<272xf32, #tpu.memory_space<vmem>>
    %dma_wait3A_949 = tpu.memref_slice %arg6[%add3A_236] : memref<139264xf32, #tpu.memory_space<hbm>> -> memref<272xf32, #tpu.memory_space<hbm>>
    %dma_wait3A_950 = tpu.memref_slice %arg6[%add3A_236] : memref<139264xf32, #tpu.memory_space<hbm>> -> memref<272xf32, #tpu.memory_space<hbm>>
    %dma_wait3A_951 = arith.constant 816 : i32
    %dma_wait3A_952 = tpu.memref_slice %arg17[%dma_wait3A_951] : memref<4352xf32, #tpu.memory_space<vmem>> -> memref<272xf32, #tpu.memory_space<vmem>>
    tpu.wait_dma2 semaphore(%arg22 : memref<!tpu.dma_semaphore, #tpu.memory_space<semaphore_mem>>) src(%dma_wait3A_952 : memref<272xf32, #tpu.memory_space<vmem>>) dst(%dma_wait3A_950 : memref<272xf32, #tpu.memory_space<hbm>>)
    %dma_wait3A_953 = arith.constant 816 : i32
    %dma_wait3A_954 = tpu.memref_slice %arg18[%dma_wait3A_953] : memref<4352xf32, #tpu.memory_space<vmem>> -> memref<272xf32, #tpu.memory_space<vmem>>
    %dma_wait3A_955 = tpu.memref_slice %arg7[%add3A_250] : memref<557056xf32, #tpu.memory_space<hbm>> -> memref<272xf32, #tpu.memory_space<hbm>>
    %dma_wait3A_956 = tpu.memref_slice %arg7[%add3A_250] : memref<557056xf32, #tpu.memory_space<hbm>> -> memref<272xf32, #tpu.memory_space<hbm>>
    %dma_wait3A_957 = arith.constant 816 : i32
    %dma_wait3A_958 = tpu.memref_slice %arg18[%dma_wait3A_957] : memref<4352xf32, #tpu.memory_space<vmem>> -> memref<272xf32, #tpu.memory_space<vmem>>
    tpu.wait_dma2 semaphore(%arg22 : memref<!tpu.dma_semaphore, #tpu.memory_space<semaphore_mem>>) src(%dma_wait3A_958 : memref<272xf32, #tpu.memory_space<vmem>>) dst(%dma_wait3A_956 : memref<272xf32, #tpu.memory_space<hbm>>)
    %dma_wait3A_959 = arith.constant 816 : i32
    %dma_wait3A_960 = tpu.memref_slice %arg19[%dma_wait3A_959] : memref<4352xf32, #tpu.memory_space<vmem>> -> memref<272xf32, #tpu.memory_space<vmem>>
    %dma_wait3A_961 = tpu.memref_slice %arg7[%add3A_258] : memref<557056xf32, #tpu.memory_space<hbm>> -> memref<272xf32, #tpu.memory_space<hbm>>
    %dma_wait3A_962 = tpu.memref_slice %arg7[%add3A_258] : memref<557056xf32, #tpu.memory_space<hbm>> -> memref<272xf32, #tpu.memory_space<hbm>>
    %dma_wait3A_963 = arith.constant 816 : i32
    %dma_wait3A_964 = tpu.memref_slice %arg19[%dma_wait3A_963] : memref<4352xf32, #tpu.memory_space<vmem>> -> memref<272xf32, #tpu.memory_space<vmem>>
    tpu.wait_dma2 semaphore(%arg22 : memref<!tpu.dma_semaphore, #tpu.memory_space<semaphore_mem>>) src(%dma_wait3A_964 : memref<272xf32, #tpu.memory_space<vmem>>) dst(%dma_wait3A_962 : memref<272xf32, #tpu.memory_space<hbm>>)
    %dma_wait3A_965 = arith.constant 816 : i32
    %dma_wait3A_966 = tpu.memref_slice %arg20[%dma_wait3A_965] : memref<4352xf32, #tpu.memory_space<vmem>> -> memref<272xf32, #tpu.memory_space<vmem>>
    %dma_wait3A_967 = tpu.memref_slice %arg7[%add3A_266] : memref<557056xf32, #tpu.memory_space<hbm>> -> memref<272xf32, #tpu.memory_space<hbm>>
    %dma_wait3A_968 = tpu.memref_slice %arg7[%add3A_266] : memref<557056xf32, #tpu.memory_space<hbm>> -> memref<272xf32, #tpu.memory_space<hbm>>
    %dma_wait3A_969 = arith.constant 816 : i32
    %dma_wait3A_970 = tpu.memref_slice %arg20[%dma_wait3A_969] : memref<4352xf32, #tpu.memory_space<vmem>> -> memref<272xf32, #tpu.memory_space<vmem>>
    tpu.wait_dma2 semaphore(%arg22 : memref<!tpu.dma_semaphore, #tpu.memory_space<semaphore_mem>>) src(%dma_wait3A_970 : memref<272xf32, #tpu.memory_space<vmem>>) dst(%dma_wait3A_968 : memref<272xf32, #tpu.memory_space<hbm>>)
    %dma_wait3A_971 = arith.constant 816 : i32
    %dma_wait3A_972 = tpu.memref_slice %arg21[%dma_wait3A_971] : memref<4352xf32, #tpu.memory_space<vmem>> -> memref<272xf32, #tpu.memory_space<vmem>>
    %dma_wait3A_973 = tpu.memref_slice %arg7[%add3A_274] : memref<557056xf32, #tpu.memory_space<hbm>> -> memref<272xf32, #tpu.memory_space<hbm>>
    %dma_wait3A_974 = tpu.memref_slice %arg7[%add3A_274] : memref<557056xf32, #tpu.memory_space<hbm>> -> memref<272xf32, #tpu.memory_space<hbm>>
    %dma_wait3A_975 = arith.constant 816 : i32
    %dma_wait3A_976 = tpu.memref_slice %arg21[%dma_wait3A_975] : memref<4352xf32, #tpu.memory_space<vmem>> -> memref<272xf32, #tpu.memory_space<vmem>>
    tpu.wait_dma2 semaphore(%arg22 : memref<!tpu.dma_semaphore, #tpu.memory_space<semaphore_mem>>) src(%dma_wait3A_976 : memref<272xf32, #tpu.memory_space<vmem>>) dst(%dma_wait3A_974 : memref<272xf32, #tpu.memory_space<hbm>>)
    %dma_wait3A_977 = arith.constant 1088 : i32
    %dma_wait3A_978 = tpu.memref_slice %arg16[%dma_wait3A_977] : memref<4352xi32, #tpu.memory_space<vmem>> -> memref<272xi32, #tpu.memory_space<vmem>>
    %dma_wait3A_979 = tpu.memref_slice %arg5[%add3A_282] : memref<139264xi32, #tpu.memory_space<hbm>> -> memref<272xi32, #tpu.memory_space<hbm>>
    %dma_wait3A_980 = tpu.memref_slice %arg5[%add3A_282] : memref<139264xi32, #tpu.memory_space<hbm>> -> memref<272xi32, #tpu.memory_space<hbm>>
    %dma_wait3A_981 = arith.constant 1088 : i32
    %dma_wait3A_982 = tpu.memref_slice %arg16[%dma_wait3A_981] : memref<4352xi32, #tpu.memory_space<vmem>> -> memref<272xi32, #tpu.memory_space<vmem>>
    tpu.wait_dma2 semaphore(%arg22 : memref<!tpu.dma_semaphore, #tpu.memory_space<semaphore_mem>>) src(%dma_wait3A_982 : memref<272xi32, #tpu.memory_space<vmem>>) dst(%dma_wait3A_980 : memref<272xi32, #tpu.memory_space<hbm>>)
    %dma_wait3A_983 = arith.constant 1088 : i32
    %dma_wait3A_984 = tpu.memref_slice %arg17[%dma_wait3A_983] : memref<4352xf32, #tpu.memory_space<vmem>> -> memref<272xf32, #tpu.memory_space<vmem>>
    %dma_wait3A_985 = tpu.memref_slice %arg6[%add3A_282] : memref<139264xf32, #tpu.memory_space<hbm>> -> memref<272xf32, #tpu.memory_space<hbm>>
    %dma_wait3A_986 = tpu.memref_slice %arg6[%add3A_282] : memref<139264xf32, #tpu.memory_space<hbm>> -> memref<272xf32, #tpu.memory_space<hbm>>
    %dma_wait3A_987 = arith.constant 1088 : i32
    %dma_wait3A_988 = tpu.memref_slice %arg17[%dma_wait3A_987] : memref<4352xf32, #tpu.memory_space<vmem>> -> memref<272xf32, #tpu.memory_space<vmem>>
    tpu.wait_dma2 semaphore(%arg22 : memref<!tpu.dma_semaphore, #tpu.memory_space<semaphore_mem>>) src(%dma_wait3A_988 : memref<272xf32, #tpu.memory_space<vmem>>) dst(%dma_wait3A_986 : memref<272xf32, #tpu.memory_space<hbm>>)
    %dma_wait3A_989 = arith.constant 1088 : i32
    %dma_wait3A_990 = tpu.memref_slice %arg18[%dma_wait3A_989] : memref<4352xf32, #tpu.memory_space<vmem>> -> memref<272xf32, #tpu.memory_space<vmem>>
    %dma_wait3A_991 = tpu.memref_slice %arg7[%add3A_296] : memref<557056xf32, #tpu.memory_space<hbm>> -> memref<272xf32, #tpu.memory_space<hbm>>
    %dma_wait3A_992 = tpu.memref_slice %arg7[%add3A_296] : memref<557056xf32, #tpu.memory_space<hbm>> -> memref<272xf32, #tpu.memory_space<hbm>>
    %dma_wait3A_993 = arith.constant 1088 : i32
    %dma_wait3A_994 = tpu.memref_slice %arg18[%dma_wait3A_993] : memref<4352xf32, #tpu.memory_space<vmem>> -> memref<272xf32, #tpu.memory_space<vmem>>
    tpu.wait_dma2 semaphore(%arg22 : memref<!tpu.dma_semaphore, #tpu.memory_space<semaphore_mem>>) src(%dma_wait3A_994 : memref<272xf32, #tpu.memory_space<vmem>>) dst(%dma_wait3A_992 : memref<272xf32, #tpu.memory_space<hbm>>)
    %dma_wait3A_995 = arith.constant 1088 : i32
    %dma_wait3A_996 = tpu.memref_slice %arg19[%dma_wait3A_995] : memref<4352xf32, #tpu.memory_space<vmem>> -> memref<272xf32, #tpu.memory_space<vmem>>
    %dma_wait3A_997 = tpu.memref_slice %arg7[%add3A_304] : memref<557056xf32, #tpu.memory_space<hbm>> -> memref<272xf32, #tpu.memory_space<hbm>>
    %dma_wait3A_998 = tpu.memref_slice %arg7[%add3A_304] : memref<557056xf32, #tpu.memory_space<hbm>> -> memref<272xf32, #tpu.memory_space<hbm>>
    %dma_wait3A_999 = arith.constant 1088 : i32
    %dma_wait3A_1000 = tpu.memref_slice %arg19[%dma_wait3A_999] : memref<4352xf32, #tpu.memory_space<vmem>> -> memref<272xf32, #tpu.memory_space<vmem>>
    tpu.wait_dma2 semaphore(%arg22 : memref<!tpu.dma_semaphore, #tpu.memory_space<semaphore_mem>>) src(%dma_wait3A_1000 : memref<272xf32, #tpu.memory_space<vmem>>) dst(%dma_wait3A_998 : memref<272xf32, #tpu.memory_space<hbm>>)
    %dma_wait3A_1001 = arith.constant 1088 : i32
    %dma_wait3A_1002 = tpu.memref_slice %arg20[%dma_wait3A_1001] : memref<4352xf32, #tpu.memory_space<vmem>> -> memref<272xf32, #tpu.memory_space<vmem>>
    %dma_wait3A_1003 = tpu.memref_slice %arg7[%add3A_312] : memref<557056xf32, #tpu.memory_space<hbm>> -> memref<272xf32, #tpu.memory_space<hbm>>
    %dma_wait3A_1004 = tpu.memref_slice %arg7[%add3A_312] : memref<557056xf32, #tpu.memory_space<hbm>> -> memref<272xf32, #tpu.memory_space<hbm>>
    %dma_wait3A_1005 = arith.constant 1088 : i32
    %dma_wait3A_1006 = tpu.memref_slice %arg20[%dma_wait3A_1005] : memref<4352xf32, #tpu.memory_space<vmem>> -> memref<272xf32, #tpu.memory_space<vmem>>
    tpu.wait_dma2 semaphore(%arg22 : memref<!tpu.dma_semaphore, #tpu.memory_space<semaphore_mem>>) src(%dma_wait3A_1006 : memref<272xf32, #tpu.memory_space<vmem>>) dst(%dma_wait3A_1004 : memref<272xf32, #tpu.memory_space<hbm>>)
    %dma_wait3A_1007 = arith.constant 1088 : i32
    %dma_wait3A_1008 = tpu.memref_slice %arg21[%dma_wait3A_1007] : memref<4352xf32, #tpu.memory_space<vmem>> -> memref<272xf32, #tpu.memory_space<vmem>>
    %dma_wait3A_1009 = tpu.memref_slice %arg7[%add3A_320] : memref<557056xf32, #tpu.memory_space<hbm>> -> memref<272xf32, #tpu.memory_space<hbm>>
    %dma_wait3A_1010 = tpu.memref_slice %arg7[%add3A_320] : memref<557056xf32, #tpu.memory_space<hbm>> -> memref<272xf32, #tpu.memory_space<hbm>>
    %dma_wait3A_1011 = arith.constant 1088 : i32
    %dma_wait3A_1012 = tpu.memref_slice %arg21[%dma_wait3A_1011] : memref<4352xf32, #tpu.memory_space<vmem>> -> memref<272xf32, #tpu.memory_space<vmem>>
    tpu.wait_dma2 semaphore(%arg22 : memref<!tpu.dma_semaphore, #tpu.memory_space<semaphore_mem>>) src(%dma_wait3A_1012 : memref<272xf32, #tpu.memory_space<vmem>>) dst(%dma_wait3A_1010 : memref<272xf32, #tpu.memory_space<hbm>>)
    %dma_wait3A_1013 = arith.constant 1360 : i32
    %dma_wait3A_1014 = tpu.memref_slice %arg16[%dma_wait3A_1013] : memref<4352xi32, #tpu.memory_space<vmem>> -> memref<272xi32, #tpu.memory_space<vmem>>
    %dma_wait3A_1015 = tpu.memref_slice %arg5[%add3A_328] : memref<139264xi32, #tpu.memory_space<hbm>> -> memref<272xi32, #tpu.memory_space<hbm>>
    %dma_wait3A_1016 = tpu.memref_slice %arg5[%add3A_328] : memref<139264xi32, #tpu.memory_space<hbm>> -> memref<272xi32, #tpu.memory_space<hbm>>
    %dma_wait3A_1017 = arith.constant 1360 : i32
    %dma_wait3A_1018 = tpu.memref_slice %arg16[%dma_wait3A_1017] : memref<4352xi32, #tpu.memory_space<vmem>> -> memref<272xi32, #tpu.memory_space<vmem>>
    tpu.wait_dma2 semaphore(%arg22 : memref<!tpu.dma_semaphore, #tpu.memory_space<semaphore_mem>>) src(%dma_wait3A_1018 : memref<272xi32, #tpu.memory_space<vmem>>) dst(%dma_wait3A_1016 : memref<272xi32, #tpu.memory_space<hbm>>)
    %dma_wait3A_1019 = arith.constant 1360 : i32
    %dma_wait3A_1020 = tpu.memref_slice %arg17[%dma_wait3A_1019] : memref<4352xf32, #tpu.memory_space<vmem>> -> memref<272xf32, #tpu.memory_space<vmem>>
    %dma_wait3A_1021 = tpu.memref_slice %arg6[%add3A_328] : memref<139264xf32, #tpu.memory_space<hbm>> -> memref<272xf32, #tpu.memory_space<hbm>>
    %dma_wait3A_1022 = tpu.memref_slice %arg6[%add3A_328] : memref<139264xf32, #tpu.memory_space<hbm>> -> memref<272xf32, #tpu.memory_space<hbm>>
    %dma_wait3A_1023 = arith.constant 1360 : i32
    %dma_wait3A_1024 = tpu.memref_slice %arg17[%dma_wait3A_1023] : memref<4352xf32, #tpu.memory_space<vmem>> -> memref<272xf32, #tpu.memory_space<vmem>>
    tpu.wait_dma2 semaphore(%arg22 : memref<!tpu.dma_semaphore, #tpu.memory_space<semaphore_mem>>) src(%dma_wait3A_1024 : memref<272xf32, #tpu.memory_space<vmem>>) dst(%dma_wait3A_1022 : memref<272xf32, #tpu.memory_space<hbm>>)
    %dma_wait3A_1025 = arith.constant 1360 : i32
    %dma_wait3A_1026 = tpu.memref_slice %arg18[%dma_wait3A_1025] : memref<4352xf32, #tpu.memory_space<vmem>> -> memref<272xf32, #tpu.memory_space<vmem>>
    %dma_wait3A_1027 = tpu.memref_slice %arg7[%add3A_342] : memref<557056xf32, #tpu.memory_space<hbm>> -> memref<272xf32, #tpu.memory_space<hbm>>
    %dma_wait3A_1028 = tpu.memref_slice %arg7[%add3A_342] : memref<557056xf32, #tpu.memory_space<hbm>> -> memref<272xf32, #tpu.memory_space<hbm>>
    %dma_wait3A_1029 = arith.constant 1360 : i32
    %dma_wait3A_1030 = tpu.memref_slice %arg18[%dma_wait3A_1029] : memref<4352xf32, #tpu.memory_space<vmem>> -> memref<272xf32, #tpu.memory_space<vmem>>
    tpu.wait_dma2 semaphore(%arg22 : memref<!tpu.dma_semaphore, #tpu.memory_space<semaphore_mem>>) src(%dma_wait3A_1030 : memref<272xf32, #tpu.memory_space<vmem>>) dst(%dma_wait3A_1028 : memref<272xf32, #tpu.memory_space<hbm>>)
    %dma_wait3A_1031 = arith.constant 1360 : i32
    %dma_wait3A_1032 = tpu.memref_slice %arg19[%dma_wait3A_1031] : memref<4352xf32, #tpu.memory_space<vmem>> -> memref<272xf32, #tpu.memory_space<vmem>>
    %dma_wait3A_1033 = tpu.memref_slice %arg7[%add3A_350] : memref<557056xf32, #tpu.memory_space<hbm>> -> memref<272xf32, #tpu.memory_space<hbm>>
    %dma_wait3A_1034 = tpu.memref_slice %arg7[%add3A_350] : memref<557056xf32, #tpu.memory_space<hbm>> -> memref<272xf32, #tpu.memory_space<hbm>>
    %dma_wait3A_1035 = arith.constant 1360 : i32
    %dma_wait3A_1036 = tpu.memref_slice %arg19[%dma_wait3A_1035] : memref<4352xf32, #tpu.memory_space<vmem>> -> memref<272xf32, #tpu.memory_space<vmem>>
    tpu.wait_dma2 semaphore(%arg22 : memref<!tpu.dma_semaphore, #tpu.memory_space<semaphore_mem>>) src(%dma_wait3A_1036 : memref<272xf32, #tpu.memory_space<vmem>>) dst(%dma_wait3A_1034 : memref<272xf32, #tpu.memory_space<hbm>>)
    %dma_wait3A_1037 = arith.constant 1360 : i32
    %dma_wait3A_1038 = tpu.memref_slice %arg20[%dma_wait3A_1037] : memref<4352xf32, #tpu.memory_space<vmem>> -> memref<272xf32, #tpu.memory_space<vmem>>
    %dma_wait3A_1039 = tpu.memref_slice %arg7[%add3A_358] : memref<557056xf32, #tpu.memory_space<hbm>> -> memref<272xf32, #tpu.memory_space<hbm>>
    %dma_wait3A_1040 = tpu.memref_slice %arg7[%add3A_358] : memref<557056xf32, #tpu.memory_space<hbm>> -> memref<272xf32, #tpu.memory_space<hbm>>
    %dma_wait3A_1041 = arith.constant 1360 : i32
    %dma_wait3A_1042 = tpu.memref_slice %arg20[%dma_wait3A_1041] : memref<4352xf32, #tpu.memory_space<vmem>> -> memref<272xf32, #tpu.memory_space<vmem>>
    tpu.wait_dma2 semaphore(%arg22 : memref<!tpu.dma_semaphore, #tpu.memory_space<semaphore_mem>>) src(%dma_wait3A_1042 : memref<272xf32, #tpu.memory_space<vmem>>) dst(%dma_wait3A_1040 : memref<272xf32, #tpu.memory_space<hbm>>)
    %dma_wait3A_1043 = arith.constant 1360 : i32
    %dma_wait3A_1044 = tpu.memref_slice %arg21[%dma_wait3A_1043] : memref<4352xf32, #tpu.memory_space<vmem>> -> memref<272xf32, #tpu.memory_space<vmem>>
    %dma_wait3A_1045 = tpu.memref_slice %arg7[%add3A_366] : memref<557056xf32, #tpu.memory_space<hbm>> -> memref<272xf32, #tpu.memory_space<hbm>>
    %dma_wait3A_1046 = tpu.memref_slice %arg7[%add3A_366] : memref<557056xf32, #tpu.memory_space<hbm>> -> memref<272xf32, #tpu.memory_space<hbm>>
    %dma_wait3A_1047 = arith.constant 1360 : i32
    %dma_wait3A_1048 = tpu.memref_slice %arg21[%dma_wait3A_1047] : memref<4352xf32, #tpu.memory_space<vmem>> -> memref<272xf32, #tpu.memory_space<vmem>>
    tpu.wait_dma2 semaphore(%arg22 : memref<!tpu.dma_semaphore, #tpu.memory_space<semaphore_mem>>) src(%dma_wait3A_1048 : memref<272xf32, #tpu.memory_space<vmem>>) dst(%dma_wait3A_1046 : memref<272xf32, #tpu.memory_space<hbm>>)
    %dma_wait3A_1049 = arith.constant 1632 : i32
    %dma_wait3A_1050 = tpu.memref_slice %arg16[%dma_wait3A_1049] : memref<4352xi32, #tpu.memory_space<vmem>> -> memref<272xi32, #tpu.memory_space<vmem>>
    %dma_wait3A_1051 = tpu.memref_slice %arg5[%add3A_374] : memref<139264xi32, #tpu.memory_space<hbm>> -> memref<272xi32, #tpu.memory_space<hbm>>
    %dma_wait3A_1052 = tpu.memref_slice %arg5[%add3A_374] : memref<139264xi32, #tpu.memory_space<hbm>> -> memref<272xi32, #tpu.memory_space<hbm>>
    %dma_wait3A_1053 = arith.constant 1632 : i32
    %dma_wait3A_1054 = tpu.memref_slice %arg16[%dma_wait3A_1053] : memref<4352xi32, #tpu.memory_space<vmem>> -> memref<272xi32, #tpu.memory_space<vmem>>
    tpu.wait_dma2 semaphore(%arg22 : memref<!tpu.dma_semaphore, #tpu.memory_space<semaphore_mem>>) src(%dma_wait3A_1054 : memref<272xi32, #tpu.memory_space<vmem>>) dst(%dma_wait3A_1052 : memref<272xi32, #tpu.memory_space<hbm>>)
    %dma_wait3A_1055 = arith.constant 1632 : i32
    %dma_wait3A_1056 = tpu.memref_slice %arg17[%dma_wait3A_1055] : memref<4352xf32, #tpu.memory_space<vmem>> -> memref<272xf32, #tpu.memory_space<vmem>>
    %dma_wait3A_1057 = tpu.memref_slice %arg6[%add3A_374] : memref<139264xf32, #tpu.memory_space<hbm>> -> memref<272xf32, #tpu.memory_space<hbm>>
    %dma_wait3A_1058 = tpu.memref_slice %arg6[%add3A_374] : memref<139264xf32, #tpu.memory_space<hbm>> -> memref<272xf32, #tpu.memory_space<hbm>>
    %dma_wait3A_1059 = arith.constant 1632 : i32
    %dma_wait3A_1060 = tpu.memref_slice %arg17[%dma_wait3A_1059] : memref<4352xf32, #tpu.memory_space<vmem>> -> memref<272xf32, #tpu.memory_space<vmem>>
    tpu.wait_dma2 semaphore(%arg22 : memref<!tpu.dma_semaphore, #tpu.memory_space<semaphore_mem>>) src(%dma_wait3A_1060 : memref<272xf32, #tpu.memory_space<vmem>>) dst(%dma_wait3A_1058 : memref<272xf32, #tpu.memory_space<hbm>>)
    %dma_wait3A_1061 = arith.constant 1632 : i32
    %dma_wait3A_1062 = tpu.memref_slice %arg18[%dma_wait3A_1061] : memref<4352xf32, #tpu.memory_space<vmem>> -> memref<272xf32, #tpu.memory_space<vmem>>
    %dma_wait3A_1063 = tpu.memref_slice %arg7[%add3A_388] : memref<557056xf32, #tpu.memory_space<hbm>> -> memref<272xf32, #tpu.memory_space<hbm>>
    %dma_wait3A_1064 = tpu.memref_slice %arg7[%add3A_388] : memref<557056xf32, #tpu.memory_space<hbm>> -> memref<272xf32, #tpu.memory_space<hbm>>
    %dma_wait3A_1065 = arith.constant 1632 : i32
    %dma_wait3A_1066 = tpu.memref_slice %arg18[%dma_wait3A_1065] : memref<4352xf32, #tpu.memory_space<vmem>> -> memref<272xf32, #tpu.memory_space<vmem>>
    tpu.wait_dma2 semaphore(%arg22 : memref<!tpu.dma_semaphore, #tpu.memory_space<semaphore_mem>>) src(%dma_wait3A_1066 : memref<272xf32, #tpu.memory_space<vmem>>) dst(%dma_wait3A_1064 : memref<272xf32, #tpu.memory_space<hbm>>)
    %dma_wait3A_1067 = arith.constant 1632 : i32
    %dma_wait3A_1068 = tpu.memref_slice %arg19[%dma_wait3A_1067] : memref<4352xf32, #tpu.memory_space<vmem>> -> memref<272xf32, #tpu.memory_space<vmem>>
    %dma_wait3A_1069 = tpu.memref_slice %arg7[%add3A_396] : memref<557056xf32, #tpu.memory_space<hbm>> -> memref<272xf32, #tpu.memory_space<hbm>>
    %dma_wait3A_1070 = tpu.memref_slice %arg7[%add3A_396] : memref<557056xf32, #tpu.memory_space<hbm>> -> memref<272xf32, #tpu.memory_space<hbm>>
    %dma_wait3A_1071 = arith.constant 1632 : i32
    %dma_wait3A_1072 = tpu.memref_slice %arg19[%dma_wait3A_1071] : memref<4352xf32, #tpu.memory_space<vmem>> -> memref<272xf32, #tpu.memory_space<vmem>>
    tpu.wait_dma2 semaphore(%arg22 : memref<!tpu.dma_semaphore, #tpu.memory_space<semaphore_mem>>) src(%dma_wait3A_1072 : memref<272xf32, #tpu.memory_space<vmem>>) dst(%dma_wait3A_1070 : memref<272xf32, #tpu.memory_space<hbm>>)
    %dma_wait3A_1073 = arith.constant 1632 : i32
    %dma_wait3A_1074 = tpu.memref_slice %arg20[%dma_wait3A_1073] : memref<4352xf32, #tpu.memory_space<vmem>> -> memref<272xf32, #tpu.memory_space<vmem>>
    %dma_wait3A_1075 = tpu.memref_slice %arg7[%add3A_404] : memref<557056xf32, #tpu.memory_space<hbm>> -> memref<272xf32, #tpu.memory_space<hbm>>
    %dma_wait3A_1076 = tpu.memref_slice %arg7[%add3A_404] : memref<557056xf32, #tpu.memory_space<hbm>> -> memref<272xf32, #tpu.memory_space<hbm>>
    %dma_wait3A_1077 = arith.constant 1632 : i32
    %dma_wait3A_1078 = tpu.memref_slice %arg20[%dma_wait3A_1077] : memref<4352xf32, #tpu.memory_space<vmem>> -> memref<272xf32, #tpu.memory_space<vmem>>
    tpu.wait_dma2 semaphore(%arg22 : memref<!tpu.dma_semaphore, #tpu.memory_space<semaphore_mem>>) src(%dma_wait3A_1078 : memref<272xf32, #tpu.memory_space<vmem>>) dst(%dma_wait3A_1076 : memref<272xf32, #tpu.memory_space<hbm>>)
    %dma_wait3A_1079 = arith.constant 1632 : i32
    %dma_wait3A_1080 = tpu.memref_slice %arg21[%dma_wait3A_1079] : memref<4352xf32, #tpu.memory_space<vmem>> -> memref<272xf32, #tpu.memory_space<vmem>>
    %dma_wait3A_1081 = tpu.memref_slice %arg7[%add3A_412] : memref<557056xf32, #tpu.memory_space<hbm>> -> memref<272xf32, #tpu.memory_space<hbm>>
    %dma_wait3A_1082 = tpu.memref_slice %arg7[%add3A_412] : memref<557056xf32, #tpu.memory_space<hbm>> -> memref<272xf32, #tpu.memory_space<hbm>>
    %dma_wait3A_1083 = arith.constant 1632 : i32
    %dma_wait3A_1084 = tpu.memref_slice %arg21[%dma_wait3A_1083] : memref<4352xf32, #tpu.memory_space<vmem>> -> memref<272xf32, #tpu.memory_space<vmem>>
    tpu.wait_dma2 semaphore(%arg22 : memref<!tpu.dma_semaphore, #tpu.memory_space<semaphore_mem>>) src(%dma_wait3A_1084 : memref<272xf32, #tpu.memory_space<vmem>>) dst(%dma_wait3A_1082 : memref<272xf32, #tpu.memory_space<hbm>>)
    %dma_wait3A_1085 = arith.constant 1904 : i32
    %dma_wait3A_1086 = tpu.memref_slice %arg16[%dma_wait3A_1085] : memref<4352xi32, #tpu.memory_space<vmem>> -> memref<272xi32, #tpu.memory_space<vmem>>
    %dma_wait3A_1087 = tpu.memref_slice %arg5[%add3A_420] : memref<139264xi32, #tpu.memory_space<hbm>> -> memref<272xi32, #tpu.memory_space<hbm>>
    %dma_wait3A_1088 = tpu.memref_slice %arg5[%add3A_420] : memref<139264xi32, #tpu.memory_space<hbm>> -> memref<272xi32, #tpu.memory_space<hbm>>
    %dma_wait3A_1089 = arith.constant 1904 : i32
    %dma_wait3A_1090 = tpu.memref_slice %arg16[%dma_wait3A_1089] : memref<4352xi32, #tpu.memory_space<vmem>> -> memref<272xi32, #tpu.memory_space<vmem>>
    tpu.wait_dma2 semaphore(%arg22 : memref<!tpu.dma_semaphore, #tpu.memory_space<semaphore_mem>>) src(%dma_wait3A_1090 : memref<272xi32, #tpu.memory_space<vmem>>) dst(%dma_wait3A_1088 : memref<272xi32, #tpu.memory_space<hbm>>)
    %dma_wait3A_1091 = arith.constant 1904 : i32
    %dma_wait3A_1092 = tpu.memref_slice %arg17[%dma_wait3A_1091] : memref<4352xf32, #tpu.memory_space<vmem>> -> memref<272xf32, #tpu.memory_space<vmem>>
    %dma_wait3A_1093 = tpu.memref_slice %arg6[%add3A_420] : memref<139264xf32, #tpu.memory_space<hbm>> -> memref<272xf32, #tpu.memory_space<hbm>>
    %dma_wait3A_1094 = tpu.memref_slice %arg6[%add3A_420] : memref<139264xf32, #tpu.memory_space<hbm>> -> memref<272xf32, #tpu.memory_space<hbm>>
    %dma_wait3A_1095 = arith.constant 1904 : i32
    %dma_wait3A_1096 = tpu.memref_slice %arg17[%dma_wait3A_1095] : memref<4352xf32, #tpu.memory_space<vmem>> -> memref<272xf32, #tpu.memory_space<vmem>>
    tpu.wait_dma2 semaphore(%arg22 : memref<!tpu.dma_semaphore, #tpu.memory_space<semaphore_mem>>) src(%dma_wait3A_1096 : memref<272xf32, #tpu.memory_space<vmem>>) dst(%dma_wait3A_1094 : memref<272xf32, #tpu.memory_space<hbm>>)
    %dma_wait3A_1097 = arith.constant 1904 : i32
    %dma_wait3A_1098 = tpu.memref_slice %arg18[%dma_wait3A_1097] : memref<4352xf32, #tpu.memory_space<vmem>> -> memref<272xf32, #tpu.memory_space<vmem>>
    %dma_wait3A_1099 = tpu.memref_slice %arg7[%add3A_434] : memref<557056xf32, #tpu.memory_space<hbm>> -> memref<272xf32, #tpu.memory_space<hbm>>
    %dma_wait3A_1100 = tpu.memref_slice %arg7[%add3A_434] : memref<557056xf32, #tpu.memory_space<hbm>> -> memref<272xf32, #tpu.memory_space<hbm>>
    %dma_wait3A_1101 = arith.constant 1904 : i32
    %dma_wait3A_1102 = tpu.memref_slice %arg18[%dma_wait3A_1101] : memref<4352xf32, #tpu.memory_space<vmem>> -> memref<272xf32, #tpu.memory_space<vmem>>
    tpu.wait_dma2 semaphore(%arg22 : memref<!tpu.dma_semaphore, #tpu.memory_space<semaphore_mem>>) src(%dma_wait3A_1102 : memref<272xf32, #tpu.memory_space<vmem>>) dst(%dma_wait3A_1100 : memref<272xf32, #tpu.memory_space<hbm>>)
    %dma_wait3A_1103 = arith.constant 1904 : i32
    %dma_wait3A_1104 = tpu.memref_slice %arg19[%dma_wait3A_1103] : memref<4352xf32, #tpu.memory_space<vmem>> -> memref<272xf32, #tpu.memory_space<vmem>>
    %dma_wait3A_1105 = tpu.memref_slice %arg7[%add3A_442] : memref<557056xf32, #tpu.memory_space<hbm>> -> memref<272xf32, #tpu.memory_space<hbm>>
    %dma_wait3A_1106 = tpu.memref_slice %arg7[%add3A_442] : memref<557056xf32, #tpu.memory_space<hbm>> -> memref<272xf32, #tpu.memory_space<hbm>>
    %dma_wait3A_1107 = arith.constant 1904 : i32
    %dma_wait3A_1108 = tpu.memref_slice %arg19[%dma_wait3A_1107] : memref<4352xf32, #tpu.memory_space<vmem>> -> memref<272xf32, #tpu.memory_space<vmem>>
    tpu.wait_dma2 semaphore(%arg22 : memref<!tpu.dma_semaphore, #tpu.memory_space<semaphore_mem>>) src(%dma_wait3A_1108 : memref<272xf32, #tpu.memory_space<vmem>>) dst(%dma_wait3A_1106 : memref<272xf32, #tpu.memory_space<hbm>>)
    %dma_wait3A_1109 = arith.constant 1904 : i32
    %dma_wait3A_1110 = tpu.memref_slice %arg20[%dma_wait3A_1109] : memref<4352xf32, #tpu.memory_space<vmem>> -> memref<272xf32, #tpu.memory_space<vmem>>
    %dma_wait3A_1111 = tpu.memref_slice %arg7[%add3A_450] : memref<557056xf32, #tpu.memory_space<hbm>> -> memref<272xf32, #tpu.memory_space<hbm>>
    %dma_wait3A_1112 = tpu.memref_slice %arg7[%add3A_450] : memref<557056xf32, #tpu.memory_space<hbm>> -> memref<272xf32, #tpu.memory_space<hbm>>
    %dma_wait3A_1113 = arith.constant 1904 : i32
    %dma_wait3A_1114 = tpu.memref_slice %arg20[%dma_wait3A_1113] : memref<4352xf32, #tpu.memory_space<vmem>> -> memref<272xf32, #tpu.memory_space<vmem>>
    tpu.wait_dma2 semaphore(%arg22 : memref<!tpu.dma_semaphore, #tpu.memory_space<semaphore_mem>>) src(%dma_wait3A_1114 : memref<272xf32, #tpu.memory_space<vmem>>) dst(%dma_wait3A_1112 : memref<272xf32, #tpu.memory_space<hbm>>)
    %dma_wait3A_1115 = arith.constant 1904 : i32
    %dma_wait3A_1116 = tpu.memref_slice %arg21[%dma_wait3A_1115] : memref<4352xf32, #tpu.memory_space<vmem>> -> memref<272xf32, #tpu.memory_space<vmem>>
    %dma_wait3A_1117 = tpu.memref_slice %arg7[%add3A_458] : memref<557056xf32, #tpu.memory_space<hbm>> -> memref<272xf32, #tpu.memory_space<hbm>>
    %dma_wait3A_1118 = tpu.memref_slice %arg7[%add3A_458] : memref<557056xf32, #tpu.memory_space<hbm>> -> memref<272xf32, #tpu.memory_space<hbm>>
    %dma_wait3A_1119 = arith.constant 1904 : i32
    %dma_wait3A_1120 = tpu.memref_slice %arg21[%dma_wait3A_1119] : memref<4352xf32, #tpu.memory_space<vmem>> -> memref<272xf32, #tpu.memory_space<vmem>>
    tpu.wait_dma2 semaphore(%arg22 : memref<!tpu.dma_semaphore, #tpu.memory_space<semaphore_mem>>) src(%dma_wait3A_1120 : memref<272xf32, #tpu.memory_space<vmem>>) dst(%dma_wait3A_1118 : memref<272xf32, #tpu.memory_space<hbm>>)
    %dma_wait3A_1121 = arith.constant 2176 : i32
    %dma_wait3A_1122 = tpu.memref_slice %arg16[%dma_wait3A_1121] : memref<4352xi32, #tpu.memory_space<vmem>> -> memref<272xi32, #tpu.memory_space<vmem>>
    %dma_wait3A_1123 = tpu.memref_slice %arg5[%add3A_466] : memref<139264xi32, #tpu.memory_space<hbm>> -> memref<272xi32, #tpu.memory_space<hbm>>
    %dma_wait3A_1124 = tpu.memref_slice %arg5[%add3A_466] : memref<139264xi32, #tpu.memory_space<hbm>> -> memref<272xi32, #tpu.memory_space<hbm>>
    %dma_wait3A_1125 = arith.constant 2176 : i32
    %dma_wait3A_1126 = tpu.memref_slice %arg16[%dma_wait3A_1125] : memref<4352xi32, #tpu.memory_space<vmem>> -> memref<272xi32, #tpu.memory_space<vmem>>
    tpu.wait_dma2 semaphore(%arg22 : memref<!tpu.dma_semaphore, #tpu.memory_space<semaphore_mem>>) src(%dma_wait3A_1126 : memref<272xi32, #tpu.memory_space<vmem>>) dst(%dma_wait3A_1124 : memref<272xi32, #tpu.memory_space<hbm>>)
    %dma_wait3A_1127 = arith.constant 2176 : i32
    %dma_wait3A_1128 = tpu.memref_slice %arg17[%dma_wait3A_1127] : memref<4352xf32, #tpu.memory_space<vmem>> -> memref<272xf32, #tpu.memory_space<vmem>>
    %dma_wait3A_1129 = tpu.memref_slice %arg6[%add3A_466] : memref<139264xf32, #tpu.memory_space<hbm>> -> memref<272xf32, #tpu.memory_space<hbm>>
    %dma_wait3A_1130 = tpu.memref_slice %arg6[%add3A_466] : memref<139264xf32, #tpu.memory_space<hbm>> -> memref<272xf32, #tpu.memory_space<hbm>>
    %dma_wait3A_1131 = arith.constant 2176 : i32
    %dma_wait3A_1132 = tpu.memref_slice %arg17[%dma_wait3A_1131] : memref<4352xf32, #tpu.memory_space<vmem>> -> memref<272xf32, #tpu.memory_space<vmem>>
    tpu.wait_dma2 semaphore(%arg22 : memref<!tpu.dma_semaphore, #tpu.memory_space<semaphore_mem>>) src(%dma_wait3A_1132 : memref<272xf32, #tpu.memory_space<vmem>>) dst(%dma_wait3A_1130 : memref<272xf32, #tpu.memory_space<hbm>>)
    %dma_wait3A_1133 = arith.constant 2176 : i32
    %dma_wait3A_1134 = tpu.memref_slice %arg18[%dma_wait3A_1133] : memref<4352xf32, #tpu.memory_space<vmem>> -> memref<272xf32, #tpu.memory_space<vmem>>
    %dma_wait3A_1135 = tpu.memref_slice %arg7[%add3A_480] : memref<557056xf32, #tpu.memory_space<hbm>> -> memref<272xf32, #tpu.memory_space<hbm>>
    %dma_wait3A_1136 = tpu.memref_slice %arg7[%add3A_480] : memref<557056xf32, #tpu.memory_space<hbm>> -> memref<272xf32, #tpu.memory_space<hbm>>
    %dma_wait3A_1137 = arith.constant 2176 : i32
    %dma_wait3A_1138 = tpu.memref_slice %arg18[%dma_wait3A_1137] : memref<4352xf32, #tpu.memory_space<vmem>> -> memref<272xf32, #tpu.memory_space<vmem>>
    tpu.wait_dma2 semaphore(%arg22 : memref<!tpu.dma_semaphore, #tpu.memory_space<semaphore_mem>>) src(%dma_wait3A_1138 : memref<272xf32, #tpu.memory_space<vmem>>) dst(%dma_wait3A_1136 : memref<272xf32, #tpu.memory_space<hbm>>)
    %dma_wait3A_1139 = arith.constant 2176 : i32
    %dma_wait3A_1140 = tpu.memref_slice %arg19[%dma_wait3A_1139] : memref<4352xf32, #tpu.memory_space<vmem>> -> memref<272xf32, #tpu.memory_space<vmem>>
    %dma_wait3A_1141 = tpu.memref_slice %arg7[%add3A_488] : memref<557056xf32, #tpu.memory_space<hbm>> -> memref<272xf32, #tpu.memory_space<hbm>>
    %dma_wait3A_1142 = tpu.memref_slice %arg7[%add3A_488] : memref<557056xf32, #tpu.memory_space<hbm>> -> memref<272xf32, #tpu.memory_space<hbm>>
    %dma_wait3A_1143 = arith.constant 2176 : i32
    %dma_wait3A_1144 = tpu.memref_slice %arg19[%dma_wait3A_1143] : memref<4352xf32, #tpu.memory_space<vmem>> -> memref<272xf32, #tpu.memory_space<vmem>>
    tpu.wait_dma2 semaphore(%arg22 : memref<!tpu.dma_semaphore, #tpu.memory_space<semaphore_mem>>) src(%dma_wait3A_1144 : memref<272xf32, #tpu.memory_space<vmem>>) dst(%dma_wait3A_1142 : memref<272xf32, #tpu.memory_space<hbm>>)
    %dma_wait3A_1145 = arith.constant 2176 : i32
    %dma_wait3A_1146 = tpu.memref_slice %arg20[%dma_wait3A_1145] : memref<4352xf32, #tpu.memory_space<vmem>> -> memref<272xf32, #tpu.memory_space<vmem>>
    %dma_wait3A_1147 = tpu.memref_slice %arg7[%add3A_496] : memref<557056xf32, #tpu.memory_space<hbm>> -> memref<272xf32, #tpu.memory_space<hbm>>
    %dma_wait3A_1148 = tpu.memref_slice %arg7[%add3A_496] : memref<557056xf32, #tpu.memory_space<hbm>> -> memref<272xf32, #tpu.memory_space<hbm>>
    %dma_wait3A_1149 = arith.constant 2176 : i32
    %dma_wait3A_1150 = tpu.memref_slice %arg20[%dma_wait3A_1149] : memref<4352xf32, #tpu.memory_space<vmem>> -> memref<272xf32, #tpu.memory_space<vmem>>
    tpu.wait_dma2 semaphore(%arg22 : memref<!tpu.dma_semaphore, #tpu.memory_space<semaphore_mem>>) src(%dma_wait3A_1150 : memref<272xf32, #tpu.memory_space<vmem>>) dst(%dma_wait3A_1148 : memref<272xf32, #tpu.memory_space<hbm>>)
    %dma_wait3A_1151 = arith.constant 2176 : i32
    %dma_wait3A_1152 = tpu.memref_slice %arg21[%dma_wait3A_1151] : memref<4352xf32, #tpu.memory_space<vmem>> -> memref<272xf32, #tpu.memory_space<vmem>>
    %dma_wait3A_1153 = tpu.memref_slice %arg7[%add3A_504] : memref<557056xf32, #tpu.memory_space<hbm>> -> memref<272xf32, #tpu.memory_space<hbm>>
    %dma_wait3A_1154 = tpu.memref_slice %arg7[%add3A_504] : memref<557056xf32, #tpu.memory_space<hbm>> -> memref<272xf32, #tpu.memory_space<hbm>>
    %dma_wait3A_1155 = arith.constant 2176 : i32
    %dma_wait3A_1156 = tpu.memref_slice %arg21[%dma_wait3A_1155] : memref<4352xf32, #tpu.memory_space<vmem>> -> memref<272xf32, #tpu.memory_space<vmem>>
    tpu.wait_dma2 semaphore(%arg22 : memref<!tpu.dma_semaphore, #tpu.memory_space<semaphore_mem>>) src(%dma_wait3A_1156 : memref<272xf32, #tpu.memory_space<vmem>>) dst(%dma_wait3A_1154 : memref<272xf32, #tpu.memory_space<hbm>>)
    %dma_wait3A_1157 = arith.constant 2448 : i32
    %dma_wait3A_1158 = tpu.memref_slice %arg16[%dma_wait3A_1157] : memref<4352xi32, #tpu.memory_space<vmem>> -> memref<272xi32, #tpu.memory_space<vmem>>
    %dma_wait3A_1159 = tpu.memref_slice %arg5[%add3A_512] : memref<139264xi32, #tpu.memory_space<hbm>> -> memref<272xi32, #tpu.memory_space<hbm>>
    %dma_wait3A_1160 = tpu.memref_slice %arg5[%add3A_512] : memref<139264xi32, #tpu.memory_space<hbm>> -> memref<272xi32, #tpu.memory_space<hbm>>
    %dma_wait3A_1161 = arith.constant 2448 : i32
    %dma_wait3A_1162 = tpu.memref_slice %arg16[%dma_wait3A_1161] : memref<4352xi32, #tpu.memory_space<vmem>> -> memref<272xi32, #tpu.memory_space<vmem>>
    tpu.wait_dma2 semaphore(%arg22 : memref<!tpu.dma_semaphore, #tpu.memory_space<semaphore_mem>>) src(%dma_wait3A_1162 : memref<272xi32, #tpu.memory_space<vmem>>) dst(%dma_wait3A_1160 : memref<272xi32, #tpu.memory_space<hbm>>)
    %dma_wait3A_1163 = arith.constant 2448 : i32
    %dma_wait3A_1164 = tpu.memref_slice %arg17[%dma_wait3A_1163] : memref<4352xf32, #tpu.memory_space<vmem>> -> memref<272xf32, #tpu.memory_space<vmem>>
    %dma_wait3A_1165 = tpu.memref_slice %arg6[%add3A_512] : memref<139264xf32, #tpu.memory_space<hbm>> -> memref<272xf32, #tpu.memory_space<hbm>>
    %dma_wait3A_1166 = tpu.memref_slice %arg6[%add3A_512] : memref<139264xf32, #tpu.memory_space<hbm>> -> memref<272xf32, #tpu.memory_space<hbm>>
    %dma_wait3A_1167 = arith.constant 2448 : i32
    %dma_wait3A_1168 = tpu.memref_slice %arg17[%dma_wait3A_1167] : memref<4352xf32, #tpu.memory_space<vmem>> -> memref<272xf32, #tpu.memory_space<vmem>>
    tpu.wait_dma2 semaphore(%arg22 : memref<!tpu.dma_semaphore, #tpu.memory_space<semaphore_mem>>) src(%dma_wait3A_1168 : memref<272xf32, #tpu.memory_space<vmem>>) dst(%dma_wait3A_1166 : memref<272xf32, #tpu.memory_space<hbm>>)
    %dma_wait3A_1169 = arith.constant 2448 : i32
    %dma_wait3A_1170 = tpu.memref_slice %arg18[%dma_wait3A_1169] : memref<4352xf32, #tpu.memory_space<vmem>> -> memref<272xf32, #tpu.memory_space<vmem>>
    %dma_wait3A_1171 = tpu.memref_slice %arg7[%add3A_526] : memref<557056xf32, #tpu.memory_space<hbm>> -> memref<272xf32, #tpu.memory_space<hbm>>
    %dma_wait3A_1172 = tpu.memref_slice %arg7[%add3A_526] : memref<557056xf32, #tpu.memory_space<hbm>> -> memref<272xf32, #tpu.memory_space<hbm>>
    %dma_wait3A_1173 = arith.constant 2448 : i32
    %dma_wait3A_1174 = tpu.memref_slice %arg18[%dma_wait3A_1173] : memref<4352xf32, #tpu.memory_space<vmem>> -> memref<272xf32, #tpu.memory_space<vmem>>
    tpu.wait_dma2 semaphore(%arg22 : memref<!tpu.dma_semaphore, #tpu.memory_space<semaphore_mem>>) src(%dma_wait3A_1174 : memref<272xf32, #tpu.memory_space<vmem>>) dst(%dma_wait3A_1172 : memref<272xf32, #tpu.memory_space<hbm>>)
    %dma_wait3A_1175 = arith.constant 2448 : i32
    %dma_wait3A_1176 = tpu.memref_slice %arg19[%dma_wait3A_1175] : memref<4352xf32, #tpu.memory_space<vmem>> -> memref<272xf32, #tpu.memory_space<vmem>>
    %dma_wait3A_1177 = tpu.memref_slice %arg7[%add3A_534] : memref<557056xf32, #tpu.memory_space<hbm>> -> memref<272xf32, #tpu.memory_space<hbm>>
    %dma_wait3A_1178 = tpu.memref_slice %arg7[%add3A_534] : memref<557056xf32, #tpu.memory_space<hbm>> -> memref<272xf32, #tpu.memory_space<hbm>>
    %dma_wait3A_1179 = arith.constant 2448 : i32
    %dma_wait3A_1180 = tpu.memref_slice %arg19[%dma_wait3A_1179] : memref<4352xf32, #tpu.memory_space<vmem>> -> memref<272xf32, #tpu.memory_space<vmem>>
    tpu.wait_dma2 semaphore(%arg22 : memref<!tpu.dma_semaphore, #tpu.memory_space<semaphore_mem>>) src(%dma_wait3A_1180 : memref<272xf32, #tpu.memory_space<vmem>>) dst(%dma_wait3A_1178 : memref<272xf32, #tpu.memory_space<hbm>>)
    %dma_wait3A_1181 = arith.constant 2448 : i32
    %dma_wait3A_1182 = tpu.memref_slice %arg20[%dma_wait3A_1181] : memref<4352xf32, #tpu.memory_space<vmem>> -> memref<272xf32, #tpu.memory_space<vmem>>
    %dma_wait3A_1183 = tpu.memref_slice %arg7[%add3A_542] : memref<557056xf32, #tpu.memory_space<hbm>> -> memref<272xf32, #tpu.memory_space<hbm>>
    %dma_wait3A_1184 = tpu.memref_slice %arg7[%add3A_542] : memref<557056xf32, #tpu.memory_space<hbm>> -> memref<272xf32, #tpu.memory_space<hbm>>
    %dma_wait3A_1185 = arith.constant 2448 : i32
    %dma_wait3A_1186 = tpu.memref_slice %arg20[%dma_wait3A_1185] : memref<4352xf32, #tpu.memory_space<vmem>> -> memref<272xf32, #tpu.memory_space<vmem>>
    tpu.wait_dma2 semaphore(%arg22 : memref<!tpu.dma_semaphore, #tpu.memory_space<semaphore_mem>>) src(%dma_wait3A_1186 : memref<272xf32, #tpu.memory_space<vmem>>) dst(%dma_wait3A_1184 : memref<272xf32, #tpu.memory_space<hbm>>)
    %dma_wait3A_1187 = arith.constant 2448 : i32
    %dma_wait3A_1188 = tpu.memref_slice %arg21[%dma_wait3A_1187] : memref<4352xf32, #tpu.memory_space<vmem>> -> memref<272xf32, #tpu.memory_space<vmem>>
    %dma_wait3A_1189 = tpu.memref_slice %arg7[%add3A_550] : memref<557056xf32, #tpu.memory_space<hbm>> -> memref<272xf32, #tpu.memory_space<hbm>>
    %dma_wait3A_1190 = tpu.memref_slice %arg7[%add3A_550] : memref<557056xf32, #tpu.memory_space<hbm>> -> memref<272xf32, #tpu.memory_space<hbm>>
    %dma_wait3A_1191 = arith.constant 2448 : i32
    %dma_wait3A_1192 = tpu.memref_slice %arg21[%dma_wait3A_1191] : memref<4352xf32, #tpu.memory_space<vmem>> -> memref<272xf32, #tpu.memory_space<vmem>>
    tpu.wait_dma2 semaphore(%arg22 : memref<!tpu.dma_semaphore, #tpu.memory_space<semaphore_mem>>) src(%dma_wait3A_1192 : memref<272xf32, #tpu.memory_space<vmem>>) dst(%dma_wait3A_1190 : memref<272xf32, #tpu.memory_space<hbm>>)
    %dma_wait3A_1193 = arith.constant 2720 : i32
    %dma_wait3A_1194 = tpu.memref_slice %arg16[%dma_wait3A_1193] : memref<4352xi32, #tpu.memory_space<vmem>> -> memref<272xi32, #tpu.memory_space<vmem>>
    %dma_wait3A_1195 = tpu.memref_slice %arg5[%add3A_558] : memref<139264xi32, #tpu.memory_space<hbm>> -> memref<272xi32, #tpu.memory_space<hbm>>
    %dma_wait3A_1196 = tpu.memref_slice %arg5[%add3A_558] : memref<139264xi32, #tpu.memory_space<hbm>> -> memref<272xi32, #tpu.memory_space<hbm>>
    %dma_wait3A_1197 = arith.constant 2720 : i32
    %dma_wait3A_1198 = tpu.memref_slice %arg16[%dma_wait3A_1197] : memref<4352xi32, #tpu.memory_space<vmem>> -> memref<272xi32, #tpu.memory_space<vmem>>
    tpu.wait_dma2 semaphore(%arg22 : memref<!tpu.dma_semaphore, #tpu.memory_space<semaphore_mem>>) src(%dma_wait3A_1198 : memref<272xi32, #tpu.memory_space<vmem>>) dst(%dma_wait3A_1196 : memref<272xi32, #tpu.memory_space<hbm>>)
    %dma_wait3A_1199 = arith.constant 2720 : i32
    %dma_wait3A_1200 = tpu.memref_slice %arg17[%dma_wait3A_1199] : memref<4352xf32, #tpu.memory_space<vmem>> -> memref<272xf32, #tpu.memory_space<vmem>>
    %dma_wait3A_1201 = tpu.memref_slice %arg6[%add3A_558] : memref<139264xf32, #tpu.memory_space<hbm>> -> memref<272xf32, #tpu.memory_space<hbm>>
    %dma_wait3A_1202 = tpu.memref_slice %arg6[%add3A_558] : memref<139264xf32, #tpu.memory_space<hbm>> -> memref<272xf32, #tpu.memory_space<hbm>>
    %dma_wait3A_1203 = arith.constant 2720 : i32
    %dma_wait3A_1204 = tpu.memref_slice %arg17[%dma_wait3A_1203] : memref<4352xf32, #tpu.memory_space<vmem>> -> memref<272xf32, #tpu.memory_space<vmem>>
    tpu.wait_dma2 semaphore(%arg22 : memref<!tpu.dma_semaphore, #tpu.memory_space<semaphore_mem>>) src(%dma_wait3A_1204 : memref<272xf32, #tpu.memory_space<vmem>>) dst(%dma_wait3A_1202 : memref<272xf32, #tpu.memory_space<hbm>>)
    %dma_wait3A_1205 = arith.constant 2720 : i32
    %dma_wait3A_1206 = tpu.memref_slice %arg18[%dma_wait3A_1205] : memref<4352xf32, #tpu.memory_space<vmem>> -> memref<272xf32, #tpu.memory_space<vmem>>
    %dma_wait3A_1207 = tpu.memref_slice %arg7[%add3A_572] : memref<557056xf32, #tpu.memory_space<hbm>> -> memref<272xf32, #tpu.memory_space<hbm>>
    %dma_wait3A_1208 = tpu.memref_slice %arg7[%add3A_572] : memref<557056xf32, #tpu.memory_space<hbm>> -> memref<272xf32, #tpu.memory_space<hbm>>
    %dma_wait3A_1209 = arith.constant 2720 : i32
    %dma_wait3A_1210 = tpu.memref_slice %arg18[%dma_wait3A_1209] : memref<4352xf32, #tpu.memory_space<vmem>> -> memref<272xf32, #tpu.memory_space<vmem>>
    tpu.wait_dma2 semaphore(%arg22 : memref<!tpu.dma_semaphore, #tpu.memory_space<semaphore_mem>>) src(%dma_wait3A_1210 : memref<272xf32, #tpu.memory_space<vmem>>) dst(%dma_wait3A_1208 : memref<272xf32, #tpu.memory_space<hbm>>)
    %dma_wait3A_1211 = arith.constant 2720 : i32
    %dma_wait3A_1212 = tpu.memref_slice %arg19[%dma_wait3A_1211] : memref<4352xf32, #tpu.memory_space<vmem>> -> memref<272xf32, #tpu.memory_space<vmem>>
    %dma_wait3A_1213 = tpu.memref_slice %arg7[%add3A_580] : memref<557056xf32, #tpu.memory_space<hbm>> -> memref<272xf32, #tpu.memory_space<hbm>>
    %dma_wait3A_1214 = tpu.memref_slice %arg7[%add3A_580] : memref<557056xf32, #tpu.memory_space<hbm>> -> memref<272xf32, #tpu.memory_space<hbm>>
    %dma_wait3A_1215 = arith.constant 2720 : i32
    %dma_wait3A_1216 = tpu.memref_slice %arg19[%dma_wait3A_1215] : memref<4352xf32, #tpu.memory_space<vmem>> -> memref<272xf32, #tpu.memory_space<vmem>>
    tpu.wait_dma2 semaphore(%arg22 : memref<!tpu.dma_semaphore, #tpu.memory_space<semaphore_mem>>) src(%dma_wait3A_1216 : memref<272xf32, #tpu.memory_space<vmem>>) dst(%dma_wait3A_1214 : memref<272xf32, #tpu.memory_space<hbm>>)
    %dma_wait3A_1217 = arith.constant 2720 : i32
    %dma_wait3A_1218 = tpu.memref_slice %arg20[%dma_wait3A_1217] : memref<4352xf32, #tpu.memory_space<vmem>> -> memref<272xf32, #tpu.memory_space<vmem>>
    %dma_wait3A_1219 = tpu.memref_slice %arg7[%add3A_588] : memref<557056xf32, #tpu.memory_space<hbm>> -> memref<272xf32, #tpu.memory_space<hbm>>
    %dma_wait3A_1220 = tpu.memref_slice %arg7[%add3A_588] : memref<557056xf32, #tpu.memory_space<hbm>> -> memref<272xf32, #tpu.memory_space<hbm>>
    %dma_wait3A_1221 = arith.constant 2720 : i32
    %dma_wait3A_1222 = tpu.memref_slice %arg20[%dma_wait3A_1221] : memref<4352xf32, #tpu.memory_space<vmem>> -> memref<272xf32, #tpu.memory_space<vmem>>
    tpu.wait_dma2 semaphore(%arg22 : memref<!tpu.dma_semaphore, #tpu.memory_space<semaphore_mem>>) src(%dma_wait3A_1222 : memref<272xf32, #tpu.memory_space<vmem>>) dst(%dma_wait3A_1220 : memref<272xf32, #tpu.memory_space<hbm>>)
    %dma_wait3A_1223 = arith.constant 2720 : i32
    %dma_wait3A_1224 = tpu.memref_slice %arg21[%dma_wait3A_1223] : memref<4352xf32, #tpu.memory_space<vmem>> -> memref<272xf32, #tpu.memory_space<vmem>>
    %dma_wait3A_1225 = tpu.memref_slice %arg7[%add3A_596] : memref<557056xf32, #tpu.memory_space<hbm>> -> memref<272xf32, #tpu.memory_space<hbm>>
    %dma_wait3A_1226 = tpu.memref_slice %arg7[%add3A_596] : memref<557056xf32, #tpu.memory_space<hbm>> -> memref<272xf32, #tpu.memory_space<hbm>>
    %dma_wait3A_1227 = arith.constant 2720 : i32
    %dma_wait3A_1228 = tpu.memref_slice %arg21[%dma_wait3A_1227] : memref<4352xf32, #tpu.memory_space<vmem>> -> memref<272xf32, #tpu.memory_space<vmem>>
    tpu.wait_dma2 semaphore(%arg22 : memref<!tpu.dma_semaphore, #tpu.memory_space<semaphore_mem>>) src(%dma_wait3A_1228 : memref<272xf32, #tpu.memory_space<vmem>>) dst(%dma_wait3A_1226 : memref<272xf32, #tpu.memory_space<hbm>>)
    %dma_wait3A_1229 = arith.constant 2992 : i32
    %dma_wait3A_1230 = tpu.memref_slice %arg16[%dma_wait3A_1229] : memref<4352xi32, #tpu.memory_space<vmem>> -> memref<272xi32, #tpu.memory_space<vmem>>
    %dma_wait3A_1231 = tpu.memref_slice %arg5[%add3A_604] : memref<139264xi32, #tpu.memory_space<hbm>> -> memref<272xi32, #tpu.memory_space<hbm>>
    %dma_wait3A_1232 = tpu.memref_slice %arg5[%add3A_604] : memref<139264xi32, #tpu.memory_space<hbm>> -> memref<272xi32, #tpu.memory_space<hbm>>
    %dma_wait3A_1233 = arith.constant 2992 : i32
    %dma_wait3A_1234 = tpu.memref_slice %arg16[%dma_wait3A_1233] : memref<4352xi32, #tpu.memory_space<vmem>> -> memref<272xi32, #tpu.memory_space<vmem>>
    tpu.wait_dma2 semaphore(%arg22 : memref<!tpu.dma_semaphore, #tpu.memory_space<semaphore_mem>>) src(%dma_wait3A_1234 : memref<272xi32, #tpu.memory_space<vmem>>) dst(%dma_wait3A_1232 : memref<272xi32, #tpu.memory_space<hbm>>)
    %dma_wait3A_1235 = arith.constant 2992 : i32
    %dma_wait3A_1236 = tpu.memref_slice %arg17[%dma_wait3A_1235] : memref<4352xf32, #tpu.memory_space<vmem>> -> memref<272xf32, #tpu.memory_space<vmem>>
    %dma_wait3A_1237 = tpu.memref_slice %arg6[%add3A_604] : memref<139264xf32, #tpu.memory_space<hbm>> -> memref<272xf32, #tpu.memory_space<hbm>>
    %dma_wait3A_1238 = tpu.memref_slice %arg6[%add3A_604] : memref<139264xf32, #tpu.memory_space<hbm>> -> memref<272xf32, #tpu.memory_space<hbm>>
    %dma_wait3A_1239 = arith.constant 2992 : i32
    %dma_wait3A_1240 = tpu.memref_slice %arg17[%dma_wait3A_1239] : memref<4352xf32, #tpu.memory_space<vmem>> -> memref<272xf32, #tpu.memory_space<vmem>>
    tpu.wait_dma2 semaphore(%arg22 : memref<!tpu.dma_semaphore, #tpu.memory_space<semaphore_mem>>) src(%dma_wait3A_1240 : memref<272xf32, #tpu.memory_space<vmem>>) dst(%dma_wait3A_1238 : memref<272xf32, #tpu.memory_space<hbm>>)
    %dma_wait3A_1241 = arith.constant 2992 : i32
    %dma_wait3A_1242 = tpu.memref_slice %arg18[%dma_wait3A_1241] : memref<4352xf32, #tpu.memory_space<vmem>> -> memref<272xf32, #tpu.memory_space<vmem>>
    %dma_wait3A_1243 = tpu.memref_slice %arg7[%add3A_618] : memref<557056xf32, #tpu.memory_space<hbm>> -> memref<272xf32, #tpu.memory_space<hbm>>
    %dma_wait3A_1244 = tpu.memref_slice %arg7[%add3A_618] : memref<557056xf32, #tpu.memory_space<hbm>> -> memref<272xf32, #tpu.memory_space<hbm>>
    %dma_wait3A_1245 = arith.constant 2992 : i32
    %dma_wait3A_1246 = tpu.memref_slice %arg18[%dma_wait3A_1245] : memref<4352xf32, #tpu.memory_space<vmem>> -> memref<272xf32, #tpu.memory_space<vmem>>
    tpu.wait_dma2 semaphore(%arg22 : memref<!tpu.dma_semaphore, #tpu.memory_space<semaphore_mem>>) src(%dma_wait3A_1246 : memref<272xf32, #tpu.memory_space<vmem>>) dst(%dma_wait3A_1244 : memref<272xf32, #tpu.memory_space<hbm>>)
    %dma_wait3A_1247 = arith.constant 2992 : i32
    %dma_wait3A_1248 = tpu.memref_slice %arg19[%dma_wait3A_1247] : memref<4352xf32, #tpu.memory_space<vmem>> -> memref<272xf32, #tpu.memory_space<vmem>>
    %dma_wait3A_1249 = tpu.memref_slice %arg7[%add3A_626] : memref<557056xf32, #tpu.memory_space<hbm>> -> memref<272xf32, #tpu.memory_space<hbm>>
    %dma_wait3A_1250 = tpu.memref_slice %arg7[%add3A_626] : memref<557056xf32, #tpu.memory_space<hbm>> -> memref<272xf32, #tpu.memory_space<hbm>>
    %dma_wait3A_1251 = arith.constant 2992 : i32
    %dma_wait3A_1252 = tpu.memref_slice %arg19[%dma_wait3A_1251] : memref<4352xf32, #tpu.memory_space<vmem>> -> memref<272xf32, #tpu.memory_space<vmem>>
    tpu.wait_dma2 semaphore(%arg22 : memref<!tpu.dma_semaphore, #tpu.memory_space<semaphore_mem>>) src(%dma_wait3A_1252 : memref<272xf32, #tpu.memory_space<vmem>>) dst(%dma_wait3A_1250 : memref<272xf32, #tpu.memory_space<hbm>>)
    %dma_wait3A_1253 = arith.constant 2992 : i32
    %dma_wait3A_1254 = tpu.memref_slice %arg20[%dma_wait3A_1253] : memref<4352xf32, #tpu.memory_space<vmem>> -> memref<272xf32, #tpu.memory_space<vmem>>
    %dma_wait3A_1255 = tpu.memref_slice %arg7[%add3A_634] : memref<557056xf32, #tpu.memory_space<hbm>> -> memref<272xf32, #tpu.memory_space<hbm>>
    %dma_wait3A_1256 = tpu.memref_slice %arg7[%add3A_634] : memref<557056xf32, #tpu.memory_space<hbm>> -> memref<272xf32, #tpu.memory_space<hbm>>
    %dma_wait3A_1257 = arith.constant 2992 : i32
    %dma_wait3A_1258 = tpu.memref_slice %arg20[%dma_wait3A_1257] : memref<4352xf32, #tpu.memory_space<vmem>> -> memref<272xf32, #tpu.memory_space<vmem>>
    tpu.wait_dma2 semaphore(%arg22 : memref<!tpu.dma_semaphore, #tpu.memory_space<semaphore_mem>>) src(%dma_wait3A_1258 : memref<272xf32, #tpu.memory_space<vmem>>) dst(%dma_wait3A_1256 : memref<272xf32, #tpu.memory_space<hbm>>)
    %dma_wait3A_1259 = arith.constant 2992 : i32
    %dma_wait3A_1260 = tpu.memref_slice %arg21[%dma_wait3A_1259] : memref<4352xf32, #tpu.memory_space<vmem>> -> memref<272xf32, #tpu.memory_space<vmem>>
    %dma_wait3A_1261 = tpu.memref_slice %arg7[%add3A_642] : memref<557056xf32, #tpu.memory_space<hbm>> -> memref<272xf32, #tpu.memory_space<hbm>>
    %dma_wait3A_1262 = tpu.memref_slice %arg7[%add3A_642] : memref<557056xf32, #tpu.memory_space<hbm>> -> memref<272xf32, #tpu.memory_space<hbm>>
    %dma_wait3A_1263 = arith.constant 2992 : i32
    %dma_wait3A_1264 = tpu.memref_slice %arg21[%dma_wait3A_1263] : memref<4352xf32, #tpu.memory_space<vmem>> -> memref<272xf32, #tpu.memory_space<vmem>>
    tpu.wait_dma2 semaphore(%arg22 : memref<!tpu.dma_semaphore, #tpu.memory_space<semaphore_mem>>) src(%dma_wait3A_1264 : memref<272xf32, #tpu.memory_space<vmem>>) dst(%dma_wait3A_1262 : memref<272xf32, #tpu.memory_space<hbm>>)
    %dma_wait3A_1265 = arith.constant 3264 : i32
    %dma_wait3A_1266 = tpu.memref_slice %arg16[%dma_wait3A_1265] : memref<4352xi32, #tpu.memory_space<vmem>> -> memref<272xi32, #tpu.memory_space<vmem>>
    %dma_wait3A_1267 = tpu.memref_slice %arg5[%add3A_650] : memref<139264xi32, #tpu.memory_space<hbm>> -> memref<272xi32, #tpu.memory_space<hbm>>
    %dma_wait3A_1268 = tpu.memref_slice %arg5[%add3A_650] : memref<139264xi32, #tpu.memory_space<hbm>> -> memref<272xi32, #tpu.memory_space<hbm>>
    %dma_wait3A_1269 = arith.constant 3264 : i32
    %dma_wait3A_1270 = tpu.memref_slice %arg16[%dma_wait3A_1269] : memref<4352xi32, #tpu.memory_space<vmem>> -> memref<272xi32, #tpu.memory_space<vmem>>
    tpu.wait_dma2 semaphore(%arg22 : memref<!tpu.dma_semaphore, #tpu.memory_space<semaphore_mem>>) src(%dma_wait3A_1270 : memref<272xi32, #tpu.memory_space<vmem>>) dst(%dma_wait3A_1268 : memref<272xi32, #tpu.memory_space<hbm>>)
    %dma_wait3A_1271 = arith.constant 3264 : i32
    %dma_wait3A_1272 = tpu.memref_slice %arg17[%dma_wait3A_1271] : memref<4352xf32, #tpu.memory_space<vmem>> -> memref<272xf32, #tpu.memory_space<vmem>>
    %dma_wait3A_1273 = tpu.memref_slice %arg6[%add3A_650] : memref<139264xf32, #tpu.memory_space<hbm>> -> memref<272xf32, #tpu.memory_space<hbm>>
    %dma_wait3A_1274 = tpu.memref_slice %arg6[%add3A_650] : memref<139264xf32, #tpu.memory_space<hbm>> -> memref<272xf32, #tpu.memory_space<hbm>>
    %dma_wait3A_1275 = arith.constant 3264 : i32
    %dma_wait3A_1276 = tpu.memref_slice %arg17[%dma_wait3A_1275] : memref<4352xf32, #tpu.memory_space<vmem>> -> memref<272xf32, #tpu.memory_space<vmem>>
    tpu.wait_dma2 semaphore(%arg22 : memref<!tpu.dma_semaphore, #tpu.memory_space<semaphore_mem>>) src(%dma_wait3A_1276 : memref<272xf32, #tpu.memory_space<vmem>>) dst(%dma_wait3A_1274 : memref<272xf32, #tpu.memory_space<hbm>>)
    %dma_wait3A_1277 = arith.constant 3264 : i32
    %dma_wait3A_1278 = tpu.memref_slice %arg18[%dma_wait3A_1277] : memref<4352xf32, #tpu.memory_space<vmem>> -> memref<272xf32, #tpu.memory_space<vmem>>
    %dma_wait3A_1279 = tpu.memref_slice %arg7[%add3A_664] : memref<557056xf32, #tpu.memory_space<hbm>> -> memref<272xf32, #tpu.memory_space<hbm>>
    %dma_wait3A_1280 = tpu.memref_slice %arg7[%add3A_664] : memref<557056xf32, #tpu.memory_space<hbm>> -> memref<272xf32, #tpu.memory_space<hbm>>
    %dma_wait3A_1281 = arith.constant 3264 : i32
    %dma_wait3A_1282 = tpu.memref_slice %arg18[%dma_wait3A_1281] : memref<4352xf32, #tpu.memory_space<vmem>> -> memref<272xf32, #tpu.memory_space<vmem>>
    tpu.wait_dma2 semaphore(%arg22 : memref<!tpu.dma_semaphore, #tpu.memory_space<semaphore_mem>>) src(%dma_wait3A_1282 : memref<272xf32, #tpu.memory_space<vmem>>) dst(%dma_wait3A_1280 : memref<272xf32, #tpu.memory_space<hbm>>)
    %dma_wait3A_1283 = arith.constant 3264 : i32
    %dma_wait3A_1284 = tpu.memref_slice %arg19[%dma_wait3A_1283] : memref<4352xf32, #tpu.memory_space<vmem>> -> memref<272xf32, #tpu.memory_space<vmem>>
    %dma_wait3A_1285 = tpu.memref_slice %arg7[%add3A_672] : memref<557056xf32, #tpu.memory_space<hbm>> -> memref<272xf32, #tpu.memory_space<hbm>>
    %dma_wait3A_1286 = tpu.memref_slice %arg7[%add3A_672] : memref<557056xf32, #tpu.memory_space<hbm>> -> memref<272xf32, #tpu.memory_space<hbm>>
    %dma_wait3A_1287 = arith.constant 3264 : i32
    %dma_wait3A_1288 = tpu.memref_slice %arg19[%dma_wait3A_1287] : memref<4352xf32, #tpu.memory_space<vmem>> -> memref<272xf32, #tpu.memory_space<vmem>>
    tpu.wait_dma2 semaphore(%arg22 : memref<!tpu.dma_semaphore, #tpu.memory_space<semaphore_mem>>) src(%dma_wait3A_1288 : memref<272xf32, #tpu.memory_space<vmem>>) dst(%dma_wait3A_1286 : memref<272xf32, #tpu.memory_space<hbm>>)
    %dma_wait3A_1289 = arith.constant 3264 : i32
    %dma_wait3A_1290 = tpu.memref_slice %arg20[%dma_wait3A_1289] : memref<4352xf32, #tpu.memory_space<vmem>> -> memref<272xf32, #tpu.memory_space<vmem>>
    %dma_wait3A_1291 = tpu.memref_slice %arg7[%add3A_680] : memref<557056xf32, #tpu.memory_space<hbm>> -> memref<272xf32, #tpu.memory_space<hbm>>
    %dma_wait3A_1292 = tpu.memref_slice %arg7[%add3A_680] : memref<557056xf32, #tpu.memory_space<hbm>> -> memref<272xf32, #tpu.memory_space<hbm>>
    %dma_wait3A_1293 = arith.constant 3264 : i32
    %dma_wait3A_1294 = tpu.memref_slice %arg20[%dma_wait3A_1293] : memref<4352xf32, #tpu.memory_space<vmem>> -> memref<272xf32, #tpu.memory_space<vmem>>
    tpu.wait_dma2 semaphore(%arg22 : memref<!tpu.dma_semaphore, #tpu.memory_space<semaphore_mem>>) src(%dma_wait3A_1294 : memref<272xf32, #tpu.memory_space<vmem>>) dst(%dma_wait3A_1292 : memref<272xf32, #tpu.memory_space<hbm>>)
    %dma_wait3A_1295 = arith.constant 3264 : i32
    %dma_wait3A_1296 = tpu.memref_slice %arg21[%dma_wait3A_1295] : memref<4352xf32, #tpu.memory_space<vmem>> -> memref<272xf32, #tpu.memory_space<vmem>>
    %dma_wait3A_1297 = tpu.memref_slice %arg7[%add3A_688] : memref<557056xf32, #tpu.memory_space<hbm>> -> memref<272xf32, #tpu.memory_space<hbm>>
    %dma_wait3A_1298 = tpu.memref_slice %arg7[%add3A_688] : memref<557056xf32, #tpu.memory_space<hbm>> -> memref<272xf32, #tpu.memory_space<hbm>>
    %dma_wait3A_1299 = arith.constant 3264 : i32
    %dma_wait3A_1300 = tpu.memref_slice %arg21[%dma_wait3A_1299] : memref<4352xf32, #tpu.memory_space<vmem>> -> memref<272xf32, #tpu.memory_space<vmem>>
    tpu.wait_dma2 semaphore(%arg22 : memref<!tpu.dma_semaphore, #tpu.memory_space<semaphore_mem>>) src(%dma_wait3A_1300 : memref<272xf32, #tpu.memory_space<vmem>>) dst(%dma_wait3A_1298 : memref<272xf32, #tpu.memory_space<hbm>>)
    %dma_wait3A_1301 = arith.constant 3536 : i32
    %dma_wait3A_1302 = tpu.memref_slice %arg16[%dma_wait3A_1301] : memref<4352xi32, #tpu.memory_space<vmem>> -> memref<272xi32, #tpu.memory_space<vmem>>
    %dma_wait3A_1303 = tpu.memref_slice %arg5[%add3A_696] : memref<139264xi32, #tpu.memory_space<hbm>> -> memref<272xi32, #tpu.memory_space<hbm>>
    %dma_wait3A_1304 = tpu.memref_slice %arg5[%add3A_696] : memref<139264xi32, #tpu.memory_space<hbm>> -> memref<272xi32, #tpu.memory_space<hbm>>
    %dma_wait3A_1305 = arith.constant 3536 : i32
    %dma_wait3A_1306 = tpu.memref_slice %arg16[%dma_wait3A_1305] : memref<4352xi32, #tpu.memory_space<vmem>> -> memref<272xi32, #tpu.memory_space<vmem>>
    tpu.wait_dma2 semaphore(%arg22 : memref<!tpu.dma_semaphore, #tpu.memory_space<semaphore_mem>>) src(%dma_wait3A_1306 : memref<272xi32, #tpu.memory_space<vmem>>) dst(%dma_wait3A_1304 : memref<272xi32, #tpu.memory_space<hbm>>)
    %dma_wait3A_1307 = arith.constant 3536 : i32
    %dma_wait3A_1308 = tpu.memref_slice %arg17[%dma_wait3A_1307] : memref<4352xf32, #tpu.memory_space<vmem>> -> memref<272xf32, #tpu.memory_space<vmem>>
    %dma_wait3A_1309 = tpu.memref_slice %arg6[%add3A_696] : memref<139264xf32, #tpu.memory_space<hbm>> -> memref<272xf32, #tpu.memory_space<hbm>>
    %dma_wait3A_1310 = tpu.memref_slice %arg6[%add3A_696] : memref<139264xf32, #tpu.memory_space<hbm>> -> memref<272xf32, #tpu.memory_space<hbm>>
    %dma_wait3A_1311 = arith.constant 3536 : i32
    %dma_wait3A_1312 = tpu.memref_slice %arg17[%dma_wait3A_1311] : memref<4352xf32, #tpu.memory_space<vmem>> -> memref<272xf32, #tpu.memory_space<vmem>>
    tpu.wait_dma2 semaphore(%arg22 : memref<!tpu.dma_semaphore, #tpu.memory_space<semaphore_mem>>) src(%dma_wait3A_1312 : memref<272xf32, #tpu.memory_space<vmem>>) dst(%dma_wait3A_1310 : memref<272xf32, #tpu.memory_space<hbm>>)
    %dma_wait3A_1313 = arith.constant 3536 : i32
    %dma_wait3A_1314 = tpu.memref_slice %arg18[%dma_wait3A_1313] : memref<4352xf32, #tpu.memory_space<vmem>> -> memref<272xf32, #tpu.memory_space<vmem>>
    %dma_wait3A_1315 = tpu.memref_slice %arg7[%add3A_710] : memref<557056xf32, #tpu.memory_space<hbm>> -> memref<272xf32, #tpu.memory_space<hbm>>
    %dma_wait3A_1316 = tpu.memref_slice %arg7[%add3A_710] : memref<557056xf32, #tpu.memory_space<hbm>> -> memref<272xf32, #tpu.memory_space<hbm>>
    %dma_wait3A_1317 = arith.constant 3536 : i32
    %dma_wait3A_1318 = tpu.memref_slice %arg18[%dma_wait3A_1317] : memref<4352xf32, #tpu.memory_space<vmem>> -> memref<272xf32, #tpu.memory_space<vmem>>
    tpu.wait_dma2 semaphore(%arg22 : memref<!tpu.dma_semaphore, #tpu.memory_space<semaphore_mem>>) src(%dma_wait3A_1318 : memref<272xf32, #tpu.memory_space<vmem>>) dst(%dma_wait3A_1316 : memref<272xf32, #tpu.memory_space<hbm>>)
    %dma_wait3A_1319 = arith.constant 3536 : i32
    %dma_wait3A_1320 = tpu.memref_slice %arg19[%dma_wait3A_1319] : memref<4352xf32, #tpu.memory_space<vmem>> -> memref<272xf32, #tpu.memory_space<vmem>>
    %dma_wait3A_1321 = tpu.memref_slice %arg7[%add3A_718] : memref<557056xf32, #tpu.memory_space<hbm>> -> memref<272xf32, #tpu.memory_space<hbm>>
    %dma_wait3A_1322 = tpu.memref_slice %arg7[%add3A_718] : memref<557056xf32, #tpu.memory_space<hbm>> -> memref<272xf32, #tpu.memory_space<hbm>>
    %dma_wait3A_1323 = arith.constant 3536 : i32
    %dma_wait3A_1324 = tpu.memref_slice %arg19[%dma_wait3A_1323] : memref<4352xf32, #tpu.memory_space<vmem>> -> memref<272xf32, #tpu.memory_space<vmem>>
    tpu.wait_dma2 semaphore(%arg22 : memref<!tpu.dma_semaphore, #tpu.memory_space<semaphore_mem>>) src(%dma_wait3A_1324 : memref<272xf32, #tpu.memory_space<vmem>>) dst(%dma_wait3A_1322 : memref<272xf32, #tpu.memory_space<hbm>>)
    %dma_wait3A_1325 = arith.constant 3536 : i32
    %dma_wait3A_1326 = tpu.memref_slice %arg20[%dma_wait3A_1325] : memref<4352xf32, #tpu.memory_space<vmem>> -> memref<272xf32, #tpu.memory_space<vmem>>
    %dma_wait3A_1327 = tpu.memref_slice %arg7[%add3A_726] : memref<557056xf32, #tpu.memory_space<hbm>> -> memref<272xf32, #tpu.memory_space<hbm>>
    %dma_wait3A_1328 = tpu.memref_slice %arg7[%add3A_726] : memref<557056xf32, #tpu.memory_space<hbm>> -> memref<272xf32, #tpu.memory_space<hbm>>
    %dma_wait3A_1329 = arith.constant 3536 : i32
    %dma_wait3A_1330 = tpu.memref_slice %arg20[%dma_wait3A_1329] : memref<4352xf32, #tpu.memory_space<vmem>> -> memref<272xf32, #tpu.memory_space<vmem>>
    tpu.wait_dma2 semaphore(%arg22 : memref<!tpu.dma_semaphore, #tpu.memory_space<semaphore_mem>>) src(%dma_wait3A_1330 : memref<272xf32, #tpu.memory_space<vmem>>) dst(%dma_wait3A_1328 : memref<272xf32, #tpu.memory_space<hbm>>)
    %dma_wait3A_1331 = arith.constant 3536 : i32
    %dma_wait3A_1332 = tpu.memref_slice %arg21[%dma_wait3A_1331] : memref<4352xf32, #tpu.memory_space<vmem>> -> memref<272xf32, #tpu.memory_space<vmem>>
    %dma_wait3A_1333 = tpu.memref_slice %arg7[%add3A_734] : memref<557056xf32, #tpu.memory_space<hbm>> -> memref<272xf32, #tpu.memory_space<hbm>>
    %dma_wait3A_1334 = tpu.memref_slice %arg7[%add3A_734] : memref<557056xf32, #tpu.memory_space<hbm>> -> memref<272xf32, #tpu.memory_space<hbm>>
    %dma_wait3A_1335 = arith.constant 3536 : i32
    %dma_wait3A_1336 = tpu.memref_slice %arg21[%dma_wait3A_1335] : memref<4352xf32, #tpu.memory_space<vmem>> -> memref<272xf32, #tpu.memory_space<vmem>>
    tpu.wait_dma2 semaphore(%arg22 : memref<!tpu.dma_semaphore, #tpu.memory_space<semaphore_mem>>) src(%dma_wait3A_1336 : memref<272xf32, #tpu.memory_space<vmem>>) dst(%dma_wait3A_1334 : memref<272xf32, #tpu.memory_space<hbm>>)
    %dma_wait3A_1337 = arith.constant 3808 : i32
    %dma_wait3A_1338 = tpu.memref_slice %arg16[%dma_wait3A_1337] : memref<4352xi32, #tpu.memory_space<vmem>> -> memref<272xi32, #tpu.memory_space<vmem>>
    %dma_wait3A_1339 = tpu.memref_slice %arg5[%add3A_742] : memref<139264xi32, #tpu.memory_space<hbm>> -> memref<272xi32, #tpu.memory_space<hbm>>
    %dma_wait3A_1340 = tpu.memref_slice %arg5[%add3A_742] : memref<139264xi32, #tpu.memory_space<hbm>> -> memref<272xi32, #tpu.memory_space<hbm>>
    %dma_wait3A_1341 = arith.constant 3808 : i32
    %dma_wait3A_1342 = tpu.memref_slice %arg16[%dma_wait3A_1341] : memref<4352xi32, #tpu.memory_space<vmem>> -> memref<272xi32, #tpu.memory_space<vmem>>
    tpu.wait_dma2 semaphore(%arg22 : memref<!tpu.dma_semaphore, #tpu.memory_space<semaphore_mem>>) src(%dma_wait3A_1342 : memref<272xi32, #tpu.memory_space<vmem>>) dst(%dma_wait3A_1340 : memref<272xi32, #tpu.memory_space<hbm>>)
    %dma_wait3A_1343 = arith.constant 3808 : i32
    %dma_wait3A_1344 = tpu.memref_slice %arg17[%dma_wait3A_1343] : memref<4352xf32, #tpu.memory_space<vmem>> -> memref<272xf32, #tpu.memory_space<vmem>>
    %dma_wait3A_1345 = tpu.memref_slice %arg6[%add3A_742] : memref<139264xf32, #tpu.memory_space<hbm>> -> memref<272xf32, #tpu.memory_space<hbm>>
    %dma_wait3A_1346 = tpu.memref_slice %arg6[%add3A_742] : memref<139264xf32, #tpu.memory_space<hbm>> -> memref<272xf32, #tpu.memory_space<hbm>>
    %dma_wait3A_1347 = arith.constant 3808 : i32
    %dma_wait3A_1348 = tpu.memref_slice %arg17[%dma_wait3A_1347] : memref<4352xf32, #tpu.memory_space<vmem>> -> memref<272xf32, #tpu.memory_space<vmem>>
    tpu.wait_dma2 semaphore(%arg22 : memref<!tpu.dma_semaphore, #tpu.memory_space<semaphore_mem>>) src(%dma_wait3A_1348 : memref<272xf32, #tpu.memory_space<vmem>>) dst(%dma_wait3A_1346 : memref<272xf32, #tpu.memory_space<hbm>>)
    %dma_wait3A_1349 = arith.constant 3808 : i32
    %dma_wait3A_1350 = tpu.memref_slice %arg18[%dma_wait3A_1349] : memref<4352xf32, #tpu.memory_space<vmem>> -> memref<272xf32, #tpu.memory_space<vmem>>
    %dma_wait3A_1351 = tpu.memref_slice %arg7[%add3A_756] : memref<557056xf32, #tpu.memory_space<hbm>> -> memref<272xf32, #tpu.memory_space<hbm>>
    %dma_wait3A_1352 = tpu.memref_slice %arg7[%add3A_756] : memref<557056xf32, #tpu.memory_space<hbm>> -> memref<272xf32, #tpu.memory_space<hbm>>
    %dma_wait3A_1353 = arith.constant 3808 : i32
    %dma_wait3A_1354 = tpu.memref_slice %arg18[%dma_wait3A_1353] : memref<4352xf32, #tpu.memory_space<vmem>> -> memref<272xf32, #tpu.memory_space<vmem>>
    tpu.wait_dma2 semaphore(%arg22 : memref<!tpu.dma_semaphore, #tpu.memory_space<semaphore_mem>>) src(%dma_wait3A_1354 : memref<272xf32, #tpu.memory_space<vmem>>) dst(%dma_wait3A_1352 : memref<272xf32, #tpu.memory_space<hbm>>)
    %dma_wait3A_1355 = arith.constant 3808 : i32
    %dma_wait3A_1356 = tpu.memref_slice %arg19[%dma_wait3A_1355] : memref<4352xf32, #tpu.memory_space<vmem>> -> memref<272xf32, #tpu.memory_space<vmem>>
    %dma_wait3A_1357 = tpu.memref_slice %arg7[%add3A_764] : memref<557056xf32, #tpu.memory_space<hbm>> -> memref<272xf32, #tpu.memory_space<hbm>>
    %dma_wait3A_1358 = tpu.memref_slice %arg7[%add3A_764] : memref<557056xf32, #tpu.memory_space<hbm>> -> memref<272xf32, #tpu.memory_space<hbm>>
    %dma_wait3A_1359 = arith.constant 3808 : i32
    %dma_wait3A_1360 = tpu.memref_slice %arg19[%dma_wait3A_1359] : memref<4352xf32, #tpu.memory_space<vmem>> -> memref<272xf32, #tpu.memory_space<vmem>>
    tpu.wait_dma2 semaphore(%arg22 : memref<!tpu.dma_semaphore, #tpu.memory_space<semaphore_mem>>) src(%dma_wait3A_1360 : memref<272xf32, #tpu.memory_space<vmem>>) dst(%dma_wait3A_1358 : memref<272xf32, #tpu.memory_space<hbm>>)
    %dma_wait3A_1361 = arith.constant 3808 : i32
    %dma_wait3A_1362 = tpu.memref_slice %arg20[%dma_wait3A_1361] : memref<4352xf32, #tpu.memory_space<vmem>> -> memref<272xf32, #tpu.memory_space<vmem>>
    %dma_wait3A_1363 = tpu.memref_slice %arg7[%add3A_772] : memref<557056xf32, #tpu.memory_space<hbm>> -> memref<272xf32, #tpu.memory_space<hbm>>
    %dma_wait3A_1364 = tpu.memref_slice %arg7[%add3A_772] : memref<557056xf32, #tpu.memory_space<hbm>> -> memref<272xf32, #tpu.memory_space<hbm>>
    %dma_wait3A_1365 = arith.constant 3808 : i32
    %dma_wait3A_1366 = tpu.memref_slice %arg20[%dma_wait3A_1365] : memref<4352xf32, #tpu.memory_space<vmem>> -> memref<272xf32, #tpu.memory_space<vmem>>
    tpu.wait_dma2 semaphore(%arg22 : memref<!tpu.dma_semaphore, #tpu.memory_space<semaphore_mem>>) src(%dma_wait3A_1366 : memref<272xf32, #tpu.memory_space<vmem>>) dst(%dma_wait3A_1364 : memref<272xf32, #tpu.memory_space<hbm>>)
    %dma_wait3A_1367 = arith.constant 3808 : i32
    %dma_wait3A_1368 = tpu.memref_slice %arg21[%dma_wait3A_1367] : memref<4352xf32, #tpu.memory_space<vmem>> -> memref<272xf32, #tpu.memory_space<vmem>>
    %dma_wait3A_1369 = tpu.memref_slice %arg7[%add3A_780] : memref<557056xf32, #tpu.memory_space<hbm>> -> memref<272xf32, #tpu.memory_space<hbm>>
    %dma_wait3A_1370 = tpu.memref_slice %arg7[%add3A_780] : memref<557056xf32, #tpu.memory_space<hbm>> -> memref<272xf32, #tpu.memory_space<hbm>>
    %dma_wait3A_1371 = arith.constant 3808 : i32
    %dma_wait3A_1372 = tpu.memref_slice %arg21[%dma_wait3A_1371] : memref<4352xf32, #tpu.memory_space<vmem>> -> memref<272xf32, #tpu.memory_space<vmem>>
    tpu.wait_dma2 semaphore(%arg22 : memref<!tpu.dma_semaphore, #tpu.memory_space<semaphore_mem>>) src(%dma_wait3A_1372 : memref<272xf32, #tpu.memory_space<vmem>>) dst(%dma_wait3A_1370 : memref<272xf32, #tpu.memory_space<hbm>>)
    %dma_wait3A_1373 = arith.constant 4080 : i32
    %dma_wait3A_1374 = tpu.memref_slice %arg16[%dma_wait3A_1373] : memref<4352xi32, #tpu.memory_space<vmem>> -> memref<272xi32, #tpu.memory_space<vmem>>
    %dma_wait3A_1375 = tpu.memref_slice %arg5[%add3A_788] : memref<139264xi32, #tpu.memory_space<hbm>> -> memref<272xi32, #tpu.memory_space<hbm>>
    %dma_wait3A_1376 = tpu.memref_slice %arg5[%add3A_788] : memref<139264xi32, #tpu.memory_space<hbm>> -> memref<272xi32, #tpu.memory_space<hbm>>
    %dma_wait3A_1377 = arith.constant 4080 : i32
    %dma_wait3A_1378 = tpu.memref_slice %arg16[%dma_wait3A_1377] : memref<4352xi32, #tpu.memory_space<vmem>> -> memref<272xi32, #tpu.memory_space<vmem>>
    tpu.wait_dma2 semaphore(%arg22 : memref<!tpu.dma_semaphore, #tpu.memory_space<semaphore_mem>>) src(%dma_wait3A_1378 : memref<272xi32, #tpu.memory_space<vmem>>) dst(%dma_wait3A_1376 : memref<272xi32, #tpu.memory_space<hbm>>)
    %dma_wait3A_1379 = arith.constant 4080 : i32
    %dma_wait3A_1380 = tpu.memref_slice %arg17[%dma_wait3A_1379] : memref<4352xf32, #tpu.memory_space<vmem>> -> memref<272xf32, #tpu.memory_space<vmem>>
    %dma_wait3A_1381 = tpu.memref_slice %arg6[%add3A_788] : memref<139264xf32, #tpu.memory_space<hbm>> -> memref<272xf32, #tpu.memory_space<hbm>>
    %dma_wait3A_1382 = tpu.memref_slice %arg6[%add3A_788] : memref<139264xf32, #tpu.memory_space<hbm>> -> memref<272xf32, #tpu.memory_space<hbm>>
    %dma_wait3A_1383 = arith.constant 4080 : i32
    %dma_wait3A_1384 = tpu.memref_slice %arg17[%dma_wait3A_1383] : memref<4352xf32, #tpu.memory_space<vmem>> -> memref<272xf32, #tpu.memory_space<vmem>>
    tpu.wait_dma2 semaphore(%arg22 : memref<!tpu.dma_semaphore, #tpu.memory_space<semaphore_mem>>) src(%dma_wait3A_1384 : memref<272xf32, #tpu.memory_space<vmem>>) dst(%dma_wait3A_1382 : memref<272xf32, #tpu.memory_space<hbm>>)
    %dma_wait3A_1385 = arith.constant 4080 : i32
    %dma_wait3A_1386 = tpu.memref_slice %arg18[%dma_wait3A_1385] : memref<4352xf32, #tpu.memory_space<vmem>> -> memref<272xf32, #tpu.memory_space<vmem>>
    %dma_wait3A_1387 = tpu.memref_slice %arg7[%add3A_802] : memref<557056xf32, #tpu.memory_space<hbm>> -> memref<272xf32, #tpu.memory_space<hbm>>
    %dma_wait3A_1388 = tpu.memref_slice %arg7[%add3A_802] : memref<557056xf32, #tpu.memory_space<hbm>> -> memref<272xf32, #tpu.memory_space<hbm>>
    %dma_wait3A_1389 = arith.constant 4080 : i32
    %dma_wait3A_1390 = tpu.memref_slice %arg18[%dma_wait3A_1389] : memref<4352xf32, #tpu.memory_space<vmem>> -> memref<272xf32, #tpu.memory_space<vmem>>
    tpu.wait_dma2 semaphore(%arg22 : memref<!tpu.dma_semaphore, #tpu.memory_space<semaphore_mem>>) src(%dma_wait3A_1390 : memref<272xf32, #tpu.memory_space<vmem>>) dst(%dma_wait3A_1388 : memref<272xf32, #tpu.memory_space<hbm>>)
    %dma_wait3A_1391 = arith.constant 4080 : i32
    %dma_wait3A_1392 = tpu.memref_slice %arg19[%dma_wait3A_1391] : memref<4352xf32, #tpu.memory_space<vmem>> -> memref<272xf32, #tpu.memory_space<vmem>>
    %dma_wait3A_1393 = tpu.memref_slice %arg7[%add3A_810] : memref<557056xf32, #tpu.memory_space<hbm>> -> memref<272xf32, #tpu.memory_space<hbm>>
    %dma_wait3A_1394 = tpu.memref_slice %arg7[%add3A_810] : memref<557056xf32, #tpu.memory_space<hbm>> -> memref<272xf32, #tpu.memory_space<hbm>>
    %dma_wait3A_1395 = arith.constant 4080 : i32
    %dma_wait3A_1396 = tpu.memref_slice %arg19[%dma_wait3A_1395] : memref<4352xf32, #tpu.memory_space<vmem>> -> memref<272xf32, #tpu.memory_space<vmem>>
    tpu.wait_dma2 semaphore(%arg22 : memref<!tpu.dma_semaphore, #tpu.memory_space<semaphore_mem>>) src(%dma_wait3A_1396 : memref<272xf32, #tpu.memory_space<vmem>>) dst(%dma_wait3A_1394 : memref<272xf32, #tpu.memory_space<hbm>>)
    %dma_wait3A_1397 = arith.constant 4080 : i32
    %dma_wait3A_1398 = tpu.memref_slice %arg20[%dma_wait3A_1397] : memref<4352xf32, #tpu.memory_space<vmem>> -> memref<272xf32, #tpu.memory_space<vmem>>
    %dma_wait3A_1399 = tpu.memref_slice %arg7[%add3A_818] : memref<557056xf32, #tpu.memory_space<hbm>> -> memref<272xf32, #tpu.memory_space<hbm>>
    %dma_wait3A_1400 = tpu.memref_slice %arg7[%add3A_818] : memref<557056xf32, #tpu.memory_space<hbm>> -> memref<272xf32, #tpu.memory_space<hbm>>
    %dma_wait3A_1401 = arith.constant 4080 : i32
    %dma_wait3A_1402 = tpu.memref_slice %arg20[%dma_wait3A_1401] : memref<4352xf32, #tpu.memory_space<vmem>> -> memref<272xf32, #tpu.memory_space<vmem>>
    tpu.wait_dma2 semaphore(%arg22 : memref<!tpu.dma_semaphore, #tpu.memory_space<semaphore_mem>>) src(%dma_wait3A_1402 : memref<272xf32, #tpu.memory_space<vmem>>) dst(%dma_wait3A_1400 : memref<272xf32, #tpu.memory_space<hbm>>)
    %dma_wait3A_1403 = arith.constant 4080 : i32
    %dma_wait3A_1404 = tpu.memref_slice %arg21[%dma_wait3A_1403] : memref<4352xf32, #tpu.memory_space<vmem>> -> memref<272xf32, #tpu.memory_space<vmem>>
    %dma_wait3A_1405 = tpu.memref_slice %arg7[%add3A_826] : memref<557056xf32, #tpu.memory_space<hbm>> -> memref<272xf32, #tpu.memory_space<hbm>>
    %dma_wait3A_1406 = tpu.memref_slice %arg7[%add3A_826] : memref<557056xf32, #tpu.memory_space<hbm>> -> memref<272xf32, #tpu.memory_space<hbm>>
    %dma_wait3A_1407 = arith.constant 4080 : i32
    %dma_wait3A_1408 = tpu.memref_slice %arg21[%dma_wait3A_1407] : memref<4352xf32, #tpu.memory_space<vmem>> -> memref<272xf32, #tpu.memory_space<vmem>>
    tpu.wait_dma2 semaphore(%arg22 : memref<!tpu.dma_semaphore, #tpu.memory_space<semaphore_mem>>) src(%dma_wait3A_1408 : memref<272xf32, #tpu.memory_space<vmem>>) dst(%dma_wait3A_1406 : memref<272xf32, #tpu.memory_space<hbm>>)
    return
  }
}

</mosaic_0001>

<sc_bundles>
// kernel: _assign.3.cloned.1.call-start
scs
__scs_entry_jumppad:
0x0: {  	(pc) =	sbr.rel $0x88, $3  }
0x1: {  	(tag) =	ssettag $0x0;
	lr =	simm.s32 $0x1  }
0x2: {  	[smem:$0x3F9F] =	sst lr;
	_ =	strace $0xD0000000  }
0x3: {  	_ = 	snop  }
0x4: {  	_ = 	snop  }
0x5: {  	_ = 	snop  }
0x6: {  	_ = 	snop  }
0x7: {  	_ = 	snop  }
__scs_overlays_trampoline_lowered:
0x8: {  	[smem:$0x3FAE] =	sst s0  }
0x9: {  	[smem:$0x3FAF] =	sst s1  }
0xa: {  	[smem:$0x3FB0] =	sst s2  }
0xb: {  	[smem:$0x3FB1] =	sst s3  }
0xc: {  	[smem:$0x3FB2] =	sst s4  }
0xd: {  	[smem:$0x3FB3] =	sst s5  }
0xe: {  	[smem:$0x3FB4] =	sst s6  }
0xf: {  	[smem:$0x3FB5] =	sst s7  }
0x10: {  	[smem:$0x3FB6] =	sst s8  }
0x11: {  	[smem:$0x3FB7] =	sst s9;
	s0 =	simm.s32 @!p0 $0x0  }
0x12: {  	s1 =	sld [smem:$0x3F9D];
	s0 =	simm.s32 @p0 $0x1  }
0x13: {  	[smem:$0x3FB8] =	sst s0;
	s0 =	simm.s32 @!p1 $0x0  }
0x14: {  	s2 =	sld [smem:$0x3F9C];
	s0 =	simm.s32 @p1 $0x1  }
0x15: {  	[smem:$0x3FB9] =	sst s0;
	s0 =	simm.s32 @!p2 $0x0  }
0x16: {  	s3 =	sld [smem:$0x3FDB];
	s0 =	simm.s32 @p2 $0x1  }
0x17: {  	s4 =	simm.s32 $0x1BF5;
	[smem:$0x3FBB] =	sst s0  }
0x18: {  	s0 =	sld [smem:$0x3F9E];
	_ =	swait.ge [sflag:s4], $0x0  }
0x19: {  	s7 =	sld [smem:$0x3F9F]  }
0x1a: {  	s8 =	sadd.s32 $0xFFFFE003, lr  }
0x1b: {  	s9 =	sadd.s32 $0xFFFFFEF7, lr;
	s5 =	simm.s32 $0xFFFFFFFF;
	p2 =	slt.u32 s8, $0xFFFFF086  }
0x1c: {  	p1 =	slt.u32 s9, $0xF7A;
	s5 =	simm.s32 @!p2 $0x0  }
0x1d: {  	s5 =	simm.s32 @p1 $0x1;
	p0 =	seq.s32 s7, s2  }
0x1e: {  	s7 =	smul.u32 @!p0 $0xF7A, s2;
	p2 =	seq.s32 @!p0 s5, $0x0  }
0x1f: {  	s9 =	smul.u32 $0xF7A, s1;
	s8 =	simm.s32 @!p0 $0x1BF5;
	p2 =	por !p2, p0  }
0x20: {  	[sflag:s8] =	ssyncset.s32 @!p0 $0xFFFFF086;
	s6 =	sadd.s32 @!p0 s3, s7;
	s7 =	simm.s32 @!p0 $0x108  }
0x21: {  	s3 =	sadd.s32 s3, s9;
	s6 =	sadd.s32 @!p0 $0x88, s6;
	s7 =	simm.s32 @p2 $0x1082  }
0x22: {  	[simem:s7], [sflag:s8] =	dma.local @!p0 [hbm:s6], $0xF7A  }
0x23: {  	s9 =	sor.u32 $0xD0000000, s2;
	s6 =	simm.s32 $0x108;
	_ =	swait.ge @!p0 [sflag:s8], $0x0  }
0x24: {  	s3 =	sadd.s32 $0x88, s3;
	s6 =	simm.s32 @!p1 $0x1082;
	[sflag:s4] =	ssyncset.s32 $0xFFFFF086  }
0x25: {  	[simem:s6], [sflag:s4] =	dma.local [hbm:s3], $0xF7A  }
0x26: {  	[smem:$0x3F9F] =	sst s1;
	(tag) =	ssettag s2;
	_ =	strace s9  }
0x27: {  	s1 =	sld [smem:$0x3FAF]  }
0x28: {  	s2 =	sld [smem:$0x3FB0]  }
0x29: {  	s4 =	sld [smem:$0x3FB2]  }
0x2a: {  	p0 =	seq.s32 s5, $0x0;
	s5 =	sld [smem:$0x3FB3]  }
0x2b: {  	s6 =	sld [smem:$0x3FB4]  }
0x2c: {  	s7 =	sld [smem:$0x3FB5]  }
0x2d: {  	s3 =	simm.s32 $0x108;
	s8 =	sld [smem:$0x3FB6]  }
0x2e: {  	s3 =	simm.s32 @!p0 $0x1082;
	s9 =	sld [smem:$0x3FB7]  }
0x2f: {  	lr =	sadd.s32 s0, s3;
	s0 =	sld [smem:$0x3FAE]  }
0x30: {  	s3 =	sld [smem:$0x3FB1]  }
0x31: {  	[smem:$0x3FBA] =	sst s10  }
0x32: {  	s10 =	sld [smem:$0x3FB8];
	_ =	sdelay $0x3  }
0x33: {  	p0 =	seq.s32 s10, $0x1;
	s10 =	sld [smem:$0x3FBA];
	_ =	sdelay $0x3  }
0x34: {  	[smem:$0x3FBA] =	sst s10  }
0x35: {  	s10 =	sld [smem:$0x3FB9];
	_ =	sdelay $0x3  }
0x36: {  	p1 =	seq.s32 s10, $0x1;
	s10 =	sld [smem:$0x3FBA];
	_ =	sdelay $0x3  }
0x37: {  	[smem:$0x3FBA] =	sst s10  }
0x38: {  	s10 =	sld [smem:$0x3FBB]  }
0x39: {  	_ = 	snop;
	(pc) =	sbr.ind lr, $3  }
0x3a: {  	_ = 	snop  }
0x3b: {  	_ = 	snop  }
0x3c: {  	p2 =	seq.s32 s10, $0x1;
	s10 =	sld [smem:$0x3FBA]  }
0x3d: {  	_ =	shalt  }
0x3e: {  	_ =	shalt  }
0x3f: {  	_ =	shalt  }
0x40: {  	_ =	shalt  }
0x41: {  	_ =	shalt  }
0x42: {  	_ =	shalt  }
0x43: {  	_ =	shalt  }
0x44: {  	_ =	shalt  }
0x45: {  	_ =	shalt  }
0x46: {  	_ =	shalt  }
0x47: {  	_ =	shalt  }
0x48: {  	_ =	shalt  }
0x49: {  	_ =	shalt  }
0x4a: {  	_ =	shalt  }
0x4b: {  	_ =	shalt  }
0x4c: {  	_ =	shalt  }
0x4d: {  	_ =	shalt  }
0x4e: {  	_ =	shalt  }
0x4f: {  	_ =	shalt  }
0x50: {  	_ =	shalt  }
0x51: {  	_ =	shalt  }
0x52: {  	_ =	shalt  }
0x53: {  	_ =	shalt  }
0x54: {  	_ =	shalt  }
0x55: {  	_ =	shalt  }
0x56: {  	_ =	shalt  }
0x57: {  	_ =	shalt  }
0x58: {  	_ =	shalt  }
0x59: {  	_ =	shalt  }
0x5a: {  	_ =	shalt  }
0x5b: {  	_ =	shalt  }
0x5c: {  	_ =	shalt  }
0x5d: {  	_ =	shalt  }
0x5e: {  	_ =	shalt  }
0x5f: {  	_ =	shalt  }
0x60: {  	_ =	shalt  }
0x61: {  	_ =	shalt  }
0x62: {  	_ =	shalt  }
0x63: {  	_ =	shalt  }
0x64: {  	_ =	shalt  }
0x65: {  	_ =	shalt  }
0x66: {  	_ =	shalt  }
0x67: {  	_ =	shalt  }
0x68: {  	_ =	shalt  }
0x69: {  	_ =	shalt  }
0x6a: {  	_ =	shalt  }
0x6b: {  	_ =	shalt  }
0x6c: {  	_ =	shalt  }
0x6d: {  	_ =	shalt  }
0x6e: {  	_ =	shalt  }
0x6f: {  	_ =	shalt  }
0x70: {  	_ =	shalt  }
0x71: {  	_ =	shalt  }
0x72: {  	_ =	shalt  }
0x73: {  	_ =	shalt  }
0x74: {  	_ =	shalt  }
0x75: {  	_ =	shalt  }
0x76: {  	_ =	shalt  }
0x77: {  	_ =	shalt  }
0x78: {  	_ =	shalt  }
0x79: {  	_ =	shalt  }
0x7a: {  	_ =	shalt  }
0x7b: {  	_ =	shalt  }
0x7c: {  	_ =	shalt  }
0x7d: {  	_ =	shalt  }
0x7e: {  	_ =	shalt  }
0x7f: {  	_ =	shalt  }
0x80: {  	_ =	shalt  }
0x81: {  	_ =	shalt  }
0x82: {  	_ =	shalt  }
0x83: {  	_ =	shalt  }
0x84: {  	_ =	shalt  }
0x85: {  	_ =	shalt  }
0x86: {  	_ =	shalt  }
0x87: {  	_ =	shalt  }
.Lfunc_end0:
.L_simem_size_0:
called_computation_lowered:
.L_overlay_start_0:
0x88: {  	s2 =	sld [smem:$0x3FD9]  }
0x89: {  	s3 =	sld [smem:$0x3FFE];
	_ =	sdelay $0x1  }
0x8a: {  	s1 =	srdreg.scid  }
0x8b: {  	s0 =	sand.u32 $0x1, s1  }
0x8c: {  	s14 =	sshll.u32 s0, $0xA;
	s2 =	sadd.s32 s3, s2  }
0x8d: {  	s2 =	sadd.s32 s2, s14  }
0x8e: {  	[smem:$0x3FC6] =	sst s2  }
0x8f: {  	_ = 	snop  }
0x90: {  	s2 =	sld [smem:$0x3FD0];
	_ =	sdelay $0x2  }
0x91: {  	s15 =	simm.s32 $0xA;
	s4 =	simm.s32 $0x10  }
0x92: {  	[smem:s4], [sflag:s15] =	dma.local [hbm:s2], $0x1  }
0x93: {  	_ =	swait.eq [sflag:s15], $0x1  }
0x94: {  	s16 =	sld [smem:$0x10];
	[sflag:s15] =	ssyncset.done $0x0  }
0x95: {  	s17 =	sld [smem:$0x11];
	[sflag:s15] =	ssyncadd.s32 $0xFFFFFFFF  }
0x96: {  	s18 =	sld [smem:$0x12];
	(tm) =	ssettm $0x1  }
0x97: {  	s5 =	sld [smem:$0x3FFB];
	_ =	sdelay $0x3  }
0x98: {  	_ =	strace s5  }
0x99: {  	s5 =	sld [smem:$0x3FFC];
	_ =	sdelay $0x3  }
0x9a: {  	_ =	strace s5  }
0x9b: {  	s5 =	sld [smem:$0x3FFD];
	_ =	sdelay $0x3  }
0x9c: {  	_ =	strace s5  }
0x9d: {  	_ =	strace $0x8FFFFFFF  }
0x9e: {  	s19 =	sld [smem:$0x3FDB];
	_ =	sdelay $0x1  }
0x9f: {  	s6 =	simm.s32 $_scs_section_size  }
0xa0: {  	s7 =	simm.s32 $_size__tile_overlayer_lowered;
	s8 =	simm.s32 $_tile_overlayer_lowered  }
0xa1: {  	s22 =	simm.s32 $0x1BFF;
	s21 =	sshll.u32 s8, $0x1;
	s5 =	sadd.s32 s6, s19  }
0xa2: {  	s9 =	simm.s32 $0x0;
	s20 =	sshll.u32 s7, $0x1;
	s7 =	sadd.s32 s21, s5  }
0xa3: {  	[timem:s9], [sflag:s22] =	dma.local [hbm:s7], s20  }
0xa4: {  	_ =	swait.ge [sflag:s22], s20  }
0xa5: {  	s6 =	ssub.s32 $0x0, s20;
	[sflag:s22] =	ssyncset.done $0x0  }
0xa6: {  	[sflag:s22] =	ssyncadd.s32 s6;
	_ =	sdelay $0x1  }
0xa7: {  	s23 =	simm.s32 $0x1B8B  }
0xa8: {  	_ =	swait.ge [sflag:s23], $0x1  }
0xa9: {  	[sflag:s23] =	ssyncset.done $0x0  }
0xaa: {  	s25 =	simm.s32 $0x1B8E;
	s24 =	sld [smem:$0x3FFE];
	[sflag:s23] =	ssyncadd.s32 $0xFFFFFFFF  }
0xab: {  	s26 =	simm.s32 $execute0_lowered;
	[smem:$0x3FD2] =	sst s25  }
0xac: {  	s7 =	sshll.u32 s26, $0x1;
	_ =	strace $0x80000046;
	[dreg:$0x1] =	wrdreg $0xFFFFFFFF  }
0xad: {  	s28 =	simm.s32 $_size_execute0_lowered;
	s5 =	sadd.s32 s5, s7;
	[dreg:$0x0] =	wrdreg $0x0  }
0xae: {  	s7 =	sshll.u32 s28, $0x1;
	[dreg:$0x2] =	wrdreg s5  }
0xaf: {  	[dreg:$0x3] =	wrdreg s7  }
0xb0: {  	[dreg:$0x4] =	wrdreg $0xC0  }
0xb1: {  	_ =	task [dreg:s9], $0x5FFFF  }
0xb2: {  	[dreg:$0x1] =	wrdreg $0xFFFFFFFF  }
0xb3: {  	[dreg:$0x0] =	wrdreg $0x60  }
0xb4: {  	[dreg:$0x2] =	wrdreg s24  }
0xb5: {  	[dreg:$0x3] =	wrdreg s16  }
0xb6: {  	[dreg:$0x4] =	wrdreg s17  }
0xb7: {  	[dreg:$0x5] =	wrdreg s18  }
0xb8: {  	[dreg:$0x6] =	wrdreg $0x9  }
0xb9: {  	_ =	task.clear_ibuf [dreg:s9], $0x7FFFF;
	_ =	strace $0x90000046  }
0xba: {  	s29 =	simm.s32 $0x9;
	_ =	strace $0x80000048  }
0xbb: {  	_ =	swait.ge [sflag:s29], $0x1  }
0xbc: {  	[sflag:s29] =	ssyncadd.s32 $0xFFFFFFFF  }
0xbd: {  	_ =	strace $0x90000048  }
0xbe: {  	_ =	sfence  }
0xbf: {  	s30 =	sld [smem:$0x0];
	_ =	sdelay $0x2  }
0xc0: {  	s31 =	sshll.u32 s1, $0xD;
	s1 =	sshrl.u32 s1, $0x2  }
0xc1: {  	s3 =	sand.u32 $0x4000, s31;
	s1 =	sadd.s32 s1, s30  }
0xc2: {  	s0 =	sor.u32 s3, s0;
	s1 =	sshll.u32 s1, $0x11  }
0xc3: {  	s0 =	sor.u32 s1, s0  }
0xc4: {  	s0 =	sadd.s32 $0x8F2B, s0  }
0xc5: {  	[sflag:s0] =	ssyncadd.remote.s32 $0x1  }
0xc6: {  	_ =	sfence.sel $0xFFFF  }
0xc7: {  	[dreg:$0x0] =	wrdreg $0xFFFFFFFF;
	(pc) =	sbr.abs _section_cstart, $3  }
0xc8: {  	[dreg:$0x1] =	wrdreg $0xFFFFFFFF  }
0xc9: {  	_ =	task.clear_ibuf [dreg:s9], $0x2FFFF;
	_ =	strace $0x9FFFFFFF  }
0xca: {  	(tm) =	ssettm $0x7FFFFFFF  }
0xcb: {  	_ =	shalt  }
tec
execute0_lowered:
.L_overlay_start_1:
0x0: {  	(tag) =	ssettag $0x1  }
0x1: {  	s1 =	srdreg.scid;
	s2 =	stileid.u32  }
0x2: {  	s0 =	rddreg [dreg:$0x0];
	s6 =	sand.u32 $0x1, s1;
	s16 =	sshll.u32 s2, $0x1  }
0x3: {  	s3 =	rddreg [dreg:$0x1];
	s2 =	sor.u32 s6, s16  }
0x4: {  	s4 =	rddreg [dreg:$0x2];
	s7 =	smul.u32 $0x110, s2  }
0x5: {  	s5 =	rddreg [dreg:$0x3]  }
0x6: {  	s1 =	simm.s32 $0x0;
	s8 =	sadd.s32 $0xA00, s0;
	s7 =	sshrl.u32 s7, $0x3  }
0x7: {  	[smem:$0x7FF] =	sst s1;
	s10 =	sadd.s32 $0x440, s7;
	s17 =	sadd.s32 s8, s7  }
0x8: {  	s19 =	sadd.s32 $0x880, s7;
	[dreg:$0x5] =	wrdreg s17;
	s18 =	sadd.s32 s8, s10  }
0x9: {  	s11 =	sadd.s32 $0xCC0, s7;
	s13 =	sadd.s32 s8, s19;
	[dreg:$0x6] =	wrdreg s18  }
0xa: {  	s12 =	sadd.s32 $0x1100, s7;
	s20 =	sadd.s32 s8, s11;
	[dreg:$0x7] =	wrdreg s13  }
0xb: {  	s8 =	sadd.s32 s8, s12;
	[dreg:$0x8] =	wrdreg s20  }
0xc: {  	s21 =	sadd.s32 s3, s10;
	[dreg:$0x9] =	wrdreg s8  }
0xd: {  	s22 =	sadd.s32 s4, s10;
	[dreg:$0xa] =	wrdreg s21  }
0xe: {  	s23 =	sadd.s32 s5, s10;
	[dreg:$0xb] =	wrdreg s22  }
0xf: {  	s24 =	sadd.s32 s3, s19;
	[dreg:$0xc] =	wrdreg s23  }
0x10: {  	s25 =	sadd.s32 s4, s19;
	[dreg:$0xd] =	wrdreg s24  }
0x11: {  	s26 =	sadd.s32 s5, s19;
	[dreg:$0xe] =	wrdreg s25  }
0x12: {  	s6 =	ssub.s32 $0x2, s6;
	s30 =	sadd.s32 s3, s11;
	[dreg:$0xf] =	wrdreg s26  }
0x13: {  	s9 =	sshrl.u32 s6, $0x1;
	s31 =	sadd.s32 s4, s11;
	[dreg:$0x10] =	wrdreg s30  }
0x14: {  	s6 =	ssub.s32 s6, s9;
	s9 =	sadd.s32 s5, s11;
	[dreg:$0x11] =	wrdreg s31  }
0x15: {  	s10 =	sadd.s32 s3, s12;
	[dreg:$0x12] =	wrdreg s9  }
0x16: {  	s11 =	sadd.s32 s4, s12;
	[dreg:$0x13] =	wrdreg s10  }
0x17: {  	s16 =	sadd.s32 $0x1980, s7;
	s14 =	sadd.s32 s5, s12;
	[dreg:$0x14] =	wrdreg s11  }
0x18: {  	s19 =	sadd.s32 s4, s16;
	[dreg:$0x15] =	wrdreg s14  }
0x19: {  	s18 =	sadd.s32 s3, s16;
	[dreg:$0x1a] =	wrdreg s19  }
0x1a: {  	s13 =	sadd.s32 $0x1540, s7;
	s20 =	sadd.s32 s5, s16;
	[dreg:$0x19] =	wrdreg s18  }
0x1b: {  	s15 =	sadd.s32 s3, s13;
	[dreg:$0x1b] =	wrdreg s20  }
0x1c: {  	s17 =	sadd.s32 s4, s13;
	[dreg:$0x16] =	wrdreg s15  }
0x1d: {  	s21 =	sadd.s32 $0x1DC0, s7;
	s8 =	sadd.s32 s5, s13;
	[dreg:$0x17] =	wrdreg s17  }
0x1e: {  	s22 =	sadd.s32 s3, s21;
	[dreg:$0x18] =	wrdreg s8  }
0x1f: {  	s24 =	sadd.s32 $0x2200, s7;
	s23 =	sadd.s32 s4, s21;
	[dreg:$0x1c] =	wrdreg s22  }
0x20: {  	s25 =	sadd.s32 s3, s24;
	[dreg:$0x1d] =	wrdreg s23  }
0x21: {  	s30 =	sadd.s32 s4, s24;
	[dreg:$0x1f] =	wrdreg s25  }
0x22: {  	s26 =	sadd.s32 $0x2640, s7;
	s9 =	sadd.s32 s5, s24;
	[smem:$0x7B3] =	sst s30  }
0x23: {  	s31 =	sadd.s32 s3, s26;
	[smem:$0x7B4] =	sst s9  }
0x24: {  	s11 =	sadd.s32 $0x2A80, s7;
	s10 =	sadd.s32 s4, s26;
	[smem:$0x7B5] =	sst s31  }
0x25: {  	s12 =	sadd.s32 s3, s11;
	[smem:$0x7B6] =	sst s10  }
0x26: {  	s16 =	sadd.s32 $0x3300, s7;
	s13 =	sadd.s32 s4, s11;
	[smem:$0x7B8] =	sst s12  }
0x27: {  	s18 =	sadd.s32 s3, s16;
	[smem:$0x7B9] =	sst s13  }
0x28: {  	s19 =	sadd.s32 s4, s16;
	[smem:$0x7BE] =	sst s18  }
0x29: {  	s24 =	sadd.s32 s4, s7;
	[smem:$0x7BF] =	sst s19  }
0x2a: {  	s14 =	sadd.s32 $0x2EC0, s7;
	s8 =	sadd.s32 s5, s21;
	[smem:$0x7C5] =	sst s24  }
0x2b: {  	s15 =	sadd.s32 s3, s14;
	[dreg:$0x1e] =	wrdreg s8  }
0x2c: {  	s17 =	sadd.s32 s4, s14;
	[smem:$0x7BB] =	sst s15  }
0x2d: {  	s20 =	sadd.s32 $0x3740, s7;
	s9 =	sadd.s32 s5, s14;
	[smem:$0x7BC] =	sst s17  }
0x2e: {  	s21 =	sadd.s32 s3, s20;
	[smem:$0x7BD] =	sst s9  }
0x2f: {  	s22 =	sadd.s32 s4, s20;
	[smem:$0x7C1] =	sst s21  }
0x30: {  	s23 =	sadd.s32 s3, s7;
	[smem:$0x7C2] =	sst s22  }
0x31: {  	s25 =	sadd.s32 $0x3B80, s7;
	s8 =	sadd.s32 s5, s26;
	[smem:$0x7C4] =	sst s23  }
0x32: {  	s18 =	sadd.s32 s5, s7;
	s26 =	sadd.s32 s3, s25;
	[smem:$0x7B7] =	sst s8  }
0x33: {  	s7 =	sadd.s32 $0x3FC0, s7;
	s30 =	sadd.s32 s4, s25;
	[smem:$0x7C6] =	sst s26  }
0x34: {  	s3 =	sadd.s32 s3, s7;
	[smem:$0x7C7] =	sst s30  }
0x35: {  	s31 =	sadd.s32 s4, s7;
	[smem:$0x7C9] =	sst s3  }
0x36: {  	s4 =	sadd.s32 s5, s7;
	[smem:$0x7CA] =	sst s31  }
0x37: {  	s8 =	sadd.s32 s5, s11;
	[smem:$0x7CB] =	sst s4  }
0x38: {  	[smem:$0x7BA] =	sst s8;
	s8 =	sadd.s32 s5, s16  }
0x39: {  	[smem:$0x7C0] =	sst s8;
	s8 =	sadd.s32 s5, s20  }
0x3a: {  	[smem:$0x7C3] =	sst s8;
	s8 =	sadd.s32 s5, s25  }
0x3b: {  	s5 =	sadd.s32 $0x800, s0;
	[smem:$0x7C8] =	sst s8  }
0x3c: {  	s0 =	sadd.s32 $0x600, s0;
	_ =	strace $0x80000047;
	[smem:$0x7CC] =	sst s5  }
0x3d: {  	s6 =	smax.u32 s6, $0x1;
	[smem:$0x7CD] =	sst s0  }
0x3e: {  	s7 =	sadd.s32 $0x4400, s18;
	[smem:$0x7CE] =	sst s6  }
0x3f: {  	s8 =	sadd.s32 $0x8800, s18;
	[smem:$0x7CF] =	sst s7  }
0x40: {  	s9 =	sadd.s32 $0xCC00, s18;
	[smem:$0x7D0] =	sst s8  }
0x41: {  	s10 =	sadd.s32 $0x4840, s18;
	[smem:$0x7D1] =	sst s9  }
0x42: {  	s11 =	sadd.s32 $0x8C40, s18;
	[smem:$0x7D2] =	sst s10  }
0x43: {  	s12 =	sadd.s32 $0xD040, s18;
	[smem:$0x7D3] =	sst s11  }
0x44: {  	s13 =	sadd.s32 $0x4C80, s18;
	[smem:$0x7D4] =	sst s12  }
0x45: {  	s14 =	sadd.s32 $0x9080, s18;
	[smem:$0x7D5] =	sst s13  }
0x46: {  	s15 =	sadd.s32 $0xD480, s18;
	[smem:$0x7D6] =	sst s14  }
0x47: {  	s16 =	sadd.s32 $0x50C0, s18;
	[smem:$0x7D7] =	sst s15  }
0x48: {  	s17 =	sadd.s32 $0x94C0, s18;
	[smem:$0x7D8] =	sst s16  }
0x49: {  	s19 =	sadd.s32 $0xD8C0, s18;
	[smem:$0x7D9] =	sst s17  }
0x4a: {  	s20 =	sadd.s32 $0x5500, s18;
	[smem:$0x7DA] =	sst s19  }
0x4b: {  	s21 =	sadd.s32 $0x9900, s18;
	[smem:$0x7DB] =	sst s20  }
0x4c: {  	s22 =	sadd.s32 $0xDD00, s18;
	[smem:$0x7DC] =	sst s21  }
0x4d: {  	s23 =	sadd.s32 $0x5940, s18;
	[smem:$0x7DD] =	sst s22  }
0x4e: {  	s24 =	sadd.s32 $0x9D40, s18;
	[smem:$0x7DE] =	sst s23  }
0x4f: {  	s25 =	sadd.s32 $0xE140, s18;
	[smem:$0x7DF] =	sst s24  }
0x50: {  	s26 =	sadd.s32 $0x5D80, s18;
	[smem:$0x7E0] =	sst s25  }
0x51: {  	s30 =	sadd.s32 $0xA180, s18;
	[smem:$0x7E1] =	sst s26  }
0x52: {  	s31 =	sadd.s32 $0xE580, s18;
	[smem:$0x7E2] =	sst s30  }
0x53: {  	s28 =	smul.u32 $0x11, s2;
	s2 =	sadd.s32 $0x61C0, s18;
	[smem:$0x7E3] =	sst s31  }
0x54: {  	s3 =	sadd.s32 $0xA5C0, s18;
	[smem:$0x7E4] =	sst s2  }
0x55: {  	s4 =	sadd.s32 $0xE9C0, s18;
	[smem:$0x7E5] =	sst s3  }
0x56: {  	[smem:$0x7E6] =	sst s4;
	s5 =	sadd.s32 $0x6600, s18  }
0x57: {  	s6 =	sadd.s32 $0xAA00, s18;
	[smem:$0x7E7] =	sst s5  }
0x58: {  	s7 =	sadd.s32 $0xEE00, s18;
	[smem:$0x7E8] =	sst s6  }
0x59: {  	s8 =	sadd.s32 $0x6A40, s18;
	[smem:$0x7E9] =	sst s7  }
0x5a: {  	s9 =	sadd.s32 $0xAE40, s18;
	[smem:$0x7EA] =	sst s8  }
0x5b: {  	s10 =	sadd.s32 $0xF240, s18;
	[smem:$0x7EB] =	sst s9  }
0x5c: {  	s11 =	sadd.s32 $0x6E80, s18;
	[smem:$0x7EC] =	sst s10  }
0x5d: {  	s12 =	sadd.s32 $0xB280, s18;
	[smem:$0x7ED] =	sst s11  }
0x5e: {  	s13 =	sadd.s32 $0xF680, s18;
	[smem:$0x7EE] =	sst s12  }
0x5f: {  	s14 =	sadd.s32 $0x72C0, s18;
	[smem:$0x7EF] =	sst s13  }
0x60: {  	s15 =	sadd.s32 $0xB6C0, s18;
	[smem:$0x7F0] =	sst s14  }
0x61: {  	s16 =	sadd.s32 $0xFAC0, s18;
	[smem:$0x7F1] =	sst s15  }
0x62: {  	s17 =	sadd.s32 $0x7700, s18;
	[smem:$0x7F2] =	sst s16  }
0x63: {  	s19 =	sadd.s32 $0xBB00, s18;
	[smem:$0x7F3] =	sst s17  }
0x64: {  	s20 =	sadd.s32 $0xFF00, s18;
	[smem:$0x7F4] =	sst s19  }
0x65: {  	s21 =	sadd.s32 $0x7B40, s18;
	[smem:$0x7F5] =	sst s20  }
0x66: {  	s22 =	sadd.s32 $0xBF40, s18;
	[smem:$0x7F6] =	sst s21  }
0x67: {  	s23 =	sadd.s32 $0x10340, s18;
	[smem:$0x7F7] =	sst s22  }
0x68: {  	s24 =	sadd.s32 $0x7F80, s18;
	[smem:$0x7F8] =	sst s23  }
0x69: {  	s25 =	sadd.s32 $0xC380, s18;
	[smem:$0x7F9] =	sst s24  }
0x6a: {  	s26 =	sadd.s32 $0x10780, s18;
	[smem:$0x7FA] =	sst s25  }
.Ltmp0:
0x6b: {  	s30 =	sadd.s32 $0x83C0, s18;
	[smem:$0x7FB] =	sst s26;
	(pc) =	sbr.rel .LBB2_1-.Ltmp0, $4  }
0x6c: {  	v0 =	vlaneseq.u32;
	s29 =	simm.s32 $0x0;
	s31 =	sadd.s32 $0xC7C0, s18;
	[smem:$0x7FC] =	sst s30  }
0x6d: {  	v3 =	vmul.u32 $0xFFFFFFFF, v0;
	[smem:$0x7FD] =	sst s31;
	s19 =	sadd.s32 $0x10BC0, s18;
	s20 =	simm.s32 $0x1580  }
0x6e: {  	v1 =	vimm.s32 $0xFFFFFFFF;
	v2 =	vimm.f32 $-1.000000000e+00;
	v4 =	vor.u32 $0x10, v0;
	s21 =	simm.s32 $0x1;
	s22 =	simm.s32 $0x1980;
	s23 =	simm.s32 $0x1E00  }
0x6f: {  	v5 =	vor.u32 $0x20, v0;
	v6 =	vor.u32 $0x30, v0;
	v3 =	vadd.s32 $0xF, v3;
	s24 =	simm.s32 $0x2280;
	s25 =	simm.s32 $0x2700;
	s26 =	simm.s32 $0x2B80  }
.LBB2_18:
0x70: {  	s0 =	sld [smem:$0x7C4];
	_ =	sdelay $0x1  }
0x71: {  	s2 =	simm.s32 $0x3000;
	s11 =	sld [smem:$0x7C5]  }
0x72: {  	[hbm4b:s0+s1] =	stream.linear.scatter [tilespmem:s2], [sflag:$0x1], $0x110, $0x38;
	[tilespmem:$0x9600] =	vst v63  }
0x73: {  	s12 =	simm.s32 $0x4100  }
0x74: {  	[hbm4b:s11+s1] =	stream.linear.scatter [tilespmem:s12], [sflag:$0x1], $0x110, $0x38;
	[tilespmem:$0x9600] =	vst v63  }
0x75: {  	s13 =	simm.s32 $0x5200;
	s14 =	sld [smem:$0x7CF]  }
0x76: {  	[hbm4b:s18+s1] =	stream.linear.scatter [tilespmem:s13], [sflag:$0x1], $0x110, $0x38;
	[tilespmem:$0x9600] =	vst v63  }
0x77: {  	s15 =	simm.s32 $0x6300;
	s16 =	sld [smem:$0x7D0]  }
0x78: {  	[hbm4b:s14+s1] =	stream.linear.scatter [tilespmem:s15], [sflag:$0x1], $0x110, $0x38;
	[tilespmem:$0x9600] =	vst v63  }
0x79: {  	s17 =	simm.s32 $0x7400;
	s30 =	sld [smem:$0x7D1]  }
0x7a: {  	[hbm4b:s16+s1] =	stream.linear.scatter [tilespmem:s17], [sflag:$0x1], $0x110, $0x38;
	[tilespmem:$0x9600] =	vst v63  }
0x7b: {  	s31 =	simm.s32 $0x8500;
	s4 =	rddreg [dreg:$0xb]  }
0x7c: {  	[hbm4b:s30+s1] =	stream.linear.scatter [tilespmem:s31], [sflag:$0x1], $0x110, $0x38;
	[tilespmem:$0x9600] =	vst v63  }
0x7d: {  	s3 =	simm.s32 $0x3110;
	s2 =	rddreg [dreg:$0xa]  }
0x7e: {  	[hbm4b:s2+s1] =	stream.linear.scatter [tilespmem:s3], [sflag:$0x1], $0x110, $0x38;
	[tilespmem:$0x9600] =	vst v63  }
0x7f: {  	s5 =	simm.s32 $0x4210;
	s6 =	rddreg [dreg:$0xc]  }
0x80: {  	[hbm4b:s4+s1] =	stream.linear.scatter [tilespmem:s5], [sflag:$0x1], $0x110, $0x38;
	[tilespmem:$0x9600] =	vst v63  }
0x81: {  	s7 =	simm.s32 $0x5310;
	s8 =	sld [smem:$0x7D2]  }
0x82: {  	[hbm4b:s6+s1] =	stream.linear.scatter [tilespmem:s7], [sflag:$0x1], $0x110, $0x38;
	[tilespmem:$0x9600] =	vst v63  }
0x83: {  	s9 =	simm.s32 $0x6410;
	s10 =	sld [smem:$0x7D3]  }
0x84: {  	[hbm4b:s8+s1] =	stream.linear.scatter [tilespmem:s9], [sflag:$0x1], $0x110, $0x38;
	[tilespmem:$0x9600] =	vst v63  }
0x85: {  	s11 =	simm.s32 $0x7510;
	s12 =	sld [smem:$0x7D4]  }
0x86: {  	[hbm4b:s10+s1] =	stream.linear.scatter [tilespmem:s11], [sflag:$0x1], $0x110, $0x38;
	[tilespmem:$0x9600] =	vst v63  }
0x87: {  	s13 =	simm.s32 $0x8610;
	s14 =	rddreg [dreg:$0xd]  }
0x88: {  	[hbm4b:s12+s1] =	stream.linear.scatter [tilespmem:s13], [sflag:$0x1], $0x110, $0x38;
	[tilespmem:$0x9600] =	vst v63  }
0x89: {  	s15 =	simm.s32 $0x3220;
	s16 =	rddreg [dreg:$0xe]  }
0x8a: {  	[hbm4b:s14+s1] =	stream.linear.scatter [tilespmem:s15], [sflag:$0x1], $0x110, $0x38;
	[tilespmem:$0x9600] =	vst v63  }
0x8b: {  	s17 =	simm.s32 $0x4320;
	s30 =	rddreg [dreg:$0xf]  }
0x8c: {  	[hbm4b:s16+s1] =	stream.linear.scatter [tilespmem:s17], [sflag:$0x1], $0x110, $0x38;
	[tilespmem:$0x9600] =	vst v63  }
0x8d: {  	s31 =	simm.s32 $0x5420;
	s2 =	sld [smem:$0x7D5]  }
0x8e: {  	[hbm4b:s30+s1] =	stream.linear.scatter [tilespmem:s31], [sflag:$0x1], $0x110, $0x38;
	[tilespmem:$0x9600] =	vst v63  }
0x8f: {  	s3 =	simm.s32 $0x6520;
	s4 =	sld [smem:$0x7D6]  }
0x90: {  	[hbm4b:s2+s1] =	stream.linear.scatter [tilespmem:s3], [sflag:$0x1], $0x110, $0x38;
	[tilespmem:$0x9600] =	vst v63  }
0x91: {  	s5 =	simm.s32 $0x7620;
	s6 =	sld [smem:$0x7D7]  }
0x92: {  	[hbm4b:s4+s1] =	stream.linear.scatter [tilespmem:s5], [sflag:$0x1], $0x110, $0x38;
	[tilespmem:$0x9600] =	vst v63  }
0x93: {  	s7 =	simm.s32 $0x8720;
	s8 =	rddreg [dreg:$0x10]  }
0x94: {  	[hbm4b:s6+s1] =	stream.linear.scatter [tilespmem:s7], [sflag:$0x1], $0x110, $0x38;
	[tilespmem:$0x9600] =	vst v63  }
0x95: {  	s9 =	simm.s32 $0x3330;
	s10 =	rddreg [dreg:$0x11]  }
0x96: {  	[hbm4b:s8+s1] =	stream.linear.scatter [tilespmem:s9], [sflag:$0x1], $0x110, $0x38;
	[tilespmem:$0x9600] =	vst v63  }
0x97: {  	s11 =	simm.s32 $0x4430;
	s12 =	rddreg [dreg:$0x12]  }
0x98: {  	[hbm4b:s10+s1] =	stream.linear.scatter [tilespmem:s11], [sflag:$0x1], $0x110, $0x38;
	[tilespmem:$0x9600] =	vst v63  }
0x99: {  	s13 =	simm.s32 $0x5530;
	s14 =	sld [smem:$0x7D8]  }
0x9a: {  	[hbm4b:s12+s1] =	stream.linear.scatter [tilespmem:s13], [sflag:$0x1], $0x110, $0x38;
	[tilespmem:$0x9600] =	vst v63  }
0x9b: {  	s15 =	simm.s32 $0x6630;
	s16 =	sld [smem:$0x7D9]  }
0x9c: {  	[hbm4b:s14+s1] =	stream.linear.scatter [tilespmem:s15], [sflag:$0x1], $0x110, $0x38;
	[tilespmem:$0x9600] =	vst v63  }
0x9d: {  	s17 =	simm.s32 $0x7730;
	s30 =	sld [smem:$0x7DA]  }
0x9e: {  	[hbm4b:s16+s1] =	stream.linear.scatter [tilespmem:s17], [sflag:$0x1], $0x110, $0x38;
	[tilespmem:$0x9600] =	vst v63  }
0x9f: {  	s31 =	simm.s32 $0x8830;
	s2 =	rddreg [dreg:$0x13]  }
0xa0: {  	[hbm4b:s30+s1] =	stream.linear.scatter [tilespmem:s31], [sflag:$0x1], $0x110, $0x38;
	[tilespmem:$0x9600] =	vst v63  }
0xa1: {  	s3 =	simm.s32 $0x3440;
	s4 =	rddreg [dreg:$0x14]  }
0xa2: {  	[hbm4b:s2+s1] =	stream.linear.scatter [tilespmem:s3], [sflag:$0x1], $0x110, $0x38;
	[tilespmem:$0x9600] =	vst v63  }
0xa3: {  	s5 =	simm.s32 $0x4540;
	s6 =	rddreg [dreg:$0x15]  }
0xa4: {  	[hbm4b:s4+s1] =	stream.linear.scatter [tilespmem:s5], [sflag:$0x1], $0x110, $0x38;
	[tilespmem:$0x9600] =	vst v63  }
0xa5: {  	s7 =	simm.s32 $0x5640;
	s8 =	sld [smem:$0x7DB]  }
0xa6: {  	[hbm4b:s6+s1] =	stream.linear.scatter [tilespmem:s7], [sflag:$0x1], $0x110, $0x38;
	[tilespmem:$0x9600] =	vst v63  }
0xa7: {  	s9 =	simm.s32 $0x6740;
	s10 =	sld [smem:$0x7DC]  }
0xa8: {  	[hbm4b:s8+s1] =	stream.linear.scatter [tilespmem:s9], [sflag:$0x1], $0x110, $0x38;
	[tilespmem:$0x9600] =	vst v63  }
0xa9: {  	s11 =	simm.s32 $0x7840;
	s12 =	sld [smem:$0x7DD]  }
0xaa: {  	[hbm4b:s10+s1] =	stream.linear.scatter [tilespmem:s11], [sflag:$0x1], $0x110, $0x38;
	[tilespmem:$0x9600] =	vst v63  }
0xab: {  	s13 =	simm.s32 $0x8940;
	s14 =	rddreg [dreg:$0x16]  }
0xac: {  	[hbm4b:s12+s1] =	stream.linear.scatter [tilespmem:s13], [sflag:$0x1], $0x110, $0x38;
	[tilespmem:$0x9600] =	vst v63  }
0xad: {  	s15 =	simm.s32 $0x3550;
	s16 =	rddreg [dreg:$0x17]  }
0xae: {  	[hbm4b:s14+s1] =	stream.linear.scatter [tilespmem:s15], [sflag:$0x1], $0x110, $0x38;
	[tilespmem:$0x9600] =	vst v63  }
0xaf: {  	s17 =	simm.s32 $0x4650;
	s30 =	rddreg [dreg:$0x18]  }
0xb0: {  	[hbm4b:s16+s1] =	stream.linear.scatter [tilespmem:s17], [sflag:$0x1], $0x110, $0x38;
	[tilespmem:$0x9600] =	vst v63  }
0xb1: {  	s31 =	simm.s32 $0x5750;
	s2 =	sld [smem:$0x7DE]  }
0xb2: {  	[hbm4b:s30+s1] =	stream.linear.scatter [tilespmem:s31], [sflag:$0x1], $0x110, $0x38;
	[tilespmem:$0x9600] =	vst v63  }
0xb3: {  	s3 =	simm.s32 $0x6850;
	s4 =	sld [smem:$0x7DF]  }
0xb4: {  	[hbm4b:s2+s1] =	stream.linear.scatter [tilespmem:s3], [sflag:$0x1], $0x110, $0x38;
	[tilespmem:$0x9600] =	vst v63  }
0xb5: {  	s5 =	simm.s32 $0x7950;
	s6 =	sld [smem:$0x7E0]  }
0xb6: {  	[hbm4b:s4+s1] =	stream.linear.scatter [tilespmem:s5], [sflag:$0x1], $0x110, $0x38;
	[tilespmem:$0x9600] =	vst v63  }
0xb7: {  	s7 =	simm.s32 $0x8A50;
	s8 =	rddreg [dreg:$0x19]  }
0xb8: {  	[hbm4b:s6+s1] =	stream.linear.scatter [tilespmem:s7], [sflag:$0x1], $0x110, $0x38;
	[tilespmem:$0x9600] =	vst v63  }
0xb9: {  	s9 =	simm.s32 $0x3660;
	s10 =	rddreg [dreg:$0x1a]  }
0xba: {  	[hbm4b:s8+s1] =	stream.linear.scatter [tilespmem:s9], [sflag:$0x1], $0x110, $0x38;
	[tilespmem:$0x9600] =	vst v63  }
0xbb: {  	s11 =	simm.s32 $0x4760;
	s12 =	rddreg [dreg:$0x1b]  }
0xbc: {  	[hbm4b:s10+s1] =	stream.linear.scatter [tilespmem:s11], [sflag:$0x1], $0x110, $0x38;
	[tilespmem:$0x9600] =	vst v63  }
0xbd: {  	s13 =	simm.s32 $0x5860;
	s14 =	sld [smem:$0x7E1]  }
0xbe: {  	[hbm4b:s12+s1] =	stream.linear.scatter [tilespmem:s13], [sflag:$0x1], $0x110, $0x38;
	[tilespmem:$0x9600] =	vst v63  }
0xbf: {  	s15 =	simm.s32 $0x6960;
	s16 =	sld [smem:$0x7E2]  }
0xc0: {  	[hbm4b:s14+s1] =	stream.linear.scatter [tilespmem:s15], [sflag:$0x1], $0x110, $0x38;
	[tilespmem:$0x9600] =	vst v63  }
0xc1: {  	s17 =	simm.s32 $0x7A60;
	s30 =	sld [smem:$0x7E3]  }
0xc2: {  	[hbm4b:s16+s1] =	stream.linear.scatter [tilespmem:s17], [sflag:$0x1], $0x110, $0x38;
	[tilespmem:$0x9600] =	vst v63  }
0xc3: {  	s31 =	simm.s32 $0x8B60;
	s2 =	rddreg [dreg:$0x1c]  }
0xc4: {  	[hbm4b:s30+s1] =	stream.linear.scatter [tilespmem:s31], [sflag:$0x1], $0x110, $0x38;
	[tilespmem:$0x9600] =	vst v63  }
0xc5: {  	s3 =	simm.s32 $0x3770;
	s4 =	rddreg [dreg:$0x1d]  }
0xc6: {  	[hbm4b:s2+s1] =	stream.linear.scatter [tilespmem:s3], [sflag:$0x1], $0x110, $0x38;
	[tilespmem:$0x9600] =	vst v63  }
0xc7: {  	s5 =	simm.s32 $0x4870;
	s6 =	rddreg [dreg:$0x1e]  }
0xc8: {  	[hbm4b:s4+s1] =	stream.linear.scatter [tilespmem:s5], [sflag:$0x1], $0x110, $0x38;
	[tilespmem:$0x9600] =	vst v63  }
0xc9: {  	s7 =	simm.s32 $0x5970;
	s8 =	sld [smem:$0x7E4]  }
0xca: {  	[hbm4b:s6+s1] =	stream.linear.scatter [tilespmem:s7], [sflag:$0x1], $0x110, $0x38;
	[tilespmem:$0x9600] =	vst v63  }
0xcb: {  	s9 =	simm.s32 $0x6A70;
	s10 =	sld [smem:$0x7E5]  }
0xcc: {  	[hbm4b:s8+s1] =	stream.linear.scatter [tilespmem:s9], [sflag:$0x1], $0x110, $0x38;
	[tilespmem:$0x9600] =	vst v63  }
0xcd: {  	s11 =	simm.s32 $0x7B70;
	s12 =	sld [smem:$0x7E6]  }
0xce: {  	[hbm4b:s10+s1] =	stream.linear.scatter [tilespmem:s11], [sflag:$0x1], $0x110, $0x38;
	[tilespmem:$0x9600] =	vst v63  }
0xcf: {  	s13 =	simm.s32 $0x8C70;
	s14 =	rddreg [dreg:$0x1f]  }
0xd0: {  	[hbm4b:s12+s1] =	stream.linear.scatter [tilespmem:s13], [sflag:$0x1], $0x110, $0x38;
	[tilespmem:$0x9600] =	vst v63  }
0xd1: {  	s15 =	simm.s32 $0x3880;
	s16 =	sld [smem:$0x7B3]  }
0xd2: {  	[hbm4b:s14+s1] =	stream.linear.scatter [tilespmem:s15], [sflag:$0x1], $0x110, $0x38;
	[tilespmem:$0x9600] =	vst v63  }
0xd3: {  	s17 =	simm.s32 $0x4980;
	s30 =	sld [smem:$0x7B4]  }
0xd4: {  	[hbm4b:s16+s1] =	stream.linear.scatter [tilespmem:s17], [sflag:$0x1], $0x110, $0x38;
	[tilespmem:$0x9600] =	vst v63  }
0xd5: {  	s31 =	simm.s32 $0x5A80;
	s2 =	sld [smem:$0x7E7]  }
0xd6: {  	[hbm4b:s30+s1] =	stream.linear.scatter [tilespmem:s31], [sflag:$0x1], $0x110, $0x38;
	[tilespmem:$0x9600] =	vst v63  }
0xd7: {  	s3 =	simm.s32 $0x6B80;
	s4 =	sld [smem:$0x7E8]  }
0xd8: {  	[hbm4b:s2+s1] =	stream.linear.scatter [tilespmem:s3], [sflag:$0x1], $0x110, $0x38;
	[tilespmem:$0x9600] =	vst v63  }
0xd9: {  	s5 =	simm.s32 $0x7C80;
	s6 =	sld [smem:$0x7E9]  }
0xda: {  	[hbm4b:s4+s1] =	stream.linear.scatter [tilespmem:s5], [sflag:$0x1], $0x110, $0x38;
	[tilespmem:$0x9600] =	vst v63  }
0xdb: {  	s7 =	simm.s32 $0x8D80;
	s8 =	sld [smem:$0x7B5]  }
0xdc: {  	[hbm4b:s6+s1] =	stream.linear.scatter [tilespmem:s7], [sflag:$0x1], $0x110, $0x38;
	[tilespmem:$0x9600] =	vst v63  }
0xdd: {  	s9 =	simm.s32 $0x3990;
	s10 =	sld [smem:$0x7B6]  }
0xde: {  	[hbm4b:s8+s1] =	stream.linear.scatter [tilespmem:s9], [sflag:$0x1], $0x110, $0x38;
	[tilespmem:$0x9600] =	vst v63  }
0xdf: {  	s11 =	simm.s32 $0x4A90;
	s12 =	sld [smem:$0x7B7]  }
0xe0: {  	[hbm4b:s10+s1] =	stream.linear.scatter [tilespmem:s11], [sflag:$0x1], $0x110, $0x38;
	[tilespmem:$0x9600] =	vst v63  }
0xe1: {  	s13 =	simm.s32 $0x5B90;
	s14 =	sld [smem:$0x7EA]  }
0xe2: {  	[hbm4b:s12+s1] =	stream.linear.scatter [tilespmem:s13], [sflag:$0x1], $0x110, $0x38;
	[tilespmem:$0x9600] =	vst v63  }
0xe3: {  	s15 =	simm.s32 $0x6C90;
	s16 =	sld [smem:$0x7EB]  }
0xe4: {  	[hbm4b:s14+s1] =	stream.linear.scatter [tilespmem:s15], [sflag:$0x1], $0x110, $0x38;
	[tilespmem:$0x9600] =	vst v63  }
0xe5: {  	s17 =	simm.s32 $0x7D90;
	s30 =	sld [smem:$0x7EC]  }
0xe6: {  	[hbm4b:s16+s1] =	stream.linear.scatter [tilespmem:s17], [sflag:$0x1], $0x110, $0x38;
	[tilespmem:$0x9600] =	vst v63  }
0xe7: {  	s31 =	simm.s32 $0x8E90;
	s2 =	sld [smem:$0x7B8]  }
0xe8: {  	[hbm4b:s30+s1] =	stream.linear.scatter [tilespmem:s31], [sflag:$0x1], $0x110, $0x38;
	[tilespmem:$0x9600] =	vst v63  }
0xe9: {  	s3 =	simm.s32 $0x3AA0;
	s4 =	sld [smem:$0x7B9]  }
0xea: {  	[hbm4b:s2+s1] =	stream.linear.scatter [tilespmem:s3], [sflag:$0x1], $0x110, $0x38;
	[tilespmem:$0x9600] =	vst v63  }
0xeb: {  	s5 =	simm.s32 $0x4BA0;
	s6 =	sld [smem:$0x7BA]  }
0xec: {  	[hbm4b:s4+s1] =	stream.linear.scatter [tilespmem:s5], [sflag:$0x1], $0x110, $0x38;
	[tilespmem:$0x9600] =	vst v63  }
0xed: {  	s7 =	simm.s32 $0x5CA0;
	s8 =	sld [smem:$0x7ED]  }
0xee: {  	[hbm4b:s6+s1] =	stream.linear.scatter [tilespmem:s7], [sflag:$0x1], $0x110, $0x38;
	[tilespmem:$0x9600] =	vst v63  }
0xef: {  	s9 =	simm.s32 $0x6DA0;
	s10 =	sld [smem:$0x7EE]  }
0xf0: {  	[hbm4b:s8+s1] =	stream.linear.scatter [tilespmem:s9], [sflag:$0x1], $0x110, $0x38;
	[tilespmem:$0x9600] =	vst v63  }
0xf1: {  	s11 =	simm.s32 $0x7EA0;
	s12 =	sld [smem:$0x7EF]  }
0xf2: {  	[hbm4b:s10+s1] =	stream.linear.scatter [tilespmem:s11], [sflag:$0x1], $0x110, $0x38;
	[tilespmem:$0x9600] =	vst v63  }
0xf3: {  	s13 =	simm.s32 $0x8FA0;
	s14 =	sld [smem:$0x7BB]  }
0xf4: {  	[hbm4b:s12+s1] =	stream.linear.scatter [tilespmem:s13], [sflag:$0x1], $0x110, $0x38;
	[tilespmem:$0x9600] =	vst v63  }
0xf5: {  	s15 =	simm.s32 $0x3BB0;
	s16 =	sld [smem:$0x7BC]  }
0xf6: {  	[hbm4b:s14+s1] =	stream.linear.scatter [tilespmem:s15], [sflag:$0x1], $0x110, $0x38;
	[tilespmem:$0x9600] =	vst v63  }
0xf7: {  	s17 =	simm.s32 $0x4CB0;
	s30 =	sld [smem:$0x7BD]  }
0xf8: {  	[hbm4b:s16+s1] =	stream.linear.scatter [tilespmem:s17], [sflag:$0x1], $0x110, $0x38;
	[tilespmem:$0x9600] =	vst v63  }
0xf9: {  	s31 =	simm.s32 $0x5DB0;
	s2 =	sld [smem:$0x7F0]  }
0xfa: {  	[hbm4b:s30+s1] =	stream.linear.scatter [tilespmem:s31], [sflag:$0x1], $0x110, $0x38;
	[tilespmem:$0x9600] =	vst v63  }
0xfb: {  	s3 =	simm.s32 $0x6EB0;
	s4 =	sld [smem:$0x7F1]  }
0xfc: {  	[hbm4b:s2+s1] =	stream.linear.scatter [tilespmem:s3], [sflag:$0x1], $0x110, $0x38;
	[tilespmem:$0x9600] =	vst v63  }
0xfd: {  	s5 =	simm.s32 $0x7FB0;
	s6 =	sld [smem:$0x7F2]  }
0xfe: {  	[hbm4b:s4+s1] =	stream.linear.scatter [tilespmem:s5], [sflag:$0x1], $0x110, $0x38;
	[tilespmem:$0x9600] =	vst v63  }
0xff: {  	s7 =	simm.s32 $0x90B0;
	s8 =	sld [smem:$0x7BE]  }
0x100: {  	[hbm4b:s6+s1] =	stream.linear.scatter [tilespmem:s7], [sflag:$0x1], $0x110, $0x38;
	[tilespmem:$0x9600] =	vst v63  }
0x101: {  	s9 =	simm.s32 $0x3CC0;
	s10 =	sld [smem:$0x7BF]  }
0x102: {  	[hbm4b:s8+s1] =	stream.linear.scatter [tilespmem:s9], [sflag:$0x1], $0x110, $0x38;
	[tilespmem:$0x9600] =	vst v63  }
0x103: {  	s11 =	simm.s32 $0x4DC0;
	s12 =	sld [smem:$0x7C0]  }
0x104: {  	[hbm4b:s10+s1] =	stream.linear.scatter [tilespmem:s11], [sflag:$0x1], $0x110, $0x38;
	[tilespmem:$0x9600] =	vst v63  }
0x105: {  	s13 =	simm.s32 $0x5EC0;
	s14 =	sld [smem:$0x7F3]  }
0x106: {  	[hbm4b:s12+s1] =	stream.linear.scatter [tilespmem:s13], [sflag:$0x1], $0x110, $0x38;
	[tilespmem:$0x9600] =	vst v63  }
0x107: {  	s15 =	simm.s32 $0x6FC0;
	s16 =	sld [smem:$0x7F4]  }
0x108: {  	[hbm4b:s14+s1] =	stream.linear.scatter [tilespmem:s15], [sflag:$0x1], $0x110, $0x38;
	[tilespmem:$0x9600] =	vst v63  }
0x109: {  	s17 =	simm.s32 $0x80C0;
	s30 =	sld [smem:$0x7F5]  }
0x10a: {  	[hbm4b:s16+s1] =	stream.linear.scatter [tilespmem:s17], [sflag:$0x1], $0x110, $0x38;
	[tilespmem:$0x9600] =	vst v63  }
0x10b: {  	s31 =	simm.s32 $0x91C0;
	s2 =	sld [smem:$0x7C1]  }
0x10c: {  	[hbm4b:s30+s1] =	stream.linear.scatter [tilespmem:s31], [sflag:$0x1], $0x110, $0x38;
	[tilespmem:$0x9600] =	vst v63  }
0x10d: {  	s3 =	simm.s32 $0x3DD0;
	s4 =	sld [smem:$0x7C2]  }
0x10e: {  	[hbm4b:s2+s1] =	stream.linear.scatter [tilespmem:s3], [sflag:$0x1], $0x110, $0x38;
	[tilespmem:$0x9600] =	vst v63  }
0x10f: {  	s5 =	simm.s32 $0x4ED0;
	s6 =	sld [smem:$0x7C3]  }
0x110: {  	[hbm4b:s4+s1] =	stream.linear.scatter [tilespmem:s5], [sflag:$0x1], $0x110, $0x38;
	[tilespmem:$0x9600] =	vst v63  }
0x111: {  	s7 =	simm.s32 $0x5FD0;
	s8 =	sld [smem:$0x7F6]  }
0x112: {  	[hbm4b:s6+s1] =	stream.linear.scatter [tilespmem:s7], [sflag:$0x1], $0x110, $0x38;
	[tilespmem:$0x9600] =	vst v63  }
0x113: {  	s9 =	simm.s32 $0x70D0;
	s10 =	sld [smem:$0x7F7]  }
0x114: {  	[hbm4b:s8+s1] =	stream.linear.scatter [tilespmem:s9], [sflag:$0x1], $0x110, $0x38;
	[tilespmem:$0x9600] =	vst v63  }
0x115: {  	s11 =	simm.s32 $0x81D0;
	s12 =	sld [smem:$0x7F8]  }
0x116: {  	[hbm4b:s10+s1] =	stream.linear.scatter [tilespmem:s11], [sflag:$0x1], $0x110, $0x38;
	[tilespmem:$0x9600] =	vst v63  }
0x117: {  	s13 =	simm.s32 $0x92D0;
	s14 =	sld [smem:$0x7C6]  }
0x118: {  	[hbm4b:s12+s1] =	stream.linear.scatter [tilespmem:s13], [sflag:$0x1], $0x110, $0x38;
	[tilespmem:$0x9600] =	vst v63  }
0x119: {  	s15 =	simm.s32 $0x3EE0;
	s16 =	sld [smem:$0x7C7]  }
0x11a: {  	[hbm4b:s14+s1] =	stream.linear.scatter [tilespmem:s15], [sflag:$0x1], $0x110, $0x38;
	[tilespmem:$0x9600] =	vst v63  }
0x11b: {  	s17 =	simm.s32 $0x4FE0;
	s30 =	sld [smem:$0x7C8]  }
0x11c: {  	[hbm4b:s16+s1] =	stream.linear.scatter [tilespmem:s17], [sflag:$0x1], $0x110, $0x38;
	[tilespmem:$0x9600] =	vst v63  }
0x11d: {  	s31 =	simm.s32 $0x60E0;
	s2 =	sld [smem:$0x7F9]  }
0x11e: {  	[hbm4b:s30+s1] =	stream.linear.scatter [tilespmem:s31], [sflag:$0x1], $0x110, $0x38;
	[tilespmem:$0x9600] =	vst v63  }
0x11f: {  	s3 =	simm.s32 $0x71E0;
	s4 =	sld [smem:$0x7FA]  }
0x120: {  	[hbm4b:s2+s1] =	stream.linear.scatter [tilespmem:s3], [sflag:$0x1], $0x110, $0x38;
	[tilespmem:$0x9600] =	vst v63  }
0x121: {  	s5 =	simm.s32 $0x82E0;
	s6 =	sld [smem:$0x7FB]  }
0x122: {  	[hbm4b:s4+s1] =	stream.linear.scatter [tilespmem:s5], [sflag:$0x1], $0x110, $0x38;
	[tilespmem:$0x9600] =	vst v63  }
0x123: {  	s7 =	simm.s32 $0x93E0;
	s8 =	sld [smem:$0x7C9]  }
0x124: {  	[hbm4b:s6+s1] =	stream.linear.scatter [tilespmem:s7], [sflag:$0x1], $0x110, $0x38;
	[tilespmem:$0x9600] =	vst v63  }
0x125: {  	s9 =	simm.s32 $0x3FF0;
	s10 =	sld [smem:$0x7CA]  }
0x126: {  	[hbm4b:s8+s1] =	stream.linear.scatter [tilespmem:s9], [sflag:$0x1], $0x110, $0x38;
	[tilespmem:$0x9600] =	vst v63  }
0x127: {  	s11 =	simm.s32 $0x50F0;
	s12 =	sld [smem:$0x7CB]  }
0x128: {  	[hbm4b:s10+s1] =	stream.linear.scatter [tilespmem:s11], [sflag:$0x1], $0x110, $0x38;
	[tilespmem:$0x9600] =	vst v63  }
0x129: {  	s13 =	simm.s32 $0x61F0;
	s14 =	sld [smem:$0x7FC]  }
0x12a: {  	[hbm4b:s12+s1] =	stream.linear.scatter [tilespmem:s13], [sflag:$0x1], $0x110, $0x38;
	[tilespmem:$0x9600] =	vst v63  }
0x12b: {  	s15 =	simm.s32 $0x72F0;
	s16 =	sld [smem:$0x7FD]  }
0x12c: {  	[hbm4b:s14+s1] =	stream.linear.scatter [tilespmem:s15], [sflag:$0x1], $0x110, $0x38;
	[tilespmem:$0x9600] =	vst v63  }
0x12d: {  	s17 =	simm.s32 $0x83F0  }
0x12e: {  	[hbm4b:s16+s1] =	stream.linear.scatter [tilespmem:s17], [sflag:$0x1], $0x110, $0x38;
	[tilespmem:$0x9600] =	vst v63  }
0x12f: {  	s30 =	simm.s32 $0x94F0  }
0x130: {  	[hbm4b:s19+s1] =	stream.linear.scatter [tilespmem:s30], [sflag:$0x1], $0x110, $0x38;
	[tilespmem:$0x9600] =	vst v63  }
0x131: {  	_ =	swait.ge [sflag:s21], $0x110  }
0x132: {  	[sflag:s21] =	ssyncset.done $0x0  }
0x133: {  	[sflag:s21] =	ssyncadd.s32 $0xFFFFFEF0  }
0x134: {  	_ =	swait.ge [sflag:s21], $0x110  }
0x135: {  	[sflag:s21] =	ssyncset.done $0x0  }
0x136: {  	[sflag:s21] =	ssyncadd.s32 $0xFFFFFEF0  }
0x137: {  	_ =	swait.ge [sflag:s21], $0x110  }
0x138: {  	[sflag:s21] =	ssyncset.done $0x0  }
0x139: {  	[sflag:s21] =	ssyncadd.s32 $0xFFFFFEF0  }
0x13a: {  	_ =	swait.ge [sflag:s21], $0x110  }
0x13b: {  	[sflag:s21] =	ssyncset.done $0x0  }
0x13c: {  	[sflag:s21] =	ssyncadd.s32 $0xFFFFFEF0  }
0x13d: {  	_ =	swait.ge [sflag:s21], $0x110  }
0x13e: {  	[sflag:s21] =	ssyncset.done $0x0  }
0x13f: {  	[sflag:s21] =	ssyncadd.s32 $0xFFFFFEF0  }
0x140: {  	_ =	swait.ge [sflag:s21], $0x110  }
0x141: {  	[sflag:s21] =	ssyncset.done $0x0  }
0x142: {  	[sflag:s21] =	ssyncadd.s32 $0xFFFFFEF0  }
0x143: {  	_ =	swait.ge [sflag:s21], $0x110  }
0x144: {  	[sflag:s21] =	ssyncset.done $0x0  }
0x145: {  	[sflag:s21] =	ssyncadd.s32 $0xFFFFFEF0  }
0x146: {  	_ =	swait.ge [sflag:s21], $0x110  }
0x147: {  	[sflag:s21] =	ssyncset.done $0x0  }
0x148: {  	[sflag:s21] =	ssyncadd.s32 $0xFFFFFEF0  }
0x149: {  	_ =	swait.ge [sflag:s21], $0x110  }
0x14a: {  	[sflag:s21] =	ssyncset.done $0x0  }
0x14b: {  	[sflag:s21] =	ssyncadd.s32 $0xFFFFFEF0  }
0x14c: {  	_ =	swait.ge [sflag:s21], $0x110  }
0x14d: {  	[sflag:s21] =	ssyncset.done $0x0  }
0x14e: {  	[sflag:s21] =	ssyncadd.s32 $0xFFFFFEF0  }
0x14f: {  	_ =	swait.ge [sflag:s21], $0x110  }
0x150: {  	[sflag:s21] =	ssyncset.done $0x0  }
0x151: {  	[sflag:s21] =	ssyncadd.s32 $0xFFFFFEF0  }
0x152: {  	_ =	swait.ge [sflag:s21], $0x110  }
0x153: {  	[sflag:s21] =	ssyncset.done $0x0  }
0x154: {  	[sflag:s21] =	ssyncadd.s32 $0xFFFFFEF0  }
0x155: {  	_ =	swait.ge [sflag:s21], $0x110  }
0x156: {  	[sflag:s21] =	ssyncset.done $0x0  }
0x157: {  	[sflag:s21] =	ssyncadd.s32 $0xFFFFFEF0  }
0x158: {  	_ =	swait.ge [sflag:s21], $0x110  }
0x159: {  	[sflag:s21] =	ssyncset.done $0x0  }
0x15a: {  	[sflag:s21] =	ssyncadd.s32 $0xFFFFFEF0  }
0x15b: {  	_ =	swait.ge [sflag:s21], $0x110  }
0x15c: {  	[sflag:s21] =	ssyncset.done $0x0  }
0x15d: {  	[sflag:s21] =	ssyncadd.s32 $0xFFFFFEF0  }
0x15e: {  	_ =	swait.ge [sflag:s21], $0x110  }
0x15f: {  	[sflag:s21] =	ssyncset.done $0x0  }
0x160: {  	[sflag:s21] =	ssyncadd.s32 $0xFFFFFEF0  }
0x161: {  	_ =	swait.ge [sflag:s21], $0x110  }
0x162: {  	[sflag:s21] =	ssyncset.done $0x0  }
0x163: {  	[sflag:s21] =	ssyncadd.s32 $0xFFFFFEF0  }
0x164: {  	_ =	swait.ge [sflag:s21], $0x110  }
0x165: {  	[sflag:s21] =	ssyncset.done $0x0  }
0x166: {  	[sflag:s21] =	ssyncadd.s32 $0xFFFFFEF0  }
0x167: {  	_ =	swait.ge [sflag:s21], $0x110  }
0x168: {  	[sflag:s21] =	ssyncset.done $0x0  }
0x169: {  	[sflag:s21] =	ssyncadd.s32 $0xFFFFFEF0  }
0x16a: {  	_ =	swait.ge [sflag:s21], $0x110  }
0x16b: {  	[sflag:s21] =	ssyncset.done $0x0  }
0x16c: {  	[sflag:s21] =	ssyncadd.s32 $0xFFFFFEF0  }
0x16d: {  	_ =	swait.ge [sflag:s21], $0x110  }
0x16e: {  	[sflag:s21] =	ssyncset.done $0x0  }
0x16f: {  	[sflag:s21] =	ssyncadd.s32 $0xFFFFFEF0  }
0x170: {  	_ =	swait.ge [sflag:s21], $0x110  }
0x171: {  	[sflag:s21] =	ssyncset.done $0x0  }
0x172: {  	[sflag:s21] =	ssyncadd.s32 $0xFFFFFEF0  }
0x173: {  	_ =	swait.ge [sflag:s21], $0x110  }
0x174: {  	[sflag:s21] =	ssyncset.done $0x0  }
0x175: {  	[sflag:s21] =	ssyncadd.s32 $0xFFFFFEF0  }
0x176: {  	_ =	swait.ge [sflag:s21], $0x110  }
0x177: {  	[sflag:s21] =	ssyncset.done $0x0  }
0x178: {  	[sflag:s21] =	ssyncadd.s32 $0xFFFFFEF0  }
0x179: {  	_ =	swait.ge [sflag:s21], $0x110  }
0x17a: {  	[sflag:s21] =	ssyncset.done $0x0  }
0x17b: {  	[sflag:s21] =	ssyncadd.s32 $0xFFFFFEF0  }
0x17c: {  	_ =	swait.ge [sflag:s21], $0x110  }
0x17d: {  	[sflag:s21] =	ssyncset.done $0x0  }
0x17e: {  	[sflag:s21] =	ssyncadd.s32 $0xFFFFFEF0  }
0x17f: {  	_ =	swait.ge [sflag:s21], $0x110  }
0x180: {  	[sflag:s21] =	ssyncset.done $0x0  }
0x181: {  	[sflag:s21] =	ssyncadd.s32 $0xFFFFFEF0  }
0x182: {  	_ =	swait.ge [sflag:s21], $0x110  }
0x183: {  	[sflag:s21] =	ssyncset.done $0x0  }
0x184: {  	[sflag:s21] =	ssyncadd.s32 $0xFFFFFEF0  }
0x185: {  	_ =	swait.ge [sflag:s21], $0x110  }
0x186: {  	[sflag:s21] =	ssyncset.done $0x0  }
0x187: {  	[sflag:s21] =	ssyncadd.s32 $0xFFFFFEF0  }
0x188: {  	_ =	swait.ge [sflag:s21], $0x110  }
0x189: {  	[sflag:s21] =	ssyncset.done $0x0  }
0x18a: {  	[sflag:s21] =	ssyncadd.s32 $0xFFFFFEF0  }
0x18b: {  	_ =	swait.ge [sflag:s21], $0x110  }
0x18c: {  	[sflag:s21] =	ssyncset.done $0x0  }
0x18d: {  	[sflag:s21] =	ssyncadd.s32 $0xFFFFFEF0  }
0x18e: {  	_ =	swait.ge [sflag:s21], $0x110  }
0x18f: {  	[sflag:s21] =	ssyncset.done $0x0  }
0x190: {  	[sflag:s21] =	ssyncadd.s32 $0xFFFFFEF0  }
0x191: {  	_ =	swait.ge [sflag:s21], $0x110  }
0x192: {  	[sflag:s21] =	ssyncset.done $0x0  }
0x193: {  	[sflag:s21] =	ssyncadd.s32 $0xFFFFFEF0  }
0x194: {  	_ =	swait.ge [sflag:s21], $0x110  }
0x195: {  	[sflag:s21] =	ssyncset.done $0x0  }
0x196: {  	[sflag:s21] =	ssyncadd.s32 $0xFFFFFEF0  }
0x197: {  	_ =	swait.ge [sflag:s21], $0x110  }
0x198: {  	[sflag:s21] =	ssyncset.done $0x0  }
0x199: {  	[sflag:s21] =	ssyncadd.s32 $0xFFFFFEF0  }
0x19a: {  	_ =	swait.ge [sflag:s21], $0x110  }
0x19b: {  	[sflag:s21] =	ssyncset.done $0x0  }
0x19c: {  	[sflag:s21] =	ssyncadd.s32 $0xFFFFFEF0  }
0x19d: {  	_ =	swait.ge [sflag:s21], $0x110  }
0x19e: {  	[sflag:s21] =	ssyncset.done $0x0  }
0x19f: {  	[sflag:s21] =	ssyncadd.s32 $0xFFFFFEF0  }
0x1a0: {  	_ =	swait.ge [sflag:s21], $0x110  }
0x1a1: {  	[sflag:s21] =	ssyncset.done $0x0  }
0x1a2: {  	[sflag:s21] =	ssyncadd.s32 $0xFFFFFEF0  }
0x1a3: {  	_ =	swait.ge [sflag:s21], $0x110  }
0x1a4: {  	[sflag:s21] =	ssyncset.done $0x0  }
0x1a5: {  	[sflag:s21] =	ssyncadd.s32 $0xFFFFFEF0  }
0x1a6: {  	_ =	swait.ge [sflag:s21], $0x110  }
0x1a7: {  	[sflag:s21] =	ssyncset.done $0x0  }
0x1a8: {  	[sflag:s21] =	ssyncadd.s32 $0xFFFFFEF0  }
0x1a9: {  	_ =	swait.ge [sflag:s21], $0x110  }
0x1aa: {  	[sflag:s21] =	ssyncset.done $0x0  }
0x1ab: {  	[sflag:s21] =	ssyncadd.s32 $0xFFFFFEF0  }
0x1ac: {  	_ =	swait.ge [sflag:s21], $0x110  }
0x1ad: {  	[sflag:s21] =	ssyncset.done $0x0  }
0x1ae: {  	[sflag:s21] =	ssyncadd.s32 $0xFFFFFEF0  }
0x1af: {  	_ =	swait.ge [sflag:s21], $0x110  }
0x1b0: {  	[sflag:s21] =	ssyncset.done $0x0  }
0x1b1: {  	[sflag:s21] =	ssyncadd.s32 $0xFFFFFEF0  }
0x1b2: {  	_ =	swait.ge [sflag:s21], $0x110  }
0x1b3: {  	[sflag:s21] =	ssyncset.done $0x0  }
0x1b4: {  	[sflag:s21] =	ssyncadd.s32 $0xFFFFFEF0  }
0x1b5: {  	_ =	swait.ge [sflag:s21], $0x110  }
0x1b6: {  	[sflag:s21] =	ssyncset.done $0x0  }
0x1b7: {  	[sflag:s21] =	ssyncadd.s32 $0xFFFFFEF0  }
0x1b8: {  	_ =	swait.ge [sflag:s21], $0x110  }
0x1b9: {  	[sflag:s21] =	ssyncset.done $0x0  }
0x1ba: {  	[sflag:s21] =	ssyncadd.s32 $0xFFFFFEF0  }
0x1bb: {  	_ =	swait.ge [sflag:s21], $0x110  }
0x1bc: {  	[sflag:s21] =	ssyncset.done $0x0  }
0x1bd: {  	[sflag:s21] =	ssyncadd.s32 $0xFFFFFEF0  }
0x1be: {  	_ =	swait.ge [sflag:s21], $0x110  }
0x1bf: {  	[sflag:s21] =	ssyncset.done $0x0  }
0x1c0: {  	[sflag:s21] =	ssyncadd.s32 $0xFFFFFEF0  }
0x1c1: {  	_ =	swait.ge [sflag:s21], $0x110  }
0x1c2: {  	[sflag:s21] =	ssyncset.done $0x0  }
0x1c3: {  	[sflag:s21] =	ssyncadd.s32 $0xFFFFFEF0  }
0x1c4: {  	_ =	swait.ge [sflag:s21], $0x110  }
0x1c5: {  	[sflag:s21] =	ssyncset.done $0x0  }
0x1c6: {  	[sflag:s21] =	ssyncadd.s32 $0xFFFFFEF0  }
0x1c7: {  	_ =	swait.ge [sflag:s21], $0x110  }
0x1c8: {  	[sflag:s21] =	ssyncset.done $0x0  }
0x1c9: {  	[sflag:s21] =	ssyncadd.s32 $0xFFFFFEF0  }
0x1ca: {  	_ =	swait.ge [sflag:s21], $0x110  }
0x1cb: {  	[sflag:s21] =	ssyncset.done $0x0  }
0x1cc: {  	[sflag:s21] =	ssyncadd.s32 $0xFFFFFEF0  }
0x1cd: {  	_ =	swait.ge [sflag:s21], $0x110  }
0x1ce: {  	[sflag:s21] =	ssyncset.done $0x0  }
0x1cf: {  	[sflag:s21] =	ssyncadd.s32 $0xFFFFFEF0  }
0x1d0: {  	_ =	swait.ge [sflag:s21], $0x110  }
0x1d1: {  	[sflag:s21] =	ssyncset.done $0x0  }
0x1d2: {  	[sflag:s21] =	ssyncadd.s32 $0xFFFFFEF0  }
0x1d3: {  	_ =	swait.ge [sflag:s21], $0x110  }
0x1d4: {  	[sflag:s21] =	ssyncset.done $0x0  }
0x1d5: {  	[sflag:s21] =	ssyncadd.s32 $0xFFFFFEF0  }
0x1d6: {  	_ =	swait.ge [sflag:s21], $0x110  }
0x1d7: {  	[sflag:s21] =	ssyncset.done $0x0  }
0x1d8: {  	[sflag:s21] =	ssyncadd.s32 $0xFFFFFEF0  }
0x1d9: {  	_ =	swait.ge [sflag:s21], $0x110  }
0x1da: {  	[sflag:s21] =	ssyncset.done $0x0  }
0x1db: {  	[sflag:s21] =	ssyncadd.s32 $0xFFFFFEF0  }
0x1dc: {  	_ =	swait.ge [sflag:s21], $0x110  }
0x1dd: {  	[sflag:s21] =	ssyncset.done $0x0  }
0x1de: {  	[sflag:s21] =	ssyncadd.s32 $0xFFFFFEF0  }
0x1df: {  	_ =	swait.ge [sflag:s21], $0x110  }
0x1e0: {  	[sflag:s21] =	ssyncset.done $0x0  }
0x1e1: {  	[sflag:s21] =	ssyncadd.s32 $0xFFFFFEF0  }
0x1e2: {  	_ =	swait.ge [sflag:s21], $0x110  }
0x1e3: {  	[sflag:s21] =	ssyncset.done $0x0  }
0x1e4: {  	[sflag:s21] =	ssyncadd.s32 $0xFFFFFEF0  }
0x1e5: {  	_ =	swait.ge [sflag:s21], $0x110  }
0x1e6: {  	[sflag:s21] =	ssyncset.done $0x0  }
0x1e7: {  	[sflag:s21] =	ssyncadd.s32 $0xFFFFFEF0  }
0x1e8: {  	_ =	swait.ge [sflag:s21], $0x110  }
0x1e9: {  	[sflag:s21] =	ssyncset.done $0x0  }
0x1ea: {  	[sflag:s21] =	ssyncadd.s32 $0xFFFFFEF0  }
0x1eb: {  	_ =	swait.ge [sflag:s21], $0x110  }
0x1ec: {  	[sflag:s21] =	ssyncset.done $0x0  }
0x1ed: {  	[sflag:s21] =	ssyncadd.s32 $0xFFFFFEF0  }
0x1ee: {  	_ =	swait.ge [sflag:s21], $0x110  }
0x1ef: {  	[sflag:s21] =	ssyncset.done $0x0  }
0x1f0: {  	[sflag:s21] =	ssyncadd.s32 $0xFFFFFEF0  }
0x1f1: {  	_ =	swait.ge [sflag:s21], $0x110  }
0x1f2: {  	[sflag:s21] =	ssyncset.done $0x0  }
0x1f3: {  	[sflag:s21] =	ssyncadd.s32 $0xFFFFFEF0  }
0x1f4: {  	_ =	swait.ge [sflag:s21], $0x110  }
0x1f5: {  	[sflag:s21] =	ssyncset.done $0x0  }
0x1f6: {  	[sflag:s21] =	ssyncadd.s32 $0xFFFFFEF0  }
0x1f7: {  	_ =	swait.ge [sflag:s21], $0x110  }
0x1f8: {  	[sflag:s21] =	ssyncset.done $0x0  }
0x1f9: {  	[sflag:s21] =	ssyncadd.s32 $0xFFFFFEF0  }
0x1fa: {  	_ =	swait.ge [sflag:s21], $0x110  }
0x1fb: {  	[sflag:s21] =	ssyncset.done $0x0  }
0x1fc: {  	[sflag:s21] =	ssyncadd.s32 $0xFFFFFEF0  }
0x1fd: {  	_ =	swait.ge [sflag:s21], $0x110  }
0x1fe: {  	[sflag:s21] =	ssyncset.done $0x0  }
0x1ff: {  	[sflag:s21] =	ssyncadd.s32 $0xFFFFFEF0  }
0x200: {  	_ =	swait.ge [sflag:s21], $0x110  }
0x201: {  	[sflag:s21] =	ssyncset.done $0x0  }
0x202: {  	[sflag:s21] =	ssyncadd.s32 $0xFFFFFEF0  }
0x203: {  	_ =	swait.ge [sflag:s21], $0x110  }
0x204: {  	[sflag:s21] =	ssyncset.done $0x0  }
0x205: {  	[sflag:s21] =	ssyncadd.s32 $0xFFFFFEF0  }
0x206: {  	_ =	swait.ge [sflag:s21], $0x110  }
0x207: {  	[sflag:s21] =	ssyncset.done $0x0  }
0x208: {  	[sflag:s21] =	ssyncadd.s32 $0xFFFFFEF0  }
0x209: {  	_ =	swait.ge [sflag:s21], $0x110  }
0x20a: {  	[sflag:s21] =	ssyncset.done $0x0  }
0x20b: {  	[sflag:s21] =	ssyncadd.s32 $0xFFFFFEF0  }
0x20c: {  	_ =	swait.ge [sflag:s21], $0x110  }
0x20d: {  	[sflag:s21] =	ssyncset.done $0x0  }
0x20e: {  	[sflag:s21] =	ssyncadd.s32 $0xFFFFFEF0  }
0x20f: {  	_ =	swait.ge [sflag:s21], $0x110  }
0x210: {  	[sflag:s21] =	ssyncset.done $0x0  }
0x211: {  	[sflag:s21] =	ssyncadd.s32 $0xFFFFFEF0  }
0x212: {  	_ =	swait.ge [sflag:s21], $0x110  }
0x213: {  	[sflag:s21] =	ssyncset.done $0x0  }
0x214: {  	[sflag:s21] =	ssyncadd.s32 $0xFFFFFEF0  }
0x215: {  	_ =	swait.ge [sflag:s21], $0x110  }
0x216: {  	[sflag:s21] =	ssyncset.done $0x0  }
0x217: {  	[sflag:s21] =	ssyncadd.s32 $0xFFFFFEF0  }
0x218: {  	_ =	swait.ge [sflag:s21], $0x110  }
0x219: {  	[sflag:s21] =	ssyncset.done $0x0  }
0x21a: {  	[sflag:s21] =	ssyncadd.s32 $0xFFFFFEF0  }
0x21b: {  	_ =	swait.ge [sflag:s21], $0x110  }
0x21c: {  	[sflag:s21] =	ssyncset.done $0x0  }
0x21d: {  	[sflag:s21] =	ssyncadd.s32 $0xFFFFFEF0  }
0x21e: {  	_ =	swait.ge [sflag:s21], $0x110  }
0x21f: {  	[sflag:s21] =	ssyncset.done $0x0  }
0x220: {  	[sflag:s21] =	ssyncadd.s32 $0xFFFFFEF0  }
0x221: {  	_ =	swait.ge [sflag:s21], $0x110  }
0x222: {  	[sflag:s21] =	ssyncset.done $0x0  }
0x223: {  	[sflag:s21] =	ssyncadd.s32 $0xFFFFFEF0  }
0x224: {  	_ =	swait.ge [sflag:s21], $0x110  }
0x225: {  	[sflag:s21] =	ssyncset.done $0x0  }
0x226: {  	[sflag:s21] =	ssyncadd.s32 $0xFFFFFEF0  }
0x227: {  	_ =	swait.ge [sflag:s21], $0x110  }
0x228: {  	[sflag:s21] =	ssyncset.done $0x0  }
0x229: {  	[sflag:s21] =	ssyncadd.s32 $0xFFFFFEF0  }
0x22a: {  	_ =	swait.ge [sflag:s21], $0x110  }
0x22b: {  	[sflag:s21] =	ssyncset.done $0x0  }
0x22c: {  	[sflag:s21] =	ssyncadd.s32 $0xFFFFFEF0  }
0x22d: {  	_ =	swait.ge [sflag:s21], $0x110  }
0x22e: {  	[sflag:s21] =	ssyncset.done $0x0  }
0x22f: {  	[sflag:s21] =	ssyncadd.s32 $0xFFFFFEF0  }
0x230: {  	_ =	swait.ge [sflag:s21], $0x110  }
0x231: {  	[sflag:s21] =	ssyncset.done $0x0  }
0x232: {  	[sflag:s21] =	ssyncadd.s32 $0xFFFFFEF0  }
0x233: {  	_ =	swait.ge [sflag:s21], $0x110  }
0x234: {  	[sflag:s21] =	ssyncset.done $0x0  }
0x235: {  	[sflag:s21] =	ssyncadd.s32 $0xFFFFFEF0  }
0x236: {  	_ =	swait.ge [sflag:s21], $0x110  }
0x237: {  	[sflag:s21] =	ssyncset.done $0x0  }
0x238: {  	[sflag:s21] =	ssyncadd.s32 $0xFFFFFEF0  }
0x239: {  	_ =	swait.ge [sflag:s21], $0x110  }
0x23a: {  	[sflag:s21] =	ssyncset.done $0x0  }
0x23b: {  	[sflag:s21] =	ssyncadd.s32 $0xFFFFFEF0  }
0x23c: {  	_ =	swait.ge [sflag:s21], $0x110  }
0x23d: {  	[sflag:s21] =	ssyncset.done $0x0  }
0x23e: {  	[sflag:s21] =	ssyncadd.s32 $0xFFFFFEF0  }
0x23f: {  	_ =	swait.ge [sflag:s21], $0x110  }
0x240: {  	[sflag:s21] =	ssyncset.done $0x0  }
0x241: {  	[sflag:s21] =	ssyncadd.s32 $0xFFFFFEF0  }
0x242: {  	_ =	swait.ge [sflag:s21], $0x110  }
0x243: {  	[sflag:s21] =	ssyncset.done $0x0  }
0x244: {  	[sflag:s21] =	ssyncadd.s32 $0xFFFFFEF0  }
0x245: {  	_ =	swait.ge [sflag:s21], $0x110  }
0x246: {  	[sflag:s21] =	ssyncset.done $0x0  }
0x247: {  	[sflag:s21] =	ssyncadd.s32 $0xFFFFFEF0  }
0x248: {  	_ =	swait.ge [sflag:s21], $0x110  }
0x249: {  	[sflag:s21] =	ssyncset.done $0x0  }
0x24a: {  	[sflag:s21] =	ssyncadd.s32 $0xFFFFFEF0  }
0x24b: {  	_ =	swait.ge [sflag:s21], $0x110  }
0x24c: {  	[sflag:s21] =	ssyncset.done $0x0  }
0x24d: {  	[sflag:s21] =	ssyncadd.s32 $0xFFFFFEF0  }
0x24e: {  	_ =	swait.ge [sflag:s21], $0x110  }
0x24f: {  	s31 =	sld [smem:$0x7CE];
	_ =	sdelay $0x1  }
0x250: {  	s29 =	sadd.s32 $0x1, s29  }
0x251: {  	p0 =	sne.s32 s29, s31  }
.Ltmp1:
0x252: {  	_ = 	snop;
	(pc) =	sbr.rel @!p0 .LBB2_19-.Ltmp1, $3  }
0x253: {  	_ =	sdelay $0x1  }
0x254: {  	[sflag:s21] =	ssyncset.done $0x0  }
0x255: {  	[sflag:s21] =	ssyncadd.s32 $0xFFFFFEF0  }
.LBB2_1:
0x256: {  	s0 =	rddreg [dreg:$0x5]  }
0x257: {  	s10 =	rddreg [dreg:$0x6]  }
0x258: {  	[tilespmem:s1], [sflag:$0x1] =	stream.linear.gather [hbm4b:s0+s1], $0x110, $0x38;
	[tilespmem:$0x9600] =	vst v63  }
0x259: {  	s2 =	simm.s32 $0x110;
	s11 =	rddreg [dreg:$0x7]  }
0x25a: {  	[tilespmem:s2], [sflag:$0x1] =	stream.linear.gather [hbm4b:s10+s1], $0x110, $0x38;
	[tilespmem:$0x9600] =	vst v63  }
0x25b: {  	s12 =	simm.s32 $0x220;
	s13 =	rddreg [dreg:$0x8]  }
0x25c: {  	[tilespmem:s12], [sflag:$0x1] =	stream.linear.gather [hbm4b:s11+s1], $0x110, $0x38;
	[tilespmem:$0x9600] =	vst v63  }
0x25d: {  	s14 =	simm.s32 $0x330;
	s15 =	rddreg [dreg:$0x9]  }
0x25e: {  	[tilespmem:s14], [sflag:$0x1] =	stream.linear.gather [hbm4b:s13+s1], $0x110, $0x38;
	[tilespmem:$0x9600] =	vst v63  }
0x25f: {  	s16 =	simm.s32 $0x440;
	s17 =	sld [smem:$0x7CC]  }
0x260: {  	[tilespmem:s16], [sflag:$0x1] =	stream.linear.gather [hbm4b:s15+s1], $0x110, $0x38;
	[tilespmem:$0x9600] =	vst v63  }
0x261: {  	s30 =	simm.s32 $0x580;
	s31 =	sld [smem:$0x7CD]  }
0x262: {  	[tilespmem:s30], [sflag:$0x1] =	stream.linear.gather [hbm4b:s17+s1], $0x1000, $0x38;
	[tilespmem:$0x9600] =	vst v63  }
0x263: {  	_ = 	snop  }
0x264: {  	[tilespmem:s20], [sflag:$0x1] =	stream.linear.gather [hbm4b:s31+s1], $0x400, $0x38;
	[tilespmem:$0x9600] =	vst v63  }
0x265: {  	_ =	swait.ge [sflag:s21], $0x110  }
0x266: {  	[sflag:s21] =	ssyncset.done $0x0  }
0x267: {  	[sflag:s21] =	ssyncadd.s32 $0xFFFFFEF0  }
0x268: {  	_ =	swait.ge [sflag:s21], $0x110  }
0x269: {  	[sflag:s21] =	ssyncset.done $0x0  }
0x26a: {  	[sflag:s21] =	ssyncadd.s32 $0xFFFFFEF0  }
0x26b: {  	_ =	swait.ge [sflag:s21], $0x110  }
0x26c: {  	[sflag:s21] =	ssyncset.done $0x0  }
0x26d: {  	[sflag:s21] =	ssyncadd.s32 $0xFFFFFEF0  }
0x26e: {  	_ =	swait.ge [sflag:s21], $0x110  }
0x26f: {  	[sflag:s21] =	ssyncset.done $0x0  }
0x270: {  	[sflag:s21] =	ssyncadd.s32 $0xFFFFFEF0  }
0x271: {  	_ =	swait.ge [sflag:s21], $0x110  }
0x272: {  	[sflag:s21] =	ssyncset.done $0x0  }
0x273: {  	[sflag:s21] =	ssyncadd.s32 $0xFFFFFEF0  }
0x274: {  	_ =	swait.ge [sflag:s21], $0x1000  }
0x275: {  	[sflag:s21] =	ssyncset.done $0x0  }
0x276: {  	[sflag:s21] =	ssyncadd.s32 $0xFFFFF000  }
0x277: {  	_ =	swait.ge [sflag:s21], $0x400  }
0x278: {  	[sflag:s21] =	ssyncset.done $0x0  }
0x279: {  	s0 =	simm.s32 $0x0;
	[sflag:s21] =	ssyncadd.s32 $0xFFFFFC00  }
0x27a: {  	[tilespmem:s0+$0x8500] =	vst v2  }
0x27b: {  	[tilespmem:s0+$0x3000] =	vst v1  }
0x27c: {  	[tilespmem:s0+$0x4100] =	vst v2  }
0x27d: {  	[tilespmem:s0+$0x5200] =	vst v2  }
0x27e: {  	s2 =	simm.s32 $0x40;
	[tilespmem:s0+$0x6300] =	vst v2  }
.LBB2_2:
0x27f: {  	p0 =	sne.s32 s2, $0x43C0;
	[tilespmem:s0+$0x7400] =	vst v2;
	s0 =	sshra.s32 s2, $0x2;
	s2 =	sadd.s32 $0x40, s2  }
.Ltmp2:
0x280: {  	s30 =	simm.s32 $0x0;
	[tilespmem:s0+$0x8500] =	vst v2;
	(pc) =	sbr.rel @p0 .LBB2_2-.Ltmp2, $4  }
0x281: {  	[tilespmem:s0+$0x3000] =	vst v1  }
0x282: {  	[tilespmem:s0+$0x4100] =	vst v2  }
0x283: {  	[tilespmem:s0+$0x5200] =	vst v2  }
0x284: {  	[tilespmem:s0+$0x6300] =	vst v2  }
.Ltmp3:
0x285: {  	(pc) =	sbr.rel .LBB2_4-.Ltmp3, $2  }
0x286: {  	_ =	sdelay $0x2  }
0x287: {  	[tilespmem:s0+$0x7400] =	vst v2;
	s31 =	simm.s32 $0x0  }
.LBB2_17:
0x288: {  	s31 =	sadd.s32 $0x1, s31  }
0x289: {  	p0 =	sne.s32 s31, $0x10  }
.Ltmp4:
0x28a: {  	_ = 	snop;
	(pc) =	sbr.rel @!p0 .LBB2_18-.Ltmp4, $2  }
0x28b: {  	_ =	sdelay $0x2  }
0x28c: {  	s30 =	sadd.s32 $0x40, s30  }
.LBB2_4:
0x28d: {  	s0 =	sshll.u32 s31, $0x8  }
0x28e: {  	s4 =	sand.u32 $0x3FFFFF00, s0  }
0x28f: {  	v7 =	vld [tilespmem:s4+$0x600]  }
0x290: {  	v9 =	vld [tilespmem:s4+$0x640];
	_ =	sdelay $0x2  }
0x291: {  	v8 =	vld [tilespmem:s4+$0x580]  }
0x292: {  	v10 =	vld [tilespmem:s4+$0x5C0]  }
0x293: {  	v11 =	vmul.f32 v9, v7;
	_ =	sdelay $0x1  }
0x294: {  	s0 =	sshll.u32 s31, $0x6;
	v11 =	vtrunc.f32 v11  }
0x295: {  	[tilespmem:s0+$0x1980] =	vst v8;
	v8 =	vadd.f32 v7, v8;
	v11 =	vcvt.f32.s32 v11  }
0x296: {  	[tilespmem:s0+$0x1E00] =	vst v10;
	v10 =	vadd.f32 v9, v10  }
0x297: {  	[tilespmem:s0+$0x2280] =	vst v8;
	v8 =	vshll.u32 v11, $0x6  }
0x298: {  	[tilespmem:s0+$0x2700] =	vst v10;
	v8 =	vor.u32 v0, v8  }
0x299: {  	[tilespmem:s0+$0x2B80] =	vst v8  }
0x29a: {  	v10 =	vld [tilespmem:s4+$0x610]  }
0x29b: {  	v11 =	vld [tilespmem:s4+$0x650];
	_ =	sdelay $0x2  }
0x29c: {  	v8 =	vld [tilespmem:s4+$0x590]  }
0x29d: {  	v12 =	vld [tilespmem:s4+$0x5D0]  }
0x29e: {  	v13 =	vmul.f32 v11, v10;
	_ =	sdelay $0x1  }
0x29f: {  	v13 =	vtrunc.f32 v13  }
0x2a0: {  	[tilespmem:s0+$0x1990] =	vst v8;
	v8 =	vadd.f32 v10, v8;
	v13 =	vcvt.f32.s32 v13  }
0x2a1: {  	[tilespmem:s0+$0x1E10] =	vst v12;
	v12 =	vadd.f32 v11, v12  }
0x2a2: {  	[tilespmem:s0+$0x2290] =	vst v8;
	v8 =	vshll.u32 v13, $0x6  }
0x2a3: {  	[tilespmem:s0+$0x2710] =	vst v12;
	v8 =	vor.u32 v4, v8  }
0x2a4: {  	[tilespmem:s0+$0x2B90] =	vst v8  }
0x2a5: {  	v15 =	vld [tilespmem:s4+$0x620]  }
0x2a6: {  	v17 =	vld [tilespmem:s4+$0x660];
	_ =	sdelay $0x1  }
0x2a7: {  	v16 =	vmax.f32 v7, v9  }
0x2a8: {  	v14 =	vperm.xlane v16, v3;
	vm0 =	vgt.f32 v16, $-1.000000000e+00;
	vm1 =	vle.f32 v16, $1.280000000e+02;
	v8 =	vld [tilespmem:s4+$0x5A0]  }
0x2a9: {  	vm0 =	vmand vm0, vm1;
	v12 =	vld [tilespmem:s4+$0x5E0]  }
0x2aa: {  	vm10 =	vgt.f32 v14, $-1.000000000e+00;
	vm2 =	vle.f32 v14, $1.280000000e+02;
	v50 =	vmul.f32 v17, v15  }
0x2ab: {  	v51 =	vmctz.xlane vm0;
	vm11 =	vmand vm10, vm2  }
0x2ac: {  	v52 =	vmctz.xlane vm11;
	v13 =	vtrunc.f32 v50  }
0x2ad: {  	vm12 =	vgt.s32 v51, $0xF;
	[tilespmem:s0+$0x19A0] =	vst v8;
	v8 =	vadd.f32 v15, v8;
	v13 =	vcvt.f32.s32 v13  }
0x2ae: {  	v19 =	vsel vm12, $0x40, v51;
	vm3 =	vgt.s32 v52, $0xF;
	[tilespmem:s0+$0x1E20] =	vst v12;
	v12 =	vadd.f32 v17, v12  }
0x2af: {  	[tilespmem:s0+$0x22A0] =	vst v8;
	v8 =	vshll.u32 v13, $0x6;
	v13 =	vmax.f32 v10, v11;
	v10 =	vmax.f32 v15, v17  }
0x2b0: {  	[tilespmem:s0+$0x2720] =	vst v12;
	v17 =	vsub.s32 $0x10, v52;
	v8 =	vor.u32 v5, v8;
	v12 =	vperm.xlane v13, v3  }
0x2b1: {  	v9 =	vperm.xlane v10, v3;
	vm13 =	vgt.f32 v13, $-1.000000000e+00;
	vm14 =	vle.f32 v13, $1.280000000e+02  }
0x2b2: {  	vm7 =	vgt.f32 v10, $-1.000000000e+00;
	vm8 =	vle.f32 v10, $1.280000000e+02;
	vm1 =	vmand vm13, vm14  }
0x2b3: {  	v17 =	vsel vm3, $0x0, v17;
	vm0 =	vmand vm7, vm8;
	v18 =	vmctz.xlane vm1  }
0x2b4: {  	[tilespmem:s0+$0x2BA0] =	vst v8;
	vm15 =	vgt.f32 v12, $-1.000000000e+00;
	vm4 =	vle.f32 v12, $1.280000000e+02;
	v21 =	vmctz.xlane vm0  }
0x2b5: {  	v8 =	vld [tilespmem:s4+$0x630];
	vm10 =	vgt.f32 v9, $-1.000000000e+00;
	vm11 =	vle.f32 v9, $1.280000000e+02;
	vm5 =	vmand vm15, vm4  }
0x2b6: {  	v7 =	vld [tilespmem:s4+$0x670];
	vm0 =	vmand vm10, vm11;
	vm4 =	vle.f32 v16, $2.560000000e+02;
	vm6 =	vgt.s32 v18, $0xF  }
0x2b7: {  	v53 =	vadd.s32 $0x10, v18;
	v54 =	vmctz.xlane vm5;
	vm15 =	vgt.s32 v21, $0xF  }
0x2b8: {  	v22 =	vmctz.xlane vm0;
	v21 =	vadd.s32 $0x20, v21;
	vm5 =	vgt.f32 v14, $6.400000000e+01  }
0x2b9: {  	v20 =	vsel vm6, $0x40, v53;
	v21 =	vsel vm15, $0x40, v21;
	vm15 =	vgt.f32 v16, $6.400000000e+01  }
0x2ba: {  	vm9 =	vgt.s32 v54, $0xF;
	v55 =	vsub.s32 $0x20, v54;
	vm8 =	vgt.s32 v22, $0xF  }
0x2bb: {  	v22 =	vsub.s32 $0x30, v22;
	vm10 =	vlt.s32 v19, v20;
	v11 =	vmax.f32 v8, v7  }
0x2bc: {  	v18 =	vsel vm9, $0x0, v55;
	v22 =	vsel vm8, $0x0, v22;
	v19 =	vsel vm10, v19, v20  }
0x2bd: {  	vm12 =	vgt.f32 v11, $-1.000000000e+00;
	vm13 =	vle.f32 v11, $1.280000000e+02;
	v15 =	vperm.xlane v11, v3  }
0x2be: {  	vm8 =	vgt.f32 v13, $6.400000000e+01;
	vm14 =	vmand vm12, vm13;
	vm12 =	vgt.s32 v17, v18  }
0x2bf: {  	v23 =	vmctz.xlane vm14;
	vm6 =	vgt.f32 v15, $-1.000000000e+00;
	vm7 =	vle.f32 v15, $1.280000000e+02  }
0x2c0: {  	vm10 =	vgt.f32 v12, $6.400000000e+01;
	v17 =	vsel vm12, v17, v18;
	vm0 =	vmand vm6, vm7  }
0x2c1: {  	vm6 =	vle.f32 v14, $2.560000000e+02;
	vm9 =	vlt.s32 v23, $0x10;
	v24 =	vmctz.xlane vm0  }
0x2c2: {  	vm7 =	vmand vm5, vm6;
	vm5 =	vgt.f32 v9, $6.400000000e+01;
	vm6 =	vle.f32 v9, $2.560000000e+02  }
0x2c3: {  	v23 =	vnsel vm9, $0x10, v23;
	v59 =	vmctz.xlane vm7;
	vm9 =	vle.f32 v13, $2.560000000e+02  }
0x2c4: {  	v23 =	vadd.s32 $0x30, v23;
	vm0 =	vgt.s32 v24, $0xF;
	v24 =	vsub.s32 $0x40, v24  }
0x2c5: {  	vm7 =	vgt.f32 v11, $6.400000000e+01;
	v24 =	vsel vm0, $0x0, v24;
	vm11 =	vlt.s32 v21, v23  }
0x2c6: {  	v56 =	vsel vm11, v21, v23;
	vm13 =	vgt.s32 v22, v24;
	vm11 =	vle.f32 v12, $2.560000000e+02  }
0x2c7: {  	vm14 =	vlt.s32 v19, v56;
	v57 =	vsel vm13, v22, v24;
	vm1 =	vmand vm10, vm11  }
0x2c8: {  	vm13 =	vgt.s32 v59, $0xF;
	vm11 =	vgt.f32 v15, $6.400000000e+01;
	v19 =	vsel vm14, v19, v56  }
0x2c9: {  	vm0 =	vgt.s32 v17, v57;
	v61 =	vmctz.xlane vm1;
	vm14 =	vgt.f32 v10, $6.400000000e+01  }
0x2ca: {  	v17 =	vsel vm0, v17, v57;
	vm0 =	vmand vm15, vm4;
	(v2sf) =	vpush v19, $0x0  }
0x2cb: {  	v19 =	vsub.s32 $0x10, v59;
	vm15 =	vle.f32 v10, $2.560000000e+02;
	v58 =	vmctz.xlane vm0  }
0x2cc: {  	vm0 =	vmand vm8, vm9;
	(v2sf) =	vpush v17, $0x0;
	v63 =	vsel vm13, $0x0, v19  }
0x2cd: {  	vm1 =	vgt.s32 v61, $0xF;
	v29 =	vsub.s32 $0x20, v61;
	vm4 =	vmand vm14, vm15  }
0x2ce: {  	vm8 =	vle.f32 v11, $2.560000000e+02;
	v60 =	vmctz.xlane vm0;
	v20 =	vsel vm1, $0x0, v29  }
0x2cf: {  	v30 =	vmctz.xlane vm4;
	vm10 =	vmand vm7, vm8;
	vm7 =	vgt.f32 v16, $1.280000000e+02  }
0x2d0: {  	vm8 =	vle.f32 v16, $5.120000000e+02;
	vm12 =	vgt.s32 v58, $0xF;
	v32 =	vmctz.xlane vm10  }
0x2d1: {  	vm10 =	vle.f32 v14, $5.120000000e+02;
	v62 =	vsel vm12, $0x40, v58;
	vm0 =	vgt.s32 v60, $0xF  }
0x2d2: {  	v28 =	vadd.s32 $0x10, v60;
	vm9 =	vgt.s32 v30, $0xF;
	vm12 =	vle.f32 v15, $2.560000000e+02  }
0x2d3: {  	v21 =	vadd.s32 $0x20, v30;
	v19 =	vsel vm0, $0x40, v28;
	vm0 =	vmand vm5, vm6  }
0x2d4: {  	vm14 =	vlt.s32 v32, $0x10;
	v21 =	vsel vm9, $0x40, v21;
	vm5 =	vgt.s32 v63, v20  }
0x2d5: {  	vm9 =	vgt.f32 v14, $1.280000000e+02;
	v31 =	vmctz.xlane vm0;
	vm0 =	vmand vm11, vm12  }
0x2d6: {  	v23 =	vnsel vm14, $0x10, v32;
	vm15 =	vlt.s32 v62, v19;
	v18 =	vsel vm5, v63, v20  }
0x2d7: {  	vm2 =	vmand vm9, vm10;
	vm14 =	vle.f32 v13, $5.120000000e+02;
	vm9 =	vle.f32 v10, $5.120000000e+02  }
0x2d8: {  	v33 =	vmctz.xlane vm0;
	v23 =	vadd.s32 $0x30, v23;
	v17 =	vsel vm15, v62, v19  }
0x2d9: {  	v37 =	vmctz.xlane vm2;
	vm13 =	vgt.s32 v31, $0xF;
	v22 =	vsub.s32 $0x30, v31  }
0x2da: {  	vm4 =	vlt.s32 v21, v23;
	v22 =	vsel vm13, $0x0, v22;
	vm0 =	vgt.s32 v33, $0xF  }
0x2db: {  	v24 =	vsub.s32 $0x40, v33;
	v34 =	vsel vm4, v21, v23;
	vm13 =	vgt.f32 v13, $1.280000000e+02  }
0x2dc: {  	vm15 =	vgt.s32 v37, $0xF;
	v19 =	vsub.s32 $0x10, v37;
	v24 =	vsel vm0, $0x0, v24  }
0x2dd: {  	vm1 =	vlt.s32 v17, v34;
	vm0 =	vmand vm7, vm8;
	vm7 =	vle.f32 v12, $5.120000000e+02  }
0x2de: {  	vm8 =	vgt.f32 v10, $1.280000000e+02;
	v19 =	vsel vm15, $0x0, v19;
	vm15 =	vgt.f32 v11, $1.280000000e+02  }
0x2df: {  	vm6 =	vgt.s32 v22, v24;
	v36 =	vmctz.xlane vm0;
	v17 =	vsel vm1, v17, v34  }
0x2e0: {  	vm1 =	vmand vm13, vm14;
	vm10 =	vmand vm8, vm9;
	vm13 =	vgt.f32 v9, $1.280000000e+02  }
0x2e1: {  	vm14 =	vle.f32 v9, $5.120000000e+02;
	vm8 =	vgt.f32 v15, $1.280000000e+02;
	vm9 =	vle.f32 v15, $5.120000000e+02  }
0x2e2: {  	v35 =	vsel vm6, v22, v24;
	v39 =	vmctz.xlane vm1;
	vm6 =	vgt.f32 v12, $1.280000000e+02  }
0x2e3: {  	v41 =	vmctz.xlane vm10;
	(v2sf) =	vpush v17, $0x0;
	vm0 =	vmand vm13, vm14  }
0x2e4: {  	vm10 =	vmand vm8, vm9;
	vm8 =	vle.f32 v16, $1.024000000e+03;
	vm9 =	vgt.f32 v13, $2.560000000e+02  }
0x2e5: {  	vm11 =	vgt.s32 v18, v35;
	vm12 =	vgt.s32 v36, $0xF;
	vm1 =	vmand vm6, vm7  }
0x2e6: {  	vm6 =	vle.f32 v11, $5.120000000e+02;
	v43 =	vmctz.xlane vm0;
	v44 =	vmctz.xlane vm10  }
0x2e7: {  	vm10 =	vle.f32 v13, $1.024000000e+03;
	v18 =	vsel vm11, v18, v35;
	v38 =	vsel vm12, $0x40, v36  }
0x2e8: {  	v40 =	vmctz.xlane vm1;
	vm11 =	vgt.s32 v39, $0xF;
	v21 =	vadd.s32 $0x10, v39  }
0x2e9: {  	vm1 =	vgt.s32 v41, $0xF;
	v23 =	vadd.s32 $0x20, v41;
	vm7 =	vmand vm15, vm6  }
0x2ea: {  	v21 =	vsel vm11, $0x40, v21;
	v23 =	vsel vm1, $0x40, v23;
	v42 =	vmctz.xlane vm7  }
0x2eb: {  	vm13 =	vgt.s32 v43, $0xF;
	v24 =	vsub.s32 $0x30, v43;
	vm14 =	vgt.s32 v44, $0xF  }
0x2ec: {  	(v2sf) =	vpush v18, $0x0;
	vm7 =	vgt.f32 v16, $2.560000000e+02;
	vm12 =	vgt.s32 v40, $0xF  }
0x2ed: {  	v22 =	vsub.s32 $0x20, v40;
	vm11 =	vlt.s32 v38, v21;
	v24 =	vsel vm13, $0x0, v24  }
0x2ee: {  	vm0 =	vmand vm7, vm8;
	vm13 =	vle.f32 v14, $1.024000000e+03;
	vm7 =	vle.f32 v11, $1.024000000e+03  }
0x2ef: {  	v22 =	vsel vm12, $0x0, v22;
	v20 =	vsel vm11, v38, v21;
	vm12 =	vlt.s32 v42, $0x10  }
0x2f0: {  	v21 =	vsub.s32 $0x40, v44;
	v46 =	vmctz.xlane vm0;
	vm11 =	vmand vm9, vm10  }
0x2f1: {  	vm9 =	vgt.f32 v12, $2.560000000e+02;
	vm10 =	vle.f32 v12, $1.024000000e+03;
	v17 =	vnsel vm12, $0x10, v42  }
0x2f2: {  	v21 =	vsel vm14, $0x0, v21;
	vm4 =	vgt.s32 v19, v22;
	vm12 =	vgt.f32 v14, $2.560000000e+02  }
0x2f3: {  	v47 =	vmctz.xlane vm11;
	vm11 =	vmand vm9, vm10;
	vm10 =	vgt.f32 v15, $2.560000000e+02  }
0x2f4: {  	v17 =	vadd.s32 $0x30, v17;
	vm1 =	vgt.s32 v24, v21;
	v19 =	vsel vm4, v19, v22  }
0x2f5: {  	vm14 =	vgt.s32 v46, $0xF;
	vm4 =	vgt.f32 v10, $2.560000000e+02;
	v52 =	vmctz.xlane vm11  }
0x2f6: {  	vm11 =	vle.f32 v15, $1.024000000e+03;
	vm15 =	vlt.s32 v23, v17;
	v21 =	vsel vm1, v24, v21  }
0x2f7: {  	vm1 =	vmand vm12, vm13;
	v17 =	vsel vm15, v23, v17;
	vm6 =	vgt.s32 v19, v21  }
0x2f8: {  	v48 =	vmctz.xlane vm1;
	vm15 =	vgt.s32 v47, $0xF;
	vm5 =	vlt.s32 v20, v17  }
0x2f9: {  	v45 =	vsel vm6, v19, v21;
	v19 =	vadd.s32 $0x10, v47;
	vm6 =	vgt.f32 v11, $2.560000000e+02  }
0x2fa: {  	v17 =	vsel vm5, v20, v17;
	vm5 =	vle.f32 v10, $1.024000000e+03;
	v19 =	vsel vm15, $0x40, v19  }
0x2fb: {  	vm8 =	vmand vm6, vm7;
	vm15 =	vgt.s32 v48, $0xF;
	vm6 =	vgt.f32 v9, $2.560000000e+02  }
0x2fc: {  	vm7 =	vle.f32 v9, $1.024000000e+03;
	v18 =	vsub.s32 $0x10, v48;
	(v2sf) =	vpush v17, $0x0  }
0x2fd: {  	v17 =	vsel vm14, $0x40, v46;
	vm1 =	vmand vm4, vm5;
	v50 =	vmctz.xlane vm8  }
0x2fe: {  	vm8 =	vmand vm6, vm7;
	v18 =	vsel vm15, $0x0, v18;
	vm5 =	vgt.f32 v16, $5.120000000e+02  }
0x2ff: {  	vm6 =	vle.f32 v16, $1.999998000e+06;
	(v2sf) =	vpush v45, $0x0;
	v49 =	vmctz.xlane vm1  }
0x300: {  	vm14 =	vlt.s32 v17, v19;
	v53 =	vmctz.xlane vm8;
	vm0 =	vmand vm5, vm6  }
0x301: {  	vm5 =	vgt.f32 v15, $5.120000000e+02;
	vm13 =	vlt.s32 v50, $0x10;
	v17 =	vsel vm14, v17, v19  }
0x302: {  	v57 =	vmctz.xlane vm0;
	vm12 =	vgt.s32 v49, $0xF;
	v20 =	vadd.s32 $0x20, v49  }
0x303: {  	v21 =	vnsel vm13, $0x10, v50;
	vm13 =	vgt.s32 v52, $0xF;
	vm14 =	vgt.s32 v53, $0xF  }
0x304: {  	v20 =	vsel vm12, $0x40, v20;
	v51 =	vadd.s32 $0x30, v21;
	vm12 =	vmand vm10, vm11  }
0x305: {  	v21 =	vsub.s32 $0x20, v52;
	vm10 =	vle.f32 v14, $1.999998000e+06;
	vm11 =	vgt.s32 v57, $0xF  }
0x306: {  	vm9 =	vlt.s32 v20, v51;
	v54 =	vmctz.xlane vm12;
	v21 =	vsel vm13, $0x0, v21  }
0x307: {  	vm12 =	vgt.f32 v13, $5.120000000e+02;
	vm13 =	vle.f32 v13, $1.999998000e+06;
	v60 =	vsel vm11, $0x40, v57  }
0x308: {  	vm11 =	vle.f32 v11, $1.999998000e+06;
	v19 =	vsel vm9, v20, v51;
	v20 =	vsub.s32 $0x30, v53  }
0x309: {  	vm2 =	vgt.s32 v18, v21;
	vm9 =	vgt.f32 v14, $5.120000000e+02;
	vm15 =	vgt.s32 v54, $0xF  }
0x30a: {  	v22 =	vsub.s32 $0x40, v54;
	v20 =	vsel vm14, $0x0, v20;
	vm4 =	vlt.s32 v17, v19  }
0x30b: {  	v55 =	vsel vm2, v18, v21;
	vm1 =	vmand vm9, vm10;
	vm14 =	vgt.f32 v12, $5.120000000e+02  }
0x30c: {  	vm10 =	vgt.f32 v11, $5.120000000e+02;
	v22 =	vsel vm15, $0x0, v22;
	v17 =	vsel vm4, v17, v19  }
0x30d: {  	v59 =	vmctz.xlane vm1;
	vm1 =	vmand vm12, vm13;
	vm15 =	vle.f32 v12, $1.999998000e+06  }
0x30e: {  	vm12 =	vgt.f32 v10, $5.120000000e+02;
	vm13 =	vle.f32 v10, $1.999998000e+06;
	vm0 =	vmand vm10, vm11  }
0x30f: {  	vm7 =	vgt.s32 v20, v22;
	v61 =	vmctz.xlane vm1;
	vm6 =	vmand vm14, vm15  }
0x310: {  	vm14 =	vgt.f32 v9, $5.120000000e+02;
	v10 =	vmctz.xlane vm0;
	vm15 =	vle.f32 v9, $1.999998000e+06  }
0x311: {  	vm2 =	vmand vm12, vm13;
	(v2sf) =	vpush v17, $0x0;
	v56 =	vsel vm7, v20, v22  }
0x312: {  	vm7 =	vgt.s32 v59, $0xF;
	v16 =	vsub.s32 $0x10, v59;
	v62 =	vmctz.xlane vm6  }
0x313: {  	vm0 =	vmand vm14, vm15;
	v9 =	vmctz.xlane vm2;
	vm6 =	vle.f32 v15, $1.999998000e+06  }
0x314: {  	vm8 =	vgt.s32 v55, v56;
	v16 =	vsel vm7, $0x0, v16;
	v13 =	vadd.s32 $0x10, v61  }
0x315: {  	v11 =	vmctz.xlane vm0;
	vm4 =	vlt.s32 v10, $0x10;
	vm0 =	vmand vm5, vm6  }
0x316: {  	v58 =	vsel vm8, v55, v56;
	vm8 =	vgt.s32 v61, $0xF;
	vm9 =	vgt.s32 v62, $0xF  }
0x317: {  	v18 =	vsub.s32 $0x20, v62;
	v10 =	vnsel vm4, $0x10, v10;
	vm7 =	vgt.s32 v9, $0xF  }
0x318: {  	v9 =	vadd.s32 $0x20, v9;
	v63 =	vmctz.xlane vm0;
	v13 =	vsel vm8, $0x40, v13  }
0x319: {  	v18 =	vsel vm9, $0x0, v18;
	vm8 =	vgt.s32 v11, $0xF;
	v11 =	vsub.s32 $0x30, v11  }
0x31a: {  	v9 =	vsel vm7, $0x40, v9;
	v10 =	vadd.s32 $0x30, v10;
	v11 =	vsel vm8, $0x0, v11  }
0x31b: {  	vm9 =	vgt.s32 v63, $0xF;
	v15 =	vsub.s32 $0x40, v63;
	vm10 =	vlt.s32 v60, v13  }
0x31c: {  	vm11 =	vlt.s32 v9, v10;
	vm12 =	vgt.s32 v16, v18;
	v15 =	vsel vm9, $0x0, v15  }
0x31d: {  	v12 =	vsel vm10, v60, v13;
	v9 =	vsel vm11, v9, v10;
	vm13 =	vgt.s32 v11, v15  }
0x31e: {  	v10 =	vsel vm12, v16, v18;
	vm14 =	vlt.s32 v12, v9;
	v11 =	vsel vm13, v11, v15  }
0x31f: {  	(v2sf) =	vpush v58, $0x0;
	v9 =	vsel vm14, v12, v9;
	vm15 =	vgt.s32 v10, v11  }
0x320: {  	(v2sf) =	vpush v9, $0x0;
	v10 =	vsel vm15, v10, v11  }
0x321: {  	(v2sf) =	vpush v10, $0x0;
	_ =	sdelay $0x5  }
0x322: {  	s2 =	spop (v2sf);
	v9 =	vld [tilespmem:s4+$0x5B0]  }
0x323: {  	s3 =	spop (v2sf);
	v10 =	vld [tilespmem:s4+$0x5F0]  }
0x324: {  	v11 =	vmul.f32 v7, v8;
	s4 =	spop (v2sf)  }
0x325: {  	s5 =	spop (v2sf)  }
0x326: {  	v11 =	vtrunc.f32 v11;
	s6 =	spop (v2sf)  }
.Ltmp5:
0x327: {  	s7 =	spop (v2sf);
	[tilespmem:s0+$0x19B0] =	vst v9;
	v8 =	vadd.f32 v8, v9;
	v9 =	vcvt.f32.s32 v11;
	(pc) =	sbr.rel .LBB2_5-.Ltmp5, $4  }
0x328: {  	s8 =	spop (v2sf);
	[tilespmem:s0+$0x1E30] =	vst v10;
	v7 =	vadd.f32 v7, v10  }
0x329: {  	s12 =	smul.u32 $0x110, s31;
	[tilespmem:s0+$0x22B0] =	vst v8;
	v8 =	vshll.u32 v9, $0x6;
	s9 =	spop (v2sf)  }
0x32a: {  	[tilespmem:s0+$0x2730] =	vst v7;
	v7 =	vor.u32 v6, v8;
	v8 =	vmov s0;
	s10 =	spop (v2sf)  }
0x32b: {  	[tilespmem:s0+$0x2BB0] =	vst v7;
	v7 =	vbroadcast v8, $0x0;
	v8 =	vmov s12;
	s12 =	simm.s32 $0x0;
	s11 =	spop (v2sf)  }
.LBB2_7:
0x32c: {  	v11 =	vimm.s32 $0x7FFFFFFF  }
.LBB2_15:
0x32d: {  	v12 =	vand.u32 $0x3F, v11  }
0x32e: {  	v12 =	vor.u32 v7, v12;
	_ =	sdelay $0x4  }
0x32f: {  	v13 =	vld.idx.msk [tilespmem:v12+s22+$0x0], $0xffff  }
0x330: {  	v14 =	vld.idx.msk [tilespmem:v12+s23+$0x0], $0xffff  }
0x331: {  	v15 =	vld.idx.msk [tilespmem:v12+s24+$0x0], $0xffff  }
0x332: {  	v16 =	vld.idx.msk [tilespmem:v12+s25+$0x0], $0xffff;
	_ =	sdelay $0x3  }
0x333: {  	v13 =	vsub.f32 v9, v13;
	v14 =	vsub.f32 v10, v14  }
0x334: {  	v9 =	vsub.f32 v15, v9;
	v10 =	vsub.f32 v16, v10;
	_ =	sdelay $0x1  }
0x335: {  	v15 =	vmax.f32 v13, v9;
	v16 =	vmax.f32 v14, v10  }
0x336: {  	v15 =	vmul.f32 v16, v15;
	_ =	sdelay $0x1  }
0x337: {  	v15 =	vadd.f32 $1.000000010e-10, v15;
	_ =	sdelay $0x1  }
0x338: {  	(erf) = vrcp.f32 v15;
	_ =	sdelay $0x6  }
0x339: {  	v60 =	vmin.f32 v13, v9;
	v61 =	vmin.f32 v14, v10  }
0x33a: {  	v15 =	vmul.f32 v61, v60  }
0x33b: {  	v62 =	vpop (erf)  }
0x33c: {  	v15 =	vmul.f32 v62, v15;
	_ =	sdelay $0x1  }
0x33d: {  	vm0 =	veq.s32 v11, $0x7FFFFFFF;
	v11 =	vmax.f32 v15, $1.000000000e-30  }
0x33e: {  	v15 =	vsel vm0, $0x3F800000, v11  }
0x33f: {  	v63 =	vshra.s32 v15, $0x1;
	v15 =	vmul.f32 $5.000000000e-01, v15  }
0x340: {  	v16 =	vsub.s32 $0x5F3759DF, v63  }
0x341: {  	v17 =	vmul.f32 v16, v15;
	_ =	sdelay $0x1  }
0x342: {  	v17 =	vmul.f32 v16, v17;
	_ =	sdelay $0x1  }
0x343: {  	v17 =	vsub.f32 $1.500000000e+00, v17;
	_ =	sdelay $0x1  }
0x344: {  	v16 =	vmul.f32 v16, v17;
	_ =	sdelay $0x1  }
0x345: {  	v17 =	vmul.f32 v16, v15;
	_ =	sdelay $0x1  }
0x346: {  	v17 =	vmul.f32 v17, v16;
	_ =	sdelay $0x1  }
0x347: {  	v17 =	vsub.f32 $1.500000000e+00, v17;
	_ =	sdelay $0x1  }
0x348: {  	v16 =	vmul.f32 v17, v16;
	_ =	sdelay $0x1  }
0x349: {  	v15 =	vmul.f32 v16, v15;
	_ =	sdelay $0x1  }
0x34a: {  	v15 =	vmul.f32 v15, v16;
	_ =	sdelay $0x1  }
0x34b: {  	v12 =	vld.idx.msk [tilespmem:v12+s20+$0x0], $0xffff;
	v15 =	vsub.f32 $1.500000000e+00, v15;
	_ =	sdelay $0x1  }
0x34c: {  	v15 =	vmul.f32 v15, v16;
	_ =	sdelay $0x1  }
0x34d: {  	v11 =	vmul.f32 v15, v11  }
0x34e: {  	v12 =	vsel vm0, $0xFFFFFFFF, v12  }
0x34f: {  	[tilespmem:v8+s13+$0x3000 ss:$0x1] =	vst.idx.msk $0xffff, v12;
	v11 =	vsel vm0, $0xBF800000, v11  }
0x350: {  	[tilespmem:v8+s13+$0x4100 ss:$0x1] =	vst.idx.msk $0xffff, v11;
	v11 =	vsel vm0, $0xBF800000, v13  }
0x351: {  	[tilespmem:v8+s13+$0x5200 ss:$0x1] =	vst.idx.msk $0xffff, v11;
	v11 =	vsel vm0, $0xBF800000, v14  }
0x352: {  	v9 =	vsel vm0, $0xBF800000, v9;
	[tilespmem:v8+s13+$0x6300 ss:$0x1] =	vst.idx.msk $0xffff, v11  }
0x353: {  	[tilespmem:v8+s13+$0x7400 ss:$0x1] =	vst.idx.msk $0xffff, v9;
	v9 =	vsel vm0, $0xBF800000, v10  }
0x354: {  	[tilespmem:v8+s13+$0x8500 ss:$0x1] =	vst.idx.msk $0xffff, v9  }
.LBB2_16:
0x355: {  	s12 =	sadd.s32 $0x1, s12  }
0x356: {  	p0 =	sne.s32 s12, $0x11  }
.Ltmp6:
0x357: {  	_ = 	snop;
	(pc) =	sbr.rel @!p0 .LBB2_17-.Ltmp6, $1  }
0x358: {  	_ =	sdelay $0x3  }
.LBB2_5:
0x359: {  	s13 =	sadd.s32 s28, s12  }
0x35a: {  	s14 =	simm.s32 $0x1;
	p0 =	sgt.u32 s13, $0x18F  }
0x35b: {  	s15 =	simm.s32 $0x1;
	s14 =	simm.s32 @!p0 $0x0;
	p0 =	sgt.u32 s13, $0x1F3  }
0x35c: {  	s16 =	simm.s32 $0x1;
	s15 =	simm.s32 @!p0 $0x0;
	p0 =	sgt.u32 s13, $0x20C  }
0x35d: {  	s14 =	sadd.s32 s15, s14;
	s16 =	simm.s32 @!p0 $0x0  }
0x35e: {  	p0 =	sgt.u32 s13, $0x213;
	s15 =	simm.s32 $0x1;
	s14 =	sadd.s32 s16, s14  }
0x35f: {  	s15 =	simm.s32 @!p0 $0x0;
	p0 =	sgt.u32 s13, $0x215;
	s13 =	simm.s32 $0x1  }
0x360: {  	s14 =	sadd.s32 s15, s14;
	s13 =	simm.s32 @!p0 $0x0  }
0x361: {  	s13 =	sadd.s32 s13, s14  }
0x362: {  	s15 =	smov.u32 s11;
	s14 =	smov.u32 s10;
	p0 =	seq.s32 s13, $0x4  }
0x363: {  	s14 =	simm.s32 @!p0 $0x0;
	s15 =	simm.s32 @!p0 $0x0;
	p0 =	seq.s32 s13, $0x3  }
0x364: {  	s14 =	smov.u32 @p0 s8;
	s15 =	smov.u32 @p0 s9;
	p0 =	seq.s32 s13, $0x2  }
0x365: {  	s14 =	smov.u32 @p0 s6;
	s15 =	smov.u32 @p0 s7;
	p0 =	seq.s32 s13, $0x1  }
0x366: {  	s14 =	smov.u32 @p0 s4;
	s15 =	smov.u32 @p0 s5;
	p0 =	seq.s32 s13, $0x0  }
0x367: {  	s14 =	smov.u32 @p0 s2;
	s15 =	smov.u32 @p0 s3  }
0x368: {  	p0 =	sle.s32 s15, s14  }
.Ltmp7:
0x369: {  	_ = 	snop;
	(pc) =	sbr.rel @p0 .LBB2_16-.Ltmp7, $1  }
0x36a: {  	_ =	sdelay $0x3  }
0x36b: {  	s13 =	ssub.s32 s15, s14  }
0x36c: {  	s16 =	sadd.s32 $0x1, s13;
	p0 =	slt.u32 s13, $0x7FFFFFFF;
	s13 =	simm.s32 $0x1  }
0x36d: {  	s13 =	simm.s32 @!p0 $0x0;
	s17 =	sshra.s32 s16, $0x1F  }
0x36e: {  	s13 =	sadd.s32 s13, s17;
	s17 =	sand.u32 $0x1, s16  }
0x36f: {  	p6 =	sne.s32 s13, $0x1;
	p1 =	seq.s32 s17, $0x1  }
0x370: {  	s17 =	sshrl.u32 s16, $0x1F;
	p0 =	por !p6, !p1  }
0x371: {  	s13 =	sadd.s32 s17, s16;
	s16 =	simm.s32 $0x1;
	p0 =	por !p0, !p0  }
0x372: {  	s17 =	sshra.s32 s13, $0x1;
	s16 =	simm.s32 @!p0 $0x0  }
0x373: {  	s16 =	ssub.s32 s17, s16  }
0x374: {  	p0 =	slt.s32 s16, $0x1  }
.Ltmp8:
0x375: {  	s13 =	sshll.u32 s12, $0x4;
	(pc) =	sbr.rel @p0 .LBB2_7-.Ltmp8, $2  }
0x376: {  	v9 =	vld [tilespmem:s13+$0x0]  }
0x377: {  	v10 =	vld [tilespmem:s13+$0x110];
	_ =	sdelay $0x2  }
0x378: {  	s17 =	sadd.s32 s14, s30  }
0x379: {  	v27 =	vmov s17;
	_ =	sdelay $0x1  }
0x37a: {  	v12 =	vld [tilespmem:s13+$0x220]  }
0x37b: {  	v14 =	vld [tilespmem:s13+$0x330]  }
0x37c: {  	v11 =	vld [tilespmem:s13+$0x440];
	v26 =	vadd.s32 $0x1, v27  }
0x37d: {  	s16 =	ssub.s32 $0x0, s16;
	v19 =	vld.idx.msk [tilespmem:v27+s22+$0x0], $0xffff  }
0x37e: {  	s14 =	sadd.s32 $0x1, s16;
	v20 =	vld.idx.msk [tilespmem:v27+s23+$0x0], $0xffff  }
0x37f: {  	p1 =	seq.s32 s14, $0x0;
	v22 =	vld.idx.msk [tilespmem:v27+s24+$0x0], $0xffff  }
.Ltmp9:
0x380: {  	v23 =	vld.idx.msk [tilespmem:v27+s25+$0x0], $0xffff;
	(pc) =	sbr.rel @p1 .LBB2_9-.Ltmp9, $4  }
0x381: {  	v24 =	vld.idx.msk [tilespmem:v26+s22+$0x0], $0xffff  }
0x382: {  	v25 =	vld.idx.msk [tilespmem:v26+s23+$0x0], $0xffff  }
0x383: {  	s15 =	sadd.s32 s0, s15;
	v28 =	vld.idx.msk [tilespmem:v26+s24+$0x0], $0xffff  }
0x384: {  	v13 =	vimm.s32 $0x7FFFFFFF;
	p0 =	por $0x0, $0x0;
	v15 =	vmov s15;
	s15 =	sadd.s32 $0x2, s17;
	v29 =	vld.idx.msk [tilespmem:v26+s25+$0x0], $0xffff  }
0x385: {  	v18 =	vmov s15;
	v16 =	vsub.f32 v9, v19;
	v19 =	vsub.f32 v10, v20  }
0x386: {  	v20 =	vsub.f32 v22, v9;
	v21 =	vsub.f32 v23, v10;
	vm0 =	vlt.s32 v26, v15  }
0x387: {  	v17 =	vadd.s32 $0x1, v18;
	v22 =	vsub.f32 v9, v24;
	v23 =	vsub.f32 v10, v25  }
0x388: {  	v25 =	vmin.f32 v16, v20;
	v30 =	vmax.f32 v16, v20;
	v31 =	vmax.f32 v19, v21  }
0x389: {  	v16 =	vsub.f32 v16, v20;
	v24 =	vsub.f32 v28, v9;
	v28 =	vmin.f32 v19, v21  }
0x38a: {  	v29 =	vsub.f32 v29, v10;
	v25 =	vmin.f32 v25, v28;
	v28 =	vmax.f32 v30, v31  }
0x38b: {  	v30 =	vsub.f32 v19, v21;
	v20 =	vmin.f32 v22, v24;
	v31 =	vsub.f32 v22, v24  }
0x38c: {  	v26 =	vld.idx.msk [tilespmem:v26+s26+$0x0], $0xffff;
	v22 =	vmax.f32 v22, v24;
	vm3 =	vle.f32 v28, v14;
	vm4 =	vgt.f32 v28, v12  }
0x38d: {  	v21 =	vld.idx.msk [tilespmem:v27+s26+$0x0], $0xffff;
	v27 =	vmin.f32 v23, v29;
	v32 =	vsub.f32 v23, v29;
	v23 =	vmax.f32 v23, v29  }
0x38e: {  	v19 =	vld.idx.msk [tilespmem:v18+s22+$0x0], $0xffff;
	v24 =	vmin.f32 v20, v27;
	v23 =	vmax.f32 v22, v23;
	v22 =	vand.u32 $0x7FFFFFFF, v31  }
0x38f: {  	s14 =	sadd.s32 $0x1, s14;
	v28 =	vld.idx.msk [tilespmem:v17+s24+$0x0], $0xffff;
	v27 =	vand.u32 $0x7FFFFFFF, v32;
	vm1 =	vgt.f32 v24, $0.0e+00;
	vm2 =	vgt.f32 v23, v12  }
0x390: {  	p1 =	seq.s32 s14, $0x0;
	v29 =	vld.idx.msk [tilespmem:v17+s25+$0x0], $0xffff;
	v24 =	vmax.f32 v22, v27;
	vm1 =	vmand vm1, vm2;
	vm2 =	vle.f32 v23, v14  }
.Ltmp10:
0x391: {  	v20 =	vld.idx.msk [tilespmem:v18+s23+$0x0], $0xffff;
	vm1 =	vmand vm2, vm1;
	vm2 =	vlt.f32 v24, v11;
	(pc) =	sbr.rel @p1 .LBB2_11-.Ltmp10, $4  }
0x392: {  	v16 =	vand.u32 $0x7FFFFFFF, v16;
	v22 =	vld.idx.msk [tilespmem:v18+s24+$0x0], $0xffff;
	vm1 =	vmand vm2, vm1;
	vm2 =	vgt.f32 v25, $0.0e+00  }
0x393: {  	v23 =	vld.idx.msk [tilespmem:v18+s25+$0x0], $0xffff;
	v27 =	vand.u32 $0x7FFFFFFF, v30;
	vm0 =	vmand vm0, vm1;
	vm1 =	vmand vm2, vm4  }
0x394: {  	v24 =	vld.idx.msk [tilespmem:v17+s22+$0x0], $0xffff;
	v16 =	vmax.f32 v16, v27;
	v30 =	vnsel vm0, $0x7FFFFFFF, v26;
	vm0 =	vmand vm3, vm1  }
0x395: {  	s15 =	sadd.s32 $0x2, s15;
	p0 =	por $0x1, $0x1;
	v25 =	vld.idx.msk [tilespmem:v17+s23+$0x0], $0xffff;
	vm1 =	vlt.f32 v16, v11;
	v16 =	vimm.s32 $0x7FFFFFFF;
	vm2 =	vlt.s32 v21, v30  }
.LBB2_12:
0x396: {  	v26 =	vmov s15;
	vm0 =	vmand vm1, vm0;
	v21 =	vsel vm2, v21, v30  }
0x397: {  	v19 =	vsub.f32 v9, v19;
	v27 =	vadd.s32 $0x1, v26;
	v21 =	vsel vm0, v21, v30  }
0x398: {  	v20 =	vsub.f32 v10, v20;
	v22 =	vsub.f32 v22, v9;
	vm0 =	vlt.s32 v16, v21  }
0x399: {  	v23 =	vsub.f32 v23, v10;
	v24 =	vsub.f32 v9, v24;
	v16 =	vsel vm0, v16, v21  }
0x39a: {  	v25 =	vsub.f32 v10, v25;
	vm0 =	vlt.s32 v17, v15;
	v28 =	vsub.f32 v28, v9  }
0x39b: {  	v30 =	vmin.f32 v20, v23;
	v21 =	vmin.f32 v19, v22;
	v29 =	vsub.f32 v29, v10  }
0x39c: {  	v31 =	vmax.f32 v19, v22;
	v32 =	vmax.f32 v20, v23;
	v33 =	vsub.f32 v19, v22  }
0x39d: {  	v31 =	vmax.f32 v31, v32;
	v32 =	vsub.f32 v20, v23;
	v30 =	vmin.f32 v21, v30  }
0x39e: {  	v34 =	vmin.f32 v24, v28;
	v22 =	vsub.f32 v24, v28;
	v20 =	vmin.f32 v25, v29;
	v21 =	vld.idx.msk [tilespmem:v18+s26+$0x0], $0xffff  }
0x39f: {  	v23 =	vmax.f32 v24, v28;
	v24 =	vmax.f32 v25, v29;
	v25 =	vsub.f32 v25, v29;
	v19 =	vld.idx.msk [tilespmem:v26+s22+$0x0], $0xffff  }
0x3a0: {  	v28 =	vmin.f32 v34, v20;
	v23 =	vmax.f32 v23, v24;
	v24 =	vand.u32 $0x7FFFFFFF, v22;
	v18 =	vmovc v26;
	v29 =	vld.idx.msk [tilespmem:v17+s26+$0x0], $0xffff  }
0x3a1: {  	s14 =	sadd.s32 $0x1, s14;
	v25 =	vand.u32 $0x7FFFFFFF, v25;
	vm1 =	vgt.f32 v28, $0.0e+00;
	vm2 =	vgt.f32 v23, v12;
	v17 =	vmovc v27;
	v20 =	vld.idx.msk [tilespmem:v26+s23+$0x0], $0xffff  }
0x3a2: {  	p1 =	seq.s32 s14, $0x0;
	v24 =	vmax.f32 v24, v25;
	vm1 =	vmand vm1, vm2;
	vm2 =	vle.f32 v23, v14;
	v22 =	vld.idx.msk [tilespmem:v26+s24+$0x0], $0xffff  }
.Ltmp11:
0x3a3: {  	vm3 =	vle.f32 v31, v14;
	vm1 =	vmand vm2, vm1;
	vm2 =	vlt.f32 v24, v11;
	v23 =	vld.idx.msk [tilespmem:v26+s25+$0x0], $0xffff;
	(pc) =	sbr.rel @!p1 .LBB2_12-.Ltmp11, $4  }
0x3a4: {  	v32 =	vand.u32 $0x7FFFFFFF, v32;
	vm1 =	vmand vm2, vm1;
	v26 =	vand.u32 $0x7FFFFFFF, v33;
	v24 =	vld.idx.msk [tilespmem:v27+s22+$0x0], $0xffff  }
0x3a5: {  	vm4 =	vgt.f32 v31, v12;
	vm2 =	vgt.f32 v30, $0.0e+00;
	vm0 =	vmand vm0, vm1;
	v25 =	vld.idx.msk [tilespmem:v27+s23+$0x0], $0xffff  }
0x3a6: {  	vm1 =	vmand vm2, vm4;
	v26 =	vmax.f32 v26, v32;
	v30 =	vnsel vm0, $0x7FFFFFFF, v29;
	v28 =	vld.idx.msk [tilespmem:v27+s24+$0x0], $0xffff  }
0x3a7: {  	s15 =	sadd.s32 $0x2, s15;
	vm0 =	vmand vm3, vm1;
	vm1 =	vlt.f32 v26, v11;
	vm2 =	vlt.s32 v21, v30;
	v29 =	vld.idx.msk [tilespmem:v27+s25+$0x0], $0xffff  }
0x3a8: {  	v26 =	vmov v17;
	v27 =	vmov v18  }
.LBB2_14:
0x3a9: {  	vm0 =	vmand @p0 vm1, vm0;
	v18 =	vsub.f32 v9, v19;
	v41 =	vsub.f32 v10, v20  }
0x3aa: {  	v17 =	vsel @p0 vm2, v21, v30;
	v42 =	vsub.f32 v22, v9;
	v43 =	vsub.f32 v23, v10  }
0x3ab: {  	v44 =	vsub.f32 v9, v24;
	vm15 =	vlt.s32 v26, v15;
	v17 =	vsel @p0 vm0, v17, v30  }
0x3ac: {  	v45 =	vsub.f32 v10, v25;
	vm0 =	vlt.s32 @p0 v16, v17;
	v46 =	vsub.f32 v28, v9  }
0x3ad: {  	v47 =	vmin.f32 v18, v42;
	v48 =	vmin.f32 v41, v43;
	v50 =	vmax.f32 v18, v42  }
0x3ae: {  	v18 =	vsub.f32 v18, v42;
	v51 =	vmax.f32 v41, v43;
	v19 =	vsub.f32 v41, v43  }
0x3af: {  	v49 =	vsub.f32 v29, v10;
	v24 =	vmin.f32 v47, v48;
	v20 =	vmax.f32 v50, v51  }
0x3b0: {  	v52 =	vmin.f32 v44, v46;
	v54 =	vsub.f32 v44, v46;
	v22 =	vmax.f32 v44, v46  }
0x3b1: {  	v53 =	vmin.f32 v45, v49;
	v55 =	vmax.f32 v45, v49;
	v15 =	vsub.f32 v45, v49  }
0x3b2: {  	v21 =	vmin.f32 v52, v53;
	v22 =	vmax.f32 v22, v55;
	v56 =	vand.u32 $0x7FFFFFFF, v54  }
0x3b3: {  	v57 =	vld.idx.msk [tilespmem:v26+s26+$0x0], $0xffff;
	v15 =	vand.u32 $0x7FFFFFFF, v15;
	vm7 =	vgt.f32 v21, $0.0e+00;
	vm3 =	vgt.f32 v22, v12  }
0x3b4: {  	v58 =	vld.idx.msk [tilespmem:v27+s26+$0x0], $0xffff;
	vm8 =	vle.f32 v22, v14;
	v15 =	vmax.f32 v56, v15;
	vm2 =	vmand vm7, vm3  }
0x3b5: {  	vm4 =	vle.f32 v20, v14;
	vm2 =	vmand vm8, vm2;
	vm9 =	vlt.f32 v15, v11  }
0x3b6: {  	v59 =	vand.u32 $0x7FFFFFFF, v18;
	v60 =	vand.u32 $0x7FFFFFFF, v19;
	vm2 =	vmand vm9, vm2  }
0x3b7: {  	vm10 =	vgt.f32 v24, $0.0e+00;
	vm11 =	vgt.f32 v20, v12;
	vm1 =	vmand vm15, vm2  }
0x3b8: {  	v61 =	vmax.f32 v59, v60;
	vm2 =	vmand vm10, vm11;
	v62 =	vnsel vm1, $0x7FFFFFFF, v57  }
.Ltmp12:
0x3b9: {  	vm13 =	vlt.f32 v61, v11;
	vm12 =	vmand vm4, vm2;
	vm14 =	vlt.s32 v58, v62;
	(pc) =	sbr.rel .LBB2_15-.Ltmp12, $4  }
0x3ba: {  	v11 =	vsel @p0 vm0, v16, v17;
	vm15 =	vmand vm13, vm12;
	v63 =	vsel vm14, v58, v62  }
0x3bb: {  	v11 =	vpsel p0, v11, v13;
	v12 =	vsel vm15, v63, v62  }
0x3bc: {  	vm0 =	vlt.s32 v11, v12  }
0x3bd: {  	v11 =	vsel vm0, v11, v12  }
.LBB2_9:
.Ltmp13:
0x3be: {  	(pc) =	sbr.rel .LBB2_14-.Ltmp13, $2  }
0x3bf: {  	_ =	sdelay $0x2  }
0x3c0: {  	v16 =	vimm.s32 $0x7FFFFFFF  }
.LBB2_11:
.Ltmp14:
0x3c1: {  	(pc) =	sbr.rel .LBB2_14-.Ltmp14, $2  }
0x3c2: {  	_ =	sdelay $0x2  }
0x3c3: {  	v16 =	vimm.s32 $0x7FFFFFFF;
	v26 =	vmov v17;
	v27 =	vmov v18  }
.LBB2_19:
0x3c4: {  	_ =	sfence.sel $0x180000  }
0x3c5: {  	[bflag:$0x0] =	sbarrier.arrive $0xFFFF  }
0x3c6: {  	_ =	strace $0x90000047  }
0x3c7: {  	s0 =	stileid.u32;
	[bflag:$0x2] =	sbarrier.arrive $0xFFFF  }
0x3c8: {  	p0 =	sne.s32 s0, $0x0;
	s0 =	rddreg [dreg:$0x4]  }
0x3c9: {  	s0 =	sadd.s32 @!p0 $0x100000, s0  }
0x3ca: {  	[sflag:s0] =	ssyncadd.tile.s32 @!p0 $0x1;
	_ =	shalt  }
.Lfunc_end2:
_tile_overlayer_lowered:
.L_overlay_start_2:
0x3cb: {  	(tag) =	ssettag $0x2  }
0x3cc: {  	s0 =	rddreg [dreg:$0x0];
	s2 =	stileid.u32  }
0x3cd: {  	s1 =	rddreg [dreg:$0x1];
	p0 =	sne.s32 s2, $0x0  }
0x3ce: {  	s3 =	rddreg [dreg:$0x2];
	[bflag:$0x3] =	sbarrier.arrive $0xFFFF;
	s2 =	simm.s32 @!p0 $0x1C02  }
0x3cf: {  	[timem:s3], [sflag:s2] =	dma.local @!p0 [hbm:s0], s1  }
0x3d0: {  	s0 =	simm.s32 @!p0 $0x2  }
0x3d1: {  	_ =	swait.ge @!p0 [sflag:s0], s1  }
0x3d2: {  	s1 =	ssub.s32 @!p0 $0x0, s1;
	[sflag:s0] =	ssyncset.done @!p0 $0x0  }
0x3d3: {  	[sflag:s0] =	ssyncadd.s32 @!p0 s1  }
0x3d4: {  	[bflag:$0x3] =	sbarrier.arrive $0xFFFF  }
0x3d5: {  	_ =	shalt  }

</sc_bundles>
